<compile_context>
chip_gen: v7x
topology: tpu7x:2x2x1
jax: 0.10.2.dev20260603
libtpu: 0.0.44.dev20260713+nightly
codegen_flags: <defaults>
</compile_context>

<pallas_src>
import functools

import jax
import jax.numpy as jnp
from jax import lax
from jax.experimental import pallas as pl
from jax.experimental.pallas import tpu as pltpu
from jax.experimental.pallas import tpu_sc as plsc

_NW = 32
_CC = 64
_NBUF = 4


def _make_sc_agg(n_pad, d, k):
    mesh = plsc.VectorSubcoreMesh(core_axis_name="core", subcore_axis_name="subcore")
    rows_per_tile = n_pad // 16

    @functools.partial(
        pl.kernel,
        out_type=jax.ShapeDtypeStruct((2, n_pad, d), jnp.float32),
        mesh=mesh,
        scratch_types=[
            pltpu.VMEM((k // 4, _CC), jnp.int32),
            pltpu.VMEM((k // 4, _CC), jnp.int32),
            pltpu.VMEM((_NBUF, _CC, d), jnp.float32),
            pltpu.VMEM_SHARED((n_pad, d), jnp.float32),
            pltpu.SemaphoreType.DMA,
            pltpu.SemaphoreType.DMA,
            pltpu.SemaphoreType.DMA,
            pltpu.SemaphoreType.DMA,
        ],
    )
    def agg(h_hbm, src_hbm, dst_hbm, z_hbm, out_hbm,
            src_v, dst_v, rowsb, acc, sem0, sem1, sem2, sem3):
        cid = lax.axis_index("core")
        sid = lax.axis_index("subcore")
        wid = cid * 16 + sid
        row0 = sid * rows_per_tile
        k4 = k // 4
        sems = (sem0, sem1, sem2, sem3)
        pltpu.sync_copy(z_hbm.at[pl.ds(row0, rows_per_tile)],
                        acc.at[pl.ds(row0, rows_per_tile)])
        plsc.subcore_barrier()

        for quarter in range(4):
            pltpu.sync_copy(src_hbm.at[wid].at[pl.ds(quarter * k4, k4)], src_v)
            pltpu.sync_copy(dst_hbm.at[wid].at[pl.ds(quarter * k4, k4)], dst_v)
            for b in range(_NBUF):
                pltpu.async_copy(h_hbm.at[src_v.at[b]], rowsb.at[b], sems[b])

            @pl.loop(0, k4, step=_NBUF)
            def _(j):
                for b in range(_NBUF):
                    jj = j + b
                    pltpu.make_async_copy(h_hbm.at[src_v.at[jj]],
                                          rowsb.at[b], sems[b]).wait()
                    pltpu.sync_copy(rowsb.at[b], acc.at[dst_v.at[jj]], add=True)
                    nxt = jj + _NBUF

                    @pl.when(nxt < k4)
                    def _():
                        pltpu.async_copy(h_hbm.at[src_v.at[nxt]],
                                         rowsb.at[b], sems[b])

        plsc.subcore_barrier()
        pltpu.sync_copy(acc.at[pl.ds(row0, rows_per_tile)],
                        out_hbm.at[cid].at[pl.ds(row0, rows_per_tile)])

    return agg


def _layer_body(p_ref, h_ref, wr_ref, wroot_ref, b_ref, o_ref):
    agg = p_ref[0] + p_ref[1]
    o_ref[...] = jnp.maximum(
        jnp.dot(agg, wr_ref[...], preferred_element_type=jnp.float32)
        + jnp.dot(h_ref[...], wroot_ref[...], preferred_element_type=jnp.float32)
        + b_ref[...],
        0.0,
    )


def _tc_layer(p, h, wr, wroot, b, blk=1024):
    n_pad, d = h.shape
    return pl.pallas_call(
        _layer_body,
        grid=(n_pad // blk,),
        in_specs=[
            pl.BlockSpec((2, blk, d), lambda i: (0, i, 0)),
            pl.BlockSpec((blk, d), lambda i: (i, 0)),
            pl.BlockSpec((d, d), lambda i: (0, 0)),
            pl.BlockSpec((d, d), lambda i: (0, 0)),
            pl.BlockSpec((1, d), lambda i: (0, 0)),
        ],
        out_specs=pl.BlockSpec((blk, d), lambda i: (i, 0)),
        out_shape=jax.ShapeDtypeStruct((n_pad, d), jnp.float32),
    )(p, h, wr, wroot, b.reshape(1, d))


def _final_body(p_ref, h_ref, wr_ref, wroot_ref, b_ref,
                wc1_ref, bc1_ref, wc2_ref, bc2_ref, wc3_ref, bc3_ref, o_ref):
    agg = p_ref[0] + p_ref[1]
    h2 = jnp.maximum(
        jnp.dot(agg, wr_ref[...], preferred_element_type=jnp.float32)
        + jnp.dot(h_ref[...], wroot_ref[...], preferred_element_type=jnp.float32)
        + b_ref[...],
        0.0,
    )
    t = jnp.maximum(
        jnp.dot(h2, wc1_ref[...], preferred_element_type=jnp.float32)
        + bc1_ref[...], 0.0)
    t = jnp.maximum(
        jnp.dot(t, wc2_ref[...], preferred_element_type=jnp.float32)
        + bc2_ref[...], 0.0)
    z = jnp.dot(t, wc3_ref[...], preferred_element_type=jnp.float32) + bc3_ref[...]
    m = jnp.max(z, axis=-1, keepdims=True)
    lse = jnp.log(jnp.sum(jnp.exp(z - m), axis=-1, keepdims=True)) + m
    o_ref[...] = z - lse


def _tc_final(p, h, wr, wroot, b, wc1, bc1, wc2, bc2, wc3, bc3, d_out, blk=1024):
    n_pad, d = h.shape

    def full(shape):
        return pl.BlockSpec(shape, lambda i: tuple(0 for _ in shape))

    return pl.pallas_call(
        _final_body,
        grid=(n_pad // blk,),
        in_specs=[
            pl.BlockSpec((2, blk, d), lambda i: (0, i, 0)),
            pl.BlockSpec((blk, d), lambda i: (i, 0)),
            full((d, d)),
            full((d, d)),
            full((1, d)),
            full((d, d)),
            full((1, d)),
            full((d, d)),
            full((1, d)),
            full((d, d_out)),
            full((1, d_out)),
        ],
        out_specs=pl.BlockSpec((blk, d_out), lambda i: (i, 0)),
        out_shape=jax.ShapeDtypeStruct((n_pad, d_out), jnp.float32),
    )(p, h, wr, wroot, b.reshape(1, d),
      wc1, bc1.reshape(1, d), wc2, bc2.reshape(1, d),
      wc3, bc3.reshape(1, d_out))


def kernel(x, edge_index, W_rel1, b_rel1, W_root1, W_rel2, b_rel2, W_root2,
           Wc1, bc1, Wc2, bc2, Wc3, bc3):
    n, d = x.shape
    e = edge_index.shape[1]
    d_out = Wc3.shape[1]

    k = -(-e // (_NW * _CC))
    k = -(-k // 16) * 16
    n_pad = -(-n // 1024) * 1024

    ew = e // _NW
    pad_w = k * _CC - ew

    src = edge_index[0]
    dst = edge_index[1]
    pad_src = jnp.zeros((_NW, pad_w), jnp.int32)
    pad_dst = jnp.broadcast_to(
        n + (jnp.arange(pad_w, dtype=jnp.int32) % (n_pad - n)), (_NW, pad_w))
    src_p = jnp.concatenate(
        [src.reshape(_NW, ew), pad_src], axis=1).reshape(_NW, k, _CC)
    dst_p = jnp.concatenate(
        [dst.reshape(_NW, ew), pad_dst], axis=1).reshape(_NW, k, _CC)
    zeros = jnp.zeros((n_pad, d), jnp.float32)
    x_p = jnp.pad(x, ((0, n_pad - n), (0, 0)))

    sc_agg = _make_sc_agg(n_pad, d, k)
    p1 = sc_agg(x_p, src_p, dst_p, zeros)
    h1 = _tc_layer(p1, x_p, W_rel1, W_root1, b_rel1)
    p2 = sc_agg(h1, src_p, dst_p, zeros)
    out = _tc_final(p2, h1, W_rel2, W_root2, b_rel2,
                    Wc1, bc1, Wc2, bc2, Wc3, bc3, d_out)
    return out[:n]

# --- scband reference (transcript-rebuilt; emitter-appended) ---
"""Pipeline reference for scband-gnn-78666620993636 (READ-ONLY COPY).

The authoritative reference and input builder live on the scoring server;
editing this copy changes nothing except your own understanding.
"""

import jax, jax.numpy as jnp
import numpy as np

N = 10000
E = 320000
D_IN = 128
D_HID = 128
D_OUT = 64


def setup_inputs(seed: int = 0) -> dict:
    key = jax.random.key(seed)
    ks = jax.random.split(key, 16)
    s_in = 1.0 / np.sqrt(D_IN)
    s_hid = 1.0 / np.sqrt(D_HID)
    inp = {}
    inp["x"] = jax.random.normal(ks[0], (N, D_IN), dtype=jnp.float32)
    inp["edge_index"] = jax.random.randint(ks[1], (2, E), 0, N, dtype=jnp.int32)
    # GraphConv layer 1 (lin_rel with bias, lin_root without bias)
    inp["W_rel1"] = jax.random.normal(ks[2], (D_IN, D_HID), dtype=jnp.float32) * s_in
    inp["b_rel1"] = jnp.zeros((D_HID,), dtype=jnp.float32)
    inp["W_root1"] = jax.random.normal(ks[3], (D_IN, D_HID), dtype=jnp.float32) * s_in
    # GraphConv layer 2
    inp["W_rel2"] = jax.random.normal(ks[4], (D_HID, D_HID), dtype=jnp.float32) * s_hid
    inp["b_rel2"] = jnp.zeros((D_HID,), dtype=jnp.float32)
    inp["W_root2"] = jax.random.normal(ks[5], (D_HID, D_HID), dtype=jnp.float32) * s_hid
    # Classifier MLP (3 linears)
    inp["Wc1"] = jax.random.normal(ks[6], (D_HID, D_HID), dtype=jnp.float32) * s_hid
    inp["bc1"] = jnp.zeros((D_HID,), dtype=jnp.float32)
    inp["Wc2"] = jax.random.normal(ks[7], (D_HID, D_HID), dtype=jnp.float32) * s_hid
    inp["bc2"] = jnp.zeros((D_HID,), dtype=jnp.float32)
    inp["Wc3"] = jax.random.normal(ks[8], (D_HID, D_OUT), dtype=jnp.float32) * s_hid
    inp["bc3"] = jnp.zeros((D_OUT,), dtype=jnp.float32)
    return inp


def reference(x, edge_index, W_rel1, b_rel1, W_root1, W_rel2, b_rel2, W_root2, Wc1, bc1, Wc2, bc2, Wc3, bc3):
    src = edge_index[0]
    dst = edge_index[1]

    def graph_conv(h, Wr, br, Wroot):
        # PyG GraphConv with aggr='add': out_i = lin_rel(sum_{j in N(i)} h_j) + lin_root(h_i)
        msgs = h[src]  # gather from source nodes
        agg = jnp.zeros((h.shape[0], h.shape[1]), dtype=h.dtype).at[dst].add(msgs)
        return agg @ Wr + br + h @ Wroot

    h = jax.nn.relu(graph_conv(x, W_rel1, b_rel1, W_root1))
    h = jax.nn.relu(graph_conv(h, W_rel2, b_rel2, W_root2))
    # classifier (dropout is identity in eval mode)
    h = jax.nn.relu(h @ Wc1 + bc1)
    h = jax.nn.relu(h @ Wc2 + bc2)
    h = h @ Wc3 + bc3
    return jax.nn.log_softmax(h, axis=-1)

if __name__ == "__main__":
    import jax
    _d = setup_inputs()
    print(jax.jit(kernel)(*tuple(_d.values())))

</pallas_src>

<mosaic_0001>
#map = affine_map<(d0, d1) -> (0, 0)>
#map1 = affine_map<(d0, d1) -> (0, 0, 0)>
module attributes {stable_mosaic.version = 14 : i64} {
  func.func @agg(%arg0: i32, %arg1: i32, %arg2: memref<10240x128xf32, #tpu.memory_space<hbm>>, %arg3: memref<32x160x64xi32, #tpu.memory_space<hbm>>, %arg4: memref<32x160x64xi32, #tpu.memory_space<hbm>>, %arg5: memref<10240x128xf32, #tpu.memory_space<hbm>>, %arg6: memref<2x10240x128xf32, #tpu.memory_space<hbm>>, %arg7: memref<40x64xi32, #tpu.memory_space<vmem>>, %arg8: memref<40x64xi32, #tpu.memory_space<vmem>>, %arg9: memref<4x64x128xf32, #tpu.memory_space<vmem>>, %arg10: memref<10240x128xf32, #tpu.memory_space<vmem_shared>>, %arg11: memref<!tpu.dma_semaphore, #tpu.memory_space<semaphore_mem>>, %arg12: memref<!tpu.dma_semaphore, #tpu.memory_space<semaphore_mem>>, %arg13: memref<!tpu.dma_semaphore, #tpu.memory_space<semaphore_mem>>, %arg14: memref<!tpu.dma_semaphore, #tpu.memory_space<semaphore_mem>>) attributes {dimension_semantics = [#tpu.dimension_semantics<core_parallel>, #tpu.dimension_semantics<subcore_parallel>], iteration_bounds = array<i64: 2, 16>, scalar_prefetch = 0 : i64, scratch_operands = 8 : i64, tpu.core_type = #tpu.core_type<sc_vector_subcore>, window_params = [{transform_indices = #map}, {transform_indices = #map1}, {transform_indices = #map1}, {transform_indices = #map}, {transform_indices = #map1}]} {
    %mul3A = arith.constant 16 : i32
    %mul3A_0 = arith.muli %arg0, %mul3A : i32
    %add3A = arith.addi %mul3A_0, %arg1 : i32
    %mul3A_1 = arith.constant 640 : i32
    %mul3A_2 = arith.muli %arg1, %mul3A_1 : i32
    "tpu.region"() ({
      %run_scoped3A = tpu.sem_alloc : memref<!tpu.dma_semaphore, #tpu.memory_space<semaphore_mem>>
      %dma_start3A_214 = arith.constant 0 : i32
      %dma_start3A_215 = tpu.memref_slice %arg10[%mul3A_2, %dma_start3A_214] : memref<10240x128xf32, #tpu.memory_space<vmem_shared>> -> memref<640x128xf32, #tpu.memory_space<vmem_shared>>
      %dma_start3A_216 = arith.constant 0 : i32
      %dma_start3A_217 = tpu.memref_slice %arg5[%mul3A_2, %dma_start3A_216] : memref<10240x128xf32, #tpu.memory_space<hbm>> -> memref<640x128xf32, #tpu.memory_space<hbm>>
      tpu.enqueue_dma source(%dma_start3A_217 : memref<640x128xf32, #tpu.memory_space<hbm>>) target(%dma_start3A_215 : memref<640x128xf32, #tpu.memory_space<vmem_shared>>) target_semaphore(%run_scoped3A : memref<!tpu.dma_semaphore, #tpu.memory_space<semaphore_mem>>)
      %dma_wait3A = arith.constant 0 : i32
      %dma_wait3A_218 = tpu.memref_slice %arg10[%mul3A_2, %dma_wait3A] : memref<10240x128xf32, #tpu.memory_space<vmem_shared>> -> memref<640x128xf32, #tpu.memory_space<vmem_shared>>
      %dma_wait3A_219 = arith.constant 0 : i32
      %dma_wait3A_220 = tpu.memref_slice %arg5[%mul3A_2, %dma_wait3A_219] : memref<10240x128xf32, #tpu.memory_space<hbm>> -> memref<640x128xf32, #tpu.memory_space<hbm>>
      tpu.wait_dma2 semaphore(%run_scoped3A : memref<!tpu.dma_semaphore, #tpu.memory_space<semaphore_mem>>) src(%dma_wait3A_220 : memref<640x128xf32, #tpu.memory_space<hbm>>) dst(%dma_wait3A_218 : memref<640x128xf32, #tpu.memory_space<vmem_shared>>)
      tpu.yield
    }) : () -> ()
    %barrier3A = arith.constant 0 : index
    tpu.barrier barrier_id(%barrier3A)
    "tpu.region"() ({
      %run_scoped3A = tpu.sem_alloc : memref<!tpu.dma_semaphore, #tpu.memory_space<semaphore_mem>>
      %dma_start3A_214 = arith.constant 0 : i32
      %dma_start3A_215 = arith.constant 0 : i32
      %dma_start3A_216 = tpu.memref_slice %arg3[%add3A, %dma_start3A_214, %dma_start3A_215] : memref<32x160x64xi32, #tpu.memory_space<hbm>> -> memref<1x160x64xi32, #tpu.memory_space<hbm>>
      %dma_start3A_217 = tpu.memref_squeeze %dma_start3A_216 : memref<1x160x64xi32, #tpu.memory_space<hbm>> -> memref<160x64xi32, #tpu.memory_space<hbm>>
      %dma_start3A_218 = arith.constant 0 : i32
      %dma_start3A_219 = arith.constant 0 : i32
      %dma_start3A_220 = tpu.memref_slice %dma_start3A_217[%dma_start3A_218, %dma_start3A_219] : memref<160x64xi32, #tpu.memory_space<hbm>> -> memref<40x64xi32, #tpu.memory_space<hbm>>
      %dma_start3A_221 = arith.constant 0 : i32
      %dma_start3A_222 = arith.constant 0 : i32
      %dma_start3A_223 = tpu.memref_slice %arg3[%add3A, %dma_start3A_221, %dma_start3A_222] : memref<32x160x64xi32, #tpu.memory_space<hbm>> -> memref<1x160x64xi32, #tpu.memory_space<hbm>>
      %dma_start3A_224 = tpu.memref_squeeze %dma_start3A_223 : memref<1x160x64xi32, #tpu.memory_space<hbm>> -> memref<160x64xi32, #tpu.memory_space<hbm>>
      %dma_start3A_225 = arith.constant 0 : i32
      %dma_start3A_226 = arith.constant 0 : i32
      %dma_start3A_227 = tpu.memref_slice %dma_start3A_224[%dma_start3A_225, %dma_start3A_226] : memref<160x64xi32, #tpu.memory_space<hbm>> -> memref<40x64xi32, #tpu.memory_space<hbm>>
      tpu.enqueue_dma source(%dma_start3A_227 : memref<40x64xi32, #tpu.memory_space<hbm>>) target(%arg7 : memref<40x64xi32, #tpu.memory_space<vmem>>) target_semaphore(%run_scoped3A : memref<!tpu.dma_semaphore, #tpu.memory_space<semaphore_mem>>)
      %dma_wait3A = arith.constant 0 : i32
      %dma_wait3A_228 = arith.constant 0 : i32
      %dma_wait3A_229 = tpu.memref_slice %arg3[%add3A, %dma_wait3A, %dma_wait3A_228] : memref<32x160x64xi32, #tpu.memory_space<hbm>> -> memref<1x160x64xi32, #tpu.memory_space<hbm>>
      %dma_wait3A_230 = tpu.memref_squeeze %dma_wait3A_229 : memref<1x160x64xi32, #tpu.memory_space<hbm>> -> memref<160x64xi32, #tpu.memory_space<hbm>>
      %dma_wait3A_231 = arith.constant 0 : i32
      %dma_wait3A_232 = arith.constant 0 : i32
      %dma_wait3A_233 = tpu.memref_slice %dma_wait3A_230[%dma_wait3A_231, %dma_wait3A_232] : memref<160x64xi32, #tpu.memory_space<hbm>> -> memref<40x64xi32, #tpu.memory_space<hbm>>
      %dma_wait3A_234 = arith.constant 0 : i32
      %dma_wait3A_235 = arith.constant 0 : i32
      %dma_wait3A_236 = tpu.memref_slice %arg3[%add3A, %dma_wait3A_234, %dma_wait3A_235] : memref<32x160x64xi32, #tpu.memory_space<hbm>> -> memref<1x160x64xi32, #tpu.memory_space<hbm>>
      %dma_wait3A_237 = tpu.memref_squeeze %dma_wait3A_236 : memref<1x160x64xi32, #tpu.memory_space<hbm>> -> memref<160x64xi32, #tpu.memory_space<hbm>>
      %dma_wait3A_238 = arith.constant 0 : i32
      %dma_wait3A_239 = arith.constant 0 : i32
      %dma_wait3A_240 = tpu.memref_slice %dma_wait3A_237[%dma_wait3A_238, %dma_wait3A_239] : memref<160x64xi32, #tpu.memory_space<hbm>> -> memref<40x64xi32, #tpu.memory_space<hbm>>
      tpu.wait_dma2 semaphore(%run_scoped3A : memref<!tpu.dma_semaphore, #tpu.memory_space<semaphore_mem>>) src(%dma_wait3A_240 : memref<40x64xi32, #tpu.memory_space<hbm>>) dst(%arg7 : memref<40x64xi32, #tpu.memory_space<vmem>>)
      tpu.yield
    }) : () -> ()
    "tpu.region"() ({
      %run_scoped3A = tpu.sem_alloc : memref<!tpu.dma_semaphore, #tpu.memory_space<semaphore_mem>>
      %dma_start3A_214 = arith.constant 0 : i32
      %dma_start3A_215 = arith.constant 0 : i32
      %dma_start3A_216 = tpu.memref_slice %arg4[%add3A, %dma_start3A_214, %dma_start3A_215] : memref<32x160x64xi32, #tpu.memory_space<hbm>> -> memref<1x160x64xi32, #tpu.memory_space<hbm>>
      %dma_start3A_217 = tpu.memref_squeeze %dma_start3A_216 : memref<1x160x64xi32, #tpu.memory_space<hbm>> -> memref<160x64xi32, #tpu.memory_space<hbm>>
      %dma_start3A_218 = arith.constant 0 : i32
      %dma_start3A_219 = arith.constant 0 : i32
      %dma_start3A_220 = tpu.memref_slice %dma_start3A_217[%dma_start3A_218, %dma_start3A_219] : memref<160x64xi32, #tpu.memory_space<hbm>> -> memref<40x64xi32, #tpu.memory_space<hbm>>
      %dma_start3A_221 = arith.constant 0 : i32
      %dma_start3A_222 = arith.constant 0 : i32
      %dma_start3A_223 = tpu.memref_slice %arg4[%add3A, %dma_start3A_221, %dma_start3A_222] : memref<32x160x64xi32, #tpu.memory_space<hbm>> -> memref<1x160x64xi32, #tpu.memory_space<hbm>>
      %dma_start3A_224 = tpu.memref_squeeze %dma_start3A_223 : memref<1x160x64xi32, #tpu.memory_space<hbm>> -> memref<160x64xi32, #tpu.memory_space<hbm>>
      %dma_start3A_225 = arith.constant 0 : i32
      %dma_start3A_226 = arith.constant 0 : i32
      %dma_start3A_227 = tpu.memref_slice %dma_start3A_224[%dma_start3A_225, %dma_start3A_226] : memref<160x64xi32, #tpu.memory_space<hbm>> -> memref<40x64xi32, #tpu.memory_space<hbm>>
      tpu.enqueue_dma source(%dma_start3A_227 : memref<40x64xi32, #tpu.memory_space<hbm>>) target(%arg8 : memref<40x64xi32, #tpu.memory_space<vmem>>) target_semaphore(%run_scoped3A : memref<!tpu.dma_semaphore, #tpu.memory_space<semaphore_mem>>)
      %dma_wait3A = arith.constant 0 : i32
      %dma_wait3A_228 = arith.constant 0 : i32
      %dma_wait3A_229 = tpu.memref_slice %arg4[%add3A, %dma_wait3A, %dma_wait3A_228] : memref<32x160x64xi32, #tpu.memory_space<hbm>> -> memref<1x160x64xi32, #tpu.memory_space<hbm>>
      %dma_wait3A_230 = tpu.memref_squeeze %dma_wait3A_229 : memref<1x160x64xi32, #tpu.memory_space<hbm>> -> memref<160x64xi32, #tpu.memory_space<hbm>>
      %dma_wait3A_231 = arith.constant 0 : i32
      %dma_wait3A_232 = arith.constant 0 : i32
      %dma_wait3A_233 = tpu.memref_slice %dma_wait3A_230[%dma_wait3A_231, %dma_wait3A_232] : memref<160x64xi32, #tpu.memory_space<hbm>> -> memref<40x64xi32, #tpu.memory_space<hbm>>
      %dma_wait3A_234 = arith.constant 0 : i32
      %dma_wait3A_235 = arith.constant 0 : i32
      %dma_wait3A_236 = tpu.memref_slice %arg4[%add3A, %dma_wait3A_234, %dma_wait3A_235] : memref<32x160x64xi32, #tpu.memory_space<hbm>> -> memref<1x160x64xi32, #tpu.memory_space<hbm>>
      %dma_wait3A_237 = tpu.memref_squeeze %dma_wait3A_236 : memref<1x160x64xi32, #tpu.memory_space<hbm>> -> memref<160x64xi32, #tpu.memory_space<hbm>>
      %dma_wait3A_238 = arith.constant 0 : i32
      %dma_wait3A_239 = arith.constant 0 : i32
      %dma_wait3A_240 = tpu.memref_slice %dma_wait3A_237[%dma_wait3A_238, %dma_wait3A_239] : memref<160x64xi32, #tpu.memory_space<hbm>> -> memref<40x64xi32, #tpu.memory_space<hbm>>
      tpu.wait_dma2 semaphore(%run_scoped3A : memref<!tpu.dma_semaphore, #tpu.memory_space<semaphore_mem>>) src(%dma_wait3A_240 : memref<40x64xi32, #tpu.memory_space<hbm>>) dst(%arg8 : memref<40x64xi32, #tpu.memory_space<vmem>>)
      tpu.yield
    }) : () -> ()
    %dma_start3A = arith.constant 0 : i32
    %dma_start3A_3 = arith.constant 0 : i32
    %dma_start3A_4 = arith.constant 0 : i32
    %dma_start3A_5 = arith.constant 0 : i32
    %dma_start3A_6 = tpu.memref_slice %arg9[%dma_start3A_3, %dma_start3A_4, %dma_start3A_5] : memref<4x64x128xf32, #tpu.memory_space<vmem>> -> memref<1x64x128xf32, #tpu.memory_space<vmem>>
    %dma_start3A_7 = tpu.memref_squeeze %dma_start3A_6 : memref<1x64x128xf32, #tpu.memory_space<vmem>> -> memref<64x128xf32, #tpu.memory_space<vmem>>
    %dma_start3A_8 = arith.constant 0 : i32
    %dma_start3A_9 = tpu.memref_slice %arg7[%dma_start3A, %dma_start3A_8] : memref<40x64xi32, #tpu.memory_space<vmem>> -> memref<1x64xi32, #tpu.memory_space<vmem>>
    %dma_start3A_10 = tpu.memref_squeeze %dma_start3A_9 : memref<1x64xi32, #tpu.memory_space<vmem>> -> memref<64xi32, #tpu.memory_space<vmem>>
    %dma_start3A_11 = arith.constant 0 : i32
    %dma_start3A_12 = arith.constant 0 : i32
    %dma_start3A_13 = tpu.memref_slice %arg2[%dma_start3A_11, %dma_start3A_12] : memref<10240x128xf32, #tpu.memory_space<hbm>> -> memref<10240x128xf32, #tpu.memory_space<hbm>>
    tpu.enqueue_indirect_dma source(%dma_start3A_13 : memref<10240x128xf32, #tpu.memory_space<hbm>>) target(%dma_start3A_7 : memref<64x128xf32, #tpu.memory_space<vmem>>) offsets(%dma_start3A_10 : memref<64xi32, #tpu.memory_space<vmem>>) semaphore(%arg11 : memref<!tpu.dma_semaphore, #tpu.memory_space<semaphore_mem>>)
    %dma_start3A_14 = arith.constant 1 : i32
    %dma_start3A_15 = arith.constant 1 : i32
    %dma_start3A_16 = arith.constant 0 : i32
    %dma_start3A_17 = arith.constant 0 : i32
    %dma_start3A_18 = tpu.memref_slice %arg9[%dma_start3A_15, %dma_start3A_16, %dma_start3A_17] : memref<4x64x128xf32, #tpu.memory_space<vmem>> -> memref<1x64x128xf32, #tpu.memory_space<vmem>>
    %dma_start3A_19 = tpu.memref_squeeze %dma_start3A_18 : memref<1x64x128xf32, #tpu.memory_space<vmem>> -> memref<64x128xf32, #tpu.memory_space<vmem>>
    %dma_start3A_20 = arith.constant 0 : i32
    %dma_start3A_21 = tpu.memref_slice %arg7[%dma_start3A_14, %dma_start3A_20] : memref<40x64xi32, #tpu.memory_space<vmem>> -> memref<1x64xi32, #tpu.memory_space<vmem>>
    %dma_start3A_22 = tpu.memref_squeeze %dma_start3A_21 : memref<1x64xi32, #tpu.memory_space<vmem>> -> memref<64xi32, #tpu.memory_space<vmem>>
    %dma_start3A_23 = arith.constant 0 : i32
    %dma_start3A_24 = arith.constant 0 : i32
    %dma_start3A_25 = tpu.memref_slice %arg2[%dma_start3A_23, %dma_start3A_24] : memref<10240x128xf32, #tpu.memory_space<hbm>> -> memref<10240x128xf32, #tpu.memory_space<hbm>>
    tpu.enqueue_indirect_dma source(%dma_start3A_25 : memref<10240x128xf32, #tpu.memory_space<hbm>>) target(%dma_start3A_19 : memref<64x128xf32, #tpu.memory_space<vmem>>) offsets(%dma_start3A_22 : memref<64xi32, #tpu.memory_space<vmem>>) semaphore(%arg12 : memref<!tpu.dma_semaphore, #tpu.memory_space<semaphore_mem>>)
    %dma_start3A_26 = arith.constant 2 : i32
    %dma_start3A_27 = arith.constant 2 : i32
    %dma_start3A_28 = arith.constant 0 : i32
    %dma_start3A_29 = arith.constant 0 : i32
    %dma_start3A_30 = tpu.memref_slice %arg9[%dma_start3A_27, %dma_start3A_28, %dma_start3A_29] : memref<4x64x128xf32, #tpu.memory_space<vmem>> -> memref<1x64x128xf32, #tpu.memory_space<vmem>>
    %dma_start3A_31 = tpu.memref_squeeze %dma_start3A_30 : memref<1x64x128xf32, #tpu.memory_space<vmem>> -> memref<64x128xf32, #tpu.memory_space<vmem>>
    %dma_start3A_32 = arith.constant 0 : i32
    %dma_start3A_33 = tpu.memref_slice %arg7[%dma_start3A_26, %dma_start3A_32] : memref<40x64xi32, #tpu.memory_space<vmem>> -> memref<1x64xi32, #tpu.memory_space<vmem>>
    %dma_start3A_34 = tpu.memref_squeeze %dma_start3A_33 : memref<1x64xi32, #tpu.memory_space<vmem>> -> memref<64xi32, #tpu.memory_space<vmem>>
    %dma_start3A_35 = arith.constant 0 : i32
    %dma_start3A_36 = arith.constant 0 : i32
    %dma_start3A_37 = tpu.memref_slice %arg2[%dma_start3A_35, %dma_start3A_36] : memref<10240x128xf32, #tpu.memory_space<hbm>> -> memref<10240x128xf32, #tpu.memory_space<hbm>>
    tpu.enqueue_indirect_dma source(%dma_start3A_37 : memref<10240x128xf32, #tpu.memory_space<hbm>>) target(%dma_start3A_31 : memref<64x128xf32, #tpu.memory_space<vmem>>) offsets(%dma_start3A_34 : memref<64xi32, #tpu.memory_space<vmem>>) semaphore(%arg13 : memref<!tpu.dma_semaphore, #tpu.memory_space<semaphore_mem>>)
    %dma_start3A_38 = arith.constant 3 : i32
    %dma_start3A_39 = arith.constant 3 : i32
    %dma_start3A_40 = arith.constant 0 : i32
    %dma_start3A_41 = arith.constant 0 : i32
    %dma_start3A_42 = tpu.memref_slice %arg9[%dma_start3A_39, %dma_start3A_40, %dma_start3A_41] : memref<4x64x128xf32, #tpu.memory_space<vmem>> -> memref<1x64x128xf32, #tpu.memory_space<vmem>>
    %dma_start3A_43 = tpu.memref_squeeze %dma_start3A_42 : memref<1x64x128xf32, #tpu.memory_space<vmem>> -> memref<64x128xf32, #tpu.memory_space<vmem>>
    %dma_start3A_44 = arith.constant 0 : i32
    %dma_start3A_45 = tpu.memref_slice %arg7[%dma_start3A_38, %dma_start3A_44] : memref<40x64xi32, #tpu.memory_space<vmem>> -> memref<1x64xi32, #tpu.memory_space<vmem>>
    %dma_start3A_46 = tpu.memref_squeeze %dma_start3A_45 : memref<1x64xi32, #tpu.memory_space<vmem>> -> memref<64xi32, #tpu.memory_space<vmem>>
    %dma_start3A_47 = arith.constant 0 : i32
    %dma_start3A_48 = arith.constant 0 : i32
    %dma_start3A_49 = tpu.memref_slice %arg2[%dma_start3A_47, %dma_start3A_48] : memref<10240x128xf32, #tpu.memory_space<hbm>> -> memref<10240x128xf32, #tpu.memory_space<hbm>>
    tpu.enqueue_indirect_dma source(%dma_start3A_49 : memref<10240x128xf32, #tpu.memory_space<hbm>>) target(%dma_start3A_43 : memref<64x128xf32, #tpu.memory_space<vmem>>) offsets(%dma_start3A_46 : memref<64xi32, #tpu.memory_space<vmem>>) semaphore(%arg14 : memref<!tpu.dma_semaphore, #tpu.memory_space<semaphore_mem>>)
    %scan3A = arith.constant 0 : i32
    %scan3A_50 = arith.constant 10 : i32
    %scan3A_51 = arith.addi %scan3A, %scan3A_50 : i32
    %scan3A_52 = arith.constant 1 : i32
    scf.for %scan3A_214 = %scan3A to %scan3A_51 step %scan3A_52  : i32 {
      %mul3A_215 = arith.constant 4 : i32
      %mul3A_216 = arith.muli %scan3A_214, %mul3A_215 : i32
      %add3A_217 = arith.constant 0 : i32
      %add3A_218 = arith.addi %add3A_217, %mul3A_216 : i32
      %add3A_219 = arith.constant 0 : i32
      %add3A_220 = arith.addi %add3A_218, %add3A_219 : i32
      %dma_wait3A = arith.constant 0 : i32
      %dma_wait3A_221 = arith.constant 0 : i32
      %dma_wait3A_222 = arith.constant 0 : i32
      %dma_wait3A_223 = tpu.memref_slice %arg9[%dma_wait3A, %dma_wait3A_221, %dma_wait3A_222] : memref<4x64x128xf32, #tpu.memory_space<vmem>> -> memref<1x64x128xf32, #tpu.memory_space<vmem>>
      %dma_wait3A_224 = tpu.memref_squeeze %dma_wait3A_223 : memref<1x64x128xf32, #tpu.memory_space<vmem>> -> memref<64x128xf32, #tpu.memory_space<vmem>>
      %dma_wait3A_225 = arith.constant 0 : i32
      %dma_wait3A_226 = tpu.memref_slice %arg7[%add3A_220, %dma_wait3A_225] : memref<40x64xi32, #tpu.memory_space<vmem>> -> memref<1x64xi32, #tpu.memory_space<vmem>>
      %dma_wait3A_227 = tpu.memref_squeeze %dma_wait3A_226 : memref<1x64xi32, #tpu.memory_space<vmem>> -> memref<64xi32, #tpu.memory_space<vmem>>
      %dma_wait3A_228 = arith.constant 0 : i32
      %dma_wait3A_229 = arith.constant 0 : i32
      %dma_wait3A_230 = tpu.memref_slice %arg2[%dma_wait3A_228, %dma_wait3A_229] : memref<10240x128xf32, #tpu.memory_space<hbm>> -> memref<10240x128xf32, #tpu.memory_space<hbm>>
      tpu.wait_indirect_dma semaphore(%arg11 : memref<!tpu.dma_semaphore, #tpu.memory_space<semaphore_mem>>) src(%dma_wait3A_230 : memref<10240x128xf32, #tpu.memory_space<hbm>>) dst(%dma_wait3A_224 : memref<64x128xf32, #tpu.memory_space<vmem>>)
      %run_scoped3A = arith.constant 0 : i32
      "tpu.region"() ({
        %run_scoped3A_298 = tpu.sem_alloc : memref<!tpu.dma_semaphore, #tpu.memory_space<semaphore_mem>>
        %dma_start3A_299 = arith.constant 0 : i32
        %dma_start3A_300 = arith.constant 0 : i32
        %dma_start3A_301 = tpu.memref_slice %arg9[%run_scoped3A, %dma_start3A_299, %dma_start3A_300] : memref<4x64x128xf32, #tpu.memory_space<vmem>> -> memref<1x64x128xf32, #tpu.memory_space<vmem>>
        %dma_start3A_302 = tpu.memref_squeeze %dma_start3A_301 : memref<1x64x128xf32, #tpu.memory_space<vmem>> -> memref<64x128xf32, #tpu.memory_space<vmem>>
        %dma_start3A_303 = arith.constant 0 : i32
        %dma_start3A_304 = tpu.memref_slice %arg8[%add3A_220, %dma_start3A_303] : memref<40x64xi32, #tpu.memory_space<vmem>> -> memref<1x64xi32, #tpu.memory_space<vmem>>
        %dma_start3A_305 = tpu.memref_squeeze %dma_start3A_304 : memref<1x64xi32, #tpu.memory_space<vmem>> -> memref<64xi32, #tpu.memory_space<vmem>>
        %dma_start3A_306 = arith.constant 0 : i32
        %dma_start3A_307 = arith.constant 0 : i32
        %dma_start3A_308 = tpu.memref_slice %arg10[%dma_start3A_306, %dma_start3A_307] : memref<10240x128xf32, #tpu.memory_space<vmem_shared>> -> memref<10240x128xf32, #tpu.memory_space<vmem_shared>>
        tpu.enqueue_indirect_dma source(%dma_start3A_302 : memref<64x128xf32, #tpu.memory_space<vmem>>) target(%dma_start3A_308 : memref<10240x128xf32, #tpu.memory_space<vmem_shared>>) offsets(%dma_start3A_305 : memref<64xi32, #tpu.memory_space<vmem>>) semaphore(%run_scoped3A_298 : memref<!tpu.dma_semaphore, #tpu.memory_space<semaphore_mem>>) {add = true}
        %dma_wait3A_309 = arith.constant 0 : i32
        %dma_wait3A_310 = arith.constant 0 : i32
        %dma_wait3A_311 = tpu.memref_slice %arg9[%run_scoped3A, %dma_wait3A_309, %dma_wait3A_310] : memref<4x64x128xf32, #tpu.memory_space<vmem>> -> memref<1x64x128xf32, #tpu.memory_space<vmem>>
        %dma_wait3A_312 = tpu.memref_squeeze %dma_wait3A_311 : memref<1x64x128xf32, #tpu.memory_space<vmem>> -> memref<64x128xf32, #tpu.memory_space<vmem>>
        %dma_wait3A_313 = arith.constant 0 : i32
        %dma_wait3A_314 = tpu.memref_slice %arg8[%add3A_220, %dma_wait3A_313] : memref<40x64xi32, #tpu.memory_space<vmem>> -> memref<1x64xi32, #tpu.memory_space<vmem>>
        %dma_wait3A_315 = tpu.memref_squeeze %dma_wait3A_314 : memref<1x64xi32, #tpu.memory_space<vmem>> -> memref<64xi32, #tpu.memory_space<vmem>>
        %dma_wait3A_316 = arith.constant 0 : i32
        %dma_wait3A_317 = arith.constant 0 : i32
        %dma_wait3A_318 = tpu.memref_slice %arg10[%dma_wait3A_316, %dma_wait3A_317] : memref<10240x128xf32, #tpu.memory_space<vmem_shared>> -> memref<10240x128xf32, #tpu.memory_space<vmem_shared>>
        tpu.wait_indirect_dma semaphore(%run_scoped3A_298 : memref<!tpu.dma_semaphore, #tpu.memory_space<semaphore_mem>>) src(%dma_wait3A_312 : memref<64x128xf32, #tpu.memory_space<vmem>>) dst(%dma_wait3A_318 : memref<10240x128xf32, #tpu.memory_space<vmem_shared>>)
        tpu.yield
      }) : () -> ()
      %add3A_231 = arith.constant 4 : i32
      %add3A_232 = arith.addi %add3A_220, %add3A_231 : i32
      %lt3A = arith.constant 40 : i32
      %lt3A_233 = arith.cmpi slt, %add3A_232, %lt3A : i32
      %convert_element_type3A = arith.extui %lt3A_233 : i1 to i32
      %cond3A = arith.constant 0 : i32
      %cond3A_234 = arith.cmpi ne, %convert_element_type3A, %cond3A : i32
      scf.if %cond3A_234 {
        %dma_start3A_298 = arith.constant 0 : i32
        %dma_start3A_299 = arith.constant 0 : i32
        %dma_start3A_300 = arith.constant 0 : i32
        %dma_start3A_301 = tpu.memref_slice %arg9[%dma_start3A_298, %dma_start3A_299, %dma_start3A_300] : memref<4x64x128xf32, #tpu.memory_space<vmem>> -> memref<1x64x128xf32, #tpu.memory_space<vmem>>
        %dma_start3A_302 = tpu.memref_squeeze %dma_start3A_301 : memref<1x64x128xf32, #tpu.memory_space<vmem>> -> memref<64x128xf32, #tpu.memory_space<vmem>>
        %dma_start3A_303 = arith.constant 0 : i32
        %dma_start3A_304 = tpu.memref_slice %arg7[%add3A_232, %dma_start3A_303] : memref<40x64xi32, #tpu.memory_space<vmem>> -> memref<1x64xi32, #tpu.memory_space<vmem>>
        %dma_start3A_305 = tpu.memref_squeeze %dma_start3A_304 : memref<1x64xi32, #tpu.memory_space<vmem>> -> memref<64xi32, #tpu.memory_space<vmem>>
        %dma_start3A_306 = arith.constant 0 : i32
        %dma_start3A_307 = arith.constant 0 : i32
        %dma_start3A_308 = tpu.memref_slice %arg2[%dma_start3A_306, %dma_start3A_307] : memref<10240x128xf32, #tpu.memory_space<hbm>> -> memref<10240x128xf32, #tpu.memory_space<hbm>>
        tpu.enqueue_indirect_dma source(%dma_start3A_308 : memref<10240x128xf32, #tpu.memory_space<hbm>>) target(%dma_start3A_302 : memref<64x128xf32, #tpu.memory_space<vmem>>) offsets(%dma_start3A_305 : memref<64xi32, #tpu.memory_space<vmem>>) semaphore(%arg11 : memref<!tpu.dma_semaphore, #tpu.memory_space<semaphore_mem>>)
      } else {
      }
      %add3A_235 = arith.constant 1 : i32
      %add3A_236 = arith.addi %add3A_218, %add3A_235 : i32
      %dma_wait3A_237 = arith.constant 1 : i32
      %dma_wait3A_238 = arith.constant 0 : i32
      %dma_wait3A_239 = arith.constant 0 : i32
      %dma_wait3A_240 = tpu.memref_slice %arg9[%dma_wait3A_237, %dma_wait3A_238, %dma_wait3A_239] : memref<4x64x128xf32, #tpu.memory_space<vmem>> -> memref<1x64x128xf32, #tpu.memory_space<vmem>>
      %dma_wait3A_241 = tpu.memref_squeeze %dma_wait3A_240 : memref<1x64x128xf32, #tpu.memory_space<vmem>> -> memref<64x128xf32, #tpu.memory_space<vmem>>
      %dma_wait3A_242 = arith.constant 0 : i32
      %dma_wait3A_243 = tpu.memref_slice %arg7[%add3A_236, %dma_wait3A_242] : memref<40x64xi32, #tpu.memory_space<vmem>> -> memref<1x64xi32, #tpu.memory_space<vmem>>
      %dma_wait3A_244 = tpu.memref_squeeze %dma_wait3A_243 : memref<1x64xi32, #tpu.memory_space<vmem>> -> memref<64xi32, #tpu.memory_space<vmem>>
      %dma_wait3A_245 = arith.constant 0 : i32
      %dma_wait3A_246 = arith.constant 0 : i32
      %dma_wait3A_247 = tpu.memref_slice %arg2[%dma_wait3A_245, %dma_wait3A_246] : memref<10240x128xf32, #tpu.memory_space<hbm>> -> memref<10240x128xf32, #tpu.memory_space<hbm>>
      tpu.wait_indirect_dma semaphore(%arg12 : memref<!tpu.dma_semaphore, #tpu.memory_space<semaphore_mem>>) src(%dma_wait3A_247 : memref<10240x128xf32, #tpu.memory_space<hbm>>) dst(%dma_wait3A_241 : memref<64x128xf32, #tpu.memory_space<vmem>>)
      %run_scoped3A_248 = arith.constant 1 : i32
      "tpu.region"() ({
        %run_scoped3A_298 = tpu.sem_alloc : memref<!tpu.dma_semaphore, #tpu.memory_space<semaphore_mem>>
        %dma_start3A_299 = arith.constant 0 : i32
        %dma_start3A_300 = arith.constant 0 : i32
        %dma_start3A_301 = tpu.memref_slice %arg9[%run_scoped3A_248, %dma_start3A_299, %dma_start3A_300] : memref<4x64x128xf32, #tpu.memory_space<vmem>> -> memref<1x64x128xf32, #tpu.memory_space<vmem>>
        %dma_start3A_302 = tpu.memref_squeeze %dma_start3A_301 : memref<1x64x128xf32, #tpu.memory_space<vmem>> -> memref<64x128xf32, #tpu.memory_space<vmem>>
        %dma_start3A_303 = arith.constant 0 : i32
        %dma_start3A_304 = tpu.memref_slice %arg8[%add3A_236, %dma_start3A_303] : memref<40x64xi32, #tpu.memory_space<vmem>> -> memref<1x64xi32, #tpu.memory_space<vmem>>
        %dma_start3A_305 = tpu.memref_squeeze %dma_start3A_304 : memref<1x64xi32, #tpu.memory_space<vmem>> -> memref<64xi32, #tpu.memory_space<vmem>>
        %dma_start3A_306 = arith.constant 0 : i32
        %dma_start3A_307 = arith.constant 0 : i32
        %dma_start3A_308 = tpu.memref_slice %arg10[%dma_start3A_306, %dma_start3A_307] : memref<10240x128xf32, #tpu.memory_space<vmem_shared>> -> memref<10240x128xf32, #tpu.memory_space<vmem_shared>>
        tpu.enqueue_indirect_dma source(%dma_start3A_302 : memref<64x128xf32, #tpu.memory_space<vmem>>) target(%dma_start3A_308 : memref<10240x128xf32, #tpu.memory_space<vmem_shared>>) offsets(%dma_start3A_305 : memref<64xi32, #tpu.memory_space<vmem>>) semaphore(%run_scoped3A_298 : memref<!tpu.dma_semaphore, #tpu.memory_space<semaphore_mem>>) {add = true}
        %dma_wait3A_309 = arith.constant 0 : i32
        %dma_wait3A_310 = arith.constant 0 : i32
        %dma_wait3A_311 = tpu.memref_slice %arg9[%run_scoped3A_248, %dma_wait3A_309, %dma_wait3A_310] : memref<4x64x128xf32, #tpu.memory_space<vmem>> -> memref<1x64x128xf32, #tpu.memory_space<vmem>>
        %dma_wait3A_312 = tpu.memref_squeeze %dma_wait3A_311 : memref<1x64x128xf32, #tpu.memory_space<vmem>> -> memref<64x128xf32, #tpu.memory_space<vmem>>
        %dma_wait3A_313 = arith.constant 0 : i32
        %dma_wait3A_314 = tpu.memref_slice %arg8[%add3A_236, %dma_wait3A_313] : memref<40x64xi32, #tpu.memory_space<vmem>> -> memref<1x64xi32, #tpu.memory_space<vmem>>
        %dma_wait3A_315 = tpu.memref_squeeze %dma_wait3A_314 : memref<1x64xi32, #tpu.memory_space<vmem>> -> memref<64xi32, #tpu.memory_space<vmem>>
        %dma_wait3A_316 = arith.constant 0 : i32
        %dma_wait3A_317 = arith.constant 0 : i32
        %dma_wait3A_318 = tpu.memref_slice %arg10[%dma_wait3A_316, %dma_wait3A_317] : memref<10240x128xf32, #tpu.memory_space<vmem_shared>> -> memref<10240x128xf32, #tpu.memory_space<vmem_shared>>
        tpu.wait_indirect_dma semaphore(%run_scoped3A_298 : memref<!tpu.dma_semaphore, #tpu.memory_space<semaphore_mem>>) src(%dma_wait3A_312 : memref<64x128xf32, #tpu.memory_space<vmem>>) dst(%dma_wait3A_318 : memref<10240x128xf32, #tpu.memory_space<vmem_shared>>)
        tpu.yield
      }) : () -> ()
      %add3A_249 = arith.constant 4 : i32
      %add3A_250 = arith.addi %add3A_236, %add3A_249 : i32
      %lt3A_251 = arith.constant 40 : i32
      %lt3A_252 = arith.cmpi slt, %add3A_250, %lt3A_251 : i32
      %convert_element_type3A_253 = arith.extui %lt3A_252 : i1 to i32
      %cond3A_254 = arith.constant 0 : i32
      %cond3A_255 = arith.cmpi ne, %convert_element_type3A_253, %cond3A_254 : i32
      scf.if %cond3A_255 {
        %dma_start3A_298 = arith.constant 1 : i32
        %dma_start3A_299 = arith.constant 0 : i32
        %dma_start3A_300 = arith.constant 0 : i32
        %dma_start3A_301 = tpu.memref_slice %arg9[%dma_start3A_298, %dma_start3A_299, %dma_start3A_300] : memref<4x64x128xf32, #tpu.memory_space<vmem>> -> memref<1x64x128xf32, #tpu.memory_space<vmem>>
        %dma_start3A_302 = tpu.memref_squeeze %dma_start3A_301 : memref<1x64x128xf32, #tpu.memory_space<vmem>> -> memref<64x128xf32, #tpu.memory_space<vmem>>
        %dma_start3A_303 = arith.constant 0 : i32
        %dma_start3A_304 = tpu.memref_slice %arg7[%add3A_250, %dma_start3A_303] : memref<40x64xi32, #tpu.memory_space<vmem>> -> memref<1x64xi32, #tpu.memory_space<vmem>>
        %dma_start3A_305 = tpu.memref_squeeze %dma_start3A_304 : memref<1x64xi32, #tpu.memory_space<vmem>> -> memref<64xi32, #tpu.memory_space<vmem>>
        %dma_start3A_306 = arith.constant 0 : i32
        %dma_start3A_307 = arith.constant 0 : i32
        %dma_start3A_308 = tpu.memref_slice %arg2[%dma_start3A_306, %dma_start3A_307] : memref<10240x128xf32, #tpu.memory_space<hbm>> -> memref<10240x128xf32, #tpu.memory_space<hbm>>
        tpu.enqueue_indirect_dma source(%dma_start3A_308 : memref<10240x128xf32, #tpu.memory_space<hbm>>) target(%dma_start3A_302 : memref<64x128xf32, #tpu.memory_space<vmem>>) offsets(%dma_start3A_305 : memref<64xi32, #tpu.memory_space<vmem>>) semaphore(%arg12 : memref<!tpu.dma_semaphore, #tpu.memory_space<semaphore_mem>>)
      } else {
      }
      %add3A_256 = arith.constant 2 : i32
      %add3A_257 = arith.addi %add3A_218, %add3A_256 : i32
      %dma_wait3A_258 = arith.constant 2 : i32
      %dma_wait3A_259 = arith.constant 0 : i32
      %dma_wait3A_260 = arith.constant 0 : i32
      %dma_wait3A_261 = tpu.memref_slice %arg9[%dma_wait3A_258, %dma_wait3A_259, %dma_wait3A_260] : memref<4x64x128xf32, #tpu.memory_space<vmem>> -> memref<1x64x128xf32, #tpu.memory_space<vmem>>
      %dma_wait3A_262 = tpu.memref_squeeze %dma_wait3A_261 : memref<1x64x128xf32, #tpu.memory_space<vmem>> -> memref<64x128xf32, #tpu.memory_space<vmem>>
      %dma_wait3A_263 = arith.constant 0 : i32
      %dma_wait3A_264 = tpu.memref_slice %arg7[%add3A_257, %dma_wait3A_263] : memref<40x64xi32, #tpu.memory_space<vmem>> -> memref<1x64xi32, #tpu.memory_space<vmem>>
      %dma_wait3A_265 = tpu.memref_squeeze %dma_wait3A_264 : memref<1x64xi32, #tpu.memory_space<vmem>> -> memref<64xi32, #tpu.memory_space<vmem>>
      %dma_wait3A_266 = arith.constant 0 : i32
      %dma_wait3A_267 = arith.constant 0 : i32
      %dma_wait3A_268 = tpu.memref_slice %arg2[%dma_wait3A_266, %dma_wait3A_267] : memref<10240x128xf32, #tpu.memory_space<hbm>> -> memref<10240x128xf32, #tpu.memory_space<hbm>>
      tpu.wait_indirect_dma semaphore(%arg13 : memref<!tpu.dma_semaphore, #tpu.memory_space<semaphore_mem>>) src(%dma_wait3A_268 : memref<10240x128xf32, #tpu.memory_space<hbm>>) dst(%dma_wait3A_262 : memref<64x128xf32, #tpu.memory_space<vmem>>)
      %run_scoped3A_269 = arith.constant 2 : i32
      "tpu.region"() ({
        %run_scoped3A_298 = tpu.sem_alloc : memref<!tpu.dma_semaphore, #tpu.memory_space<semaphore_mem>>
        %dma_start3A_299 = arith.constant 0 : i32
        %dma_start3A_300 = arith.constant 0 : i32
        %dma_start3A_301 = tpu.memref_slice %arg9[%run_scoped3A_269, %dma_start3A_299, %dma_start3A_300] : memref<4x64x128xf32, #tpu.memory_space<vmem>> -> memref<1x64x128xf32, #tpu.memory_space<vmem>>
        %dma_start3A_302 = tpu.memref_squeeze %dma_start3A_301 : memref<1x64x128xf32, #tpu.memory_space<vmem>> -> memref<64x128xf32, #tpu.memory_space<vmem>>
        %dma_start3A_303 = arith.constant 0 : i32
        %dma_start3A_304 = tpu.memref_slice %arg8[%add3A_257, %dma_start3A_303] : memref<40x64xi32, #tpu.memory_space<vmem>> -> memref<1x64xi32, #tpu.memory_space<vmem>>
        %dma_start3A_305 = tpu.memref_squeeze %dma_start3A_304 : memref<1x64xi32, #tpu.memory_space<vmem>> -> memref<64xi32, #tpu.memory_space<vmem>>
        %dma_start3A_306 = arith.constant 0 : i32
        %dma_start3A_307 = arith.constant 0 : i32
        %dma_start3A_308 = tpu.memref_slice %arg10[%dma_start3A_306, %dma_start3A_307] : memref<10240x128xf32, #tpu.memory_space<vmem_shared>> -> memref<10240x128xf32, #tpu.memory_space<vmem_shared>>
        tpu.enqueue_indirect_dma source(%dma_start3A_302 : memref<64x128xf32, #tpu.memory_space<vmem>>) target(%dma_start3A_308 : memref<10240x128xf32, #tpu.memory_space<vmem_shared>>) offsets(%dma_start3A_305 : memref<64xi32, #tpu.memory_space<vmem>>) semaphore(%run_scoped3A_298 : memref<!tpu.dma_semaphore, #tpu.memory_space<semaphore_mem>>) {add = true}
        %dma_wait3A_309 = arith.constant 0 : i32
        %dma_wait3A_310 = arith.constant 0 : i32
        %dma_wait3A_311 = tpu.memref_slice %arg9[%run_scoped3A_269, %dma_wait3A_309, %dma_wait3A_310] : memref<4x64x128xf32, #tpu.memory_space<vmem>> -> memref<1x64x128xf32, #tpu.memory_space<vmem>>
        %dma_wait3A_312 = tpu.memref_squeeze %dma_wait3A_311 : memref<1x64x128xf32, #tpu.memory_space<vmem>> -> memref<64x128xf32, #tpu.memory_space<vmem>>
        %dma_wait3A_313 = arith.constant 0 : i32
        %dma_wait3A_314 = tpu.memref_slice %arg8[%add3A_257, %dma_wait3A_313] : memref<40x64xi32, #tpu.memory_space<vmem>> -> memref<1x64xi32, #tpu.memory_space<vmem>>
        %dma_wait3A_315 = tpu.memref_squeeze %dma_wait3A_314 : memref<1x64xi32, #tpu.memory_space<vmem>> -> memref<64xi32, #tpu.memory_space<vmem>>
        %dma_wait3A_316 = arith.constant 0 : i32
        %dma_wait3A_317 = arith.constant 0 : i32
        %dma_wait3A_318 = tpu.memref_slice %arg10[%dma_wait3A_316, %dma_wait3A_317] : memref<10240x128xf32, #tpu.memory_space<vmem_shared>> -> memref<10240x128xf32, #tpu.memory_space<vmem_shared>>
        tpu.wait_indirect_dma semaphore(%run_scoped3A_298 : memref<!tpu.dma_semaphore, #tpu.memory_space<semaphore_mem>>) src(%dma_wait3A_312 : memref<64x128xf32, #tpu.memory_space<vmem>>) dst(%dma_wait3A_318 : memref<10240x128xf32, #tpu.memory_space<vmem_shared>>)
        tpu.yield
      }) : () -> ()
      %add3A_270 = arith.constant 4 : i32
      %add3A_271 = arith.addi %add3A_257, %add3A_270 : i32
      %lt3A_272 = arith.constant 40 : i32
      %lt3A_273 = arith.cmpi slt, %add3A_271, %lt3A_272 : i32
      %convert_element_type3A_274 = arith.extui %lt3A_273 : i1 to i32
      %cond3A_275 = arith.constant 0 : i32
      %cond3A_276 = arith.cmpi ne, %convert_element_type3A_274, %cond3A_275 : i32
      scf.if %cond3A_276 {
        %dma_start3A_298 = arith.constant 2 : i32
        %dma_start3A_299 = arith.constant 0 : i32
        %dma_start3A_300 = arith.constant 0 : i32
        %dma_start3A_301 = tpu.memref_slice %arg9[%dma_start3A_298, %dma_start3A_299, %dma_start3A_300] : memref<4x64x128xf32, #tpu.memory_space<vmem>> -> memref<1x64x128xf32, #tpu.memory_space<vmem>>
        %dma_start3A_302 = tpu.memref_squeeze %dma_start3A_301 : memref<1x64x128xf32, #tpu.memory_space<vmem>> -> memref<64x128xf32, #tpu.memory_space<vmem>>
        %dma_start3A_303 = arith.constant 0 : i32
        %dma_start3A_304 = tpu.memref_slice %arg7[%add3A_271, %dma_start3A_303] : memref<40x64xi32, #tpu.memory_space<vmem>> -> memref<1x64xi32, #tpu.memory_space<vmem>>
        %dma_start3A_305 = tpu.memref_squeeze %dma_start3A_304 : memref<1x64xi32, #tpu.memory_space<vmem>> -> memref<64xi32, #tpu.memory_space<vmem>>
        %dma_start3A_306 = arith.constant 0 : i32
        %dma_start3A_307 = arith.constant 0 : i32
        %dma_start3A_308 = tpu.memref_slice %arg2[%dma_start3A_306, %dma_start3A_307] : memref<10240x128xf32, #tpu.memory_space<hbm>> -> memref<10240x128xf32, #tpu.memory_space<hbm>>
        tpu.enqueue_indirect_dma source(%dma_start3A_308 : memref<10240x128xf32, #tpu.memory_space<hbm>>) target(%dma_start3A_302 : memref<64x128xf32, #tpu.memory_space<vmem>>) offsets(%dma_start3A_305 : memref<64xi32, #tpu.memory_space<vmem>>) semaphore(%arg13 : memref<!tpu.dma_semaphore, #tpu.memory_space<semaphore_mem>>)
      } else {
      }
      %add3A_277 = arith.constant 3 : i32
      %add3A_278 = arith.addi %add3A_218, %add3A_277 : i32
      %dma_wait3A_279 = arith.constant 3 : i32
      %dma_wait3A_280 = arith.constant 0 : i32
      %dma_wait3A_281 = arith.constant 0 : i32
      %dma_wait3A_282 = tpu.memref_slice %arg9[%dma_wait3A_279, %dma_wait3A_280, %dma_wait3A_281] : memref<4x64x128xf32, #tpu.memory_space<vmem>> -> memref<1x64x128xf32, #tpu.memory_space<vmem>>
      %dma_wait3A_283 = tpu.memref_squeeze %dma_wait3A_282 : memref<1x64x128xf32, #tpu.memory_space<vmem>> -> memref<64x128xf32, #tpu.memory_space<vmem>>
      %dma_wait3A_284 = arith.constant 0 : i32
      %dma_wait3A_285 = tpu.memref_slice %arg7[%add3A_278, %dma_wait3A_284] : memref<40x64xi32, #tpu.memory_space<vmem>> -> memref<1x64xi32, #tpu.memory_space<vmem>>
      %dma_wait3A_286 = tpu.memref_squeeze %dma_wait3A_285 : memref<1x64xi32, #tpu.memory_space<vmem>> -> memref<64xi32, #tpu.memory_space<vmem>>
      %dma_wait3A_287 = arith.constant 0 : i32
      %dma_wait3A_288 = arith.constant 0 : i32
      %dma_wait3A_289 = tpu.memref_slice %arg2[%dma_wait3A_287, %dma_wait3A_288] : memref<10240x128xf32, #tpu.memory_space<hbm>> -> memref<10240x128xf32, #tpu.memory_space<hbm>>
      tpu.wait_indirect_dma semaphore(%arg14 : memref<!tpu.dma_semaphore, #tpu.memory_space<semaphore_mem>>) src(%dma_wait3A_289 : memref<10240x128xf32, #tpu.memory_space<hbm>>) dst(%dma_wait3A_283 : memref<64x128xf32, #tpu.memory_space<vmem>>)
      %run_scoped3A_290 = arith.constant 3 : i32
      "tpu.region"() ({
        %run_scoped3A_298 = tpu.sem_alloc : memref<!tpu.dma_semaphore, #tpu.memory_space<semaphore_mem>>
        %dma_start3A_299 = arith.constant 0 : i32
        %dma_start3A_300 = arith.constant 0 : i32
        %dma_start3A_301 = tpu.memref_slice %arg9[%run_scoped3A_290, %dma_start3A_299, %dma_start3A_300] : memref<4x64x128xf32, #tpu.memory_space<vmem>> -> memref<1x64x128xf32, #tpu.memory_space<vmem>>
        %dma_start3A_302 = tpu.memref_squeeze %dma_start3A_301 : memref<1x64x128xf32, #tpu.memory_space<vmem>> -> memref<64x128xf32, #tpu.memory_space<vmem>>
        %dma_start3A_303 = arith.constant 0 : i32
        %dma_start3A_304 = tpu.memref_slice %arg8[%add3A_278, %dma_start3A_303] : memref<40x64xi32, #tpu.memory_space<vmem>> -> memref<1x64xi32, #tpu.memory_space<vmem>>
        %dma_start3A_305 = tpu.memref_squeeze %dma_start3A_304 : memref<1x64xi32, #tpu.memory_space<vmem>> -> memref<64xi32, #tpu.memory_space<vmem>>
        %dma_start3A_306 = arith.constant 0 : i32
        %dma_start3A_307 = arith.constant 0 : i32
        %dma_start3A_308 = tpu.memref_slice %arg10[%dma_start3A_306, %dma_start3A_307] : memref<10240x128xf32, #tpu.memory_space<vmem_shared>> -> memref<10240x128xf32, #tpu.memory_space<vmem_shared>>
        tpu.enqueue_indirect_dma source(%dma_start3A_302 : memref<64x128xf32, #tpu.memory_space<vmem>>) target(%dma_start3A_308 : memref<10240x128xf32, #tpu.memory_space<vmem_shared>>) offsets(%dma_start3A_305 : memref<64xi32, #tpu.memory_space<vmem>>) semaphore(%run_scoped3A_298 : memref<!tpu.dma_semaphore, #tpu.memory_space<semaphore_mem>>) {add = true}
        %dma_wait3A_309 = arith.constant 0 : i32
        %dma_wait3A_310 = arith.constant 0 : i32
        %dma_wait3A_311 = tpu.memref_slice %arg9[%run_scoped3A_290, %dma_wait3A_309, %dma_wait3A_310] : memref<4x64x128xf32, #tpu.memory_space<vmem>> -> memref<1x64x128xf32, #tpu.memory_space<vmem>>
        %dma_wait3A_312 = tpu.memref_squeeze %dma_wait3A_311 : memref<1x64x128xf32, #tpu.memory_space<vmem>> -> memref<64x128xf32, #tpu.memory_space<vmem>>
        %dma_wait3A_313 = arith.constant 0 : i32
        %dma_wait3A_314 = tpu.memref_slice %arg8[%add3A_278, %dma_wait3A_313] : memref<40x64xi32, #tpu.memory_space<vmem>> -> memref<1x64xi32, #tpu.memory_space<vmem>>
        %dma_wait3A_315 = tpu.memref_squeeze %dma_wait3A_314 : memref<1x64xi32, #tpu.memory_space<vmem>> -> memref<64xi32, #tpu.memory_space<vmem>>
        %dma_wait3A_316 = arith.constant 0 : i32
        %dma_wait3A_317 = arith.constant 0 : i32
        %dma_wait3A_318 = tpu.memref_slice %arg10[%dma_wait3A_316, %dma_wait3A_317] : memref<10240x128xf32, #tpu.memory_space<vmem_shared>> -> memref<10240x128xf32, #tpu.memory_space<vmem_shared>>
        tpu.wait_indirect_dma semaphore(%run_scoped3A_298 : memref<!tpu.dma_semaphore, #tpu.memory_space<semaphore_mem>>) src(%dma_wait3A_312 : memref<64x128xf32, #tpu.memory_space<vmem>>) dst(%dma_wait3A_318 : memref<10240x128xf32, #tpu.memory_space<vmem_shared>>)
        tpu.yield
      }) : () -> ()
      %add3A_291 = arith.constant 4 : i32
      %add3A_292 = arith.addi %add3A_278, %add3A_291 : i32
      %lt3A_293 = arith.constant 40 : i32
      %lt3A_294 = arith.cmpi slt, %add3A_292, %lt3A_293 : i32
      %convert_element_type3A_295 = arith.extui %lt3A_294 : i1 to i32
      %cond3A_296 = arith.constant 0 : i32
      %cond3A_297 = arith.cmpi ne, %convert_element_type3A_295, %cond3A_296 : i32
      scf.if %cond3A_297 {
        %dma_start3A_298 = arith.constant 3 : i32
        %dma_start3A_299 = arith.constant 0 : i32
        %dma_start3A_300 = arith.constant 0 : i32
        %dma_start3A_301 = tpu.memref_slice %arg9[%dma_start3A_298, %dma_start3A_299, %dma_start3A_300] : memref<4x64x128xf32, #tpu.memory_space<vmem>> -> memref<1x64x128xf32, #tpu.memory_space<vmem>>
        %dma_start3A_302 = tpu.memref_squeeze %dma_start3A_301 : memref<1x64x128xf32, #tpu.memory_space<vmem>> -> memref<64x128xf32, #tpu.memory_space<vmem>>
        %dma_start3A_303 = arith.constant 0 : i32
        %dma_start3A_304 = tpu.memref_slice %arg7[%add3A_292, %dma_start3A_303] : memref<40x64xi32, #tpu.memory_space<vmem>> -> memref<1x64xi32, #tpu.memory_space<vmem>>
        %dma_start3A_305 = tpu.memref_squeeze %dma_start3A_304 : memref<1x64xi32, #tpu.memory_space<vmem>> -> memref<64xi32, #tpu.memory_space<vmem>>
        %dma_start3A_306 = arith.constant 0 : i32
        %dma_start3A_307 = arith.constant 0 : i32
        %dma_start3A_308 = tpu.memref_slice %arg2[%dma_start3A_306, %dma_start3A_307] : memref<10240x128xf32, #tpu.memory_space<hbm>> -> memref<10240x128xf32, #tpu.memory_space<hbm>>
        tpu.enqueue_indirect_dma source(%dma_start3A_308 : memref<10240x128xf32, #tpu.memory_space<hbm>>) target(%dma_start3A_302 : memref<64x128xf32, #tpu.memory_space<vmem>>) offsets(%dma_start3A_305 : memref<64xi32, #tpu.memory_space<vmem>>) semaphore(%arg14 : memref<!tpu.dma_semaphore, #tpu.memory_space<semaphore_mem>>)
      } else {
      }
    }
    %scan3A_53 = arith.constant 10 : i32
    "tpu.region"() ({
      %run_scoped3A = tpu.sem_alloc : memref<!tpu.dma_semaphore, #tpu.memory_space<semaphore_mem>>
      %dma_start3A_214 = arith.constant 0 : i32
      %dma_start3A_215 = arith.constant 0 : i32
      %dma_start3A_216 = tpu.memref_slice %arg3[%add3A, %dma_start3A_214, %dma_start3A_215] : memref<32x160x64xi32, #tpu.memory_space<hbm>> -> memref<1x160x64xi32, #tpu.memory_space<hbm>>
      %dma_start3A_217 = tpu.memref_squeeze %dma_start3A_216 : memref<1x160x64xi32, #tpu.memory_space<hbm>> -> memref<160x64xi32, #tpu.memory_space<hbm>>
      %dma_start3A_218 = arith.constant 40 : i32
      %dma_start3A_219 = arith.constant 0 : i32
      %dma_start3A_220 = tpu.memref_slice %dma_start3A_217[%dma_start3A_218, %dma_start3A_219] : memref<160x64xi32, #tpu.memory_space<hbm>> -> memref<40x64xi32, #tpu.memory_space<hbm>>
      %dma_start3A_221 = arith.constant 0 : i32
      %dma_start3A_222 = arith.constant 0 : i32
      %dma_start3A_223 = tpu.memref_slice %arg3[%add3A, %dma_start3A_221, %dma_start3A_222] : memref<32x160x64xi32, #tpu.memory_space<hbm>> -> memref<1x160x64xi32, #tpu.memory_space<hbm>>
      %dma_start3A_224 = tpu.memref_squeeze %dma_start3A_223 : memref<1x160x64xi32, #tpu.memory_space<hbm>> -> memref<160x64xi32, #tpu.memory_space<hbm>>
      %dma_start3A_225 = arith.constant 40 : i32
      %dma_start3A_226 = arith.constant 0 : i32
      %dma_start3A_227 = tpu.memref_slice %dma_start3A_224[%dma_start3A_225, %dma_start3A_226] : memref<160x64xi32, #tpu.memory_space<hbm>> -> memref<40x64xi32, #tpu.memory_space<hbm>>
      tpu.enqueue_dma source(%dma_start3A_227 : memref<40x64xi32, #tpu.memory_space<hbm>>) target(%arg7 : memref<40x64xi32, #tpu.memory_space<vmem>>) target_semaphore(%run_scoped3A : memref<!tpu.dma_semaphore, #tpu.memory_space<semaphore_mem>>)
      %dma_wait3A = arith.constant 0 : i32
      %dma_wait3A_228 = arith.constant 0 : i32
      %dma_wait3A_229 = tpu.memref_slice %arg3[%add3A, %dma_wait3A, %dma_wait3A_228] : memref<32x160x64xi32, #tpu.memory_space<hbm>> -> memref<1x160x64xi32, #tpu.memory_space<hbm>>
      %dma_wait3A_230 = tpu.memref_squeeze %dma_wait3A_229 : memref<1x160x64xi32, #tpu.memory_space<hbm>> -> memref<160x64xi32, #tpu.memory_space<hbm>>
      %dma_wait3A_231 = arith.constant 40 : i32
      %dma_wait3A_232 = arith.constant 0 : i32
      %dma_wait3A_233 = tpu.memref_slice %dma_wait3A_230[%dma_wait3A_231, %dma_wait3A_232] : memref<160x64xi32, #tpu.memory_space<hbm>> -> memref<40x64xi32, #tpu.memory_space<hbm>>
      %dma_wait3A_234 = arith.constant 0 : i32
      %dma_wait3A_235 = arith.constant 0 : i32
      %dma_wait3A_236 = tpu.memref_slice %arg3[%add3A, %dma_wait3A_234, %dma_wait3A_235] : memref<32x160x64xi32, #tpu.memory_space<hbm>> -> memref<1x160x64xi32, #tpu.memory_space<hbm>>
      %dma_wait3A_237 = tpu.memref_squeeze %dma_wait3A_236 : memref<1x160x64xi32, #tpu.memory_space<hbm>> -> memref<160x64xi32, #tpu.memory_space<hbm>>
      %dma_wait3A_238 = arith.constant 40 : i32
      %dma_wait3A_239 = arith.constant 0 : i32
      %dma_wait3A_240 = tpu.memref_slice %dma_wait3A_237[%dma_wait3A_238, %dma_wait3A_239] : memref<160x64xi32, #tpu.memory_space<hbm>> -> memref<40x64xi32, #tpu.memory_space<hbm>>
      tpu.wait_dma2 semaphore(%run_scoped3A : memref<!tpu.dma_semaphore, #tpu.memory_space<semaphore_mem>>) src(%dma_wait3A_240 : memref<40x64xi32, #tpu.memory_space<hbm>>) dst(%arg7 : memref<40x64xi32, #tpu.memory_space<vmem>>)
      tpu.yield
    }) : () -> ()
    "tpu.region"() ({
      %run_scoped3A = tpu.sem_alloc : memref<!tpu.dma_semaphore, #tpu.memory_space<semaphore_mem>>
      %dma_start3A_214 = arith.constant 0 : i32
      %dma_start3A_215 = arith.constant 0 : i32
      %dma_start3A_216 = tpu.memref_slice %arg4[%add3A, %dma_start3A_214, %dma_start3A_215] : memref<32x160x64xi32, #tpu.memory_space<hbm>> -> memref<1x160x64xi32, #tpu.memory_space<hbm>>
      %dma_start3A_217 = tpu.memref_squeeze %dma_start3A_216 : memref<1x160x64xi32, #tpu.memory_space<hbm>> -> memref<160x64xi32, #tpu.memory_space<hbm>>
      %dma_start3A_218 = arith.constant 40 : i32
      %dma_start3A_219 = arith.constant 0 : i32
      %dma_start3A_220 = tpu.memref_slice %dma_start3A_217[%dma_start3A_218, %dma_start3A_219] : memref<160x64xi32, #tpu.memory_space<hbm>> -> memref<40x64xi32, #tpu.memory_space<hbm>>
      %dma_start3A_221 = arith.constant 0 : i32
      %dma_start3A_222 = arith.constant 0 : i32
      %dma_start3A_223 = tpu.memref_slice %arg4[%add3A, %dma_start3A_221, %dma_start3A_222] : memref<32x160x64xi32, #tpu.memory_space<hbm>> -> memref<1x160x64xi32, #tpu.memory_space<hbm>>
      %dma_start3A_224 = tpu.memref_squeeze %dma_start3A_223 : memref<1x160x64xi32, #tpu.memory_space<hbm>> -> memref<160x64xi32, #tpu.memory_space<hbm>>
      %dma_start3A_225 = arith.constant 40 : i32
      %dma_start3A_226 = arith.constant 0 : i32
      %dma_start3A_227 = tpu.memref_slice %dma_start3A_224[%dma_start3A_225, %dma_start3A_226] : memref<160x64xi32, #tpu.memory_space<hbm>> -> memref<40x64xi32, #tpu.memory_space<hbm>>
      tpu.enqueue_dma source(%dma_start3A_227 : memref<40x64xi32, #tpu.memory_space<hbm>>) target(%arg8 : memref<40x64xi32, #tpu.memory_space<vmem>>) target_semaphore(%run_scoped3A : memref<!tpu.dma_semaphore, #tpu.memory_space<semaphore_mem>>)
      %dma_wait3A = arith.constant 0 : i32
      %dma_wait3A_228 = arith.constant 0 : i32
      %dma_wait3A_229 = tpu.memref_slice %arg4[%add3A, %dma_wait3A, %dma_wait3A_228] : memref<32x160x64xi32, #tpu.memory_space<hbm>> -> memref<1x160x64xi32, #tpu.memory_space<hbm>>
      %dma_wait3A_230 = tpu.memref_squeeze %dma_wait3A_229 : memref<1x160x64xi32, #tpu.memory_space<hbm>> -> memref<160x64xi32, #tpu.memory_space<hbm>>
      %dma_wait3A_231 = arith.constant 40 : i32
      %dma_wait3A_232 = arith.constant 0 : i32
      %dma_wait3A_233 = tpu.memref_slice %dma_wait3A_230[%dma_wait3A_231, %dma_wait3A_232] : memref<160x64xi32, #tpu.memory_space<hbm>> -> memref<40x64xi32, #tpu.memory_space<hbm>>
      %dma_wait3A_234 = arith.constant 0 : i32
      %dma_wait3A_235 = arith.constant 0 : i32
      %dma_wait3A_236 = tpu.memref_slice %arg4[%add3A, %dma_wait3A_234, %dma_wait3A_235] : memref<32x160x64xi32, #tpu.memory_space<hbm>> -> memref<1x160x64xi32, #tpu.memory_space<hbm>>
      %dma_wait3A_237 = tpu.memref_squeeze %dma_wait3A_236 : memref<1x160x64xi32, #tpu.memory_space<hbm>> -> memref<160x64xi32, #tpu.memory_space<hbm>>
      %dma_wait3A_238 = arith.constant 40 : i32
      %dma_wait3A_239 = arith.constant 0 : i32
      %dma_wait3A_240 = tpu.memref_slice %dma_wait3A_237[%dma_wait3A_238, %dma_wait3A_239] : memref<160x64xi32, #tpu.memory_space<hbm>> -> memref<40x64xi32, #tpu.memory_space<hbm>>
      tpu.wait_dma2 semaphore(%run_scoped3A : memref<!tpu.dma_semaphore, #tpu.memory_space<semaphore_mem>>) src(%dma_wait3A_240 : memref<40x64xi32, #tpu.memory_space<hbm>>) dst(%arg8 : memref<40x64xi32, #tpu.memory_space<vmem>>)
      tpu.yield
    }) : () -> ()
    %dma_start3A_54 = arith.constant 0 : i32
    %dma_start3A_55 = arith.constant 0 : i32
    %dma_start3A_56 = arith.constant 0 : i32
    %dma_start3A_57 = arith.constant 0 : i32
    %dma_start3A_58 = tpu.memref_slice %arg9[%dma_start3A_55, %dma_start3A_56, %dma_start3A_57] : memref<4x64x128xf32, #tpu.memory_space<vmem>> -> memref<1x64x128xf32, #tpu.memory_space<vmem>>
    %dma_start3A_59 = tpu.memref_squeeze %dma_start3A_58 : memref<1x64x128xf32, #tpu.memory_space<vmem>> -> memref<64x128xf32, #tpu.memory_space<vmem>>
    %dma_start3A_60 = arith.constant 0 : i32
    %dma_start3A_61 = tpu.memref_slice %arg7[%dma_start3A_54, %dma_start3A_60] : memref<40x64xi32, #tpu.memory_space<vmem>> -> memref<1x64xi32, #tpu.memory_space<vmem>>
    %dma_start3A_62 = tpu.memref_squeeze %dma_start3A_61 : memref<1x64xi32, #tpu.memory_space<vmem>> -> memref<64xi32, #tpu.memory_space<vmem>>
    %dma_start3A_63 = arith.constant 0 : i32
    %dma_start3A_64 = arith.constant 0 : i32
    %dma_start3A_65 = tpu.memref_slice %arg2[%dma_start3A_63, %dma_start3A_64] : memref<10240x128xf32, #tpu.memory_space<hbm>> -> memref<10240x128xf32, #tpu.memory_space<hbm>>
    tpu.enqueue_indirect_dma source(%dma_start3A_65 : memref<10240x128xf32, #tpu.memory_space<hbm>>) target(%dma_start3A_59 : memref<64x128xf32, #tpu.memory_space<vmem>>) offsets(%dma_start3A_62 : memref<64xi32, #tpu.memory_space<vmem>>) semaphore(%arg11 : memref<!tpu.dma_semaphore, #tpu.memory_space<semaphore_mem>>)
    %dma_start3A_66 = arith.constant 1 : i32
    %dma_start3A_67 = arith.constant 1 : i32
    %dma_start3A_68 = arith.constant 0 : i32
    %dma_start3A_69 = arith.constant 0 : i32
    %dma_start3A_70 = tpu.memref_slice %arg9[%dma_start3A_67, %dma_start3A_68, %dma_start3A_69] : memref<4x64x128xf32, #tpu.memory_space<vmem>> -> memref<1x64x128xf32, #tpu.memory_space<vmem>>
    %dma_start3A_71 = tpu.memref_squeeze %dma_start3A_70 : memref<1x64x128xf32, #tpu.memory_space<vmem>> -> memref<64x128xf32, #tpu.memory_space<vmem>>
    %dma_start3A_72 = arith.constant 0 : i32
    %dma_start3A_73 = tpu.memref_slice %arg7[%dma_start3A_66, %dma_start3A_72] : memref<40x64xi32, #tpu.memory_space<vmem>> -> memref<1x64xi32, #tpu.memory_space<vmem>>
    %dma_start3A_74 = tpu.memref_squeeze %dma_start3A_73 : memref<1x64xi32, #tpu.memory_space<vmem>> -> memref<64xi32, #tpu.memory_space<vmem>>
    %dma_start3A_75 = arith.constant 0 : i32
    %dma_start3A_76 = arith.constant 0 : i32
    %dma_start3A_77 = tpu.memref_slice %arg2[%dma_start3A_75, %dma_start3A_76] : memref<10240x128xf32, #tpu.memory_space<hbm>> -> memref<10240x128xf32, #tpu.memory_space<hbm>>
    tpu.enqueue_indirect_dma source(%dma_start3A_77 : memref<10240x128xf32, #tpu.memory_space<hbm>>) target(%dma_start3A_71 : memref<64x128xf32, #tpu.memory_space<vmem>>) offsets(%dma_start3A_74 : memref<64xi32, #tpu.memory_space<vmem>>) semaphore(%arg12 : memref<!tpu.dma_semaphore, #tpu.memory_space<semaphore_mem>>)
    %dma_start3A_78 = arith.constant 2 : i32
    %dma_start3A_79 = arith.constant 2 : i32
    %dma_start3A_80 = arith.constant 0 : i32
    %dma_start3A_81 = arith.constant 0 : i32
    %dma_start3A_82 = tpu.memref_slice %arg9[%dma_start3A_79, %dma_start3A_80, %dma_start3A_81] : memref<4x64x128xf32, #tpu.memory_space<vmem>> -> memref<1x64x128xf32, #tpu.memory_space<vmem>>
    %dma_start3A_83 = tpu.memref_squeeze %dma_start3A_82 : memref<1x64x128xf32, #tpu.memory_space<vmem>> -> memref<64x128xf32, #tpu.memory_space<vmem>>
    %dma_start3A_84 = arith.constant 0 : i32
    %dma_start3A_85 = tpu.memref_slice %arg7[%dma_start3A_78, %dma_start3A_84] : memref<40x64xi32, #tpu.memory_space<vmem>> -> memref<1x64xi32, #tpu.memory_space<vmem>>
    %dma_start3A_86 = tpu.memref_squeeze %dma_start3A_85 : memref<1x64xi32, #tpu.memory_space<vmem>> -> memref<64xi32, #tpu.memory_space<vmem>>
    %dma_start3A_87 = arith.constant 0 : i32
    %dma_start3A_88 = arith.constant 0 : i32
    %dma_start3A_89 = tpu.memref_slice %arg2[%dma_start3A_87, %dma_start3A_88] : memref<10240x128xf32, #tpu.memory_space<hbm>> -> memref<10240x128xf32, #tpu.memory_space<hbm>>
    tpu.enqueue_indirect_dma source(%dma_start3A_89 : memref<10240x128xf32, #tpu.memory_space<hbm>>) target(%dma_start3A_83 : memref<64x128xf32, #tpu.memory_space<vmem>>) offsets(%dma_start3A_86 : memref<64xi32, #tpu.memory_space<vmem>>) semaphore(%arg13 : memref<!tpu.dma_semaphore, #tpu.memory_space<semaphore_mem>>)
    %dma_start3A_90 = arith.constant 3 : i32
    %dma_start3A_91 = arith.constant 3 : i32
    %dma_start3A_92 = arith.constant 0 : i32
    %dma_start3A_93 = arith.constant 0 : i32
    %dma_start3A_94 = tpu.memref_slice %arg9[%dma_start3A_91, %dma_start3A_92, %dma_start3A_93] : memref<4x64x128xf32, #tpu.memory_space<vmem>> -> memref<1x64x128xf32, #tpu.memory_space<vmem>>
    %dma_start3A_95 = tpu.memref_squeeze %dma_start3A_94 : memref<1x64x128xf32, #tpu.memory_space<vmem>> -> memref<64x128xf32, #tpu.memory_space<vmem>>
    %dma_start3A_96 = arith.constant 0 : i32
    %dma_start3A_97 = tpu.memref_slice %arg7[%dma_start3A_90, %dma_start3A_96] : memref<40x64xi32, #tpu.memory_space<vmem>> -> memref<1x64xi32, #tpu.memory_space<vmem>>
    %dma_start3A_98 = tpu.memref_squeeze %dma_start3A_97 : memref<1x64xi32, #tpu.memory_space<vmem>> -> memref<64xi32, #tpu.memory_space<vmem>>
    %dma_start3A_99 = arith.constant 0 : i32
    %dma_start3A_100 = arith.constant 0 : i32
    %dma_start3A_101 = tpu.memref_slice %arg2[%dma_start3A_99, %dma_start3A_100] : memref<10240x128xf32, #tpu.memory_space<hbm>> -> memref<10240x128xf32, #tpu.memory_space<hbm>>
    tpu.enqueue_indirect_dma source(%dma_start3A_101 : memref<10240x128xf32, #tpu.memory_space<hbm>>) target(%dma_start3A_95 : memref<64x128xf32, #tpu.memory_space<vmem>>) offsets(%dma_start3A_98 : memref<64xi32, #tpu.memory_space<vmem>>) semaphore(%arg14 : memref<!tpu.dma_semaphore, #tpu.memory_space<semaphore_mem>>)
    %scan3A_102 = arith.constant 0 : i32
    %scan3A_103 = arith.constant 10 : i32
    %scan3A_104 = arith.addi %scan3A_102, %scan3A_103 : i32
    %scan3A_105 = arith.constant 1 : i32
    scf.for %scan3A_214 = %scan3A_102 to %scan3A_104 step %scan3A_105  : i32 {
      %mul3A_215 = arith.constant 4 : i32
      %mul3A_216 = arith.muli %scan3A_214, %mul3A_215 : i32
      %add3A_217 = arith.constant 0 : i32
      %add3A_218 = arith.addi %add3A_217, %mul3A_216 : i32
      %add3A_219 = arith.constant 0 : i32
      %add3A_220 = arith.addi %add3A_218, %add3A_219 : i32
      %dma_wait3A = arith.constant 0 : i32
      %dma_wait3A_221 = arith.constant 0 : i32
      %dma_wait3A_222 = arith.constant 0 : i32
      %dma_wait3A_223 = tpu.memref_slice %arg9[%dma_wait3A, %dma_wait3A_221, %dma_wait3A_222] : memref<4x64x128xf32, #tpu.memory_space<vmem>> -> memref<1x64x128xf32, #tpu.memory_space<vmem>>
      %dma_wait3A_224 = tpu.memref_squeeze %dma_wait3A_223 : memref<1x64x128xf32, #tpu.memory_space<vmem>> -> memref<64x128xf32, #tpu.memory_space<vmem>>
      %dma_wait3A_225 = arith.constant 0 : i32
      %dma_wait3A_226 = tpu.memref_slice %arg7[%add3A_220, %dma_wait3A_225] : memref<40x64xi32, #tpu.memory_space<vmem>> -> memref<1x64xi32, #tpu.memory_space<vmem>>
      %dma_wait3A_227 = tpu.memref_squeeze %dma_wait3A_226 : memref<1x64xi32, #tpu.memory_space<vmem>> -> memref<64xi32, #tpu.memory_space<vmem>>
      %dma_wait3A_228 = arith.constant 0 : i32
      %dma_wait3A_229 = arith.constant 0 : i32
      %dma_wait3A_230 = tpu.memref_slice %arg2[%dma_wait3A_228, %dma_wait3A_229] : memref<10240x128xf32, #tpu.memory_space<hbm>> -> memref<10240x128xf32, #tpu.memory_space<hbm>>
      tpu.wait_indirect_dma semaphore(%arg11 : memref<!tpu.dma_semaphore, #tpu.memory_space<semaphore_mem>>) src(%dma_wait3A_230 : memref<10240x128xf32, #tpu.memory_space<hbm>>) dst(%dma_wait3A_224 : memref<64x128xf32, #tpu.memory_space<vmem>>)
      %run_scoped3A = arith.constant 0 : i32
      "tpu.region"() ({
        %run_scoped3A_298 = tpu.sem_alloc : memref<!tpu.dma_semaphore, #tpu.memory_space<semaphore_mem>>
        %dma_start3A_299 = arith.constant 0 : i32
        %dma_start3A_300 = arith.constant 0 : i32
        %dma_start3A_301 = tpu.memref_slice %arg9[%run_scoped3A, %dma_start3A_299, %dma_start3A_300] : memref<4x64x128xf32, #tpu.memory_space<vmem>> -> memref<1x64x128xf32, #tpu.memory_space<vmem>>
        %dma_start3A_302 = tpu.memref_squeeze %dma_start3A_301 : memref<1x64x128xf32, #tpu.memory_space<vmem>> -> memref<64x128xf32, #tpu.memory_space<vmem>>
        %dma_start3A_303 = arith.constant 0 : i32
        %dma_start3A_304 = tpu.memref_slice %arg8[%add3A_220, %dma_start3A_303] : memref<40x64xi32, #tpu.memory_space<vmem>> -> memref<1x64xi32, #tpu.memory_space<vmem>>
        %dma_start3A_305 = tpu.memref_squeeze %dma_start3A_304 : memref<1x64xi32, #tpu.memory_space<vmem>> -> memref<64xi32, #tpu.memory_space<vmem>>
        %dma_start3A_306 = arith.constant 0 : i32
        %dma_start3A_307 = arith.constant 0 : i32
        %dma_start3A_308 = tpu.memref_slice %arg10[%dma_start3A_306, %dma_start3A_307] : memref<10240x128xf32, #tpu.memory_space<vmem_shared>> -> memref<10240x128xf32, #tpu.memory_space<vmem_shared>>
        tpu.enqueue_indirect_dma source(%dma_start3A_302 : memref<64x128xf32, #tpu.memory_space<vmem>>) target(%dma_start3A_308 : memref<10240x128xf32, #tpu.memory_space<vmem_shared>>) offsets(%dma_start3A_305 : memref<64xi32, #tpu.memory_space<vmem>>) semaphore(%run_scoped3A_298 : memref<!tpu.dma_semaphore, #tpu.memory_space<semaphore_mem>>) {add = true}
        %dma_wait3A_309 = arith.constant 0 : i32
        %dma_wait3A_310 = arith.constant 0 : i32
        %dma_wait3A_311 = tpu.memref_slice %arg9[%run_scoped3A, %dma_wait3A_309, %dma_wait3A_310] : memref<4x64x128xf32, #tpu.memory_space<vmem>> -> memref<1x64x128xf32, #tpu.memory_space<vmem>>
        %dma_wait3A_312 = tpu.memref_squeeze %dma_wait3A_311 : memref<1x64x128xf32, #tpu.memory_space<vmem>> -> memref<64x128xf32, #tpu.memory_space<vmem>>
        %dma_wait3A_313 = arith.constant 0 : i32
        %dma_wait3A_314 = tpu.memref_slice %arg8[%add3A_220, %dma_wait3A_313] : memref<40x64xi32, #tpu.memory_space<vmem>> -> memref<1x64xi32, #tpu.memory_space<vmem>>
        %dma_wait3A_315 = tpu.memref_squeeze %dma_wait3A_314 : memref<1x64xi32, #tpu.memory_space<vmem>> -> memref<64xi32, #tpu.memory_space<vmem>>
        %dma_wait3A_316 = arith.constant 0 : i32
        %dma_wait3A_317 = arith.constant 0 : i32
        %dma_wait3A_318 = tpu.memref_slice %arg10[%dma_wait3A_316, %dma_wait3A_317] : memref<10240x128xf32, #tpu.memory_space<vmem_shared>> -> memref<10240x128xf32, #tpu.memory_space<vmem_shared>>
        tpu.wait_indirect_dma semaphore(%run_scoped3A_298 : memref<!tpu.dma_semaphore, #tpu.memory_space<semaphore_mem>>) src(%dma_wait3A_312 : memref<64x128xf32, #tpu.memory_space<vmem>>) dst(%dma_wait3A_318 : memref<10240x128xf32, #tpu.memory_space<vmem_shared>>)
        tpu.yield
      }) : () -> ()
      %add3A_231 = arith.constant 4 : i32
      %add3A_232 = arith.addi %add3A_220, %add3A_231 : i32
      %lt3A = arith.constant 40 : i32
      %lt3A_233 = arith.cmpi slt, %add3A_232, %lt3A : i32
      %convert_element_type3A = arith.extui %lt3A_233 : i1 to i32
      %cond3A = arith.constant 0 : i32
      %cond3A_234 = arith.cmpi ne, %convert_element_type3A, %cond3A : i32
      scf.if %cond3A_234 {
        %dma_start3A_298 = arith.constant 0 : i32
        %dma_start3A_299 = arith.constant 0 : i32
        %dma_start3A_300 = arith.constant 0 : i32
        %dma_start3A_301 = tpu.memref_slice %arg9[%dma_start3A_298, %dma_start3A_299, %dma_start3A_300] : memref<4x64x128xf32, #tpu.memory_space<vmem>> -> memref<1x64x128xf32, #tpu.memory_space<vmem>>
        %dma_start3A_302 = tpu.memref_squeeze %dma_start3A_301 : memref<1x64x128xf32, #tpu.memory_space<vmem>> -> memref<64x128xf32, #tpu.memory_space<vmem>>
        %dma_start3A_303 = arith.constant 0 : i32
        %dma_start3A_304 = tpu.memref_slice %arg7[%add3A_232, %dma_start3A_303] : memref<40x64xi32, #tpu.memory_space<vmem>> -> memref<1x64xi32, #tpu.memory_space<vmem>>
        %dma_start3A_305 = tpu.memref_squeeze %dma_start3A_304 : memref<1x64xi32, #tpu.memory_space<vmem>> -> memref<64xi32, #tpu.memory_space<vmem>>
        %dma_start3A_306 = arith.constant 0 : i32
        %dma_start3A_307 = arith.constant 0 : i32
        %dma_start3A_308 = tpu.memref_slice %arg2[%dma_start3A_306, %dma_start3A_307] : memref<10240x128xf32, #tpu.memory_space<hbm>> -> memref<10240x128xf32, #tpu.memory_space<hbm>>
        tpu.enqueue_indirect_dma source(%dma_start3A_308 : memref<10240x128xf32, #tpu.memory_space<hbm>>) target(%dma_start3A_302 : memref<64x128xf32, #tpu.memory_space<vmem>>) offsets(%dma_start3A_305 : memref<64xi32, #tpu.memory_space<vmem>>) semaphore(%arg11 : memref<!tpu.dma_semaphore, #tpu.memory_space<semaphore_mem>>)
      } else {
      }
      %add3A_235 = arith.constant 1 : i32
      %add3A_236 = arith.addi %add3A_218, %add3A_235 : i32
      %dma_wait3A_237 = arith.constant 1 : i32
      %dma_wait3A_238 = arith.constant 0 : i32
      %dma_wait3A_239 = arith.constant 0 : i32
      %dma_wait3A_240 = tpu.memref_slice %arg9[%dma_wait3A_237, %dma_wait3A_238, %dma_wait3A_239] : memref<4x64x128xf32, #tpu.memory_space<vmem>> -> memref<1x64x128xf32, #tpu.memory_space<vmem>>
      %dma_wait3A_241 = tpu.memref_squeeze %dma_wait3A_240 : memref<1x64x128xf32, #tpu.memory_space<vmem>> -> memref<64x128xf32, #tpu.memory_space<vmem>>
      %dma_wait3A_242 = arith.constant 0 : i32
      %dma_wait3A_243 = tpu.memref_slice %arg7[%add3A_236, %dma_wait3A_242] : memref<40x64xi32, #tpu.memory_space<vmem>> -> memref<1x64xi32, #tpu.memory_space<vmem>>
      %dma_wait3A_244 = tpu.memref_squeeze %dma_wait3A_243 : memref<1x64xi32, #tpu.memory_space<vmem>> -> memref<64xi32, #tpu.memory_space<vmem>>
      %dma_wait3A_245 = arith.constant 0 : i32
      %dma_wait3A_246 = arith.constant 0 : i32
      %dma_wait3A_247 = tpu.memref_slice %arg2[%dma_wait3A_245, %dma_wait3A_246] : memref<10240x128xf32, #tpu.memory_space<hbm>> -> memref<10240x128xf32, #tpu.memory_space<hbm>>
      tpu.wait_indirect_dma semaphore(%arg12 : memref<!tpu.dma_semaphore, #tpu.memory_space<semaphore_mem>>) src(%dma_wait3A_247 : memref<10240x128xf32, #tpu.memory_space<hbm>>) dst(%dma_wait3A_241 : memref<64x128xf32, #tpu.memory_space<vmem>>)
      %run_scoped3A_248 = arith.constant 1 : i32
      "tpu.region"() ({
        %run_scoped3A_298 = tpu.sem_alloc : memref<!tpu.dma_semaphore, #tpu.memory_space<semaphore_mem>>
        %dma_start3A_299 = arith.constant 0 : i32
        %dma_start3A_300 = arith.constant 0 : i32
        %dma_start3A_301 = tpu.memref_slice %arg9[%run_scoped3A_248, %dma_start3A_299, %dma_start3A_300] : memref<4x64x128xf32, #tpu.memory_space<vmem>> -> memref<1x64x128xf32, #tpu.memory_space<vmem>>
        %dma_start3A_302 = tpu.memref_squeeze %dma_start3A_301 : memref<1x64x128xf32, #tpu.memory_space<vmem>> -> memref<64x128xf32, #tpu.memory_space<vmem>>
        %dma_start3A_303 = arith.constant 0 : i32
        %dma_start3A_304 = tpu.memref_slice %arg8[%add3A_236, %dma_start3A_303] : memref<40x64xi32, #tpu.memory_space<vmem>> -> memref<1x64xi32, #tpu.memory_space<vmem>>
        %dma_start3A_305 = tpu.memref_squeeze %dma_start3A_304 : memref<1x64xi32, #tpu.memory_space<vmem>> -> memref<64xi32, #tpu.memory_space<vmem>>
        %dma_start3A_306 = arith.constant 0 : i32
        %dma_start3A_307 = arith.constant 0 : i32
        %dma_start3A_308 = tpu.memref_slice %arg10[%dma_start3A_306, %dma_start3A_307] : memref<10240x128xf32, #tpu.memory_space<vmem_shared>> -> memref<10240x128xf32, #tpu.memory_space<vmem_shared>>
        tpu.enqueue_indirect_dma source(%dma_start3A_302 : memref<64x128xf32, #tpu.memory_space<vmem>>) target(%dma_start3A_308 : memref<10240x128xf32, #tpu.memory_space<vmem_shared>>) offsets(%dma_start3A_305 : memref<64xi32, #tpu.memory_space<vmem>>) semaphore(%run_scoped3A_298 : memref<!tpu.dma_semaphore, #tpu.memory_space<semaphore_mem>>) {add = true}
        %dma_wait3A_309 = arith.constant 0 : i32
        %dma_wait3A_310 = arith.constant 0 : i32
        %dma_wait3A_311 = tpu.memref_slice %arg9[%run_scoped3A_248, %dma_wait3A_309, %dma_wait3A_310] : memref<4x64x128xf32, #tpu.memory_space<vmem>> -> memref<1x64x128xf32, #tpu.memory_space<vmem>>
        %dma_wait3A_312 = tpu.memref_squeeze %dma_wait3A_311 : memref<1x64x128xf32, #tpu.memory_space<vmem>> -> memref<64x128xf32, #tpu.memory_space<vmem>>
        %dma_wait3A_313 = arith.constant 0 : i32
        %dma_wait3A_314 = tpu.memref_slice %arg8[%add3A_236, %dma_wait3A_313] : memref<40x64xi32, #tpu.memory_space<vmem>> -> memref<1x64xi32, #tpu.memory_space<vmem>>
        %dma_wait3A_315 = tpu.memref_squeeze %dma_wait3A_314 : memref<1x64xi32, #tpu.memory_space<vmem>> -> memref<64xi32, #tpu.memory_space<vmem>>
        %dma_wait3A_316 = arith.constant 0 : i32
        %dma_wait3A_317 = arith.constant 0 : i32
        %dma_wait3A_318 = tpu.memref_slice %arg10[%dma_wait3A_316, %dma_wait3A_317] : memref<10240x128xf32, #tpu.memory_space<vmem_shared>> -> memref<10240x128xf32, #tpu.memory_space<vmem_shared>>
        tpu.wait_indirect_dma semaphore(%run_scoped3A_298 : memref<!tpu.dma_semaphore, #tpu.memory_space<semaphore_mem>>) src(%dma_wait3A_312 : memref<64x128xf32, #tpu.memory_space<vmem>>) dst(%dma_wait3A_318 : memref<10240x128xf32, #tpu.memory_space<vmem_shared>>)
        tpu.yield
      }) : () -> ()
      %add3A_249 = arith.constant 4 : i32
      %add3A_250 = arith.addi %add3A_236, %add3A_249 : i32
      %lt3A_251 = arith.constant 40 : i32
      %lt3A_252 = arith.cmpi slt, %add3A_250, %lt3A_251 : i32
      %convert_element_type3A_253 = arith.extui %lt3A_252 : i1 to i32
      %cond3A_254 = arith.constant 0 : i32
      %cond3A_255 = arith.cmpi ne, %convert_element_type3A_253, %cond3A_254 : i32
      scf.if %cond3A_255 {
        %dma_start3A_298 = arith.constant 1 : i32
        %dma_start3A_299 = arith.constant 0 : i32
        %dma_start3A_300 = arith.constant 0 : i32
        %dma_start3A_301 = tpu.memref_slice %arg9[%dma_start3A_298, %dma_start3A_299, %dma_start3A_300] : memref<4x64x128xf32, #tpu.memory_space<vmem>> -> memref<1x64x128xf32, #tpu.memory_space<vmem>>
        %dma_start3A_302 = tpu.memref_squeeze %dma_start3A_301 : memref<1x64x128xf32, #tpu.memory_space<vmem>> -> memref<64x128xf32, #tpu.memory_space<vmem>>
        %dma_start3A_303 = arith.constant 0 : i32
        %dma_start3A_304 = tpu.memref_slice %arg7[%add3A_250, %dma_start3A_303] : memref<40x64xi32, #tpu.memory_space<vmem>> -> memref<1x64xi32, #tpu.memory_space<vmem>>
        %dma_start3A_305 = tpu.memref_squeeze %dma_start3A_304 : memref<1x64xi32, #tpu.memory_space<vmem>> -> memref<64xi32, #tpu.memory_space<vmem>>
        %dma_start3A_306 = arith.constant 0 : i32
        %dma_start3A_307 = arith.constant 0 : i32
        %dma_start3A_308 = tpu.memref_slice %arg2[%dma_start3A_306, %dma_start3A_307] : memref<10240x128xf32, #tpu.memory_space<hbm>> -> memref<10240x128xf32, #tpu.memory_space<hbm>>
        tpu.enqueue_indirect_dma source(%dma_start3A_308 : memref<10240x128xf32, #tpu.memory_space<hbm>>) target(%dma_start3A_302 : memref<64x128xf32, #tpu.memory_space<vmem>>) offsets(%dma_start3A_305 : memref<64xi32, #tpu.memory_space<vmem>>) semaphore(%arg12 : memref<!tpu.dma_semaphore, #tpu.memory_space<semaphore_mem>>)
      } else {
      }
      %add3A_256 = arith.constant 2 : i32
      %add3A_257 = arith.addi %add3A_218, %add3A_256 : i32
      %dma_wait3A_258 = arith.constant 2 : i32
      %dma_wait3A_259 = arith.constant 0 : i32
      %dma_wait3A_260 = arith.constant 0 : i32
      %dma_wait3A_261 = tpu.memref_slice %arg9[%dma_wait3A_258, %dma_wait3A_259, %dma_wait3A_260] : memref<4x64x128xf32, #tpu.memory_space<vmem>> -> memref<1x64x128xf32, #tpu.memory_space<vmem>>
      %dma_wait3A_262 = tpu.memref_squeeze %dma_wait3A_261 : memref<1x64x128xf32, #tpu.memory_space<vmem>> -> memref<64x128xf32, #tpu.memory_space<vmem>>
      %dma_wait3A_263 = arith.constant 0 : i32
      %dma_wait3A_264 = tpu.memref_slice %arg7[%add3A_257, %dma_wait3A_263] : memref<40x64xi32, #tpu.memory_space<vmem>> -> memref<1x64xi32, #tpu.memory_space<vmem>>
      %dma_wait3A_265 = tpu.memref_squeeze %dma_wait3A_264 : memref<1x64xi32, #tpu.memory_space<vmem>> -> memref<64xi32, #tpu.memory_space<vmem>>
      %dma_wait3A_266 = arith.constant 0 : i32
      %dma_wait3A_267 = arith.constant 0 : i32
      %dma_wait3A_268 = tpu.memref_slice %arg2[%dma_wait3A_266, %dma_wait3A_267] : memref<10240x128xf32, #tpu.memory_space<hbm>> -> memref<10240x128xf32, #tpu.memory_space<hbm>>
      tpu.wait_indirect_dma semaphore(%arg13 : memref<!tpu.dma_semaphore, #tpu.memory_space<semaphore_mem>>) src(%dma_wait3A_268 : memref<10240x128xf32, #tpu.memory_space<hbm>>) dst(%dma_wait3A_262 : memref<64x128xf32, #tpu.memory_space<vmem>>)
      %run_scoped3A_269 = arith.constant 2 : i32
      "tpu.region"() ({
        %run_scoped3A_298 = tpu.sem_alloc : memref<!tpu.dma_semaphore, #tpu.memory_space<semaphore_mem>>
        %dma_start3A_299 = arith.constant 0 : i32
        %dma_start3A_300 = arith.constant 0 : i32
        %dma_start3A_301 = tpu.memref_slice %arg9[%run_scoped3A_269, %dma_start3A_299, %dma_start3A_300] : memref<4x64x128xf32, #tpu.memory_space<vmem>> -> memref<1x64x128xf32, #tpu.memory_space<vmem>>
        %dma_start3A_302 = tpu.memref_squeeze %dma_start3A_301 : memref<1x64x128xf32, #tpu.memory_space<vmem>> -> memref<64x128xf32, #tpu.memory_space<vmem>>
        %dma_start3A_303 = arith.constant 0 : i32
        %dma_start3A_304 = tpu.memref_slice %arg8[%add3A_257, %dma_start3A_303] : memref<40x64xi32, #tpu.memory_space<vmem>> -> memref<1x64xi32, #tpu.memory_space<vmem>>
        %dma_start3A_305 = tpu.memref_squeeze %dma_start3A_304 : memref<1x64xi32, #tpu.memory_space<vmem>> -> memref<64xi32, #tpu.memory_space<vmem>>
        %dma_start3A_306 = arith.constant 0 : i32
        %dma_start3A_307 = arith.constant 0 : i32
        %dma_start3A_308 = tpu.memref_slice %arg10[%dma_start3A_306, %dma_start3A_307] : memref<10240x128xf32, #tpu.memory_space<vmem_shared>> -> memref<10240x128xf32, #tpu.memory_space<vmem_shared>>
        tpu.enqueue_indirect_dma source(%dma_start3A_302 : memref<64x128xf32, #tpu.memory_space<vmem>>) target(%dma_start3A_308 : memref<10240x128xf32, #tpu.memory_space<vmem_shared>>) offsets(%dma_start3A_305 : memref<64xi32, #tpu.memory_space<vmem>>) semaphore(%run_scoped3A_298 : memref<!tpu.dma_semaphore, #tpu.memory_space<semaphore_mem>>) {add = true}
        %dma_wait3A_309 = arith.constant 0 : i32
        %dma_wait3A_310 = arith.constant 0 : i32
        %dma_wait3A_311 = tpu.memref_slice %arg9[%run_scoped3A_269, %dma_wait3A_309, %dma_wait3A_310] : memref<4x64x128xf32, #tpu.memory_space<vmem>> -> memref<1x64x128xf32, #tpu.memory_space<vmem>>
        %dma_wait3A_312 = tpu.memref_squeeze %dma_wait3A_311 : memref<1x64x128xf32, #tpu.memory_space<vmem>> -> memref<64x128xf32, #tpu.memory_space<vmem>>
        %dma_wait3A_313 = arith.constant 0 : i32
        %dma_wait3A_314 = tpu.memref_slice %arg8[%add3A_257, %dma_wait3A_313] : memref<40x64xi32, #tpu.memory_space<vmem>> -> memref<1x64xi32, #tpu.memory_space<vmem>>
        %dma_wait3A_315 = tpu.memref_squeeze %dma_wait3A_314 : memref<1x64xi32, #tpu.memory_space<vmem>> -> memref<64xi32, #tpu.memory_space<vmem>>
        %dma_wait3A_316 = arith.constant 0 : i32
        %dma_wait3A_317 = arith.constant 0 : i32
        %dma_wait3A_318 = tpu.memref_slice %arg10[%dma_wait3A_316, %dma_wait3A_317] : memref<10240x128xf32, #tpu.memory_space<vmem_shared>> -> memref<10240x128xf32, #tpu.memory_space<vmem_shared>>
        tpu.wait_indirect_dma semaphore(%run_scoped3A_298 : memref<!tpu.dma_semaphore, #tpu.memory_space<semaphore_mem>>) src(%dma_wait3A_312 : memref<64x128xf32, #tpu.memory_space<vmem>>) dst(%dma_wait3A_318 : memref<10240x128xf32, #tpu.memory_space<vmem_shared>>)
        tpu.yield
      }) : () -> ()
      %add3A_270 = arith.constant 4 : i32
      %add3A_271 = arith.addi %add3A_257, %add3A_270 : i32
      %lt3A_272 = arith.constant 40 : i32
      %lt3A_273 = arith.cmpi slt, %add3A_271, %lt3A_272 : i32
      %convert_element_type3A_274 = arith.extui %lt3A_273 : i1 to i32
      %cond3A_275 = arith.constant 0 : i32
      %cond3A_276 = arith.cmpi ne, %convert_element_type3A_274, %cond3A_275 : i32
      scf.if %cond3A_276 {
        %dma_start3A_298 = arith.constant 2 : i32
        %dma_start3A_299 = arith.constant 0 : i32
        %dma_start3A_300 = arith.constant 0 : i32
        %dma_start3A_301 = tpu.memref_slice %arg9[%dma_start3A_298, %dma_start3A_299, %dma_start3A_300] : memref<4x64x128xf32, #tpu.memory_space<vmem>> -> memref<1x64x128xf32, #tpu.memory_space<vmem>>
        %dma_start3A_302 = tpu.memref_squeeze %dma_start3A_301 : memref<1x64x128xf32, #tpu.memory_space<vmem>> -> memref<64x128xf32, #tpu.memory_space<vmem>>
        %dma_start3A_303 = arith.constant 0 : i32
        %dma_start3A_304 = tpu.memref_slice %arg7[%add3A_271, %dma_start3A_303] : memref<40x64xi32, #tpu.memory_space<vmem>> -> memref<1x64xi32, #tpu.memory_space<vmem>>
        %dma_start3A_305 = tpu.memref_squeeze %dma_start3A_304 : memref<1x64xi32, #tpu.memory_space<vmem>> -> memref<64xi32, #tpu.memory_space<vmem>>
        %dma_start3A_306 = arith.constant 0 : i32
        %dma_start3A_307 = arith.constant 0 : i32
        %dma_start3A_308 = tpu.memref_slice %arg2[%dma_start3A_306, %dma_start3A_307] : memref<10240x128xf32, #tpu.memory_space<hbm>> -> memref<10240x128xf32, #tpu.memory_space<hbm>>
        tpu.enqueue_indirect_dma source(%dma_start3A_308 : memref<10240x128xf32, #tpu.memory_space<hbm>>) target(%dma_start3A_302 : memref<64x128xf32, #tpu.memory_space<vmem>>) offsets(%dma_start3A_305 : memref<64xi32, #tpu.memory_space<vmem>>) semaphore(%arg13 : memref<!tpu.dma_semaphore, #tpu.memory_space<semaphore_mem>>)
      } else {
      }
      %add3A_277 = arith.constant 3 : i32
      %add3A_278 = arith.addi %add3A_218, %add3A_277 : i32
      %dma_wait3A_279 = arith.constant 3 : i32
      %dma_wait3A_280 = arith.constant 0 : i32
      %dma_wait3A_281 = arith.constant 0 : i32
      %dma_wait3A_282 = tpu.memref_slice %arg9[%dma_wait3A_279, %dma_wait3A_280, %dma_wait3A_281] : memref<4x64x128xf32, #tpu.memory_space<vmem>> -> memref<1x64x128xf32, #tpu.memory_space<vmem>>
      %dma_wait3A_283 = tpu.memref_squeeze %dma_wait3A_282 : memref<1x64x128xf32, #tpu.memory_space<vmem>> -> memref<64x128xf32, #tpu.memory_space<vmem>>
      %dma_wait3A_284 = arith.constant 0 : i32
      %dma_wait3A_285 = tpu.memref_slice %arg7[%add3A_278, %dma_wait3A_284] : memref<40x64xi32, #tpu.memory_space<vmem>> -> memref<1x64xi32, #tpu.memory_space<vmem>>
      %dma_wait3A_286 = tpu.memref_squeeze %dma_wait3A_285 : memref<1x64xi32, #tpu.memory_space<vmem>> -> memref<64xi32, #tpu.memory_space<vmem>>
      %dma_wait3A_287 = arith.constant 0 : i32
      %dma_wait3A_288 = arith.constant 0 : i32
      %dma_wait3A_289 = tpu.memref_slice %arg2[%dma_wait3A_287, %dma_wait3A_288] : memref<10240x128xf32, #tpu.memory_space<hbm>> -> memref<10240x128xf32, #tpu.memory_space<hbm>>
      tpu.wait_indirect_dma semaphore(%arg14 : memref<!tpu.dma_semaphore, #tpu.memory_space<semaphore_mem>>) src(%dma_wait3A_289 : memref<10240x128xf32, #tpu.memory_space<hbm>>) dst(%dma_wait3A_283 : memref<64x128xf32, #tpu.memory_space<vmem>>)
      %run_scoped3A_290 = arith.constant 3 : i32
      "tpu.region"() ({
        %run_scoped3A_298 = tpu.sem_alloc : memref<!tpu.dma_semaphore, #tpu.memory_space<semaphore_mem>>
        %dma_start3A_299 = arith.constant 0 : i32
        %dma_start3A_300 = arith.constant 0 : i32
        %dma_start3A_301 = tpu.memref_slice %arg9[%run_scoped3A_290, %dma_start3A_299, %dma_start3A_300] : memref<4x64x128xf32, #tpu.memory_space<vmem>> -> memref<1x64x128xf32, #tpu.memory_space<vmem>>
        %dma_start3A_302 = tpu.memref_squeeze %dma_start3A_301 : memref<1x64x128xf32, #tpu.memory_space<vmem>> -> memref<64x128xf32, #tpu.memory_space<vmem>>
        %dma_start3A_303 = arith.constant 0 : i32
        %dma_start3A_304 = tpu.memref_slice %arg8[%add3A_278, %dma_start3A_303] : memref<40x64xi32, #tpu.memory_space<vmem>> -> memref<1x64xi32, #tpu.memory_space<vmem>>
        %dma_start3A_305 = tpu.memref_squeeze %dma_start3A_304 : memref<1x64xi32, #tpu.memory_space<vmem>> -> memref<64xi32, #tpu.memory_space<vmem>>
        %dma_start3A_306 = arith.constant 0 : i32
        %dma_start3A_307 = arith.constant 0 : i32
        %dma_start3A_308 = tpu.memref_slice %arg10[%dma_start3A_306, %dma_start3A_307] : memref<10240x128xf32, #tpu.memory_space<vmem_shared>> -> memref<10240x128xf32, #tpu.memory_space<vmem_shared>>
        tpu.enqueue_indirect_dma source(%dma_start3A_302 : memref<64x128xf32, #tpu.memory_space<vmem>>) target(%dma_start3A_308 : memref<10240x128xf32, #tpu.memory_space<vmem_shared>>) offsets(%dma_start3A_305 : memref<64xi32, #tpu.memory_space<vmem>>) semaphore(%run_scoped3A_298 : memref<!tpu.dma_semaphore, #tpu.memory_space<semaphore_mem>>) {add = true}
        %dma_wait3A_309 = arith.constant 0 : i32
        %dma_wait3A_310 = arith.constant 0 : i32
        %dma_wait3A_311 = tpu.memref_slice %arg9[%run_scoped3A_290, %dma_wait3A_309, %dma_wait3A_310] : memref<4x64x128xf32, #tpu.memory_space<vmem>> -> memref<1x64x128xf32, #tpu.memory_space<vmem>>
        %dma_wait3A_312 = tpu.memref_squeeze %dma_wait3A_311 : memref<1x64x128xf32, #tpu.memory_space<vmem>> -> memref<64x128xf32, #tpu.memory_space<vmem>>
        %dma_wait3A_313 = arith.constant 0 : i32
        %dma_wait3A_314 = tpu.memref_slice %arg8[%add3A_278, %dma_wait3A_313] : memref<40x64xi32, #tpu.memory_space<vmem>> -> memref<1x64xi32, #tpu.memory_space<vmem>>
        %dma_wait3A_315 = tpu.memref_squeeze %dma_wait3A_314 : memref<1x64xi32, #tpu.memory_space<vmem>> -> memref<64xi32, #tpu.memory_space<vmem>>
        %dma_wait3A_316 = arith.constant 0 : i32
        %dma_wait3A_317 = arith.constant 0 : i32
        %dma_wait3A_318 = tpu.memref_slice %arg10[%dma_wait3A_316, %dma_wait3A_317] : memref<10240x128xf32, #tpu.memory_space<vmem_shared>> -> memref<10240x128xf32, #tpu.memory_space<vmem_shared>>
        tpu.wait_indirect_dma semaphore(%run_scoped3A_298 : memref<!tpu.dma_semaphore, #tpu.memory_space<semaphore_mem>>) src(%dma_wait3A_312 : memref<64x128xf32, #tpu.memory_space<vmem>>) dst(%dma_wait3A_318 : memref<10240x128xf32, #tpu.memory_space<vmem_shared>>)
        tpu.yield
      }) : () -> ()
      %add3A_291 = arith.constant 4 : i32
      %add3A_292 = arith.addi %add3A_278, %add3A_291 : i32
      %lt3A_293 = arith.constant 40 : i32
      %lt3A_294 = arith.cmpi slt, %add3A_292, %lt3A_293 : i32
      %convert_element_type3A_295 = arith.extui %lt3A_294 : i1 to i32
      %cond3A_296 = arith.constant 0 : i32
      %cond3A_297 = arith.cmpi ne, %convert_element_type3A_295, %cond3A_296 : i32
      scf.if %cond3A_297 {
        %dma_start3A_298 = arith.constant 3 : i32
        %dma_start3A_299 = arith.constant 0 : i32
        %dma_start3A_300 = arith.constant 0 : i32
        %dma_start3A_301 = tpu.memref_slice %arg9[%dma_start3A_298, %dma_start3A_299, %dma_start3A_300] : memref<4x64x128xf32, #tpu.memory_space<vmem>> -> memref<1x64x128xf32, #tpu.memory_space<vmem>>
        %dma_start3A_302 = tpu.memref_squeeze %dma_start3A_301 : memref<1x64x128xf32, #tpu.memory_space<vmem>> -> memref<64x128xf32, #tpu.memory_space<vmem>>
        %dma_start3A_303 = arith.constant 0 : i32
        %dma_start3A_304 = tpu.memref_slice %arg7[%add3A_292, %dma_start3A_303] : memref<40x64xi32, #tpu.memory_space<vmem>> -> memref<1x64xi32, #tpu.memory_space<vmem>>
        %dma_start3A_305 = tpu.memref_squeeze %dma_start3A_304 : memref<1x64xi32, #tpu.memory_space<vmem>> -> memref<64xi32, #tpu.memory_space<vmem>>
        %dma_start3A_306 = arith.constant 0 : i32
        %dma_start3A_307 = arith.constant 0 : i32
        %dma_start3A_308 = tpu.memref_slice %arg2[%dma_start3A_306, %dma_start3A_307] : memref<10240x128xf32, #tpu.memory_space<hbm>> -> memref<10240x128xf32, #tpu.memory_space<hbm>>
        tpu.enqueue_indirect_dma source(%dma_start3A_308 : memref<10240x128xf32, #tpu.memory_space<hbm>>) target(%dma_start3A_302 : memref<64x128xf32, #tpu.memory_space<vmem>>) offsets(%dma_start3A_305 : memref<64xi32, #tpu.memory_space<vmem>>) semaphore(%arg14 : memref<!tpu.dma_semaphore, #tpu.memory_space<semaphore_mem>>)
      } else {
      }
    }
    %scan3A_106 = arith.constant 10 : i32
    "tpu.region"() ({
      %run_scoped3A = tpu.sem_alloc : memref<!tpu.dma_semaphore, #tpu.memory_space<semaphore_mem>>
      %dma_start3A_214 = arith.constant 0 : i32
      %dma_start3A_215 = arith.constant 0 : i32
      %dma_start3A_216 = tpu.memref_slice %arg3[%add3A, %dma_start3A_214, %dma_start3A_215] : memref<32x160x64xi32, #tpu.memory_space<hbm>> -> memref<1x160x64xi32, #tpu.memory_space<hbm>>
      %dma_start3A_217 = tpu.memref_squeeze %dma_start3A_216 : memref<1x160x64xi32, #tpu.memory_space<hbm>> -> memref<160x64xi32, #tpu.memory_space<hbm>>
      %dma_start3A_218 = arith.constant 80 : i32
      %dma_start3A_219 = arith.constant 0 : i32
      %dma_start3A_220 = tpu.memref_slice %dma_start3A_217[%dma_start3A_218, %dma_start3A_219] : memref<160x64xi32, #tpu.memory_space<hbm>> -> memref<40x64xi32, #tpu.memory_space<hbm>>
      %dma_start3A_221 = arith.constant 0 : i32
      %dma_start3A_222 = arith.constant 0 : i32
      %dma_start3A_223 = tpu.memref_slice %arg3[%add3A, %dma_start3A_221, %dma_start3A_222] : memref<32x160x64xi32, #tpu.memory_space<hbm>> -> memref<1x160x64xi32, #tpu.memory_space<hbm>>
      %dma_start3A_224 = tpu.memref_squeeze %dma_start3A_223 : memref<1x160x64xi32, #tpu.memory_space<hbm>> -> memref<160x64xi32, #tpu.memory_space<hbm>>
      %dma_start3A_225 = arith.constant 80 : i32
      %dma_start3A_226 = arith.constant 0 : i32
      %dma_start3A_227 = tpu.memref_slice %dma_start3A_224[%dma_start3A_225, %dma_start3A_226] : memref<160x64xi32, #tpu.memory_space<hbm>> -> memref<40x64xi32, #tpu.memory_space<hbm>>
      tpu.enqueue_dma source(%dma_start3A_227 : memref<40x64xi32, #tpu.memory_space<hbm>>) target(%arg7 : memref<40x64xi32, #tpu.memory_space<vmem>>) target_semaphore(%run_scoped3A : memref<!tpu.dma_semaphore, #tpu.memory_space<semaphore_mem>>)
      %dma_wait3A = arith.constant 0 : i32
      %dma_wait3A_228 = arith.constant 0 : i32
      %dma_wait3A_229 = tpu.memref_slice %arg3[%add3A, %dma_wait3A, %dma_wait3A_228] : memref<32x160x64xi32, #tpu.memory_space<hbm>> -> memref<1x160x64xi32, #tpu.memory_space<hbm>>
      %dma_wait3A_230 = tpu.memref_squeeze %dma_wait3A_229 : memref<1x160x64xi32, #tpu.memory_space<hbm>> -> memref<160x64xi32, #tpu.memory_space<hbm>>
      %dma_wait3A_231 = arith.constant 80 : i32
      %dma_wait3A_232 = arith.constant 0 : i32
      %dma_wait3A_233 = tpu.memref_slice %dma_wait3A_230[%dma_wait3A_231, %dma_wait3A_232] : memref<160x64xi32, #tpu.memory_space<hbm>> -> memref<40x64xi32, #tpu.memory_space<hbm>>
      %dma_wait3A_234 = arith.constant 0 : i32
      %dma_wait3A_235 = arith.constant 0 : i32
      %dma_wait3A_236 = tpu.memref_slice %arg3[%add3A, %dma_wait3A_234, %dma_wait3A_235] : memref<32x160x64xi32, #tpu.memory_space<hbm>> -> memref<1x160x64xi32, #tpu.memory_space<hbm>>
      %dma_wait3A_237 = tpu.memref_squeeze %dma_wait3A_236 : memref<1x160x64xi32, #tpu.memory_space<hbm>> -> memref<160x64xi32, #tpu.memory_space<hbm>>
      %dma_wait3A_238 = arith.constant 80 : i32
      %dma_wait3A_239 = arith.constant 0 : i32
      %dma_wait3A_240 = tpu.memref_slice %dma_wait3A_237[%dma_wait3A_238, %dma_wait3A_239] : memref<160x64xi32, #tpu.memory_space<hbm>> -> memref<40x64xi32, #tpu.memory_space<hbm>>
      tpu.wait_dma2 semaphore(%run_scoped3A : memref<!tpu.dma_semaphore, #tpu.memory_space<semaphore_mem>>) src(%dma_wait3A_240 : memref<40x64xi32, #tpu.memory_space<hbm>>) dst(%arg7 : memref<40x64xi32, #tpu.memory_space<vmem>>)
      tpu.yield
    }) : () -> ()
    "tpu.region"() ({
      %run_scoped3A = tpu.sem_alloc : memref<!tpu.dma_semaphore, #tpu.memory_space<semaphore_mem>>
      %dma_start3A_214 = arith.constant 0 : i32
      %dma_start3A_215 = arith.constant 0 : i32
      %dma_start3A_216 = tpu.memref_slice %arg4[%add3A, %dma_start3A_214, %dma_start3A_215] : memref<32x160x64xi32, #tpu.memory_space<hbm>> -> memref<1x160x64xi32, #tpu.memory_space<hbm>>
      %dma_start3A_217 = tpu.memref_squeeze %dma_start3A_216 : memref<1x160x64xi32, #tpu.memory_space<hbm>> -> memref<160x64xi32, #tpu.memory_space<hbm>>
      %dma_start3A_218 = arith.constant 80 : i32
      %dma_start3A_219 = arith.constant 0 : i32
      %dma_start3A_220 = tpu.memref_slice %dma_start3A_217[%dma_start3A_218, %dma_start3A_219] : memref<160x64xi32, #tpu.memory_space<hbm>> -> memref<40x64xi32, #tpu.memory_space<hbm>>
      %dma_start3A_221 = arith.constant 0 : i32
      %dma_start3A_222 = arith.constant 0 : i32
      %dma_start3A_223 = tpu.memref_slice %arg4[%add3A, %dma_start3A_221, %dma_start3A_222] : memref<32x160x64xi32, #tpu.memory_space<hbm>> -> memref<1x160x64xi32, #tpu.memory_space<hbm>>
      %dma_start3A_224 = tpu.memref_squeeze %dma_start3A_223 : memref<1x160x64xi32, #tpu.memory_space<hbm>> -> memref<160x64xi32, #tpu.memory_space<hbm>>
      %dma_start3A_225 = arith.constant 80 : i32
      %dma_start3A_226 = arith.constant 0 : i32
      %dma_start3A_227 = tpu.memref_slice %dma_start3A_224[%dma_start3A_225, %dma_start3A_226] : memref<160x64xi32, #tpu.memory_space<hbm>> -> memref<40x64xi32, #tpu.memory_space<hbm>>
      tpu.enqueue_dma source(%dma_start3A_227 : memref<40x64xi32, #tpu.memory_space<hbm>>) target(%arg8 : memref<40x64xi32, #tpu.memory_space<vmem>>) target_semaphore(%run_scoped3A : memref<!tpu.dma_semaphore, #tpu.memory_space<semaphore_mem>>)
      %dma_wait3A = arith.constant 0 : i32
      %dma_wait3A_228 = arith.constant 0 : i32
      %dma_wait3A_229 = tpu.memref_slice %arg4[%add3A, %dma_wait3A, %dma_wait3A_228] : memref<32x160x64xi32, #tpu.memory_space<hbm>> -> memref<1x160x64xi32, #tpu.memory_space<hbm>>
      %dma_wait3A_230 = tpu.memref_squeeze %dma_wait3A_229 : memref<1x160x64xi32, #tpu.memory_space<hbm>> -> memref<160x64xi32, #tpu.memory_space<hbm>>
      %dma_wait3A_231 = arith.constant 80 : i32
      %dma_wait3A_232 = arith.constant 0 : i32
      %dma_wait3A_233 = tpu.memref_slice %dma_wait3A_230[%dma_wait3A_231, %dma_wait3A_232] : memref<160x64xi32, #tpu.memory_space<hbm>> -> memref<40x64xi32, #tpu.memory_space<hbm>>
      %dma_wait3A_234 = arith.constant 0 : i32
      %dma_wait3A_235 = arith.constant 0 : i32
      %dma_wait3A_236 = tpu.memref_slice %arg4[%add3A, %dma_wait3A_234, %dma_wait3A_235] : memref<32x160x64xi32, #tpu.memory_space<hbm>> -> memref<1x160x64xi32, #tpu.memory_space<hbm>>
      %dma_wait3A_237 = tpu.memref_squeeze %dma_wait3A_236 : memref<1x160x64xi32, #tpu.memory_space<hbm>> -> memref<160x64xi32, #tpu.memory_space<hbm>>
      %dma_wait3A_238 = arith.constant 80 : i32
      %dma_wait3A_239 = arith.constant 0 : i32
      %dma_wait3A_240 = tpu.memref_slice %dma_wait3A_237[%dma_wait3A_238, %dma_wait3A_239] : memref<160x64xi32, #tpu.memory_space<hbm>> -> memref<40x64xi32, #tpu.memory_space<hbm>>
      tpu.wait_dma2 semaphore(%run_scoped3A : memref<!tpu.dma_semaphore, #tpu.memory_space<semaphore_mem>>) src(%dma_wait3A_240 : memref<40x64xi32, #tpu.memory_space<hbm>>) dst(%arg8 : memref<40x64xi32, #tpu.memory_space<vmem>>)
      tpu.yield
    }) : () -> ()
    %dma_start3A_107 = arith.constant 0 : i32
    %dma_start3A_108 = arith.constant 0 : i32
    %dma_start3A_109 = arith.constant 0 : i32
    %dma_start3A_110 = arith.constant 0 : i32
    %dma_start3A_111 = tpu.memref_slice %arg9[%dma_start3A_108, %dma_start3A_109, %dma_start3A_110] : memref<4x64x128xf32, #tpu.memory_space<vmem>> -> memref<1x64x128xf32, #tpu.memory_space<vmem>>
    %dma_start3A_112 = tpu.memref_squeeze %dma_start3A_111 : memref<1x64x128xf32, #tpu.memory_space<vmem>> -> memref<64x128xf32, #tpu.memory_space<vmem>>
    %dma_start3A_113 = arith.constant 0 : i32
    %dma_start3A_114 = tpu.memref_slice %arg7[%dma_start3A_107, %dma_start3A_113] : memref<40x64xi32, #tpu.memory_space<vmem>> -> memref<1x64xi32, #tpu.memory_space<vmem>>
    %dma_start3A_115 = tpu.memref_squeeze %dma_start3A_114 : memref<1x64xi32, #tpu.memory_space<vmem>> -> memref<64xi32, #tpu.memory_space<vmem>>
    %dma_start3A_116 = arith.constant 0 : i32
    %dma_start3A_117 = arith.constant 0 : i32
    %dma_start3A_118 = tpu.memref_slice %arg2[%dma_start3A_116, %dma_start3A_117] : memref<10240x128xf32, #tpu.memory_space<hbm>> -> memref<10240x128xf32, #tpu.memory_space<hbm>>
    tpu.enqueue_indirect_dma source(%dma_start3A_118 : memref<10240x128xf32, #tpu.memory_space<hbm>>) target(%dma_start3A_112 : memref<64x128xf32, #tpu.memory_space<vmem>>) offsets(%dma_start3A_115 : memref<64xi32, #tpu.memory_space<vmem>>) semaphore(%arg11 : memref<!tpu.dma_semaphore, #tpu.memory_space<semaphore_mem>>)
    %dma_start3A_119 = arith.constant 1 : i32
    %dma_start3A_120 = arith.constant 1 : i32
    %dma_start3A_121 = arith.constant 0 : i32
    %dma_start3A_122 = arith.constant 0 : i32
    %dma_start3A_123 = tpu.memref_slice %arg9[%dma_start3A_120, %dma_start3A_121, %dma_start3A_122] : memref<4x64x128xf32, #tpu.memory_space<vmem>> -> memref<1x64x128xf32, #tpu.memory_space<vmem>>
    %dma_start3A_124 = tpu.memref_squeeze %dma_start3A_123 : memref<1x64x128xf32, #tpu.memory_space<vmem>> -> memref<64x128xf32, #tpu.memory_space<vmem>>
    %dma_start3A_125 = arith.constant 0 : i32
    %dma_start3A_126 = tpu.memref_slice %arg7[%dma_start3A_119, %dma_start3A_125] : memref<40x64xi32, #tpu.memory_space<vmem>> -> memref<1x64xi32, #tpu.memory_space<vmem>>
    %dma_start3A_127 = tpu.memref_squeeze %dma_start3A_126 : memref<1x64xi32, #tpu.memory_space<vmem>> -> memref<64xi32, #tpu.memory_space<vmem>>
    %dma_start3A_128 = arith.constant 0 : i32
    %dma_start3A_129 = arith.constant 0 : i32
    %dma_start3A_130 = tpu.memref_slice %arg2[%dma_start3A_128, %dma_start3A_129] : memref<10240x128xf32, #tpu.memory_space<hbm>> -> memref<10240x128xf32, #tpu.memory_space<hbm>>
    tpu.enqueue_indirect_dma source(%dma_start3A_130 : memref<10240x128xf32, #tpu.memory_space<hbm>>) target(%dma_start3A_124 : memref<64x128xf32, #tpu.memory_space<vmem>>) offsets(%dma_start3A_127 : memref<64xi32, #tpu.memory_space<vmem>>) semaphore(%arg12 : memref<!tpu.dma_semaphore, #tpu.memory_space<semaphore_mem>>)
    %dma_start3A_131 = arith.constant 2 : i32
    %dma_start3A_132 = arith.constant 2 : i32
    %dma_start3A_133 = arith.constant 0 : i32
    %dma_start3A_134 = arith.constant 0 : i32
    %dma_start3A_135 = tpu.memref_slice %arg9[%dma_start3A_132, %dma_start3A_133, %dma_start3A_134] : memref<4x64x128xf32, #tpu.memory_space<vmem>> -> memref<1x64x128xf32, #tpu.memory_space<vmem>>
    %dma_start3A_136 = tpu.memref_squeeze %dma_start3A_135 : memref<1x64x128xf32, #tpu.memory_space<vmem>> -> memref<64x128xf32, #tpu.memory_space<vmem>>
    %dma_start3A_137 = arith.constant 0 : i32
    %dma_start3A_138 = tpu.memref_slice %arg7[%dma_start3A_131, %dma_start3A_137] : memref<40x64xi32, #tpu.memory_space<vmem>> -> memref<1x64xi32, #tpu.memory_space<vmem>>
    %dma_start3A_139 = tpu.memref_squeeze %dma_start3A_138 : memref<1x64xi32, #tpu.memory_space<vmem>> -> memref<64xi32, #tpu.memory_space<vmem>>
    %dma_start3A_140 = arith.constant 0 : i32
    %dma_start3A_141 = arith.constant 0 : i32
    %dma_start3A_142 = tpu.memref_slice %arg2[%dma_start3A_140, %dma_start3A_141] : memref<10240x128xf32, #tpu.memory_space<hbm>> -> memref<10240x128xf32, #tpu.memory_space<hbm>>
    tpu.enqueue_indirect_dma source(%dma_start3A_142 : memref<10240x128xf32, #tpu.memory_space<hbm>>) target(%dma_start3A_136 : memref<64x128xf32, #tpu.memory_space<vmem>>) offsets(%dma_start3A_139 : memref<64xi32, #tpu.memory_space<vmem>>) semaphore(%arg13 : memref<!tpu.dma_semaphore, #tpu.memory_space<semaphore_mem>>)
    %dma_start3A_143 = arith.constant 3 : i32
    %dma_start3A_144 = arith.constant 3 : i32
    %dma_start3A_145 = arith.constant 0 : i32
    %dma_start3A_146 = arith.constant 0 : i32
    %dma_start3A_147 = tpu.memref_slice %arg9[%dma_start3A_144, %dma_start3A_145, %dma_start3A_146] : memref<4x64x128xf32, #tpu.memory_space<vmem>> -> memref<1x64x128xf32, #tpu.memory_space<vmem>>
    %dma_start3A_148 = tpu.memref_squeeze %dma_start3A_147 : memref<1x64x128xf32, #tpu.memory_space<vmem>> -> memref<64x128xf32, #tpu.memory_space<vmem>>
    %dma_start3A_149 = arith.constant 0 : i32
    %dma_start3A_150 = tpu.memref_slice %arg7[%dma_start3A_143, %dma_start3A_149] : memref<40x64xi32, #tpu.memory_space<vmem>> -> memref<1x64xi32, #tpu.memory_space<vmem>>
    %dma_start3A_151 = tpu.memref_squeeze %dma_start3A_150 : memref<1x64xi32, #tpu.memory_space<vmem>> -> memref<64xi32, #tpu.memory_space<vmem>>
    %dma_start3A_152 = arith.constant 0 : i32
    %dma_start3A_153 = arith.constant 0 : i32
    %dma_start3A_154 = tpu.memref_slice %arg2[%dma_start3A_152, %dma_start3A_153] : memref<10240x128xf32, #tpu.memory_space<hbm>> -> memref<10240x128xf32, #tpu.memory_space<hbm>>
    tpu.enqueue_indirect_dma source(%dma_start3A_154 : memref<10240x128xf32, #tpu.memory_space<hbm>>) target(%dma_start3A_148 : memref<64x128xf32, #tpu.memory_space<vmem>>) offsets(%dma_start3A_151 : memref<64xi32, #tpu.memory_space<vmem>>) semaphore(%arg14 : memref<!tpu.dma_semaphore, #tpu.memory_space<semaphore_mem>>)
    %scan3A_155 = arith.constant 0 : i32
    %scan3A_156 = arith.constant 10 : i32
    %scan3A_157 = arith.addi %scan3A_155, %scan3A_156 : i32
    %scan3A_158 = arith.constant 1 : i32
    scf.for %scan3A_214 = %scan3A_155 to %scan3A_157 step %scan3A_158  : i32 {
      %mul3A_215 = arith.constant 4 : i32
      %mul3A_216 = arith.muli %scan3A_214, %mul3A_215 : i32
      %add3A_217 = arith.constant 0 : i32
      %add3A_218 = arith.addi %add3A_217, %mul3A_216 : i32
      %add3A_219 = arith.constant 0 : i32
      %add3A_220 = arith.addi %add3A_218, %add3A_219 : i32
      %dma_wait3A = arith.constant 0 : i32
      %dma_wait3A_221 = arith.constant 0 : i32
      %dma_wait3A_222 = arith.constant 0 : i32
      %dma_wait3A_223 = tpu.memref_slice %arg9[%dma_wait3A, %dma_wait3A_221, %dma_wait3A_222] : memref<4x64x128xf32, #tpu.memory_space<vmem>> -> memref<1x64x128xf32, #tpu.memory_space<vmem>>
      %dma_wait3A_224 = tpu.memref_squeeze %dma_wait3A_223 : memref<1x64x128xf32, #tpu.memory_space<vmem>> -> memref<64x128xf32, #tpu.memory_space<vmem>>
      %dma_wait3A_225 = arith.constant 0 : i32
      %dma_wait3A_226 = tpu.memref_slice %arg7[%add3A_220, %dma_wait3A_225] : memref<40x64xi32, #tpu.memory_space<vmem>> -> memref<1x64xi32, #tpu.memory_space<vmem>>
      %dma_wait3A_227 = tpu.memref_squeeze %dma_wait3A_226 : memref<1x64xi32, #tpu.memory_space<vmem>> -> memref<64xi32, #tpu.memory_space<vmem>>
      %dma_wait3A_228 = arith.constant 0 : i32
      %dma_wait3A_229 = arith.constant 0 : i32
      %dma_wait3A_230 = tpu.memref_slice %arg2[%dma_wait3A_228, %dma_wait3A_229] : memref<10240x128xf32, #tpu.memory_space<hbm>> -> memref<10240x128xf32, #tpu.memory_space<hbm>>
      tpu.wait_indirect_dma semaphore(%arg11 : memref<!tpu.dma_semaphore, #tpu.memory_space<semaphore_mem>>) src(%dma_wait3A_230 : memref<10240x128xf32, #tpu.memory_space<hbm>>) dst(%dma_wait3A_224 : memref<64x128xf32, #tpu.memory_space<vmem>>)
      %run_scoped3A = arith.constant 0 : i32
      "tpu.region"() ({
        %run_scoped3A_298 = tpu.sem_alloc : memref<!tpu.dma_semaphore, #tpu.memory_space<semaphore_mem>>
        %dma_start3A_299 = arith.constant 0 : i32
        %dma_start3A_300 = arith.constant 0 : i32
        %dma_start3A_301 = tpu.memref_slice %arg9[%run_scoped3A, %dma_start3A_299, %dma_start3A_300] : memref<4x64x128xf32, #tpu.memory_space<vmem>> -> memref<1x64x128xf32, #tpu.memory_space<vmem>>
        %dma_start3A_302 = tpu.memref_squeeze %dma_start3A_301 : memref<1x64x128xf32, #tpu.memory_space<vmem>> -> memref<64x128xf32, #tpu.memory_space<vmem>>
        %dma_start3A_303 = arith.constant 0 : i32
        %dma_start3A_304 = tpu.memref_slice %arg8[%add3A_220, %dma_start3A_303] : memref<40x64xi32, #tpu.memory_space<vmem>> -> memref<1x64xi32, #tpu.memory_space<vmem>>
        %dma_start3A_305 = tpu.memref_squeeze %dma_start3A_304 : memref<1x64xi32, #tpu.memory_space<vmem>> -> memref<64xi32, #tpu.memory_space<vmem>>
        %dma_start3A_306 = arith.constant 0 : i32
        %dma_start3A_307 = arith.constant 0 : i32
        %dma_start3A_308 = tpu.memref_slice %arg10[%dma_start3A_306, %dma_start3A_307] : memref<10240x128xf32, #tpu.memory_space<vmem_shared>> -> memref<10240x128xf32, #tpu.memory_space<vmem_shared>>
        tpu.enqueue_indirect_dma source(%dma_start3A_302 : memref<64x128xf32, #tpu.memory_space<vmem>>) target(%dma_start3A_308 : memref<10240x128xf32, #tpu.memory_space<vmem_shared>>) offsets(%dma_start3A_305 : memref<64xi32, #tpu.memory_space<vmem>>) semaphore(%run_scoped3A_298 : memref<!tpu.dma_semaphore, #tpu.memory_space<semaphore_mem>>) {add = true}
        %dma_wait3A_309 = arith.constant 0 : i32
        %dma_wait3A_310 = arith.constant 0 : i32
        %dma_wait3A_311 = tpu.memref_slice %arg9[%run_scoped3A, %dma_wait3A_309, %dma_wait3A_310] : memref<4x64x128xf32, #tpu.memory_space<vmem>> -> memref<1x64x128xf32, #tpu.memory_space<vmem>>
        %dma_wait3A_312 = tpu.memref_squeeze %dma_wait3A_311 : memref<1x64x128xf32, #tpu.memory_space<vmem>> -> memref<64x128xf32, #tpu.memory_space<vmem>>
        %dma_wait3A_313 = arith.constant 0 : i32
        %dma_wait3A_314 = tpu.memref_slice %arg8[%add3A_220, %dma_wait3A_313] : memref<40x64xi32, #tpu.memory_space<vmem>> -> memref<1x64xi32, #tpu.memory_space<vmem>>
        %dma_wait3A_315 = tpu.memref_squeeze %dma_wait3A_314 : memref<1x64xi32, #tpu.memory_space<vmem>> -> memref<64xi32, #tpu.memory_space<vmem>>
        %dma_wait3A_316 = arith.constant 0 : i32
        %dma_wait3A_317 = arith.constant 0 : i32
        %dma_wait3A_318 = tpu.memref_slice %arg10[%dma_wait3A_316, %dma_wait3A_317] : memref<10240x128xf32, #tpu.memory_space<vmem_shared>> -> memref<10240x128xf32, #tpu.memory_space<vmem_shared>>
        tpu.wait_indirect_dma semaphore(%run_scoped3A_298 : memref<!tpu.dma_semaphore, #tpu.memory_space<semaphore_mem>>) src(%dma_wait3A_312 : memref<64x128xf32, #tpu.memory_space<vmem>>) dst(%dma_wait3A_318 : memref<10240x128xf32, #tpu.memory_space<vmem_shared>>)
        tpu.yield
      }) : () -> ()
      %add3A_231 = arith.constant 4 : i32
      %add3A_232 = arith.addi %add3A_220, %add3A_231 : i32
      %lt3A = arith.constant 40 : i32
      %lt3A_233 = arith.cmpi slt, %add3A_232, %lt3A : i32
      %convert_element_type3A = arith.extui %lt3A_233 : i1 to i32
      %cond3A = arith.constant 0 : i32
      %cond3A_234 = arith.cmpi ne, %convert_element_type3A, %cond3A : i32
      scf.if %cond3A_234 {
        %dma_start3A_298 = arith.constant 0 : i32
        %dma_start3A_299 = arith.constant 0 : i32
        %dma_start3A_300 = arith.constant 0 : i32
        %dma_start3A_301 = tpu.memref_slice %arg9[%dma_start3A_298, %dma_start3A_299, %dma_start3A_300] : memref<4x64x128xf32, #tpu.memory_space<vmem>> -> memref<1x64x128xf32, #tpu.memory_space<vmem>>
        %dma_start3A_302 = tpu.memref_squeeze %dma_start3A_301 : memref<1x64x128xf32, #tpu.memory_space<vmem>> -> memref<64x128xf32, #tpu.memory_space<vmem>>
        %dma_start3A_303 = arith.constant 0 : i32
        %dma_start3A_304 = tpu.memref_slice %arg7[%add3A_232, %dma_start3A_303] : memref<40x64xi32, #tpu.memory_space<vmem>> -> memref<1x64xi32, #tpu.memory_space<vmem>>
        %dma_start3A_305 = tpu.memref_squeeze %dma_start3A_304 : memref<1x64xi32, #tpu.memory_space<vmem>> -> memref<64xi32, #tpu.memory_space<vmem>>
        %dma_start3A_306 = arith.constant 0 : i32
        %dma_start3A_307 = arith.constant 0 : i32
        %dma_start3A_308 = tpu.memref_slice %arg2[%dma_start3A_306, %dma_start3A_307] : memref<10240x128xf32, #tpu.memory_space<hbm>> -> memref<10240x128xf32, #tpu.memory_space<hbm>>
        tpu.enqueue_indirect_dma source(%dma_start3A_308 : memref<10240x128xf32, #tpu.memory_space<hbm>>) target(%dma_start3A_302 : memref<64x128xf32, #tpu.memory_space<vmem>>) offsets(%dma_start3A_305 : memref<64xi32, #tpu.memory_space<vmem>>) semaphore(%arg11 : memref<!tpu.dma_semaphore, #tpu.memory_space<semaphore_mem>>)
      } else {
      }
      %add3A_235 = arith.constant 1 : i32
      %add3A_236 = arith.addi %add3A_218, %add3A_235 : i32
      %dma_wait3A_237 = arith.constant 1 : i32
      %dma_wait3A_238 = arith.constant 0 : i32
      %dma_wait3A_239 = arith.constant 0 : i32
      %dma_wait3A_240 = tpu.memref_slice %arg9[%dma_wait3A_237, %dma_wait3A_238, %dma_wait3A_239] : memref<4x64x128xf32, #tpu.memory_space<vmem>> -> memref<1x64x128xf32, #tpu.memory_space<vmem>>
      %dma_wait3A_241 = tpu.memref_squeeze %dma_wait3A_240 : memref<1x64x128xf32, #tpu.memory_space<vmem>> -> memref<64x128xf32, #tpu.memory_space<vmem>>
      %dma_wait3A_242 = arith.constant 0 : i32
      %dma_wait3A_243 = tpu.memref_slice %arg7[%add3A_236, %dma_wait3A_242] : memref<40x64xi32, #tpu.memory_space<vmem>> -> memref<1x64xi32, #tpu.memory_space<vmem>>
      %dma_wait3A_244 = tpu.memref_squeeze %dma_wait3A_243 : memref<1x64xi32, #tpu.memory_space<vmem>> -> memref<64xi32, #tpu.memory_space<vmem>>
      %dma_wait3A_245 = arith.constant 0 : i32
      %dma_wait3A_246 = arith.constant 0 : i32
      %dma_wait3A_247 = tpu.memref_slice %arg2[%dma_wait3A_245, %dma_wait3A_246] : memref<10240x128xf32, #tpu.memory_space<hbm>> -> memref<10240x128xf32, #tpu.memory_space<hbm>>
      tpu.wait_indirect_dma semaphore(%arg12 : memref<!tpu.dma_semaphore, #tpu.memory_space<semaphore_mem>>) src(%dma_wait3A_247 : memref<10240x128xf32, #tpu.memory_space<hbm>>) dst(%dma_wait3A_241 : memref<64x128xf32, #tpu.memory_space<vmem>>)
      %run_scoped3A_248 = arith.constant 1 : i32
      "tpu.region"() ({
        %run_scoped3A_298 = tpu.sem_alloc : memref<!tpu.dma_semaphore, #tpu.memory_space<semaphore_mem>>
        %dma_start3A_299 = arith.constant 0 : i32
        %dma_start3A_300 = arith.constant 0 : i32
        %dma_start3A_301 = tpu.memref_slice %arg9[%run_scoped3A_248, %dma_start3A_299, %dma_start3A_300] : memref<4x64x128xf32, #tpu.memory_space<vmem>> -> memref<1x64x128xf32, #tpu.memory_space<vmem>>
        %dma_start3A_302 = tpu.memref_squeeze %dma_start3A_301 : memref<1x64x128xf32, #tpu.memory_space<vmem>> -> memref<64x128xf32, #tpu.memory_space<vmem>>
        %dma_start3A_303 = arith.constant 0 : i32
        %dma_start3A_304 = tpu.memref_slice %arg8[%add3A_236, %dma_start3A_303] : memref<40x64xi32, #tpu.memory_space<vmem>> -> memref<1x64xi32, #tpu.memory_space<vmem>>
        %dma_start3A_305 = tpu.memref_squeeze %dma_start3A_304 : memref<1x64xi32, #tpu.memory_space<vmem>> -> memref<64xi32, #tpu.memory_space<vmem>>
        %dma_start3A_306 = arith.constant 0 : i32
        %dma_start3A_307 = arith.constant 0 : i32
        %dma_start3A_308 = tpu.memref_slice %arg10[%dma_start3A_306, %dma_start3A_307] : memref<10240x128xf32, #tpu.memory_space<vmem_shared>> -> memref<10240x128xf32, #tpu.memory_space<vmem_shared>>
        tpu.enqueue_indirect_dma source(%dma_start3A_302 : memref<64x128xf32, #tpu.memory_space<vmem>>) target(%dma_start3A_308 : memref<10240x128xf32, #tpu.memory_space<vmem_shared>>) offsets(%dma_start3A_305 : memref<64xi32, #tpu.memory_space<vmem>>) semaphore(%run_scoped3A_298 : memref<!tpu.dma_semaphore, #tpu.memory_space<semaphore_mem>>) {add = true}
        %dma_wait3A_309 = arith.constant 0 : i32
        %dma_wait3A_310 = arith.constant 0 : i32
        %dma_wait3A_311 = tpu.memref_slice %arg9[%run_scoped3A_248, %dma_wait3A_309, %dma_wait3A_310] : memref<4x64x128xf32, #tpu.memory_space<vmem>> -> memref<1x64x128xf32, #tpu.memory_space<vmem>>
        %dma_wait3A_312 = tpu.memref_squeeze %dma_wait3A_311 : memref<1x64x128xf32, #tpu.memory_space<vmem>> -> memref<64x128xf32, #tpu.memory_space<vmem>>
        %dma_wait3A_313 = arith.constant 0 : i32
        %dma_wait3A_314 = tpu.memref_slice %arg8[%add3A_236, %dma_wait3A_313] : memref<40x64xi32, #tpu.memory_space<vmem>> -> memref<1x64xi32, #tpu.memory_space<vmem>>
        %dma_wait3A_315 = tpu.memref_squeeze %dma_wait3A_314 : memref<1x64xi32, #tpu.memory_space<vmem>> -> memref<64xi32, #tpu.memory_space<vmem>>
        %dma_wait3A_316 = arith.constant 0 : i32
        %dma_wait3A_317 = arith.constant 0 : i32
        %dma_wait3A_318 = tpu.memref_slice %arg10[%dma_wait3A_316, %dma_wait3A_317] : memref<10240x128xf32, #tpu.memory_space<vmem_shared>> -> memref<10240x128xf32, #tpu.memory_space<vmem_shared>>
        tpu.wait_indirect_dma semaphore(%run_scoped3A_298 : memref<!tpu.dma_semaphore, #tpu.memory_space<semaphore_mem>>) src(%dma_wait3A_312 : memref<64x128xf32, #tpu.memory_space<vmem>>) dst(%dma_wait3A_318 : memref<10240x128xf32, #tpu.memory_space<vmem_shared>>)
        tpu.yield
      }) : () -> ()
      %add3A_249 = arith.constant 4 : i32
      %add3A_250 = arith.addi %add3A_236, %add3A_249 : i32
      %lt3A_251 = arith.constant 40 : i32
      %lt3A_252 = arith.cmpi slt, %add3A_250, %lt3A_251 : i32
      %convert_element_type3A_253 = arith.extui %lt3A_252 : i1 to i32
      %cond3A_254 = arith.constant 0 : i32
      %cond3A_255 = arith.cmpi ne, %convert_element_type3A_253, %cond3A_254 : i32
      scf.if %cond3A_255 {
        %dma_start3A_298 = arith.constant 1 : i32
        %dma_start3A_299 = arith.constant 0 : i32
        %dma_start3A_300 = arith.constant 0 : i32
        %dma_start3A_301 = tpu.memref_slice %arg9[%dma_start3A_298, %dma_start3A_299, %dma_start3A_300] : memref<4x64x128xf32, #tpu.memory_space<vmem>> -> memref<1x64x128xf32, #tpu.memory_space<vmem>>
        %dma_start3A_302 = tpu.memref_squeeze %dma_start3A_301 : memref<1x64x128xf32, #tpu.memory_space<vmem>> -> memref<64x128xf32, #tpu.memory_space<vmem>>
        %dma_start3A_303 = arith.constant 0 : i32
        %dma_start3A_304 = tpu.memref_slice %arg7[%add3A_250, %dma_start3A_303] : memref<40x64xi32, #tpu.memory_space<vmem>> -> memref<1x64xi32, #tpu.memory_space<vmem>>
        %dma_start3A_305 = tpu.memref_squeeze %dma_start3A_304 : memref<1x64xi32, #tpu.memory_space<vmem>> -> memref<64xi32, #tpu.memory_space<vmem>>
        %dma_start3A_306 = arith.constant 0 : i32
        %dma_start3A_307 = arith.constant 0 : i32
        %dma_start3A_308 = tpu.memref_slice %arg2[%dma_start3A_306, %dma_start3A_307] : memref<10240x128xf32, #tpu.memory_space<hbm>> -> memref<10240x128xf32, #tpu.memory_space<hbm>>
        tpu.enqueue_indirect_dma source(%dma_start3A_308 : memref<10240x128xf32, #tpu.memory_space<hbm>>) target(%dma_start3A_302 : memref<64x128xf32, #tpu.memory_space<vmem>>) offsets(%dma_start3A_305 : memref<64xi32, #tpu.memory_space<vmem>>) semaphore(%arg12 : memref<!tpu.dma_semaphore, #tpu.memory_space<semaphore_mem>>)
      } else {
      }
      %add3A_256 = arith.constant 2 : i32
      %add3A_257 = arith.addi %add3A_218, %add3A_256 : i32
      %dma_wait3A_258 = arith.constant 2 : i32
      %dma_wait3A_259 = arith.constant 0 : i32
      %dma_wait3A_260 = arith.constant 0 : i32
      %dma_wait3A_261 = tpu.memref_slice %arg9[%dma_wait3A_258, %dma_wait3A_259, %dma_wait3A_260] : memref<4x64x128xf32, #tpu.memory_space<vmem>> -> memref<1x64x128xf32, #tpu.memory_space<vmem>>
      %dma_wait3A_262 = tpu.memref_squeeze %dma_wait3A_261 : memref<1x64x128xf32, #tpu.memory_space<vmem>> -> memref<64x128xf32, #tpu.memory_space<vmem>>
      %dma_wait3A_263 = arith.constant 0 : i32
      %dma_wait3A_264 = tpu.memref_slice %arg7[%add3A_257, %dma_wait3A_263] : memref<40x64xi32, #tpu.memory_space<vmem>> -> memref<1x64xi32, #tpu.memory_space<vmem>>
      %dma_wait3A_265 = tpu.memref_squeeze %dma_wait3A_264 : memref<1x64xi32, #tpu.memory_space<vmem>> -> memref<64xi32, #tpu.memory_space<vmem>>
      %dma_wait3A_266 = arith.constant 0 : i32
      %dma_wait3A_267 = arith.constant 0 : i32
      %dma_wait3A_268 = tpu.memref_slice %arg2[%dma_wait3A_266, %dma_wait3A_267] : memref<10240x128xf32, #tpu.memory_space<hbm>> -> memref<10240x128xf32, #tpu.memory_space<hbm>>
      tpu.wait_indirect_dma semaphore(%arg13 : memref<!tpu.dma_semaphore, #tpu.memory_space<semaphore_mem>>) src(%dma_wait3A_268 : memref<10240x128xf32, #tpu.memory_space<hbm>>) dst(%dma_wait3A_262 : memref<64x128xf32, #tpu.memory_space<vmem>>)
      %run_scoped3A_269 = arith.constant 2 : i32
      "tpu.region"() ({
        %run_scoped3A_298 = tpu.sem_alloc : memref<!tpu.dma_semaphore, #tpu.memory_space<semaphore_mem>>
        %dma_start3A_299 = arith.constant 0 : i32
        %dma_start3A_300 = arith.constant 0 : i32
        %dma_start3A_301 = tpu.memref_slice %arg9[%run_scoped3A_269, %dma_start3A_299, %dma_start3A_300] : memref<4x64x128xf32, #tpu.memory_space<vmem>> -> memref<1x64x128xf32, #tpu.memory_space<vmem>>
        %dma_start3A_302 = tpu.memref_squeeze %dma_start3A_301 : memref<1x64x128xf32, #tpu.memory_space<vmem>> -> memref<64x128xf32, #tpu.memory_space<vmem>>
        %dma_start3A_303 = arith.constant 0 : i32
        %dma_start3A_304 = tpu.memref_slice %arg8[%add3A_257, %dma_start3A_303] : memref<40x64xi32, #tpu.memory_space<vmem>> -> memref<1x64xi32, #tpu.memory_space<vmem>>
        %dma_start3A_305 = tpu.memref_squeeze %dma_start3A_304 : memref<1x64xi32, #tpu.memory_space<vmem>> -> memref<64xi32, #tpu.memory_space<vmem>>
        %dma_start3A_306 = arith.constant 0 : i32
        %dma_start3A_307 = arith.constant 0 : i32
        %dma_start3A_308 = tpu.memref_slice %arg10[%dma_start3A_306, %dma_start3A_307] : memref<10240x128xf32, #tpu.memory_space<vmem_shared>> -> memref<10240x128xf32, #tpu.memory_space<vmem_shared>>
        tpu.enqueue_indirect_dma source(%dma_start3A_302 : memref<64x128xf32, #tpu.memory_space<vmem>>) target(%dma_start3A_308 : memref<10240x128xf32, #tpu.memory_space<vmem_shared>>) offsets(%dma_start3A_305 : memref<64xi32, #tpu.memory_space<vmem>>) semaphore(%run_scoped3A_298 : memref<!tpu.dma_semaphore, #tpu.memory_space<semaphore_mem>>) {add = true}
        %dma_wait3A_309 = arith.constant 0 : i32
        %dma_wait3A_310 = arith.constant 0 : i32
        %dma_wait3A_311 = tpu.memref_slice %arg9[%run_scoped3A_269, %dma_wait3A_309, %dma_wait3A_310] : memref<4x64x128xf32, #tpu.memory_space<vmem>> -> memref<1x64x128xf32, #tpu.memory_space<vmem>>
        %dma_wait3A_312 = tpu.memref_squeeze %dma_wait3A_311 : memref<1x64x128xf32, #tpu.memory_space<vmem>> -> memref<64x128xf32, #tpu.memory_space<vmem>>
        %dma_wait3A_313 = arith.constant 0 : i32
        %dma_wait3A_314 = tpu.memref_slice %arg8[%add3A_257, %dma_wait3A_313] : memref<40x64xi32, #tpu.memory_space<vmem>> -> memref<1x64xi32, #tpu.memory_space<vmem>>
        %dma_wait3A_315 = tpu.memref_squeeze %dma_wait3A_314 : memref<1x64xi32, #tpu.memory_space<vmem>> -> memref<64xi32, #tpu.memory_space<vmem>>
        %dma_wait3A_316 = arith.constant 0 : i32
        %dma_wait3A_317 = arith.constant 0 : i32
        %dma_wait3A_318 = tpu.memref_slice %arg10[%dma_wait3A_316, %dma_wait3A_317] : memref<10240x128xf32, #tpu.memory_space<vmem_shared>> -> memref<10240x128xf32, #tpu.memory_space<vmem_shared>>
        tpu.wait_indirect_dma semaphore(%run_scoped3A_298 : memref<!tpu.dma_semaphore, #tpu.memory_space<semaphore_mem>>) src(%dma_wait3A_312 : memref<64x128xf32, #tpu.memory_space<vmem>>) dst(%dma_wait3A_318 : memref<10240x128xf32, #tpu.memory_space<vmem_shared>>)
        tpu.yield
      }) : () -> ()
      %add3A_270 = arith.constant 4 : i32
      %add3A_271 = arith.addi %add3A_257, %add3A_270 : i32
      %lt3A_272 = arith.constant 40 : i32
      %lt3A_273 = arith.cmpi slt, %add3A_271, %lt3A_272 : i32
      %convert_element_type3A_274 = arith.extui %lt3A_273 : i1 to i32
      %cond3A_275 = arith.constant 0 : i32
      %cond3A_276 = arith.cmpi ne, %convert_element_type3A_274, %cond3A_275 : i32
      scf.if %cond3A_276 {
        %dma_start3A_298 = arith.constant 2 : i32
        %dma_start3A_299 = arith.constant 0 : i32
        %dma_start3A_300 = arith.constant 0 : i32
        %dma_start3A_301 = tpu.memref_slice %arg9[%dma_start3A_298, %dma_start3A_299, %dma_start3A_300] : memref<4x64x128xf32, #tpu.memory_space<vmem>> -> memref<1x64x128xf32, #tpu.memory_space<vmem>>
        %dma_start3A_302 = tpu.memref_squeeze %dma_start3A_301 : memref<1x64x128xf32, #tpu.memory_space<vmem>> -> memref<64x128xf32, #tpu.memory_space<vmem>>
        %dma_start3A_303 = arith.constant 0 : i32
        %dma_start3A_304 = tpu.memref_slice %arg7[%add3A_271, %dma_start3A_303] : memref<40x64xi32, #tpu.memory_space<vmem>> -> memref<1x64xi32, #tpu.memory_space<vmem>>
        %dma_start3A_305 = tpu.memref_squeeze %dma_start3A_304 : memref<1x64xi32, #tpu.memory_space<vmem>> -> memref<64xi32, #tpu.memory_space<vmem>>
        %dma_start3A_306 = arith.constant 0 : i32
        %dma_start3A_307 = arith.constant 0 : i32
        %dma_start3A_308 = tpu.memref_slice %arg2[%dma_start3A_306, %dma_start3A_307] : memref<10240x128xf32, #tpu.memory_space<hbm>> -> memref<10240x128xf32, #tpu.memory_space<hbm>>
        tpu.enqueue_indirect_dma source(%dma_start3A_308 : memref<10240x128xf32, #tpu.memory_space<hbm>>) target(%dma_start3A_302 : memref<64x128xf32, #tpu.memory_space<vmem>>) offsets(%dma_start3A_305 : memref<64xi32, #tpu.memory_space<vmem>>) semaphore(%arg13 : memref<!tpu.dma_semaphore, #tpu.memory_space<semaphore_mem>>)
      } else {
      }
      %add3A_277 = arith.constant 3 : i32
      %add3A_278 = arith.addi %add3A_218, %add3A_277 : i32
      %dma_wait3A_279 = arith.constant 3 : i32
      %dma_wait3A_280 = arith.constant 0 : i32
      %dma_wait3A_281 = arith.constant 0 : i32
      %dma_wait3A_282 = tpu.memref_slice %arg9[%dma_wait3A_279, %dma_wait3A_280, %dma_wait3A_281] : memref<4x64x128xf32, #tpu.memory_space<vmem>> -> memref<1x64x128xf32, #tpu.memory_space<vmem>>
      %dma_wait3A_283 = tpu.memref_squeeze %dma_wait3A_282 : memref<1x64x128xf32, #tpu.memory_space<vmem>> -> memref<64x128xf32, #tpu.memory_space<vmem>>
      %dma_wait3A_284 = arith.constant 0 : i32
      %dma_wait3A_285 = tpu.memref_slice %arg7[%add3A_278, %dma_wait3A_284] : memref<40x64xi32, #tpu.memory_space<vmem>> -> memref<1x64xi32, #tpu.memory_space<vmem>>
      %dma_wait3A_286 = tpu.memref_squeeze %dma_wait3A_285 : memref<1x64xi32, #tpu.memory_space<vmem>> -> memref<64xi32, #tpu.memory_space<vmem>>
      %dma_wait3A_287 = arith.constant 0 : i32
      %dma_wait3A_288 = arith.constant 0 : i32
      %dma_wait3A_289 = tpu.memref_slice %arg2[%dma_wait3A_287, %dma_wait3A_288] : memref<10240x128xf32, #tpu.memory_space<hbm>> -> memref<10240x128xf32, #tpu.memory_space<hbm>>
      tpu.wait_indirect_dma semaphore(%arg14 : memref<!tpu.dma_semaphore, #tpu.memory_space<semaphore_mem>>) src(%dma_wait3A_289 : memref<10240x128xf32, #tpu.memory_space<hbm>>) dst(%dma_wait3A_283 : memref<64x128xf32, #tpu.memory_space<vmem>>)
      %run_scoped3A_290 = arith.constant 3 : i32
      "tpu.region"() ({
        %run_scoped3A_298 = tpu.sem_alloc : memref<!tpu.dma_semaphore, #tpu.memory_space<semaphore_mem>>
        %dma_start3A_299 = arith.constant 0 : i32
        %dma_start3A_300 = arith.constant 0 : i32
        %dma_start3A_301 = tpu.memref_slice %arg9[%run_scoped3A_290, %dma_start3A_299, %dma_start3A_300] : memref<4x64x128xf32, #tpu.memory_space<vmem>> -> memref<1x64x128xf32, #tpu.memory_space<vmem>>
        %dma_start3A_302 = tpu.memref_squeeze %dma_start3A_301 : memref<1x64x128xf32, #tpu.memory_space<vmem>> -> memref<64x128xf32, #tpu.memory_space<vmem>>
        %dma_start3A_303 = arith.constant 0 : i32
        %dma_start3A_304 = tpu.memref_slice %arg8[%add3A_278, %dma_start3A_303] : memref<40x64xi32, #tpu.memory_space<vmem>> -> memref<1x64xi32, #tpu.memory_space<vmem>>
        %dma_start3A_305 = tpu.memref_squeeze %dma_start3A_304 : memref<1x64xi32, #tpu.memory_space<vmem>> -> memref<64xi32, #tpu.memory_space<vmem>>
        %dma_start3A_306 = arith.constant 0 : i32
        %dma_start3A_307 = arith.constant 0 : i32
        %dma_start3A_308 = tpu.memref_slice %arg10[%dma_start3A_306, %dma_start3A_307] : memref<10240x128xf32, #tpu.memory_space<vmem_shared>> -> memref<10240x128xf32, #tpu.memory_space<vmem_shared>>
        tpu.enqueue_indirect_dma source(%dma_start3A_302 : memref<64x128xf32, #tpu.memory_space<vmem>>) target(%dma_start3A_308 : memref<10240x128xf32, #tpu.memory_space<vmem_shared>>) offsets(%dma_start3A_305 : memref<64xi32, #tpu.memory_space<vmem>>) semaphore(%run_scoped3A_298 : memref<!tpu.dma_semaphore, #tpu.memory_space<semaphore_mem>>) {add = true}
        %dma_wait3A_309 = arith.constant 0 : i32
        %dma_wait3A_310 = arith.constant 0 : i32
        %dma_wait3A_311 = tpu.memref_slice %arg9[%run_scoped3A_290, %dma_wait3A_309, %dma_wait3A_310] : memref<4x64x128xf32, #tpu.memory_space<vmem>> -> memref<1x64x128xf32, #tpu.memory_space<vmem>>
        %dma_wait3A_312 = tpu.memref_squeeze %dma_wait3A_311 : memref<1x64x128xf32, #tpu.memory_space<vmem>> -> memref<64x128xf32, #tpu.memory_space<vmem>>
        %dma_wait3A_313 = arith.constant 0 : i32
        %dma_wait3A_314 = tpu.memref_slice %arg8[%add3A_278, %dma_wait3A_313] : memref<40x64xi32, #tpu.memory_space<vmem>> -> memref<1x64xi32, #tpu.memory_space<vmem>>
        %dma_wait3A_315 = tpu.memref_squeeze %dma_wait3A_314 : memref<1x64xi32, #tpu.memory_space<vmem>> -> memref<64xi32, #tpu.memory_space<vmem>>
        %dma_wait3A_316 = arith.constant 0 : i32
        %dma_wait3A_317 = arith.constant 0 : i32
        %dma_wait3A_318 = tpu.memref_slice %arg10[%dma_wait3A_316, %dma_wait3A_317] : memref<10240x128xf32, #tpu.memory_space<vmem_shared>> -> memref<10240x128xf32, #tpu.memory_space<vmem_shared>>
        tpu.wait_indirect_dma semaphore(%run_scoped3A_298 : memref<!tpu.dma_semaphore, #tpu.memory_space<semaphore_mem>>) src(%dma_wait3A_312 : memref<64x128xf32, #tpu.memory_space<vmem>>) dst(%dma_wait3A_318 : memref<10240x128xf32, #tpu.memory_space<vmem_shared>>)
        tpu.yield
      }) : () -> ()
      %add3A_291 = arith.constant 4 : i32
      %add3A_292 = arith.addi %add3A_278, %add3A_291 : i32
      %lt3A_293 = arith.constant 40 : i32
      %lt3A_294 = arith.cmpi slt, %add3A_292, %lt3A_293 : i32
      %convert_element_type3A_295 = arith.extui %lt3A_294 : i1 to i32
      %cond3A_296 = arith.constant 0 : i32
      %cond3A_297 = arith.cmpi ne, %convert_element_type3A_295, %cond3A_296 : i32
      scf.if %cond3A_297 {
        %dma_start3A_298 = arith.constant 3 : i32
        %dma_start3A_299 = arith.constant 0 : i32
        %dma_start3A_300 = arith.constant 0 : i32
        %dma_start3A_301 = tpu.memref_slice %arg9[%dma_start3A_298, %dma_start3A_299, %dma_start3A_300] : memref<4x64x128xf32, #tpu.memory_space<vmem>> -> memref<1x64x128xf32, #tpu.memory_space<vmem>>
        %dma_start3A_302 = tpu.memref_squeeze %dma_start3A_301 : memref<1x64x128xf32, #tpu.memory_space<vmem>> -> memref<64x128xf32, #tpu.memory_space<vmem>>
        %dma_start3A_303 = arith.constant 0 : i32
        %dma_start3A_304 = tpu.memref_slice %arg7[%add3A_292, %dma_start3A_303] : memref<40x64xi32, #tpu.memory_space<vmem>> -> memref<1x64xi32, #tpu.memory_space<vmem>>
        %dma_start3A_305 = tpu.memref_squeeze %dma_start3A_304 : memref<1x64xi32, #tpu.memory_space<vmem>> -> memref<64xi32, #tpu.memory_space<vmem>>
        %dma_start3A_306 = arith.constant 0 : i32
        %dma_start3A_307 = arith.constant 0 : i32
        %dma_start3A_308 = tpu.memref_slice %arg2[%dma_start3A_306, %dma_start3A_307] : memref<10240x128xf32, #tpu.memory_space<hbm>> -> memref<10240x128xf32, #tpu.memory_space<hbm>>
        tpu.enqueue_indirect_dma source(%dma_start3A_308 : memref<10240x128xf32, #tpu.memory_space<hbm>>) target(%dma_start3A_302 : memref<64x128xf32, #tpu.memory_space<vmem>>) offsets(%dma_start3A_305 : memref<64xi32, #tpu.memory_space<vmem>>) semaphore(%arg14 : memref<!tpu.dma_semaphore, #tpu.memory_space<semaphore_mem>>)
      } else {
      }
    }
    %scan3A_159 = arith.constant 10 : i32
    "tpu.region"() ({
      %run_scoped3A = tpu.sem_alloc : memref<!tpu.dma_semaphore, #tpu.memory_space<semaphore_mem>>
      %dma_start3A_214 = arith.constant 0 : i32
      %dma_start3A_215 = arith.constant 0 : i32
      %dma_start3A_216 = tpu.memref_slice %arg3[%add3A, %dma_start3A_214, %dma_start3A_215] : memref<32x160x64xi32, #tpu.memory_space<hbm>> -> memref<1x160x64xi32, #tpu.memory_space<hbm>>
      %dma_start3A_217 = tpu.memref_squeeze %dma_start3A_216 : memref<1x160x64xi32, #tpu.memory_space<hbm>> -> memref<160x64xi32, #tpu.memory_space<hbm>>
      %dma_start3A_218 = arith.constant 120 : i32
      %dma_start3A_219 = arith.constant 0 : i32
      %dma_start3A_220 = tpu.memref_slice %dma_start3A_217[%dma_start3A_218, %dma_start3A_219] : memref<160x64xi32, #tpu.memory_space<hbm>> -> memref<40x64xi32, #tpu.memory_space<hbm>>
      %dma_start3A_221 = arith.constant 0 : i32
      %dma_start3A_222 = arith.constant 0 : i32
      %dma_start3A_223 = tpu.memref_slice %arg3[%add3A, %dma_start3A_221, %dma_start3A_222] : memref<32x160x64xi32, #tpu.memory_space<hbm>> -> memref<1x160x64xi32, #tpu.memory_space<hbm>>
      %dma_start3A_224 = tpu.memref_squeeze %dma_start3A_223 : memref<1x160x64xi32, #tpu.memory_space<hbm>> -> memref<160x64xi32, #tpu.memory_space<hbm>>
      %dma_start3A_225 = arith.constant 120 : i32
      %dma_start3A_226 = arith.constant 0 : i32
      %dma_start3A_227 = tpu.memref_slice %dma_start3A_224[%dma_start3A_225, %dma_start3A_226] : memref<160x64xi32, #tpu.memory_space<hbm>> -> memref<40x64xi32, #tpu.memory_space<hbm>>
      tpu.enqueue_dma source(%dma_start3A_227 : memref<40x64xi32, #tpu.memory_space<hbm>>) target(%arg7 : memref<40x64xi32, #tpu.memory_space<vmem>>) target_semaphore(%run_scoped3A : memref<!tpu.dma_semaphore, #tpu.memory_space<semaphore_mem>>)
      %dma_wait3A = arith.constant 0 : i32
      %dma_wait3A_228 = arith.constant 0 : i32
      %dma_wait3A_229 = tpu.memref_slice %arg3[%add3A, %dma_wait3A, %dma_wait3A_228] : memref<32x160x64xi32, #tpu.memory_space<hbm>> -> memref<1x160x64xi32, #tpu.memory_space<hbm>>
      %dma_wait3A_230 = tpu.memref_squeeze %dma_wait3A_229 : memref<1x160x64xi32, #tpu.memory_space<hbm>> -> memref<160x64xi32, #tpu.memory_space<hbm>>
      %dma_wait3A_231 = arith.constant 120 : i32
      %dma_wait3A_232 = arith.constant 0 : i32
      %dma_wait3A_233 = tpu.memref_slice %dma_wait3A_230[%dma_wait3A_231, %dma_wait3A_232] : memref<160x64xi32, #tpu.memory_space<hbm>> -> memref<40x64xi32, #tpu.memory_space<hbm>>
      %dma_wait3A_234 = arith.constant 0 : i32
      %dma_wait3A_235 = arith.constant 0 : i32
      %dma_wait3A_236 = tpu.memref_slice %arg3[%add3A, %dma_wait3A_234, %dma_wait3A_235] : memref<32x160x64xi32, #tpu.memory_space<hbm>> -> memref<1x160x64xi32, #tpu.memory_space<hbm>>
      %dma_wait3A_237 = tpu.memref_squeeze %dma_wait3A_236 : memref<1x160x64xi32, #tpu.memory_space<hbm>> -> memref<160x64xi32, #tpu.memory_space<hbm>>
      %dma_wait3A_238 = arith.constant 120 : i32
      %dma_wait3A_239 = arith.constant 0 : i32
      %dma_wait3A_240 = tpu.memref_slice %dma_wait3A_237[%dma_wait3A_238, %dma_wait3A_239] : memref<160x64xi32, #tpu.memory_space<hbm>> -> memref<40x64xi32, #tpu.memory_space<hbm>>
      tpu.wait_dma2 semaphore(%run_scoped3A : memref<!tpu.dma_semaphore, #tpu.memory_space<semaphore_mem>>) src(%dma_wait3A_240 : memref<40x64xi32, #tpu.memory_space<hbm>>) dst(%arg7 : memref<40x64xi32, #tpu.memory_space<vmem>>)
      tpu.yield
    }) : () -> ()
    "tpu.region"() ({
      %run_scoped3A = tpu.sem_alloc : memref<!tpu.dma_semaphore, #tpu.memory_space<semaphore_mem>>
      %dma_start3A_214 = arith.constant 0 : i32
      %dma_start3A_215 = arith.constant 0 : i32
      %dma_start3A_216 = tpu.memref_slice %arg4[%add3A, %dma_start3A_214, %dma_start3A_215] : memref<32x160x64xi32, #tpu.memory_space<hbm>> -> memref<1x160x64xi32, #tpu.memory_space<hbm>>
      %dma_start3A_217 = tpu.memref_squeeze %dma_start3A_216 : memref<1x160x64xi32, #tpu.memory_space<hbm>> -> memref<160x64xi32, #tpu.memory_space<hbm>>
      %dma_start3A_218 = arith.constant 120 : i32
      %dma_start3A_219 = arith.constant 0 : i32
      %dma_start3A_220 = tpu.memref_slice %dma_start3A_217[%dma_start3A_218, %dma_start3A_219] : memref<160x64xi32, #tpu.memory_space<hbm>> -> memref<40x64xi32, #tpu.memory_space<hbm>>
      %dma_start3A_221 = arith.constant 0 : i32
      %dma_start3A_222 = arith.constant 0 : i32
      %dma_start3A_223 = tpu.memref_slice %arg4[%add3A, %dma_start3A_221, %dma_start3A_222] : memref<32x160x64xi32, #tpu.memory_space<hbm>> -> memref<1x160x64xi32, #tpu.memory_space<hbm>>
      %dma_start3A_224 = tpu.memref_squeeze %dma_start3A_223 : memref<1x160x64xi32, #tpu.memory_space<hbm>> -> memref<160x64xi32, #tpu.memory_space<hbm>>
      %dma_start3A_225 = arith.constant 120 : i32
      %dma_start3A_226 = arith.constant 0 : i32
      %dma_start3A_227 = tpu.memref_slice %dma_start3A_224[%dma_start3A_225, %dma_start3A_226] : memref<160x64xi32, #tpu.memory_space<hbm>> -> memref<40x64xi32, #tpu.memory_space<hbm>>
      tpu.enqueue_dma source(%dma_start3A_227 : memref<40x64xi32, #tpu.memory_space<hbm>>) target(%arg8 : memref<40x64xi32, #tpu.memory_space<vmem>>) target_semaphore(%run_scoped3A : memref<!tpu.dma_semaphore, #tpu.memory_space<semaphore_mem>>)
      %dma_wait3A = arith.constant 0 : i32
      %dma_wait3A_228 = arith.constant 0 : i32
      %dma_wait3A_229 = tpu.memref_slice %arg4[%add3A, %dma_wait3A, %dma_wait3A_228] : memref<32x160x64xi32, #tpu.memory_space<hbm>> -> memref<1x160x64xi32, #tpu.memory_space<hbm>>
      %dma_wait3A_230 = tpu.memref_squeeze %dma_wait3A_229 : memref<1x160x64xi32, #tpu.memory_space<hbm>> -> memref<160x64xi32, #tpu.memory_space<hbm>>
      %dma_wait3A_231 = arith.constant 120 : i32
      %dma_wait3A_232 = arith.constant 0 : i32
      %dma_wait3A_233 = tpu.memref_slice %dma_wait3A_230[%dma_wait3A_231, %dma_wait3A_232] : memref<160x64xi32, #tpu.memory_space<hbm>> -> memref<40x64xi32, #tpu.memory_space<hbm>>
      %dma_wait3A_234 = arith.constant 0 : i32
      %dma_wait3A_235 = arith.constant 0 : i32
      %dma_wait3A_236 = tpu.memref_slice %arg4[%add3A, %dma_wait3A_234, %dma_wait3A_235] : memref<32x160x64xi32, #tpu.memory_space<hbm>> -> memref<1x160x64xi32, #tpu.memory_space<hbm>>
      %dma_wait3A_237 = tpu.memref_squeeze %dma_wait3A_236 : memref<1x160x64xi32, #tpu.memory_space<hbm>> -> memref<160x64xi32, #tpu.memory_space<hbm>>
      %dma_wait3A_238 = arith.constant 120 : i32
      %dma_wait3A_239 = arith.constant 0 : i32
      %dma_wait3A_240 = tpu.memref_slice %dma_wait3A_237[%dma_wait3A_238, %dma_wait3A_239] : memref<160x64xi32, #tpu.memory_space<hbm>> -> memref<40x64xi32, #tpu.memory_space<hbm>>
      tpu.wait_dma2 semaphore(%run_scoped3A : memref<!tpu.dma_semaphore, #tpu.memory_space<semaphore_mem>>) src(%dma_wait3A_240 : memref<40x64xi32, #tpu.memory_space<hbm>>) dst(%arg8 : memref<40x64xi32, #tpu.memory_space<vmem>>)
      tpu.yield
    }) : () -> ()
    %dma_start3A_160 = arith.constant 0 : i32
    %dma_start3A_161 = arith.constant 0 : i32
    %dma_start3A_162 = arith.constant 0 : i32
    %dma_start3A_163 = arith.constant 0 : i32
    %dma_start3A_164 = tpu.memref_slice %arg9[%dma_start3A_161, %dma_start3A_162, %dma_start3A_163] : memref<4x64x128xf32, #tpu.memory_space<vmem>> -> memref<1x64x128xf32, #tpu.memory_space<vmem>>
    %dma_start3A_165 = tpu.memref_squeeze %dma_start3A_164 : memref<1x64x128xf32, #tpu.memory_space<vmem>> -> memref<64x128xf32, #tpu.memory_space<vmem>>
    %dma_start3A_166 = arith.constant 0 : i32
    %dma_start3A_167 = tpu.memref_slice %arg7[%dma_start3A_160, %dma_start3A_166] : memref<40x64xi32, #tpu.memory_space<vmem>> -> memref<1x64xi32, #tpu.memory_space<vmem>>
    %dma_start3A_168 = tpu.memref_squeeze %dma_start3A_167 : memref<1x64xi32, #tpu.memory_space<vmem>> -> memref<64xi32, #tpu.memory_space<vmem>>
    %dma_start3A_169 = arith.constant 0 : i32
    %dma_start3A_170 = arith.constant 0 : i32
    %dma_start3A_171 = tpu.memref_slice %arg2[%dma_start3A_169, %dma_start3A_170] : memref<10240x128xf32, #tpu.memory_space<hbm>> -> memref<10240x128xf32, #tpu.memory_space<hbm>>
    tpu.enqueue_indirect_dma source(%dma_start3A_171 : memref<10240x128xf32, #tpu.memory_space<hbm>>) target(%dma_start3A_165 : memref<64x128xf32, #tpu.memory_space<vmem>>) offsets(%dma_start3A_168 : memref<64xi32, #tpu.memory_space<vmem>>) semaphore(%arg11 : memref<!tpu.dma_semaphore, #tpu.memory_space<semaphore_mem>>)
    %dma_start3A_172 = arith.constant 1 : i32
    %dma_start3A_173 = arith.constant 1 : i32
    %dma_start3A_174 = arith.constant 0 : i32
    %dma_start3A_175 = arith.constant 0 : i32
    %dma_start3A_176 = tpu.memref_slice %arg9[%dma_start3A_173, %dma_start3A_174, %dma_start3A_175] : memref<4x64x128xf32, #tpu.memory_space<vmem>> -> memref<1x64x128xf32, #tpu.memory_space<vmem>>
    %dma_start3A_177 = tpu.memref_squeeze %dma_start3A_176 : memref<1x64x128xf32, #tpu.memory_space<vmem>> -> memref<64x128xf32, #tpu.memory_space<vmem>>
    %dma_start3A_178 = arith.constant 0 : i32
    %dma_start3A_179 = tpu.memref_slice %arg7[%dma_start3A_172, %dma_start3A_178] : memref<40x64xi32, #tpu.memory_space<vmem>> -> memref<1x64xi32, #tpu.memory_space<vmem>>
    %dma_start3A_180 = tpu.memref_squeeze %dma_start3A_179 : memref<1x64xi32, #tpu.memory_space<vmem>> -> memref<64xi32, #tpu.memory_space<vmem>>
    %dma_start3A_181 = arith.constant 0 : i32
    %dma_start3A_182 = arith.constant 0 : i32
    %dma_start3A_183 = tpu.memref_slice %arg2[%dma_start3A_181, %dma_start3A_182] : memref<10240x128xf32, #tpu.memory_space<hbm>> -> memref<10240x128xf32, #tpu.memory_space<hbm>>
    tpu.enqueue_indirect_dma source(%dma_start3A_183 : memref<10240x128xf32, #tpu.memory_space<hbm>>) target(%dma_start3A_177 : memref<64x128xf32, #tpu.memory_space<vmem>>) offsets(%dma_start3A_180 : memref<64xi32, #tpu.memory_space<vmem>>) semaphore(%arg12 : memref<!tpu.dma_semaphore, #tpu.memory_space<semaphore_mem>>)
    %dma_start3A_184 = arith.constant 2 : i32
    %dma_start3A_185 = arith.constant 2 : i32
    %dma_start3A_186 = arith.constant 0 : i32
    %dma_start3A_187 = arith.constant 0 : i32
    %dma_start3A_188 = tpu.memref_slice %arg9[%dma_start3A_185, %dma_start3A_186, %dma_start3A_187] : memref<4x64x128xf32, #tpu.memory_space<vmem>> -> memref<1x64x128xf32, #tpu.memory_space<vmem>>
    %dma_start3A_189 = tpu.memref_squeeze %dma_start3A_188 : memref<1x64x128xf32, #tpu.memory_space<vmem>> -> memref<64x128xf32, #tpu.memory_space<vmem>>
    %dma_start3A_190 = arith.constant 0 : i32
    %dma_start3A_191 = tpu.memref_slice %arg7[%dma_start3A_184, %dma_start3A_190] : memref<40x64xi32, #tpu.memory_space<vmem>> -> memref<1x64xi32, #tpu.memory_space<vmem>>
    %dma_start3A_192 = tpu.memref_squeeze %dma_start3A_191 : memref<1x64xi32, #tpu.memory_space<vmem>> -> memref<64xi32, #tpu.memory_space<vmem>>
    %dma_start3A_193 = arith.constant 0 : i32
    %dma_start3A_194 = arith.constant 0 : i32
    %dma_start3A_195 = tpu.memref_slice %arg2[%dma_start3A_193, %dma_start3A_194] : memref<10240x128xf32, #tpu.memory_space<hbm>> -> memref<10240x128xf32, #tpu.memory_space<hbm>>
    tpu.enqueue_indirect_dma source(%dma_start3A_195 : memref<10240x128xf32, #tpu.memory_space<hbm>>) target(%dma_start3A_189 : memref<64x128xf32, #tpu.memory_space<vmem>>) offsets(%dma_start3A_192 : memref<64xi32, #tpu.memory_space<vmem>>) semaphore(%arg13 : memref<!tpu.dma_semaphore, #tpu.memory_space<semaphore_mem>>)
    %dma_start3A_196 = arith.constant 3 : i32
    %dma_start3A_197 = arith.constant 3 : i32
    %dma_start3A_198 = arith.constant 0 : i32
    %dma_start3A_199 = arith.constant 0 : i32
    %dma_start3A_200 = tpu.memref_slice %arg9[%dma_start3A_197, %dma_start3A_198, %dma_start3A_199] : memref<4x64x128xf32, #tpu.memory_space<vmem>> -> memref<1x64x128xf32, #tpu.memory_space<vmem>>
    %dma_start3A_201 = tpu.memref_squeeze %dma_start3A_200 : memref<1x64x128xf32, #tpu.memory_space<vmem>> -> memref<64x128xf32, #tpu.memory_space<vmem>>
    %dma_start3A_202 = arith.constant 0 : i32
    %dma_start3A_203 = tpu.memref_slice %arg7[%dma_start3A_196, %dma_start3A_202] : memref<40x64xi32, #tpu.memory_space<vmem>> -> memref<1x64xi32, #tpu.memory_space<vmem>>
    %dma_start3A_204 = tpu.memref_squeeze %dma_start3A_203 : memref<1x64xi32, #tpu.memory_space<vmem>> -> memref<64xi32, #tpu.memory_space<vmem>>
    %dma_start3A_205 = arith.constant 0 : i32
    %dma_start3A_206 = arith.constant 0 : i32
    %dma_start3A_207 = tpu.memref_slice %arg2[%dma_start3A_205, %dma_start3A_206] : memref<10240x128xf32, #tpu.memory_space<hbm>> -> memref<10240x128xf32, #tpu.memory_space<hbm>>
    tpu.enqueue_indirect_dma source(%dma_start3A_207 : memref<10240x128xf32, #tpu.memory_space<hbm>>) target(%dma_start3A_201 : memref<64x128xf32, #tpu.memory_space<vmem>>) offsets(%dma_start3A_204 : memref<64xi32, #tpu.memory_space<vmem>>) semaphore(%arg14 : memref<!tpu.dma_semaphore, #tpu.memory_space<semaphore_mem>>)
    %scan3A_208 = arith.constant 0 : i32
    %scan3A_209 = arith.constant 10 : i32
    %scan3A_210 = arith.addi %scan3A_208, %scan3A_209 : i32
    %scan3A_211 = arith.constant 1 : i32
    scf.for %scan3A_214 = %scan3A_208 to %scan3A_210 step %scan3A_211  : i32 {
      %mul3A_215 = arith.constant 4 : i32
      %mul3A_216 = arith.muli %scan3A_214, %mul3A_215 : i32
      %add3A_217 = arith.constant 0 : i32
      %add3A_218 = arith.addi %add3A_217, %mul3A_216 : i32
      %add3A_219 = arith.constant 0 : i32
      %add3A_220 = arith.addi %add3A_218, %add3A_219 : i32
      %dma_wait3A = arith.constant 0 : i32
      %dma_wait3A_221 = arith.constant 0 : i32
      %dma_wait3A_222 = arith.constant 0 : i32
      %dma_wait3A_223 = tpu.memref_slice %arg9[%dma_wait3A, %dma_wait3A_221, %dma_wait3A_222] : memref<4x64x128xf32, #tpu.memory_space<vmem>> -> memref<1x64x128xf32, #tpu.memory_space<vmem>>
      %dma_wait3A_224 = tpu.memref_squeeze %dma_wait3A_223 : memref<1x64x128xf32, #tpu.memory_space<vmem>> -> memref<64x128xf32, #tpu.memory_space<vmem>>
      %dma_wait3A_225 = arith.constant 0 : i32
      %dma_wait3A_226 = tpu.memref_slice %arg7[%add3A_220, %dma_wait3A_225] : memref<40x64xi32, #tpu.memory_space<vmem>> -> memref<1x64xi32, #tpu.memory_space<vmem>>
      %dma_wait3A_227 = tpu.memref_squeeze %dma_wait3A_226 : memref<1x64xi32, #tpu.memory_space<vmem>> -> memref<64xi32, #tpu.memory_space<vmem>>
      %dma_wait3A_228 = arith.constant 0 : i32
      %dma_wait3A_229 = arith.constant 0 : i32
      %dma_wait3A_230 = tpu.memref_slice %arg2[%dma_wait3A_228, %dma_wait3A_229] : memref<10240x128xf32, #tpu.memory_space<hbm>> -> memref<10240x128xf32, #tpu.memory_space<hbm>>
      tpu.wait_indirect_dma semaphore(%arg11 : memref<!tpu.dma_semaphore, #tpu.memory_space<semaphore_mem>>) src(%dma_wait3A_230 : memref<10240x128xf32, #tpu.memory_space<hbm>>) dst(%dma_wait3A_224 : memref<64x128xf32, #tpu.memory_space<vmem>>)
      %run_scoped3A = arith.constant 0 : i32
      "tpu.region"() ({
        %run_scoped3A_298 = tpu.sem_alloc : memref<!tpu.dma_semaphore, #tpu.memory_space<semaphore_mem>>
        %dma_start3A_299 = arith.constant 0 : i32
        %dma_start3A_300 = arith.constant 0 : i32
        %dma_start3A_301 = tpu.memref_slice %arg9[%run_scoped3A, %dma_start3A_299, %dma_start3A_300] : memref<4x64x128xf32, #tpu.memory_space<vmem>> -> memref<1x64x128xf32, #tpu.memory_space<vmem>>
        %dma_start3A_302 = tpu.memref_squeeze %dma_start3A_301 : memref<1x64x128xf32, #tpu.memory_space<vmem>> -> memref<64x128xf32, #tpu.memory_space<vmem>>
        %dma_start3A_303 = arith.constant 0 : i32
        %dma_start3A_304 = tpu.memref_slice %arg8[%add3A_220, %dma_start3A_303] : memref<40x64xi32, #tpu.memory_space<vmem>> -> memref<1x64xi32, #tpu.memory_space<vmem>>
        %dma_start3A_305 = tpu.memref_squeeze %dma_start3A_304 : memref<1x64xi32, #tpu.memory_space<vmem>> -> memref<64xi32, #tpu.memory_space<vmem>>
        %dma_start3A_306 = arith.constant 0 : i32
        %dma_start3A_307 = arith.constant 0 : i32
        %dma_start3A_308 = tpu.memref_slice %arg10[%dma_start3A_306, %dma_start3A_307] : memref<10240x128xf32, #tpu.memory_space<vmem_shared>> -> memref<10240x128xf32, #tpu.memory_space<vmem_shared>>
        tpu.enqueue_indirect_dma source(%dma_start3A_302 : memref<64x128xf32, #tpu.memory_space<vmem>>) target(%dma_start3A_308 : memref<10240x128xf32, #tpu.memory_space<vmem_shared>>) offsets(%dma_start3A_305 : memref<64xi32, #tpu.memory_space<vmem>>) semaphore(%run_scoped3A_298 : memref<!tpu.dma_semaphore, #tpu.memory_space<semaphore_mem>>) {add = true}
        %dma_wait3A_309 = arith.constant 0 : i32
        %dma_wait3A_310 = arith.constant 0 : i32
        %dma_wait3A_311 = tpu.memref_slice %arg9[%run_scoped3A, %dma_wait3A_309, %dma_wait3A_310] : memref<4x64x128xf32, #tpu.memory_space<vmem>> -> memref<1x64x128xf32, #tpu.memory_space<vmem>>
        %dma_wait3A_312 = tpu.memref_squeeze %dma_wait3A_311 : memref<1x64x128xf32, #tpu.memory_space<vmem>> -> memref<64x128xf32, #tpu.memory_space<vmem>>
        %dma_wait3A_313 = arith.constant 0 : i32
        %dma_wait3A_314 = tpu.memref_slice %arg8[%add3A_220, %dma_wait3A_313] : memref<40x64xi32, #tpu.memory_space<vmem>> -> memref<1x64xi32, #tpu.memory_space<vmem>>
        %dma_wait3A_315 = tpu.memref_squeeze %dma_wait3A_314 : memref<1x64xi32, #tpu.memory_space<vmem>> -> memref<64xi32, #tpu.memory_space<vmem>>
        %dma_wait3A_316 = arith.constant 0 : i32
        %dma_wait3A_317 = arith.constant 0 : i32
        %dma_wait3A_318 = tpu.memref_slice %arg10[%dma_wait3A_316, %dma_wait3A_317] : memref<10240x128xf32, #tpu.memory_space<vmem_shared>> -> memref<10240x128xf32, #tpu.memory_space<vmem_shared>>
        tpu.wait_indirect_dma semaphore(%run_scoped3A_298 : memref<!tpu.dma_semaphore, #tpu.memory_space<semaphore_mem>>) src(%dma_wait3A_312 : memref<64x128xf32, #tpu.memory_space<vmem>>) dst(%dma_wait3A_318 : memref<10240x128xf32, #tpu.memory_space<vmem_shared>>)
        tpu.yield
      }) : () -> ()
      %add3A_231 = arith.constant 4 : i32
      %add3A_232 = arith.addi %add3A_220, %add3A_231 : i32
      %lt3A = arith.constant 40 : i32
      %lt3A_233 = arith.cmpi slt, %add3A_232, %lt3A : i32
      %convert_element_type3A = arith.extui %lt3A_233 : i1 to i32
      %cond3A = arith.constant 0 : i32
      %cond3A_234 = arith.cmpi ne, %convert_element_type3A, %cond3A : i32
      scf.if %cond3A_234 {
        %dma_start3A_298 = arith.constant 0 : i32
        %dma_start3A_299 = arith.constant 0 : i32
        %dma_start3A_300 = arith.constant 0 : i32
        %dma_start3A_301 = tpu.memref_slice %arg9[%dma_start3A_298, %dma_start3A_299, %dma_start3A_300] : memref<4x64x128xf32, #tpu.memory_space<vmem>> -> memref<1x64x128xf32, #tpu.memory_space<vmem>>
        %dma_start3A_302 = tpu.memref_squeeze %dma_start3A_301 : memref<1x64x128xf32, #tpu.memory_space<vmem>> -> memref<64x128xf32, #tpu.memory_space<vmem>>
        %dma_start3A_303 = arith.constant 0 : i32
        %dma_start3A_304 = tpu.memref_slice %arg7[%add3A_232, %dma_start3A_303] : memref<40x64xi32, #tpu.memory_space<vmem>> -> memref<1x64xi32, #tpu.memory_space<vmem>>
        %dma_start3A_305 = tpu.memref_squeeze %dma_start3A_304 : memref<1x64xi32, #tpu.memory_space<vmem>> -> memref<64xi32, #tpu.memory_space<vmem>>
        %dma_start3A_306 = arith.constant 0 : i32
        %dma_start3A_307 = arith.constant 0 : i32
        %dma_start3A_308 = tpu.memref_slice %arg2[%dma_start3A_306, %dma_start3A_307] : memref<10240x128xf32, #tpu.memory_space<hbm>> -> memref<10240x128xf32, #tpu.memory_space<hbm>>
        tpu.enqueue_indirect_dma source(%dma_start3A_308 : memref<10240x128xf32, #tpu.memory_space<hbm>>) target(%dma_start3A_302 : memref<64x128xf32, #tpu.memory_space<vmem>>) offsets(%dma_start3A_305 : memref<64xi32, #tpu.memory_space<vmem>>) semaphore(%arg11 : memref<!tpu.dma_semaphore, #tpu.memory_space<semaphore_mem>>)
      } else {
      }
      %add3A_235 = arith.constant 1 : i32
      %add3A_236 = arith.addi %add3A_218, %add3A_235 : i32
      %dma_wait3A_237 = arith.constant 1 : i32
      %dma_wait3A_238 = arith.constant 0 : i32
      %dma_wait3A_239 = arith.constant 0 : i32
      %dma_wait3A_240 = tpu.memref_slice %arg9[%dma_wait3A_237, %dma_wait3A_238, %dma_wait3A_239] : memref<4x64x128xf32, #tpu.memory_space<vmem>> -> memref<1x64x128xf32, #tpu.memory_space<vmem>>
      %dma_wait3A_241 = tpu.memref_squeeze %dma_wait3A_240 : memref<1x64x128xf32, #tpu.memory_space<vmem>> -> memref<64x128xf32, #tpu.memory_space<vmem>>
      %dma_wait3A_242 = arith.constant 0 : i32
      %dma_wait3A_243 = tpu.memref_slice %arg7[%add3A_236, %dma_wait3A_242] : memref<40x64xi32, #tpu.memory_space<vmem>> -> memref<1x64xi32, #tpu.memory_space<vmem>>
      %dma_wait3A_244 = tpu.memref_squeeze %dma_wait3A_243 : memref<1x64xi32, #tpu.memory_space<vmem>> -> memref<64xi32, #tpu.memory_space<vmem>>
      %dma_wait3A_245 = arith.constant 0 : i32
      %dma_wait3A_246 = arith.constant 0 : i32
      %dma_wait3A_247 = tpu.memref_slice %arg2[%dma_wait3A_245, %dma_wait3A_246] : memref<10240x128xf32, #tpu.memory_space<hbm>> -> memref<10240x128xf32, #tpu.memory_space<hbm>>
      tpu.wait_indirect_dma semaphore(%arg12 : memref<!tpu.dma_semaphore, #tpu.memory_space<semaphore_mem>>) src(%dma_wait3A_247 : memref<10240x128xf32, #tpu.memory_space<hbm>>) dst(%dma_wait3A_241 : memref<64x128xf32, #tpu.memory_space<vmem>>)
      %run_scoped3A_248 = arith.constant 1 : i32
      "tpu.region"() ({
        %run_scoped3A_298 = tpu.sem_alloc : memref<!tpu.dma_semaphore, #tpu.memory_space<semaphore_mem>>
        %dma_start3A_299 = arith.constant 0 : i32
        %dma_start3A_300 = arith.constant 0 : i32
        %dma_start3A_301 = tpu.memref_slice %arg9[%run_scoped3A_248, %dma_start3A_299, %dma_start3A_300] : memref<4x64x128xf32, #tpu.memory_space<vmem>> -> memref<1x64x128xf32, #tpu.memory_space<vmem>>
        %dma_start3A_302 = tpu.memref_squeeze %dma_start3A_301 : memref<1x64x128xf32, #tpu.memory_space<vmem>> -> memref<64x128xf32, #tpu.memory_space<vmem>>
        %dma_start3A_303 = arith.constant 0 : i32
        %dma_start3A_304 = tpu.memref_slice %arg8[%add3A_236, %dma_start3A_303] : memref<40x64xi32, #tpu.memory_space<vmem>> -> memref<1x64xi32, #tpu.memory_space<vmem>>
        %dma_start3A_305 = tpu.memref_squeeze %dma_start3A_304 : memref<1x64xi32, #tpu.memory_space<vmem>> -> memref<64xi32, #tpu.memory_space<vmem>>
        %dma_start3A_306 = arith.constant 0 : i32
        %dma_start3A_307 = arith.constant 0 : i32
        %dma_start3A_308 = tpu.memref_slice %arg10[%dma_start3A_306, %dma_start3A_307] : memref<10240x128xf32, #tpu.memory_space<vmem_shared>> -> memref<10240x128xf32, #tpu.memory_space<vmem_shared>>
        tpu.enqueue_indirect_dma source(%dma_start3A_302 : memref<64x128xf32, #tpu.memory_space<vmem>>) target(%dma_start3A_308 : memref<10240x128xf32, #tpu.memory_space<vmem_shared>>) offsets(%dma_start3A_305 : memref<64xi32, #tpu.memory_space<vmem>>) semaphore(%run_scoped3A_298 : memref<!tpu.dma_semaphore, #tpu.memory_space<semaphore_mem>>) {add = true}
        %dma_wait3A_309 = arith.constant 0 : i32
        %dma_wait3A_310 = arith.constant 0 : i32
        %dma_wait3A_311 = tpu.memref_slice %arg9[%run_scoped3A_248, %dma_wait3A_309, %dma_wait3A_310] : memref<4x64x128xf32, #tpu.memory_space<vmem>> -> memref<1x64x128xf32, #tpu.memory_space<vmem>>
        %dma_wait3A_312 = tpu.memref_squeeze %dma_wait3A_311 : memref<1x64x128xf32, #tpu.memory_space<vmem>> -> memref<64x128xf32, #tpu.memory_space<vmem>>
        %dma_wait3A_313 = arith.constant 0 : i32
        %dma_wait3A_314 = tpu.memref_slice %arg8[%add3A_236, %dma_wait3A_313] : memref<40x64xi32, #tpu.memory_space<vmem>> -> memref<1x64xi32, #tpu.memory_space<vmem>>
        %dma_wait3A_315 = tpu.memref_squeeze %dma_wait3A_314 : memref<1x64xi32, #tpu.memory_space<vmem>> -> memref<64xi32, #tpu.memory_space<vmem>>
        %dma_wait3A_316 = arith.constant 0 : i32
        %dma_wait3A_317 = arith.constant 0 : i32
        %dma_wait3A_318 = tpu.memref_slice %arg10[%dma_wait3A_316, %dma_wait3A_317] : memref<10240x128xf32, #tpu.memory_space<vmem_shared>> -> memref<10240x128xf32, #tpu.memory_space<vmem_shared>>
        tpu.wait_indirect_dma semaphore(%run_scoped3A_298 : memref<!tpu.dma_semaphore, #tpu.memory_space<semaphore_mem>>) src(%dma_wait3A_312 : memref<64x128xf32, #tpu.memory_space<vmem>>) dst(%dma_wait3A_318 : memref<10240x128xf32, #tpu.memory_space<vmem_shared>>)
        tpu.yield
      }) : () -> ()
      %add3A_249 = arith.constant 4 : i32
      %add3A_250 = arith.addi %add3A_236, %add3A_249 : i32
      %lt3A_251 = arith.constant 40 : i32
      %lt3A_252 = arith.cmpi slt, %add3A_250, %lt3A_251 : i32
      %convert_element_type3A_253 = arith.extui %lt3A_252 : i1 to i32
      %cond3A_254 = arith.constant 0 : i32
      %cond3A_255 = arith.cmpi ne, %convert_element_type3A_253, %cond3A_254 : i32
      scf.if %cond3A_255 {
        %dma_start3A_298 = arith.constant 1 : i32
        %dma_start3A_299 = arith.constant 0 : i32
        %dma_start3A_300 = arith.constant 0 : i32
        %dma_start3A_301 = tpu.memref_slice %arg9[%dma_start3A_298, %dma_start3A_299, %dma_start3A_300] : memref<4x64x128xf32, #tpu.memory_space<vmem>> -> memref<1x64x128xf32, #tpu.memory_space<vmem>>
        %dma_start3A_302 = tpu.memref_squeeze %dma_start3A_301 : memref<1x64x128xf32, #tpu.memory_space<vmem>> -> memref<64x128xf32, #tpu.memory_space<vmem>>
        %dma_start3A_303 = arith.constant 0 : i32
        %dma_start3A_304 = tpu.memref_slice %arg7[%add3A_250, %dma_start3A_303] : memref<40x64xi32, #tpu.memory_space<vmem>> -> memref<1x64xi32, #tpu.memory_space<vmem>>
        %dma_start3A_305 = tpu.memref_squeeze %dma_start3A_304 : memref<1x64xi32, #tpu.memory_space<vmem>> -> memref<64xi32, #tpu.memory_space<vmem>>
        %dma_start3A_306 = arith.constant 0 : i32
        %dma_start3A_307 = arith.constant 0 : i32
        %dma_start3A_308 = tpu.memref_slice %arg2[%dma_start3A_306, %dma_start3A_307] : memref<10240x128xf32, #tpu.memory_space<hbm>> -> memref<10240x128xf32, #tpu.memory_space<hbm>>
        tpu.enqueue_indirect_dma source(%dma_start3A_308 : memref<10240x128xf32, #tpu.memory_space<hbm>>) target(%dma_start3A_302 : memref<64x128xf32, #tpu.memory_space<vmem>>) offsets(%dma_start3A_305 : memref<64xi32, #tpu.memory_space<vmem>>) semaphore(%arg12 : memref<!tpu.dma_semaphore, #tpu.memory_space<semaphore_mem>>)
      } else {
      }
      %add3A_256 = arith.constant 2 : i32
      %add3A_257 = arith.addi %add3A_218, %add3A_256 : i32
      %dma_wait3A_258 = arith.constant 2 : i32
      %dma_wait3A_259 = arith.constant 0 : i32
      %dma_wait3A_260 = arith.constant 0 : i32
      %dma_wait3A_261 = tpu.memref_slice %arg9[%dma_wait3A_258, %dma_wait3A_259, %dma_wait3A_260] : memref<4x64x128xf32, #tpu.memory_space<vmem>> -> memref<1x64x128xf32, #tpu.memory_space<vmem>>
      %dma_wait3A_262 = tpu.memref_squeeze %dma_wait3A_261 : memref<1x64x128xf32, #tpu.memory_space<vmem>> -> memref<64x128xf32, #tpu.memory_space<vmem>>
      %dma_wait3A_263 = arith.constant 0 : i32
      %dma_wait3A_264 = tpu.memref_slice %arg7[%add3A_257, %dma_wait3A_263] : memref<40x64xi32, #tpu.memory_space<vmem>> -> memref<1x64xi32, #tpu.memory_space<vmem>>
      %dma_wait3A_265 = tpu.memref_squeeze %dma_wait3A_264 : memref<1x64xi32, #tpu.memory_space<vmem>> -> memref<64xi32, #tpu.memory_space<vmem>>
      %dma_wait3A_266 = arith.constant 0 : i32
      %dma_wait3A_267 = arith.constant 0 : i32
      %dma_wait3A_268 = tpu.memref_slice %arg2[%dma_wait3A_266, %dma_wait3A_267] : memref<10240x128xf32, #tpu.memory_space<hbm>> -> memref<10240x128xf32, #tpu.memory_space<hbm>>
      tpu.wait_indirect_dma semaphore(%arg13 : memref<!tpu.dma_semaphore, #tpu.memory_space<semaphore_mem>>) src(%dma_wait3A_268 : memref<10240x128xf32, #tpu.memory_space<hbm>>) dst(%dma_wait3A_262 : memref<64x128xf32, #tpu.memory_space<vmem>>)
      %run_scoped3A_269 = arith.constant 2 : i32
      "tpu.region"() ({
        %run_scoped3A_298 = tpu.sem_alloc : memref<!tpu.dma_semaphore, #tpu.memory_space<semaphore_mem>>
        %dma_start3A_299 = arith.constant 0 : i32
        %dma_start3A_300 = arith.constant 0 : i32
        %dma_start3A_301 = tpu.memref_slice %arg9[%run_scoped3A_269, %dma_start3A_299, %dma_start3A_300] : memref<4x64x128xf32, #tpu.memory_space<vmem>> -> memref<1x64x128xf32, #tpu.memory_space<vmem>>
        %dma_start3A_302 = tpu.memref_squeeze %dma_start3A_301 : memref<1x64x128xf32, #tpu.memory_space<vmem>> -> memref<64x128xf32, #tpu.memory_space<vmem>>
        %dma_start3A_303 = arith.constant 0 : i32
        %dma_start3A_304 = tpu.memref_slice %arg8[%add3A_257, %dma_start3A_303] : memref<40x64xi32, #tpu.memory_space<vmem>> -> memref<1x64xi32, #tpu.memory_space<vmem>>
        %dma_start3A_305 = tpu.memref_squeeze %dma_start3A_304 : memref<1x64xi32, #tpu.memory_space<vmem>> -> memref<64xi32, #tpu.memory_space<vmem>>
        %dma_start3A_306 = arith.constant 0 : i32
        %dma_start3A_307 = arith.constant 0 : i32
        %dma_start3A_308 = tpu.memref_slice %arg10[%dma_start3A_306, %dma_start3A_307] : memref<10240x128xf32, #tpu.memory_space<vmem_shared>> -> memref<10240x128xf32, #tpu.memory_space<vmem_shared>>
        tpu.enqueue_indirect_dma source(%dma_start3A_302 : memref<64x128xf32, #tpu.memory_space<vmem>>) target(%dma_start3A_308 : memref<10240x128xf32, #tpu.memory_space<vmem_shared>>) offsets(%dma_start3A_305 : memref<64xi32, #tpu.memory_space<vmem>>) semaphore(%run_scoped3A_298 : memref<!tpu.dma_semaphore, #tpu.memory_space<semaphore_mem>>) {add = true}
        %dma_wait3A_309 = arith.constant 0 : i32
        %dma_wait3A_310 = arith.constant 0 : i32
        %dma_wait3A_311 = tpu.memref_slice %arg9[%run_scoped3A_269, %dma_wait3A_309, %dma_wait3A_310] : memref<4x64x128xf32, #tpu.memory_space<vmem>> -> memref<1x64x128xf32, #tpu.memory_space<vmem>>
        %dma_wait3A_312 = tpu.memref_squeeze %dma_wait3A_311 : memref<1x64x128xf32, #tpu.memory_space<vmem>> -> memref<64x128xf32, #tpu.memory_space<vmem>>
        %dma_wait3A_313 = arith.constant 0 : i32
        %dma_wait3A_314 = tpu.memref_slice %arg8[%add3A_257, %dma_wait3A_313] : memref<40x64xi32, #tpu.memory_space<vmem>> -> memref<1x64xi32, #tpu.memory_space<vmem>>
        %dma_wait3A_315 = tpu.memref_squeeze %dma_wait3A_314 : memref<1x64xi32, #tpu.memory_space<vmem>> -> memref<64xi32, #tpu.memory_space<vmem>>
        %dma_wait3A_316 = arith.constant 0 : i32
        %dma_wait3A_317 = arith.constant 0 : i32
        %dma_wait3A_318 = tpu.memref_slice %arg10[%dma_wait3A_316, %dma_wait3A_317] : memref<10240x128xf32, #tpu.memory_space<vmem_shared>> -> memref<10240x128xf32, #tpu.memory_space<vmem_shared>>
        tpu.wait_indirect_dma semaphore(%run_scoped3A_298 : memref<!tpu.dma_semaphore, #tpu.memory_space<semaphore_mem>>) src(%dma_wait3A_312 : memref<64x128xf32, #tpu.memory_space<vmem>>) dst(%dma_wait3A_318 : memref<10240x128xf32, #tpu.memory_space<vmem_shared>>)
        tpu.yield
      }) : () -> ()
      %add3A_270 = arith.constant 4 : i32
      %add3A_271 = arith.addi %add3A_257, %add3A_270 : i32
      %lt3A_272 = arith.constant 40 : i32
      %lt3A_273 = arith.cmpi slt, %add3A_271, %lt3A_272 : i32
      %convert_element_type3A_274 = arith.extui %lt3A_273 : i1 to i32
      %cond3A_275 = arith.constant 0 : i32
      %cond3A_276 = arith.cmpi ne, %convert_element_type3A_274, %cond3A_275 : i32
      scf.if %cond3A_276 {
        %dma_start3A_298 = arith.constant 2 : i32
        %dma_start3A_299 = arith.constant 0 : i32
        %dma_start3A_300 = arith.constant 0 : i32
        %dma_start3A_301 = tpu.memref_slice %arg9[%dma_start3A_298, %dma_start3A_299, %dma_start3A_300] : memref<4x64x128xf32, #tpu.memory_space<vmem>> -> memref<1x64x128xf32, #tpu.memory_space<vmem>>
        %dma_start3A_302 = tpu.memref_squeeze %dma_start3A_301 : memref<1x64x128xf32, #tpu.memory_space<vmem>> -> memref<64x128xf32, #tpu.memory_space<vmem>>
        %dma_start3A_303 = arith.constant 0 : i32
        %dma_start3A_304 = tpu.memref_slice %arg7[%add3A_271, %dma_start3A_303] : memref<40x64xi32, #tpu.memory_space<vmem>> -> memref<1x64xi32, #tpu.memory_space<vmem>>
        %dma_start3A_305 = tpu.memref_squeeze %dma_start3A_304 : memref<1x64xi32, #tpu.memory_space<vmem>> -> memref<64xi32, #tpu.memory_space<vmem>>
        %dma_start3A_306 = arith.constant 0 : i32
        %dma_start3A_307 = arith.constant 0 : i32
        %dma_start3A_308 = tpu.memref_slice %arg2[%dma_start3A_306, %dma_start3A_307] : memref<10240x128xf32, #tpu.memory_space<hbm>> -> memref<10240x128xf32, #tpu.memory_space<hbm>>
        tpu.enqueue_indirect_dma source(%dma_start3A_308 : memref<10240x128xf32, #tpu.memory_space<hbm>>) target(%dma_start3A_302 : memref<64x128xf32, #tpu.memory_space<vmem>>) offsets(%dma_start3A_305 : memref<64xi32, #tpu.memory_space<vmem>>) semaphore(%arg13 : memref<!tpu.dma_semaphore, #tpu.memory_space<semaphore_mem>>)
      } else {
      }
      %add3A_277 = arith.constant 3 : i32
      %add3A_278 = arith.addi %add3A_218, %add3A_277 : i32
      %dma_wait3A_279 = arith.constant 3 : i32
      %dma_wait3A_280 = arith.constant 0 : i32
      %dma_wait3A_281 = arith.constant 0 : i32
      %dma_wait3A_282 = tpu.memref_slice %arg9[%dma_wait3A_279, %dma_wait3A_280, %dma_wait3A_281] : memref<4x64x128xf32, #tpu.memory_space<vmem>> -> memref<1x64x128xf32, #tpu.memory_space<vmem>>
      %dma_wait3A_283 = tpu.memref_squeeze %dma_wait3A_282 : memref<1x64x128xf32, #tpu.memory_space<vmem>> -> memref<64x128xf32, #tpu.memory_space<vmem>>
      %dma_wait3A_284 = arith.constant 0 : i32
      %dma_wait3A_285 = tpu.memref_slice %arg7[%add3A_278, %dma_wait3A_284] : memref<40x64xi32, #tpu.memory_space<vmem>> -> memref<1x64xi32, #tpu.memory_space<vmem>>
      %dma_wait3A_286 = tpu.memref_squeeze %dma_wait3A_285 : memref<1x64xi32, #tpu.memory_space<vmem>> -> memref<64xi32, #tpu.memory_space<vmem>>
      %dma_wait3A_287 = arith.constant 0 : i32
      %dma_wait3A_288 = arith.constant 0 : i32
      %dma_wait3A_289 = tpu.memref_slice %arg2[%dma_wait3A_287, %dma_wait3A_288] : memref<10240x128xf32, #tpu.memory_space<hbm>> -> memref<10240x128xf32, #tpu.memory_space<hbm>>
      tpu.wait_indirect_dma semaphore(%arg14 : memref<!tpu.dma_semaphore, #tpu.memory_space<semaphore_mem>>) src(%dma_wait3A_289 : memref<10240x128xf32, #tpu.memory_space<hbm>>) dst(%dma_wait3A_283 : memref<64x128xf32, #tpu.memory_space<vmem>>)
      %run_scoped3A_290 = arith.constant 3 : i32
      "tpu.region"() ({
        %run_scoped3A_298 = tpu.sem_alloc : memref<!tpu.dma_semaphore, #tpu.memory_space<semaphore_mem>>
        %dma_start3A_299 = arith.constant 0 : i32
        %dma_start3A_300 = arith.constant 0 : i32
        %dma_start3A_301 = tpu.memref_slice %arg9[%run_scoped3A_290, %dma_start3A_299, %dma_start3A_300] : memref<4x64x128xf32, #tpu.memory_space<vmem>> -> memref<1x64x128xf32, #tpu.memory_space<vmem>>
        %dma_start3A_302 = tpu.memref_squeeze %dma_start3A_301 : memref<1x64x128xf32, #tpu.memory_space<vmem>> -> memref<64x128xf32, #tpu.memory_space<vmem>>
        %dma_start3A_303 = arith.constant 0 : i32
        %dma_start3A_304 = tpu.memref_slice %arg8[%add3A_278, %dma_start3A_303] : memref<40x64xi32, #tpu.memory_space<vmem>> -> memref<1x64xi32, #tpu.memory_space<vmem>>
        %dma_start3A_305 = tpu.memref_squeeze %dma_start3A_304 : memref<1x64xi32, #tpu.memory_space<vmem>> -> memref<64xi32, #tpu.memory_space<vmem>>
        %dma_start3A_306 = arith.constant 0 : i32
        %dma_start3A_307 = arith.constant 0 : i32
        %dma_start3A_308 = tpu.memref_slice %arg10[%dma_start3A_306, %dma_start3A_307] : memref<10240x128xf32, #tpu.memory_space<vmem_shared>> -> memref<10240x128xf32, #tpu.memory_space<vmem_shared>>
        tpu.enqueue_indirect_dma source(%dma_start3A_302 : memref<64x128xf32, #tpu.memory_space<vmem>>) target(%dma_start3A_308 : memref<10240x128xf32, #tpu.memory_space<vmem_shared>>) offsets(%dma_start3A_305 : memref<64xi32, #tpu.memory_space<vmem>>) semaphore(%run_scoped3A_298 : memref<!tpu.dma_semaphore, #tpu.memory_space<semaphore_mem>>) {add = true}
        %dma_wait3A_309 = arith.constant 0 : i32
        %dma_wait3A_310 = arith.constant 0 : i32
        %dma_wait3A_311 = tpu.memref_slice %arg9[%run_scoped3A_290, %dma_wait3A_309, %dma_wait3A_310] : memref<4x64x128xf32, #tpu.memory_space<vmem>> -> memref<1x64x128xf32, #tpu.memory_space<vmem>>
        %dma_wait3A_312 = tpu.memref_squeeze %dma_wait3A_311 : memref<1x64x128xf32, #tpu.memory_space<vmem>> -> memref<64x128xf32, #tpu.memory_space<vmem>>
        %dma_wait3A_313 = arith.constant 0 : i32
        %dma_wait3A_314 = tpu.memref_slice %arg8[%add3A_278, %dma_wait3A_313] : memref<40x64xi32, #tpu.memory_space<vmem>> -> memref<1x64xi32, #tpu.memory_space<vmem>>
        %dma_wait3A_315 = tpu.memref_squeeze %dma_wait3A_314 : memref<1x64xi32, #tpu.memory_space<vmem>> -> memref<64xi32, #tpu.memory_space<vmem>>
        %dma_wait3A_316 = arith.constant 0 : i32
        %dma_wait3A_317 = arith.constant 0 : i32
        %dma_wait3A_318 = tpu.memref_slice %arg10[%dma_wait3A_316, %dma_wait3A_317] : memref<10240x128xf32, #tpu.memory_space<vmem_shared>> -> memref<10240x128xf32, #tpu.memory_space<vmem_shared>>
        tpu.wait_indirect_dma semaphore(%run_scoped3A_298 : memref<!tpu.dma_semaphore, #tpu.memory_space<semaphore_mem>>) src(%dma_wait3A_312 : memref<64x128xf32, #tpu.memory_space<vmem>>) dst(%dma_wait3A_318 : memref<10240x128xf32, #tpu.memory_space<vmem_shared>>)
        tpu.yield
      }) : () -> ()
      %add3A_291 = arith.constant 4 : i32
      %add3A_292 = arith.addi %add3A_278, %add3A_291 : i32
      %lt3A_293 = arith.constant 40 : i32
      %lt3A_294 = arith.cmpi slt, %add3A_292, %lt3A_293 : i32
      %convert_element_type3A_295 = arith.extui %lt3A_294 : i1 to i32
      %cond3A_296 = arith.constant 0 : i32
      %cond3A_297 = arith.cmpi ne, %convert_element_type3A_295, %cond3A_296 : i32
      scf.if %cond3A_297 {
        %dma_start3A_298 = arith.constant 3 : i32
        %dma_start3A_299 = arith.constant 0 : i32
        %dma_start3A_300 = arith.constant 0 : i32
        %dma_start3A_301 = tpu.memref_slice %arg9[%dma_start3A_298, %dma_start3A_299, %dma_start3A_300] : memref<4x64x128xf32, #tpu.memory_space<vmem>> -> memref<1x64x128xf32, #tpu.memory_space<vmem>>
        %dma_start3A_302 = tpu.memref_squeeze %dma_start3A_301 : memref<1x64x128xf32, #tpu.memory_space<vmem>> -> memref<64x128xf32, #tpu.memory_space<vmem>>
        %dma_start3A_303 = arith.constant 0 : i32
        %dma_start3A_304 = tpu.memref_slice %arg7[%add3A_292, %dma_start3A_303] : memref<40x64xi32, #tpu.memory_space<vmem>> -> memref<1x64xi32, #tpu.memory_space<vmem>>
        %dma_start3A_305 = tpu.memref_squeeze %dma_start3A_304 : memref<1x64xi32, #tpu.memory_space<vmem>> -> memref<64xi32, #tpu.memory_space<vmem>>
        %dma_start3A_306 = arith.constant 0 : i32
        %dma_start3A_307 = arith.constant 0 : i32
        %dma_start3A_308 = tpu.memref_slice %arg2[%dma_start3A_306, %dma_start3A_307] : memref<10240x128xf32, #tpu.memory_space<hbm>> -> memref<10240x128xf32, #tpu.memory_space<hbm>>
        tpu.enqueue_indirect_dma source(%dma_start3A_308 : memref<10240x128xf32, #tpu.memory_space<hbm>>) target(%dma_start3A_302 : memref<64x128xf32, #tpu.memory_space<vmem>>) offsets(%dma_start3A_305 : memref<64xi32, #tpu.memory_space<vmem>>) semaphore(%arg14 : memref<!tpu.dma_semaphore, #tpu.memory_space<semaphore_mem>>)
      } else {
      }
    }
    %scan3A_212 = arith.constant 10 : i32
    %barrier3A_213 = arith.constant 0 : index
    tpu.barrier barrier_id(%barrier3A_213)
    "tpu.region"() ({
      %run_scoped3A = tpu.sem_alloc : memref<!tpu.dma_semaphore, #tpu.memory_space<semaphore_mem>>
      %dma_start3A_214 = arith.constant 0 : i32
      %dma_start3A_215 = arith.constant 0 : i32
      %dma_start3A_216 = tpu.memref_slice %arg6[%arg0, %dma_start3A_214, %dma_start3A_215] : memref<2x10240x128xf32, #tpu.memory_space<hbm>> -> memref<1x10240x128xf32, #tpu.memory_space<hbm>>
      %dma_start3A_217 = tpu.memref_squeeze %dma_start3A_216 : memref<1x10240x128xf32, #tpu.memory_space<hbm>> -> memref<10240x128xf32, #tpu.memory_space<hbm>>
      %dma_start3A_218 = arith.constant 0 : i32
      %dma_start3A_219 = tpu.memref_slice %dma_start3A_217[%mul3A_2, %dma_start3A_218] : memref<10240x128xf32, #tpu.memory_space<hbm>> -> memref<640x128xf32, #tpu.memory_space<hbm>>
      %dma_start3A_220 = arith.constant 0 : i32
      %dma_start3A_221 = tpu.memref_slice %arg10[%mul3A_2, %dma_start3A_220] : memref<10240x128xf32, #tpu.memory_space<vmem_shared>> -> memref<640x128xf32, #tpu.memory_space<vmem_shared>>
      tpu.enqueue_dma source(%dma_start3A_221 : memref<640x128xf32, #tpu.memory_space<vmem_shared>>) target(%dma_start3A_219 : memref<640x128xf32, #tpu.memory_space<hbm>>) target_semaphore(%run_scoped3A : memref<!tpu.dma_semaphore, #tpu.memory_space<semaphore_mem>>)
      %dma_wait3A = arith.constant 0 : i32
      %dma_wait3A_222 = arith.constant 0 : i32
      %dma_wait3A_223 = tpu.memref_slice %arg6[%arg0, %dma_wait3A, %dma_wait3A_222] : memref<2x10240x128xf32, #tpu.memory_space<hbm>> -> memref<1x10240x128xf32, #tpu.memory_space<hbm>>
      %dma_wait3A_224 = tpu.memref_squeeze %dma_wait3A_223 : memref<1x10240x128xf32, #tpu.memory_space<hbm>> -> memref<10240x128xf32, #tpu.memory_space<hbm>>
      %dma_wait3A_225 = arith.constant 0 : i32
      %dma_wait3A_226 = tpu.memref_slice %dma_wait3A_224[%mul3A_2, %dma_wait3A_225] : memref<10240x128xf32, #tpu.memory_space<hbm>> -> memref<640x128xf32, #tpu.memory_space<hbm>>
      %dma_wait3A_227 = arith.constant 0 : i32
      %dma_wait3A_228 = tpu.memref_slice %arg10[%mul3A_2, %dma_wait3A_227] : memref<10240x128xf32, #tpu.memory_space<vmem_shared>> -> memref<640x128xf32, #tpu.memory_space<vmem_shared>>
      tpu.wait_dma2 semaphore(%run_scoped3A : memref<!tpu.dma_semaphore, #tpu.memory_space<semaphore_mem>>) src(%dma_wait3A_228 : memref<640x128xf32, #tpu.memory_space<vmem_shared>>) dst(%dma_wait3A_226 : memref<640x128xf32, #tpu.memory_space<hbm>>)
      tpu.yield
    }) : () -> ()
    return
  }
}

#map = affine_map<(d0, d1) -> (0, 0)>
#map1 = affine_map<(d0, d1) -> (0, 0, 0)>
module attributes {stable_mosaic.version = 14 : i64} {
  func.func @agg(%arg0: i32, %arg1: i32, %arg2: memref<10240x128xf32, #tpu.memory_space<hbm>>, %arg3: memref<32x160x64xi32, #tpu.memory_space<hbm>>, %arg4: memref<32x160x64xi32, #tpu.memory_space<hbm>>, %arg5: memref<10240x128xf32, #tpu.memory_space<hbm>>, %arg6: memref<2x10240x128xf32, #tpu.memory_space<hbm>>, %arg7: memref<40x64xi32, #tpu.memory_space<vmem>>, %arg8: memref<40x64xi32, #tpu.memory_space<vmem>>, %arg9: memref<4x64x128xf32, #tpu.memory_space<vmem>>, %arg10: memref<10240x128xf32, #tpu.memory_space<vmem_shared>>, %arg11: memref<!tpu.dma_semaphore, #tpu.memory_space<semaphore_mem>>, %arg12: memref<!tpu.dma_semaphore, #tpu.memory_space<semaphore_mem>>, %arg13: memref<!tpu.dma_semaphore, #tpu.memory_space<semaphore_mem>>, %arg14: memref<!tpu.dma_semaphore, #tpu.memory_space<semaphore_mem>>) attributes {dimension_semantics = [#tpu.dimension_semantics<core_parallel>, #tpu.dimension_semantics<subcore_parallel>], iteration_bounds = array<i64: 2, 16>, scalar_prefetch = 0 : i64, scratch_operands = 8 : i64, tpu.core_type = #tpu.core_type<sc_vector_subcore>, window_params = [{transform_indices = #map}, {transform_indices = #map1}, {transform_indices = #map1}, {transform_indices = #map}, {transform_indices = #map1}]} {
    %mul3A = arith.constant 16 : i32
    %mul3A_0 = arith.muli %arg0, %mul3A : i32
    %add3A = arith.addi %mul3A_0, %arg1 : i32
    %mul3A_1 = arith.constant 640 : i32
    %mul3A_2 = arith.muli %arg1, %mul3A_1 : i32
    "tpu.region"() ({
      %run_scoped3A = tpu.sem_alloc : memref<!tpu.dma_semaphore, #tpu.memory_space<semaphore_mem>>
      %dma_start3A_214 = arith.constant 0 : i32
      %dma_start3A_215 = tpu.memref_slice %arg10[%mul3A_2, %dma_start3A_214] : memref<10240x128xf32, #tpu.memory_space<vmem_shared>> -> memref<640x128xf32, #tpu.memory_space<vmem_shared>>
      %dma_start3A_216 = arith.constant 0 : i32
      %dma_start3A_217 = tpu.memref_slice %arg5[%mul3A_2, %dma_start3A_216] : memref<10240x128xf32, #tpu.memory_space<hbm>> -> memref<640x128xf32, #tpu.memory_space<hbm>>
      tpu.enqueue_dma source(%dma_start3A_217 : memref<640x128xf32, #tpu.memory_space<hbm>>) target(%dma_start3A_215 : memref<640x128xf32, #tpu.memory_space<vmem_shared>>) target_semaphore(%run_scoped3A : memref<!tpu.dma_semaphore, #tpu.memory_space<semaphore_mem>>)
      %dma_wait3A = arith.constant 0 : i32
      %dma_wait3A_218 = tpu.memref_slice %arg10[%mul3A_2, %dma_wait3A] : memref<10240x128xf32, #tpu.memory_space<vmem_shared>> -> memref<640x128xf32, #tpu.memory_space<vmem_shared>>
      %dma_wait3A_219 = arith.constant 0 : i32
      %dma_wait3A_220 = tpu.memref_slice %arg5[%mul3A_2, %dma_wait3A_219] : memref<10240x128xf32, #tpu.memory_space<hbm>> -> memref<640x128xf32, #tpu.memory_space<hbm>>
      tpu.wait_dma2 semaphore(%run_scoped3A : memref<!tpu.dma_semaphore, #tpu.memory_space<semaphore_mem>>) src(%dma_wait3A_220 : memref<640x128xf32, #tpu.memory_space<hbm>>) dst(%dma_wait3A_218 : memref<640x128xf32, #tpu.memory_space<vmem_shared>>)
      tpu.yield
    }) : () -> ()
    %barrier3A = arith.constant 0 : index
    tpu.barrier barrier_id(%barrier3A)
    "tpu.region"() ({
      %run_scoped3A = tpu.sem_alloc : memref<!tpu.dma_semaphore, #tpu.memory_space<semaphore_mem>>
      %dma_start3A_214 = arith.constant 0 : i32
      %dma_start3A_215 = arith.constant 0 : i32
      %dma_start3A_216 = tpu.memref_slice %arg3[%add3A, %dma_start3A_214, %dma_start3A_215] : memref<32x160x64xi32, #tpu.memory_space<hbm>> -> memref<1x160x64xi32, #tpu.memory_space<hbm>>
      %dma_start3A_217 = tpu.memref_squeeze %dma_start3A_216 : memref<1x160x64xi32, #tpu.memory_space<hbm>> -> memref<160x64xi32, #tpu.memory_space<hbm>>
      %dma_start3A_218 = arith.constant 0 : i32
      %dma_start3A_219 = arith.constant 0 : i32
      %dma_start3A_220 = tpu.memref_slice %dma_start3A_217[%dma_start3A_218, %dma_start3A_219] : memref<160x64xi32, #tpu.memory_space<hbm>> -> memref<40x64xi32, #tpu.memory_space<hbm>>
      %dma_start3A_221 = arith.constant 0 : i32
      %dma_start3A_222 = arith.constant 0 : i32
      %dma_start3A_223 = tpu.memref_slice %arg3[%add3A, %dma_start3A_221, %dma_start3A_222] : memref<32x160x64xi32, #tpu.memory_space<hbm>> -> memref<1x160x64xi32, #tpu.memory_space<hbm>>
      %dma_start3A_224 = tpu.memref_squeeze %dma_start3A_223 : memref<1x160x64xi32, #tpu.memory_space<hbm>> -> memref<160x64xi32, #tpu.memory_space<hbm>>
      %dma_start3A_225 = arith.constant 0 : i32
      %dma_start3A_226 = arith.constant 0 : i32
      %dma_start3A_227 = tpu.memref_slice %dma_start3A_224[%dma_start3A_225, %dma_start3A_226] : memref<160x64xi32, #tpu.memory_space<hbm>> -> memref<40x64xi32, #tpu.memory_space<hbm>>
      tpu.enqueue_dma source(%dma_start3A_227 : memref<40x64xi32, #tpu.memory_space<hbm>>) target(%arg7 : memref<40x64xi32, #tpu.memory_space<vmem>>) target_semaphore(%run_scoped3A : memref<!tpu.dma_semaphore, #tpu.memory_space<semaphore_mem>>)
      %dma_wait3A = arith.constant 0 : i32
      %dma_wait3A_228 = arith.constant 0 : i32
      %dma_wait3A_229 = tpu.memref_slice %arg3[%add3A, %dma_wait3A, %dma_wait3A_228] : memref<32x160x64xi32, #tpu.memory_space<hbm>> -> memref<1x160x64xi32, #tpu.memory_space<hbm>>
      %dma_wait3A_230 = tpu.memref_squeeze %dma_wait3A_229 : memref<1x160x64xi32, #tpu.memory_space<hbm>> -> memref<160x64xi32, #tpu.memory_space<hbm>>
      %dma_wait3A_231 = arith.constant 0 : i32
      %dma_wait3A_232 = arith.constant 0 : i32
      %dma_wait3A_233 = tpu.memref_slice %dma_wait3A_230[%dma_wait3A_231, %dma_wait3A_232] : memref<160x64xi32, #tpu.memory_space<hbm>> -> memref<40x64xi32, #tpu.memory_space<hbm>>
      %dma_wait3A_234 = arith.constant 0 : i32
      %dma_wait3A_235 = arith.constant 0 : i32
      %dma_wait3A_236 = tpu.memref_slice %arg3[%add3A, %dma_wait3A_234, %dma_wait3A_235] : memref<32x160x64xi32, #tpu.memory_space<hbm>> -> memref<1x160x64xi32, #tpu.memory_space<hbm>>
      %dma_wait3A_237 = tpu.memref_squeeze %dma_wait3A_236 : memref<1x160x64xi32, #tpu.memory_space<hbm>> -> memref<160x64xi32, #tpu.memory_space<hbm>>
      %dma_wait3A_238 = arith.constant 0 : i32
      %dma_wait3A_239 = arith.constant 0 : i32
      %dma_wait3A_240 = tpu.memref_slice %dma_wait3A_237[%dma_wait3A_238, %dma_wait3A_239] : memref<160x64xi32, #tpu.memory_space<hbm>> -> memref<40x64xi32, #tpu.memory_space<hbm>>
      tpu.wait_dma2 semaphore(%run_scoped3A : memref<!tpu.dma_semaphore, #tpu.memory_space<semaphore_mem>>) src(%dma_wait3A_240 : memref<40x64xi32, #tpu.memory_space<hbm>>) dst(%arg7 : memref<40x64xi32, #tpu.memory_space<vmem>>)
      tpu.yield
    }) : () -> ()
    "tpu.region"() ({
      %run_scoped3A = tpu.sem_alloc : memref<!tpu.dma_semaphore, #tpu.memory_space<semaphore_mem>>
      %dma_start3A_214 = arith.constant 0 : i32
      %dma_start3A_215 = arith.constant 0 : i32
      %dma_start3A_216 = tpu.memref_slice %arg4[%add3A, %dma_start3A_214, %dma_start3A_215] : memref<32x160x64xi32, #tpu.memory_space<hbm>> -> memref<1x160x64xi32, #tpu.memory_space<hbm>>
      %dma_start3A_217 = tpu.memref_squeeze %dma_start3A_216 : memref<1x160x64xi32, #tpu.memory_space<hbm>> -> memref<160x64xi32, #tpu.memory_space<hbm>>
      %dma_start3A_218 = arith.constant 0 : i32
      %dma_start3A_219 = arith.constant 0 : i32
      %dma_start3A_220 = tpu.memref_slice %dma_start3A_217[%dma_start3A_218, %dma_start3A_219] : memref<160x64xi32, #tpu.memory_space<hbm>> -> memref<40x64xi32, #tpu.memory_space<hbm>>
      %dma_start3A_221 = arith.constant 0 : i32
      %dma_start3A_222 = arith.constant 0 : i32
      %dma_start3A_223 = tpu.memref_slice %arg4[%add3A, %dma_start3A_221, %dma_start3A_222] : memref<32x160x64xi32, #tpu.memory_space<hbm>> -> memref<1x160x64xi32, #tpu.memory_space<hbm>>
      %dma_start3A_224 = tpu.memref_squeeze %dma_start3A_223 : memref<1x160x64xi32, #tpu.memory_space<hbm>> -> memref<160x64xi32, #tpu.memory_space<hbm>>
      %dma_start3A_225 = arith.constant 0 : i32
      %dma_start3A_226 = arith.constant 0 : i32
      %dma_start3A_227 = tpu.memref_slice %dma_start3A_224[%dma_start3A_225, %dma_start3A_226] : memref<160x64xi32, #tpu.memory_space<hbm>> -> memref<40x64xi32, #tpu.memory_space<hbm>>
      tpu.enqueue_dma source(%dma_start3A_227 : memref<40x64xi32, #tpu.memory_space<hbm>>) target(%arg8 : memref<40x64xi32, #tpu.memory_space<vmem>>) target_semaphore(%run_scoped3A : memref<!tpu.dma_semaphore, #tpu.memory_space<semaphore_mem>>)
      %dma_wait3A = arith.constant 0 : i32
      %dma_wait3A_228 = arith.constant 0 : i32
      %dma_wait3A_229 = tpu.memref_slice %arg4[%add3A, %dma_wait3A, %dma_wait3A_228] : memref<32x160x64xi32, #tpu.memory_space<hbm>> -> memref<1x160x64xi32, #tpu.memory_space<hbm>>
      %dma_wait3A_230 = tpu.memref_squeeze %dma_wait3A_229 : memref<1x160x64xi32, #tpu.memory_space<hbm>> -> memref<160x64xi32, #tpu.memory_space<hbm>>
      %dma_wait3A_231 = arith.constant 0 : i32
      %dma_wait3A_232 = arith.constant 0 : i32
      %dma_wait3A_233 = tpu.memref_slice %dma_wait3A_230[%dma_wait3A_231, %dma_wait3A_232] : memref<160x64xi32, #tpu.memory_space<hbm>> -> memref<40x64xi32, #tpu.memory_space<hbm>>
      %dma_wait3A_234 = arith.constant 0 : i32
      %dma_wait3A_235 = arith.constant 0 : i32
      %dma_wait3A_236 = tpu.memref_slice %arg4[%add3A, %dma_wait3A_234, %dma_wait3A_235] : memref<32x160x64xi32, #tpu.memory_space<hbm>> -> memref<1x160x64xi32, #tpu.memory_space<hbm>>
      %dma_wait3A_237 = tpu.memref_squeeze %dma_wait3A_236 : memref<1x160x64xi32, #tpu.memory_space<hbm>> -> memref<160x64xi32, #tpu.memory_space<hbm>>
      %dma_wait3A_238 = arith.constant 0 : i32
      %dma_wait3A_239 = arith.constant 0 : i32
      %dma_wait3A_240 = tpu.memref_slice %dma_wait3A_237[%dma_wait3A_238, %dma_wait3A_239] : memref<160x64xi32, #tpu.memory_space<hbm>> -> memref<40x64xi32, #tpu.memory_space<hbm>>
      tpu.wait_dma2 semaphore(%run_scoped3A : memref<!tpu.dma_semaphore, #tpu.memory_space<semaphore_mem>>) src(%dma_wait3A_240 : memref<40x64xi32, #tpu.memory_space<hbm>>) dst(%arg8 : memref<40x64xi32, #tpu.memory_space<vmem>>)
      tpu.yield
    }) : () -> ()
    %dma_start3A = arith.constant 0 : i32
    %dma_start3A_3 = arith.constant 0 : i32
    %dma_start3A_4 = arith.constant 0 : i32
    %dma_start3A_5 = arith.constant 0 : i32
    %dma_start3A_6 = tpu.memref_slice %arg9[%dma_start3A_3, %dma_start3A_4, %dma_start3A_5] : memref<4x64x128xf32, #tpu.memory_space<vmem>> -> memref<1x64x128xf32, #tpu.memory_space<vmem>>
    %dma_start3A_7 = tpu.memref_squeeze %dma_start3A_6 : memref<1x64x128xf32, #tpu.memory_space<vmem>> -> memref<64x128xf32, #tpu.memory_space<vmem>>
    %dma_start3A_8 = arith.constant 0 : i32
    %dma_start3A_9 = tpu.memref_slice %arg7[%dma_start3A, %dma_start3A_8] : memref<40x64xi32, #tpu.memory_space<vmem>> -> memref<1x64xi32, #tpu.memory_space<vmem>>
    %dma_start3A_10 = tpu.memref_squeeze %dma_start3A_9 : memref<1x64xi32, #tpu.memory_space<vmem>> -> memref<64xi32, #tpu.memory_space<vmem>>
    %dma_start3A_11 = arith.constant 0 : i32
    %dma_start3A_12 = arith.constant 0 : i32
    %dma_start3A_13 = tpu.memref_slice %arg2[%dma_start3A_11, %dma_start3A_12] : memref<10240x128xf32, #tpu.memory_space<hbm>> -> memref<10240x128xf32, #tpu.memory_space<hbm>>
    tpu.enqueue_indirect_dma source(%dma_start3A_13 : memref<10240x128xf32, #tpu.memory_space<hbm>>) target(%dma_start3A_7 : memref<64x128xf32, #tpu.memory_space<vmem>>) offsets(%dma_start3A_10 : memref<64xi32, #tpu.memory_space<vmem>>) semaphore(%arg11 : memref<!tpu.dma_semaphore, #tpu.memory_space<semaphore_mem>>)
    %dma_start3A_14 = arith.constant 1 : i32
    %dma_start3A_15 = arith.constant 1 : i32
    %dma_start3A_16 = arith.constant 0 : i32
    %dma_start3A_17 = arith.constant 0 : i32
    %dma_start3A_18 = tpu.memref_slice %arg9[%dma_start3A_15, %dma_start3A_16, %dma_start3A_17] : memref<4x64x128xf32, #tpu.memory_space<vmem>> -> memref<1x64x128xf32, #tpu.memory_space<vmem>>
    %dma_start3A_19 = tpu.memref_squeeze %dma_start3A_18 : memref<1x64x128xf32, #tpu.memory_space<vmem>> -> memref<64x128xf32, #tpu.memory_space<vmem>>
    %dma_start3A_20 = arith.constant 0 : i32
    %dma_start3A_21 = tpu.memref_slice %arg7[%dma_start3A_14, %dma_start3A_20] : memref<40x64xi32, #tpu.memory_space<vmem>> -> memref<1x64xi32, #tpu.memory_space<vmem>>
    %dma_start3A_22 = tpu.memref_squeeze %dma_start3A_21 : memref<1x64xi32, #tpu.memory_space<vmem>> -> memref<64xi32, #tpu.memory_space<vmem>>
    %dma_start3A_23 = arith.constant 0 : i32
    %dma_start3A_24 = arith.constant 0 : i32
    %dma_start3A_25 = tpu.memref_slice %arg2[%dma_start3A_23, %dma_start3A_24] : memref<10240x128xf32, #tpu.memory_space<hbm>> -> memref<10240x128xf32, #tpu.memory_space<hbm>>
    tpu.enqueue_indirect_dma source(%dma_start3A_25 : memref<10240x128xf32, #tpu.memory_space<hbm>>) target(%dma_start3A_19 : memref<64x128xf32, #tpu.memory_space<vmem>>) offsets(%dma_start3A_22 : memref<64xi32, #tpu.memory_space<vmem>>) semaphore(%arg12 : memref<!tpu.dma_semaphore, #tpu.memory_space<semaphore_mem>>)
    %dma_start3A_26 = arith.constant 2 : i32
    %dma_start3A_27 = arith.constant 2 : i32
    %dma_start3A_28 = arith.constant 0 : i32
    %dma_start3A_29 = arith.constant 0 : i32
    %dma_start3A_30 = tpu.memref_slice %arg9[%dma_start3A_27, %dma_start3A_28, %dma_start3A_29] : memref<4x64x128xf32, #tpu.memory_space<vmem>> -> memref<1x64x128xf32, #tpu.memory_space<vmem>>
    %dma_start3A_31 = tpu.memref_squeeze %dma_start3A_30 : memref<1x64x128xf32, #tpu.memory_space<vmem>> -> memref<64x128xf32, #tpu.memory_space<vmem>>
    %dma_start3A_32 = arith.constant 0 : i32
    %dma_start3A_33 = tpu.memref_slice %arg7[%dma_start3A_26, %dma_start3A_32] : memref<40x64xi32, #tpu.memory_space<vmem>> -> memref<1x64xi32, #tpu.memory_space<vmem>>
    %dma_start3A_34 = tpu.memref_squeeze %dma_start3A_33 : memref<1x64xi32, #tpu.memory_space<vmem>> -> memref<64xi32, #tpu.memory_space<vmem>>
    %dma_start3A_35 = arith.constant 0 : i32
    %dma_start3A_36 = arith.constant 0 : i32
    %dma_start3A_37 = tpu.memref_slice %arg2[%dma_start3A_35, %dma_start3A_36] : memref<10240x128xf32, #tpu.memory_space<hbm>> -> memref<10240x128xf32, #tpu.memory_space<hbm>>
    tpu.enqueue_indirect_dma source(%dma_start3A_37 : memref<10240x128xf32, #tpu.memory_space<hbm>>) target(%dma_start3A_31 : memref<64x128xf32, #tpu.memory_space<vmem>>) offsets(%dma_start3A_34 : memref<64xi32, #tpu.memory_space<vmem>>) semaphore(%arg13 : memref<!tpu.dma_semaphore, #tpu.memory_space<semaphore_mem>>)
    %dma_start3A_38 = arith.constant 3 : i32
    %dma_start3A_39 = arith.constant 3 : i32
    %dma_start3A_40 = arith.constant 0 : i32
    %dma_start3A_41 = arith.constant 0 : i32
    %dma_start3A_42 = tpu.memref_slice %arg9[%dma_start3A_39, %dma_start3A_40, %dma_start3A_41] : memref<4x64x128xf32, #tpu.memory_space<vmem>> -> memref<1x64x128xf32, #tpu.memory_space<vmem>>
    %dma_start3A_43 = tpu.memref_squeeze %dma_start3A_42 : memref<1x64x128xf32, #tpu.memory_space<vmem>> -> memref<64x128xf32, #tpu.memory_space<vmem>>
    %dma_start3A_44 = arith.constant 0 : i32
    %dma_start3A_45 = tpu.memref_slice %arg7[%dma_start3A_38, %dma_start3A_44] : memref<40x64xi32, #tpu.memory_space<vmem>> -> memref<1x64xi32, #tpu.memory_space<vmem>>
    %dma_start3A_46 = tpu.memref_squeeze %dma_start3A_45 : memref<1x64xi32, #tpu.memory_space<vmem>> -> memref<64xi32, #tpu.memory_space<vmem>>
    %dma_start3A_47 = arith.constant 0 : i32
    %dma_start3A_48 = arith.constant 0 : i32
    %dma_start3A_49 = tpu.memref_slice %arg2[%dma_start3A_47, %dma_start3A_48] : memref<10240x128xf32, #tpu.memory_space<hbm>> -> memref<10240x128xf32, #tpu.memory_space<hbm>>
    tpu.enqueue_indirect_dma source(%dma_start3A_49 : memref<10240x128xf32, #tpu.memory_space<hbm>>) target(%dma_start3A_43 : memref<64x128xf32, #tpu.memory_space<vmem>>) offsets(%dma_start3A_46 : memref<64xi32, #tpu.memory_space<vmem>>) semaphore(%arg14 : memref<!tpu.dma_semaphore, #tpu.memory_space<semaphore_mem>>)
    %scan3A = arith.constant 0 : i32
    %scan3A_50 = arith.constant 10 : i32
    %scan3A_51 = arith.addi %scan3A, %scan3A_50 : i32
    %scan3A_52 = arith.constant 1 : i32
    scf.for %scan3A_214 = %scan3A to %scan3A_51 step %scan3A_52  : i32 {
      %mul3A_215 = arith.constant 4 : i32
      %mul3A_216 = arith.muli %scan3A_214, %mul3A_215 : i32
      %add3A_217 = arith.constant 0 : i32
      %add3A_218 = arith.addi %add3A_217, %mul3A_216 : i32
      %add3A_219 = arith.constant 0 : i32
      %add3A_220 = arith.addi %add3A_218, %add3A_219 : i32
      %dma_wait3A = arith.constant 0 : i32
      %dma_wait3A_221 = arith.constant 0 : i32
      %dma_wait3A_222 = arith.constant 0 : i32
      %dma_wait3A_223 = tpu.memref_slice %arg9[%dma_wait3A, %dma_wait3A_221, %dma_wait3A_222] : memref<4x64x128xf32, #tpu.memory_space<vmem>> -> memref<1x64x128xf32, #tpu.memory_space<vmem>>
      %dma_wait3A_224 = tpu.memref_squeeze %dma_wait3A_223 : memref<1x64x128xf32, #tpu.memory_space<vmem>> -> memref<64x128xf32, #tpu.memory_space<vmem>>
      %dma_wait3A_225 = arith.constant 0 : i32
      %dma_wait3A_226 = tpu.memref_slice %arg7[%add3A_220, %dma_wait3A_225] : memref<40x64xi32, #tpu.memory_space<vmem>> -> memref<1x64xi32, #tpu.memory_space<vmem>>
      %dma_wait3A_227 = tpu.memref_squeeze %dma_wait3A_226 : memref<1x64xi32, #tpu.memory_space<vmem>> -> memref<64xi32, #tpu.memory_space<vmem>>
      %dma_wait3A_228 = arith.constant 0 : i32
      %dma_wait3A_229 = arith.constant 0 : i32
      %dma_wait3A_230 = tpu.memref_slice %arg2[%dma_wait3A_228, %dma_wait3A_229] : memref<10240x128xf32, #tpu.memory_space<hbm>> -> memref<10240x128xf32, #tpu.memory_space<hbm>>
      tpu.wait_indirect_dma semaphore(%arg11 : memref<!tpu.dma_semaphore, #tpu.memory_space<semaphore_mem>>) src(%dma_wait3A_230 : memref<10240x128xf32, #tpu.memory_space<hbm>>) dst(%dma_wait3A_224 : memref<64x128xf32, #tpu.memory_space<vmem>>)
      %run_scoped3A = arith.constant 0 : i32
      "tpu.region"() ({
        %run_scoped3A_298 = tpu.sem_alloc : memref<!tpu.dma_semaphore, #tpu.memory_space<semaphore_mem>>
        %dma_start3A_299 = arith.constant 0 : i32
        %dma_start3A_300 = arith.constant 0 : i32
        %dma_start3A_301 = tpu.memref_slice %arg9[%run_scoped3A, %dma_start3A_299, %dma_start3A_300] : memref<4x64x128xf32, #tpu.memory_space<vmem>> -> memref<1x64x128xf32, #tpu.memory_space<vmem>>
        %dma_start3A_302 = tpu.memref_squeeze %dma_start3A_301 : memref<1x64x128xf32, #tpu.memory_space<vmem>> -> memref<64x128xf32, #tpu.memory_space<vmem>>
        %dma_start3A_303 = arith.constant 0 : i32
        %dma_start3A_304 = tpu.memref_slice %arg8[%add3A_220, %dma_start3A_303] : memref<40x64xi32, #tpu.memory_space<vmem>> -> memref<1x64xi32, #tpu.memory_space<vmem>>
        %dma_start3A_305 = tpu.memref_squeeze %dma_start3A_304 : memref<1x64xi32, #tpu.memory_space<vmem>> -> memref<64xi32, #tpu.memory_space<vmem>>
        %dma_start3A_306 = arith.constant 0 : i32
        %dma_start3A_307 = arith.constant 0 : i32
        %dma_start3A_308 = tpu.memref_slice %arg10[%dma_start3A_306, %dma_start3A_307] : memref<10240x128xf32, #tpu.memory_space<vmem_shared>> -> memref<10240x128xf32, #tpu.memory_space<vmem_shared>>
        tpu.enqueue_indirect_dma source(%dma_start3A_302 : memref<64x128xf32, #tpu.memory_space<vmem>>) target(%dma_start3A_308 : memref<10240x128xf32, #tpu.memory_space<vmem_shared>>) offsets(%dma_start3A_305 : memref<64xi32, #tpu.memory_space<vmem>>) semaphore(%run_scoped3A_298 : memref<!tpu.dma_semaphore, #tpu.memory_space<semaphore_mem>>) {add = true}
        %dma_wait3A_309 = arith.constant 0 : i32
        %dma_wait3A_310 = arith.constant 0 : i32
        %dma_wait3A_311 = tpu.memref_slice %arg9[%run_scoped3A, %dma_wait3A_309, %dma_wait3A_310] : memref<4x64x128xf32, #tpu.memory_space<vmem>> -> memref<1x64x128xf32, #tpu.memory_space<vmem>>
        %dma_wait3A_312 = tpu.memref_squeeze %dma_wait3A_311 : memref<1x64x128xf32, #tpu.memory_space<vmem>> -> memref<64x128xf32, #tpu.memory_space<vmem>>
        %dma_wait3A_313 = arith.constant 0 : i32
        %dma_wait3A_314 = tpu.memref_slice %arg8[%add3A_220, %dma_wait3A_313] : memref<40x64xi32, #tpu.memory_space<vmem>> -> memref<1x64xi32, #tpu.memory_space<vmem>>
        %dma_wait3A_315 = tpu.memref_squeeze %dma_wait3A_314 : memref<1x64xi32, #tpu.memory_space<vmem>> -> memref<64xi32, #tpu.memory_space<vmem>>
        %dma_wait3A_316 = arith.constant 0 : i32
        %dma_wait3A_317 = arith.constant 0 : i32
        %dma_wait3A_318 = tpu.memref_slice %arg10[%dma_wait3A_316, %dma_wait3A_317] : memref<10240x128xf32, #tpu.memory_space<vmem_shared>> -> memref<10240x128xf32, #tpu.memory_space<vmem_shared>>
        tpu.wait_indirect_dma semaphore(%run_scoped3A_298 : memref<!tpu.dma_semaphore, #tpu.memory_space<semaphore_mem>>) src(%dma_wait3A_312 : memref<64x128xf32, #tpu.memory_space<vmem>>) dst(%dma_wait3A_318 : memref<10240x128xf32, #tpu.memory_space<vmem_shared>>)
        tpu.yield
      }) : () -> ()
      %add3A_231 = arith.constant 4 : i32
      %add3A_232 = arith.addi %add3A_220, %add3A_231 : i32
      %lt3A = arith.constant 40 : i32
      %lt3A_233 = arith.cmpi slt, %add3A_232, %lt3A : i32
      %convert_element_type3A = arith.extui %lt3A_233 : i1 to i32
      %cond3A = arith.constant 0 : i32
      %cond3A_234 = arith.cmpi ne, %convert_element_type3A, %cond3A : i32
      scf.if %cond3A_234 {
        %dma_start3A_298 = arith.constant 0 : i32
        %dma_start3A_299 = arith.constant 0 : i32
        %dma_start3A_300 = arith.constant 0 : i32
        %dma_start3A_301 = tpu.memref_slice %arg9[%dma_start3A_298, %dma_start3A_299, %dma_start3A_300] : memref<4x64x128xf32, #tpu.memory_space<vmem>> -> memref<1x64x128xf32, #tpu.memory_space<vmem>>
        %dma_start3A_302 = tpu.memref_squeeze %dma_start3A_301 : memref<1x64x128xf32, #tpu.memory_space<vmem>> -> memref<64x128xf32, #tpu.memory_space<vmem>>
        %dma_start3A_303 = arith.constant 0 : i32
        %dma_start3A_304 = tpu.memref_slice %arg7[%add3A_232, %dma_start3A_303] : memref<40x64xi32, #tpu.memory_space<vmem>> -> memref<1x64xi32, #tpu.memory_space<vmem>>
        %dma_start3A_305 = tpu.memref_squeeze %dma_start3A_304 : memref<1x64xi32, #tpu.memory_space<vmem>> -> memref<64xi32, #tpu.memory_space<vmem>>
        %dma_start3A_306 = arith.constant 0 : i32
        %dma_start3A_307 = arith.constant 0 : i32
        %dma_start3A_308 = tpu.memref_slice %arg2[%dma_start3A_306, %dma_start3A_307] : memref<10240x128xf32, #tpu.memory_space<hbm>> -> memref<10240x128xf32, #tpu.memory_space<hbm>>
        tpu.enqueue_indirect_dma source(%dma_start3A_308 : memref<10240x128xf32, #tpu.memory_space<hbm>>) target(%dma_start3A_302 : memref<64x128xf32, #tpu.memory_space<vmem>>) offsets(%dma_start3A_305 : memref<64xi32, #tpu.memory_space<vmem>>) semaphore(%arg11 : memref<!tpu.dma_semaphore, #tpu.memory_space<semaphore_mem>>)
      } else {
      }
      %add3A_235 = arith.constant 1 : i32
      %add3A_236 = arith.addi %add3A_218, %add3A_235 : i32
      %dma_wait3A_237 = arith.constant 1 : i32
      %dma_wait3A_238 = arith.constant 0 : i32
      %dma_wait3A_239 = arith.constant 0 : i32
      %dma_wait3A_240 = tpu.memref_slice %arg9[%dma_wait3A_237, %dma_wait3A_238, %dma_wait3A_239] : memref<4x64x128xf32, #tpu.memory_space<vmem>> -> memref<1x64x128xf32, #tpu.memory_space<vmem>>
      %dma_wait3A_241 = tpu.memref_squeeze %dma_wait3A_240 : memref<1x64x128xf32, #tpu.memory_space<vmem>> -> memref<64x128xf32, #tpu.memory_space<vmem>>
      %dma_wait3A_242 = arith.constant 0 : i32
      %dma_wait3A_243 = tpu.memref_slice %arg7[%add3A_236, %dma_wait3A_242] : memref<40x64xi32, #tpu.memory_space<vmem>> -> memref<1x64xi32, #tpu.memory_space<vmem>>
      %dma_wait3A_244 = tpu.memref_squeeze %dma_wait3A_243 : memref<1x64xi32, #tpu.memory_space<vmem>> -> memref<64xi32, #tpu.memory_space<vmem>>
      %dma_wait3A_245 = arith.constant 0 : i32
      %dma_wait3A_246 = arith.constant 0 : i32
      %dma_wait3A_247 = tpu.memref_slice %arg2[%dma_wait3A_245, %dma_wait3A_246] : memref<10240x128xf32, #tpu.memory_space<hbm>> -> memref<10240x128xf32, #tpu.memory_space<hbm>>
      tpu.wait_indirect_dma semaphore(%arg12 : memref<!tpu.dma_semaphore, #tpu.memory_space<semaphore_mem>>) src(%dma_wait3A_247 : memref<10240x128xf32, #tpu.memory_space<hbm>>) dst(%dma_wait3A_241 : memref<64x128xf32, #tpu.memory_space<vmem>>)
      %run_scoped3A_248 = arith.constant 1 : i32
      "tpu.region"() ({
        %run_scoped3A_298 = tpu.sem_alloc : memref<!tpu.dma_semaphore, #tpu.memory_space<semaphore_mem>>
        %dma_start3A_299 = arith.constant 0 : i32
        %dma_start3A_300 = arith.constant 0 : i32
        %dma_start3A_301 = tpu.memref_slice %arg9[%run_scoped3A_248, %dma_start3A_299, %dma_start3A_300] : memref<4x64x128xf32, #tpu.memory_space<vmem>> -> memref<1x64x128xf32, #tpu.memory_space<vmem>>
        %dma_start3A_302 = tpu.memref_squeeze %dma_start3A_301 : memref<1x64x128xf32, #tpu.memory_space<vmem>> -> memref<64x128xf32, #tpu.memory_space<vmem>>
        %dma_start3A_303 = arith.constant 0 : i32
        %dma_start3A_304 = tpu.memref_slice %arg8[%add3A_236, %dma_start3A_303] : memref<40x64xi32, #tpu.memory_space<vmem>> -> memref<1x64xi32, #tpu.memory_space<vmem>>
        %dma_start3A_305 = tpu.memref_squeeze %dma_start3A_304 : memref<1x64xi32, #tpu.memory_space<vmem>> -> memref<64xi32, #tpu.memory_space<vmem>>
        %dma_start3A_306 = arith.constant 0 : i32
        %dma_start3A_307 = arith.constant 0 : i32
        %dma_start3A_308 = tpu.memref_slice %arg10[%dma_start3A_306, %dma_start3A_307] : memref<10240x128xf32, #tpu.memory_space<vmem_shared>> -> memref<10240x128xf32, #tpu.memory_space<vmem_shared>>
        tpu.enqueue_indirect_dma source(%dma_start3A_302 : memref<64x128xf32, #tpu.memory_space<vmem>>) target(%dma_start3A_308 : memref<10240x128xf32, #tpu.memory_space<vmem_shared>>) offsets(%dma_start3A_305 : memref<64xi32, #tpu.memory_space<vmem>>) semaphore(%run_scoped3A_298 : memref<!tpu.dma_semaphore, #tpu.memory_space<semaphore_mem>>) {add = true}
        %dma_wait3A_309 = arith.constant 0 : i32
        %dma_wait3A_310 = arith.constant 0 : i32
        %dma_wait3A_311 = tpu.memref_slice %arg9[%run_scoped3A_248, %dma_wait3A_309, %dma_wait3A_310] : memref<4x64x128xf32, #tpu.memory_space<vmem>> -> memref<1x64x128xf32, #tpu.memory_space<vmem>>
        %dma_wait3A_312 = tpu.memref_squeeze %dma_wait3A_311 : memref<1x64x128xf32, #tpu.memory_space<vmem>> -> memref<64x128xf32, #tpu.memory_space<vmem>>
        %dma_wait3A_313 = arith.constant 0 : i32
        %dma_wait3A_314 = tpu.memref_slice %arg8[%add3A_236, %dma_wait3A_313] : memref<40x64xi32, #tpu.memory_space<vmem>> -> memref<1x64xi32, #tpu.memory_space<vmem>>
        %dma_wait3A_315 = tpu.memref_squeeze %dma_wait3A_314 : memref<1x64xi32, #tpu.memory_space<vmem>> -> memref<64xi32, #tpu.memory_space<vmem>>
        %dma_wait3A_316 = arith.constant 0 : i32
        %dma_wait3A_317 = arith.constant 0 : i32
        %dma_wait3A_318 = tpu.memref_slice %arg10[%dma_wait3A_316, %dma_wait3A_317] : memref<10240x128xf32, #tpu.memory_space<vmem_shared>> -> memref<10240x128xf32, #tpu.memory_space<vmem_shared>>
        tpu.wait_indirect_dma semaphore(%run_scoped3A_298 : memref<!tpu.dma_semaphore, #tpu.memory_space<semaphore_mem>>) src(%dma_wait3A_312 : memref<64x128xf32, #tpu.memory_space<vmem>>) dst(%dma_wait3A_318 : memref<10240x128xf32, #tpu.memory_space<vmem_shared>>)
        tpu.yield
      }) : () -> ()
      %add3A_249 = arith.constant 4 : i32
      %add3A_250 = arith.addi %add3A_236, %add3A_249 : i32
      %lt3A_251 = arith.constant 40 : i32
      %lt3A_252 = arith.cmpi slt, %add3A_250, %lt3A_251 : i32
      %convert_element_type3A_253 = arith.extui %lt3A_252 : i1 to i32
      %cond3A_254 = arith.constant 0 : i32
      %cond3A_255 = arith.cmpi ne, %convert_element_type3A_253, %cond3A_254 : i32
      scf.if %cond3A_255 {
        %dma_start3A_298 = arith.constant 1 : i32
        %dma_start3A_299 = arith.constant 0 : i32
        %dma_start3A_300 = arith.constant 0 : i32
        %dma_start3A_301 = tpu.memref_slice %arg9[%dma_start3A_298, %dma_start3A_299, %dma_start3A_300] : memref<4x64x128xf32, #tpu.memory_space<vmem>> -> memref<1x64x128xf32, #tpu.memory_space<vmem>>
        %dma_start3A_302 = tpu.memref_squeeze %dma_start3A_301 : memref<1x64x128xf32, #tpu.memory_space<vmem>> -> memref<64x128xf32, #tpu.memory_space<vmem>>
        %dma_start3A_303 = arith.constant 0 : i32
        %dma_start3A_304 = tpu.memref_slice %arg7[%add3A_250, %dma_start3A_303] : memref<40x64xi32, #tpu.memory_space<vmem>> -> memref<1x64xi32, #tpu.memory_space<vmem>>
        %dma_start3A_305 = tpu.memref_squeeze %dma_start3A_304 : memref<1x64xi32, #tpu.memory_space<vmem>> -> memref<64xi32, #tpu.memory_space<vmem>>
        %dma_start3A_306 = arith.constant 0 : i32
        %dma_start3A_307 = arith.constant 0 : i32
        %dma_start3A_308 = tpu.memref_slice %arg2[%dma_start3A_306, %dma_start3A_307] : memref<10240x128xf32, #tpu.memory_space<hbm>> -> memref<10240x128xf32, #tpu.memory_space<hbm>>
        tpu.enqueue_indirect_dma source(%dma_start3A_308 : memref<10240x128xf32, #tpu.memory_space<hbm>>) target(%dma_start3A_302 : memref<64x128xf32, #tpu.memory_space<vmem>>) offsets(%dma_start3A_305 : memref<64xi32, #tpu.memory_space<vmem>>) semaphore(%arg12 : memref<!tpu.dma_semaphore, #tpu.memory_space<semaphore_mem>>)
      } else {
      }
      %add3A_256 = arith.constant 2 : i32
      %add3A_257 = arith.addi %add3A_218, %add3A_256 : i32
      %dma_wait3A_258 = arith.constant 2 : i32
      %dma_wait3A_259 = arith.constant 0 : i32
      %dma_wait3A_260 = arith.constant 0 : i32
      %dma_wait3A_261 = tpu.memref_slice %arg9[%dma_wait3A_258, %dma_wait3A_259, %dma_wait3A_260] : memref<4x64x128xf32, #tpu.memory_space<vmem>> -> memref<1x64x128xf32, #tpu.memory_space<vmem>>
      %dma_wait3A_262 = tpu.memref_squeeze %dma_wait3A_261 : memref<1x64x128xf32, #tpu.memory_space<vmem>> -> memref<64x128xf32, #tpu.memory_space<vmem>>
      %dma_wait3A_263 = arith.constant 0 : i32
      %dma_wait3A_264 = tpu.memref_slice %arg7[%add3A_257, %dma_wait3A_263] : memref<40x64xi32, #tpu.memory_space<vmem>> -> memref<1x64xi32, #tpu.memory_space<vmem>>
      %dma_wait3A_265 = tpu.memref_squeeze %dma_wait3A_264 : memref<1x64xi32, #tpu.memory_space<vmem>> -> memref<64xi32, #tpu.memory_space<vmem>>
      %dma_wait3A_266 = arith.constant 0 : i32
      %dma_wait3A_267 = arith.constant 0 : i32
      %dma_wait3A_268 = tpu.memref_slice %arg2[%dma_wait3A_266, %dma_wait3A_267] : memref<10240x128xf32, #tpu.memory_space<hbm>> -> memref<10240x128xf32, #tpu.memory_space<hbm>>
      tpu.wait_indirect_dma semaphore(%arg13 : memref<!tpu.dma_semaphore, #tpu.memory_space<semaphore_mem>>) src(%dma_wait3A_268 : memref<10240x128xf32, #tpu.memory_space<hbm>>) dst(%dma_wait3A_262 : memref<64x128xf32, #tpu.memory_space<vmem>>)
      %run_scoped3A_269 = arith.constant 2 : i32
      "tpu.region"() ({
        %run_scoped3A_298 = tpu.sem_alloc : memref<!tpu.dma_semaphore, #tpu.memory_space<semaphore_mem>>
        %dma_start3A_299 = arith.constant 0 : i32
        %dma_start3A_300 = arith.constant 0 : i32
        %dma_start3A_301 = tpu.memref_slice %arg9[%run_scoped3A_269, %dma_start3A_299, %dma_start3A_300] : memref<4x64x128xf32, #tpu.memory_space<vmem>> -> memref<1x64x128xf32, #tpu.memory_space<vmem>>
        %dma_start3A_302 = tpu.memref_squeeze %dma_start3A_301 : memref<1x64x128xf32, #tpu.memory_space<vmem>> -> memref<64x128xf32, #tpu.memory_space<vmem>>
        %dma_start3A_303 = arith.constant 0 : i32
        %dma_start3A_304 = tpu.memref_slice %arg8[%add3A_257, %dma_start3A_303] : memref<40x64xi32, #tpu.memory_space<vmem>> -> memref<1x64xi32, #tpu.memory_space<vmem>>
        %dma_start3A_305 = tpu.memref_squeeze %dma_start3A_304 : memref<1x64xi32, #tpu.memory_space<vmem>> -> memref<64xi32, #tpu.memory_space<vmem>>
        %dma_start3A_306 = arith.constant 0 : i32
        %dma_start3A_307 = arith.constant 0 : i32
        %dma_start3A_308 = tpu.memref_slice %arg10[%dma_start3A_306, %dma_start3A_307] : memref<10240x128xf32, #tpu.memory_space<vmem_shared>> -> memref<10240x128xf32, #tpu.memory_space<vmem_shared>>
        tpu.enqueue_indirect_dma source(%dma_start3A_302 : memref<64x128xf32, #tpu.memory_space<vmem>>) target(%dma_start3A_308 : memref<10240x128xf32, #tpu.memory_space<vmem_shared>>) offsets(%dma_start3A_305 : memref<64xi32, #tpu.memory_space<vmem>>) semaphore(%run_scoped3A_298 : memref<!tpu.dma_semaphore, #tpu.memory_space<semaphore_mem>>) {add = true}
        %dma_wait3A_309 = arith.constant 0 : i32
        %dma_wait3A_310 = arith.constant 0 : i32
        %dma_wait3A_311 = tpu.memref_slice %arg9[%run_scoped3A_269, %dma_wait3A_309, %dma_wait3A_310] : memref<4x64x128xf32, #tpu.memory_space<vmem>> -> memref<1x64x128xf32, #tpu.memory_space<vmem>>
        %dma_wait3A_312 = tpu.memref_squeeze %dma_wait3A_311 : memref<1x64x128xf32, #tpu.memory_space<vmem>> -> memref<64x128xf32, #tpu.memory_space<vmem>>
        %dma_wait3A_313 = arith.constant 0 : i32
        %dma_wait3A_314 = tpu.memref_slice %arg8[%add3A_257, %dma_wait3A_313] : memref<40x64xi32, #tpu.memory_space<vmem>> -> memref<1x64xi32, #tpu.memory_space<vmem>>
        %dma_wait3A_315 = tpu.memref_squeeze %dma_wait3A_314 : memref<1x64xi32, #tpu.memory_space<vmem>> -> memref<64xi32, #tpu.memory_space<vmem>>
        %dma_wait3A_316 = arith.constant 0 : i32
        %dma_wait3A_317 = arith.constant 0 : i32
        %dma_wait3A_318 = tpu.memref_slice %arg10[%dma_wait3A_316, %dma_wait3A_317] : memref<10240x128xf32, #tpu.memory_space<vmem_shared>> -> memref<10240x128xf32, #tpu.memory_space<vmem_shared>>
        tpu.wait_indirect_dma semaphore(%run_scoped3A_298 : memref<!tpu.dma_semaphore, #tpu.memory_space<semaphore_mem>>) src(%dma_wait3A_312 : memref<64x128xf32, #tpu.memory_space<vmem>>) dst(%dma_wait3A_318 : memref<10240x128xf32, #tpu.memory_space<vmem_shared>>)
        tpu.yield
      }) : () -> ()
      %add3A_270 = arith.constant 4 : i32
      %add3A_271 = arith.addi %add3A_257, %add3A_270 : i32
      %lt3A_272 = arith.constant 40 : i32
      %lt3A_273 = arith.cmpi slt, %add3A_271, %lt3A_272 : i32
      %convert_element_type3A_274 = arith.extui %lt3A_273 : i1 to i32
      %cond3A_275 = arith.constant 0 : i32
      %cond3A_276 = arith.cmpi ne, %convert_element_type3A_274, %cond3A_275 : i32
      scf.if %cond3A_276 {
        %dma_start3A_298 = arith.constant 2 : i32
        %dma_start3A_299 = arith.constant 0 : i32
        %dma_start3A_300 = arith.constant 0 : i32
        %dma_start3A_301 = tpu.memref_slice %arg9[%dma_start3A_298, %dma_start3A_299, %dma_start3A_300] : memref<4x64x128xf32, #tpu.memory_space<vmem>> -> memref<1x64x128xf32, #tpu.memory_space<vmem>>
        %dma_start3A_302 = tpu.memref_squeeze %dma_start3A_301 : memref<1x64x128xf32, #tpu.memory_space<vmem>> -> memref<64x128xf32, #tpu.memory_space<vmem>>
        %dma_start3A_303 = arith.constant 0 : i32
        %dma_start3A_304 = tpu.memref_slice %arg7[%add3A_271, %dma_start3A_303] : memref<40x64xi32, #tpu.memory_space<vmem>> -> memref<1x64xi32, #tpu.memory_space<vmem>>
        %dma_start3A_305 = tpu.memref_squeeze %dma_start3A_304 : memref<1x64xi32, #tpu.memory_space<vmem>> -> memref<64xi32, #tpu.memory_space<vmem>>
        %dma_start3A_306 = arith.constant 0 : i32
        %dma_start3A_307 = arith.constant 0 : i32
        %dma_start3A_308 = tpu.memref_slice %arg2[%dma_start3A_306, %dma_start3A_307] : memref<10240x128xf32, #tpu.memory_space<hbm>> -> memref<10240x128xf32, #tpu.memory_space<hbm>>
        tpu.enqueue_indirect_dma source(%dma_start3A_308 : memref<10240x128xf32, #tpu.memory_space<hbm>>) target(%dma_start3A_302 : memref<64x128xf32, #tpu.memory_space<vmem>>) offsets(%dma_start3A_305 : memref<64xi32, #tpu.memory_space<vmem>>) semaphore(%arg13 : memref<!tpu.dma_semaphore, #tpu.memory_space<semaphore_mem>>)
      } else {
      }
      %add3A_277 = arith.constant 3 : i32
      %add3A_278 = arith.addi %add3A_218, %add3A_277 : i32
      %dma_wait3A_279 = arith.constant 3 : i32
      %dma_wait3A_280 = arith.constant 0 : i32
      %dma_wait3A_281 = arith.constant 0 : i32
      %dma_wait3A_282 = tpu.memref_slice %arg9[%dma_wait3A_279, %dma_wait3A_280, %dma_wait3A_281] : memref<4x64x128xf32, #tpu.memory_space<vmem>> -> memref<1x64x128xf32, #tpu.memory_space<vmem>>
      %dma_wait3A_283 = tpu.memref_squeeze %dma_wait3A_282 : memref<1x64x128xf32, #tpu.memory_space<vmem>> -> memref<64x128xf32, #tpu.memory_space<vmem>>
      %dma_wait3A_284 = arith.constant 0 : i32
      %dma_wait3A_285 = tpu.memref_slice %arg7[%add3A_278, %dma_wait3A_284] : memref<40x64xi32, #tpu.memory_space<vmem>> -> memref<1x64xi32, #tpu.memory_space<vmem>>
      %dma_wait3A_286 = tpu.memref_squeeze %dma_wait3A_285 : memref<1x64xi32, #tpu.memory_space<vmem>> -> memref<64xi32, #tpu.memory_space<vmem>>
      %dma_wait3A_287 = arith.constant 0 : i32
      %dma_wait3A_288 = arith.constant 0 : i32
      %dma_wait3A_289 = tpu.memref_slice %arg2[%dma_wait3A_287, %dma_wait3A_288] : memref<10240x128xf32, #tpu.memory_space<hbm>> -> memref<10240x128xf32, #tpu.memory_space<hbm>>
      tpu.wait_indirect_dma semaphore(%arg14 : memref<!tpu.dma_semaphore, #tpu.memory_space<semaphore_mem>>) src(%dma_wait3A_289 : memref<10240x128xf32, #tpu.memory_space<hbm>>) dst(%dma_wait3A_283 : memref<64x128xf32, #tpu.memory_space<vmem>>)
      %run_scoped3A_290 = arith.constant 3 : i32
      "tpu.region"() ({
        %run_scoped3A_298 = tpu.sem_alloc : memref<!tpu.dma_semaphore, #tpu.memory_space<semaphore_mem>>
        %dma_start3A_299 = arith.constant 0 : i32
        %dma_start3A_300 = arith.constant 0 : i32
        %dma_start3A_301 = tpu.memref_slice %arg9[%run_scoped3A_290, %dma_start3A_299, %dma_start3A_300] : memref<4x64x128xf32, #tpu.memory_space<vmem>> -> memref<1x64x128xf32, #tpu.memory_space<vmem>>
        %dma_start3A_302 = tpu.memref_squeeze %dma_start3A_301 : memref<1x64x128xf32, #tpu.memory_space<vmem>> -> memref<64x128xf32, #tpu.memory_space<vmem>>
        %dma_start3A_303 = arith.constant 0 : i32
        %dma_start3A_304 = tpu.memref_slice %arg8[%add3A_278, %dma_start3A_303] : memref<40x64xi32, #tpu.memory_space<vmem>> -> memref<1x64xi32, #tpu.memory_space<vmem>>
        %dma_start3A_305 = tpu.memref_squeeze %dma_start3A_304 : memref<1x64xi32, #tpu.memory_space<vmem>> -> memref<64xi32, #tpu.memory_space<vmem>>
        %dma_start3A_306 = arith.constant 0 : i32
        %dma_start3A_307 = arith.constant 0 : i32
        %dma_start3A_308 = tpu.memref_slice %arg10[%dma_start3A_306, %dma_start3A_307] : memref<10240x128xf32, #tpu.memory_space<vmem_shared>> -> memref<10240x128xf32, #tpu.memory_space<vmem_shared>>
        tpu.enqueue_indirect_dma source(%dma_start3A_302 : memref<64x128xf32, #tpu.memory_space<vmem>>) target(%dma_start3A_308 : memref<10240x128xf32, #tpu.memory_space<vmem_shared>>) offsets(%dma_start3A_305 : memref<64xi32, #tpu.memory_space<vmem>>) semaphore(%run_scoped3A_298 : memref<!tpu.dma_semaphore, #tpu.memory_space<semaphore_mem>>) {add = true}
        %dma_wait3A_309 = arith.constant 0 : i32
        %dma_wait3A_310 = arith.constant 0 : i32
        %dma_wait3A_311 = tpu.memref_slice %arg9[%run_scoped3A_290, %dma_wait3A_309, %dma_wait3A_310] : memref<4x64x128xf32, #tpu.memory_space<vmem>> -> memref<1x64x128xf32, #tpu.memory_space<vmem>>
        %dma_wait3A_312 = tpu.memref_squeeze %dma_wait3A_311 : memref<1x64x128xf32, #tpu.memory_space<vmem>> -> memref<64x128xf32, #tpu.memory_space<vmem>>
        %dma_wait3A_313 = arith.constant 0 : i32
        %dma_wait3A_314 = tpu.memref_slice %arg8[%add3A_278, %dma_wait3A_313] : memref<40x64xi32, #tpu.memory_space<vmem>> -> memref<1x64xi32, #tpu.memory_space<vmem>>
        %dma_wait3A_315 = tpu.memref_squeeze %dma_wait3A_314 : memref<1x64xi32, #tpu.memory_space<vmem>> -> memref<64xi32, #tpu.memory_space<vmem>>
        %dma_wait3A_316 = arith.constant 0 : i32
        %dma_wait3A_317 = arith.constant 0 : i32
        %dma_wait3A_318 = tpu.memref_slice %arg10[%dma_wait3A_316, %dma_wait3A_317] : memref<10240x128xf32, #tpu.memory_space<vmem_shared>> -> memref<10240x128xf32, #tpu.memory_space<vmem_shared>>
        tpu.wait_indirect_dma semaphore(%run_scoped3A_298 : memref<!tpu.dma_semaphore, #tpu.memory_space<semaphore_mem>>) src(%dma_wait3A_312 : memref<64x128xf32, #tpu.memory_space<vmem>>) dst(%dma_wait3A_318 : memref<10240x128xf32, #tpu.memory_space<vmem_shared>>)
        tpu.yield
      }) : () -> ()
      %add3A_291 = arith.constant 4 : i32
      %add3A_292 = arith.addi %add3A_278, %add3A_291 : i32
      %lt3A_293 = arith.constant 40 : i32
      %lt3A_294 = arith.cmpi slt, %add3A_292, %lt3A_293 : i32
      %convert_element_type3A_295 = arith.extui %lt3A_294 : i1 to i32
      %cond3A_296 = arith.constant 0 : i32
      %cond3A_297 = arith.cmpi ne, %convert_element_type3A_295, %cond3A_296 : i32
      scf.if %cond3A_297 {
        %dma_start3A_298 = arith.constant 3 : i32
        %dma_start3A_299 = arith.constant 0 : i32
        %dma_start3A_300 = arith.constant 0 : i32
        %dma_start3A_301 = tpu.memref_slice %arg9[%dma_start3A_298, %dma_start3A_299, %dma_start3A_300] : memref<4x64x128xf32, #tpu.memory_space<vmem>> -> memref<1x64x128xf32, #tpu.memory_space<vmem>>
        %dma_start3A_302 = tpu.memref_squeeze %dma_start3A_301 : memref<1x64x128xf32, #tpu.memory_space<vmem>> -> memref<64x128xf32, #tpu.memory_space<vmem>>
        %dma_start3A_303 = arith.constant 0 : i32
        %dma_start3A_304 = tpu.memref_slice %arg7[%add3A_292, %dma_start3A_303] : memref<40x64xi32, #tpu.memory_space<vmem>> -> memref<1x64xi32, #tpu.memory_space<vmem>>
        %dma_start3A_305 = tpu.memref_squeeze %dma_start3A_304 : memref<1x64xi32, #tpu.memory_space<vmem>> -> memref<64xi32, #tpu.memory_space<vmem>>
        %dma_start3A_306 = arith.constant 0 : i32
        %dma_start3A_307 = arith.constant 0 : i32
        %dma_start3A_308 = tpu.memref_slice %arg2[%dma_start3A_306, %dma_start3A_307] : memref<10240x128xf32, #tpu.memory_space<hbm>> -> memref<10240x128xf32, #tpu.memory_space<hbm>>
        tpu.enqueue_indirect_dma source(%dma_start3A_308 : memref<10240x128xf32, #tpu.memory_space<hbm>>) target(%dma_start3A_302 : memref<64x128xf32, #tpu.memory_space<vmem>>) offsets(%dma_start3A_305 : memref<64xi32, #tpu.memory_space<vmem>>) semaphore(%arg14 : memref<!tpu.dma_semaphore, #tpu.memory_space<semaphore_mem>>)
      } else {
      }
    }
    %scan3A_53 = arith.constant 10 : i32
    "tpu.region"() ({
      %run_scoped3A = tpu.sem_alloc : memref<!tpu.dma_semaphore, #tpu.memory_space<semaphore_mem>>
      %dma_start3A_214 = arith.constant 0 : i32
      %dma_start3A_215 = arith.constant 0 : i32
      %dma_start3A_216 = tpu.memref_slice %arg3[%add3A, %dma_start3A_214, %dma_start3A_215] : memref<32x160x64xi32, #tpu.memory_space<hbm>> -> memref<1x160x64xi32, #tpu.memory_space<hbm>>
      %dma_start3A_217 = tpu.memref_squeeze %dma_start3A_216 : memref<1x160x64xi32, #tpu.memory_space<hbm>> -> memref<160x64xi32, #tpu.memory_space<hbm>>
      %dma_start3A_218 = arith.constant 40 : i32
      %dma_start3A_219 = arith.constant 0 : i32
      %dma_start3A_220 = tpu.memref_slice %dma_start3A_217[%dma_start3A_218, %dma_start3A_219] : memref<160x64xi32, #tpu.memory_space<hbm>> -> memref<40x64xi32, #tpu.memory_space<hbm>>
      %dma_start3A_221 = arith.constant 0 : i32
      %dma_start3A_222 = arith.constant 0 : i32
      %dma_start3A_223 = tpu.memref_slice %arg3[%add3A, %dma_start3A_221, %dma_start3A_222] : memref<32x160x64xi32, #tpu.memory_space<hbm>> -> memref<1x160x64xi32, #tpu.memory_space<hbm>>
      %dma_start3A_224 = tpu.memref_squeeze %dma_start3A_223 : memref<1x160x64xi32, #tpu.memory_space<hbm>> -> memref<160x64xi32, #tpu.memory_space<hbm>>
      %dma_start3A_225 = arith.constant 40 : i32
      %dma_start3A_226 = arith.constant 0 : i32
      %dma_start3A_227 = tpu.memref_slice %dma_start3A_224[%dma_start3A_225, %dma_start3A_226] : memref<160x64xi32, #tpu.memory_space<hbm>> -> memref<40x64xi32, #tpu.memory_space<hbm>>
      tpu.enqueue_dma source(%dma_start3A_227 : memref<40x64xi32, #tpu.memory_space<hbm>>) target(%arg7 : memref<40x64xi32, #tpu.memory_space<vmem>>) target_semaphore(%run_scoped3A : memref<!tpu.dma_semaphore, #tpu.memory_space<semaphore_mem>>)
      %dma_wait3A = arith.constant 0 : i32
      %dma_wait3A_228 = arith.constant 0 : i32
      %dma_wait3A_229 = tpu.memref_slice %arg3[%add3A, %dma_wait3A, %dma_wait3A_228] : memref<32x160x64xi32, #tpu.memory_space<hbm>> -> memref<1x160x64xi32, #tpu.memory_space<hbm>>
      %dma_wait3A_230 = tpu.memref_squeeze %dma_wait3A_229 : memref<1x160x64xi32, #tpu.memory_space<hbm>> -> memref<160x64xi32, #tpu.memory_space<hbm>>
      %dma_wait3A_231 = arith.constant 40 : i32
      %dma_wait3A_232 = arith.constant 0 : i32
      %dma_wait3A_233 = tpu.memref_slice %dma_wait3A_230[%dma_wait3A_231, %dma_wait3A_232] : memref<160x64xi32, #tpu.memory_space<hbm>> -> memref<40x64xi32, #tpu.memory_space<hbm>>
      %dma_wait3A_234 = arith.constant 0 : i32
      %dma_wait3A_235 = arith.constant 0 : i32
      %dma_wait3A_236 = tpu.memref_slice %arg3[%add3A, %dma_wait3A_234, %dma_wait3A_235] : memref<32x160x64xi32, #tpu.memory_space<hbm>> -> memref<1x160x64xi32, #tpu.memory_space<hbm>>
      %dma_wait3A_237 = tpu.memref_squeeze %dma_wait3A_236 : memref<1x160x64xi32, #tpu.memory_space<hbm>> -> memref<160x64xi32, #tpu.memory_space<hbm>>
      %dma_wait3A_238 = arith.constant 40 : i32
      %dma_wait3A_239 = arith.constant 0 : i32
      %dma_wait3A_240 = tpu.memref_slice %dma_wait3A_237[%dma_wait3A_238, %dma_wait3A_239] : memref<160x64xi32, #tpu.memory_space<hbm>> -> memref<40x64xi32, #tpu.memory_space<hbm>>
      tpu.wait_dma2 semaphore(%run_scoped3A : memref<!tpu.dma_semaphore, #tpu.memory_space<semaphore_mem>>) src(%dma_wait3A_240 : memref<40x64xi32, #tpu.memory_space<hbm>>) dst(%arg7 : memref<40x64xi32, #tpu.memory_space<vmem>>)
      tpu.yield
    }) : () -> ()
    "tpu.region"() ({
      %run_scoped3A = tpu.sem_alloc : memref<!tpu.dma_semaphore, #tpu.memory_space<semaphore_mem>>
      %dma_start3A_214 = arith.constant 0 : i32
      %dma_start3A_215 = arith.constant 0 : i32
      %dma_start3A_216 = tpu.memref_slice %arg4[%add3A, %dma_start3A_214, %dma_start3A_215] : memref<32x160x64xi32, #tpu.memory_space<hbm>> -> memref<1x160x64xi32, #tpu.memory_space<hbm>>
      %dma_start3A_217 = tpu.memref_squeeze %dma_start3A_216 : memref<1x160x64xi32, #tpu.memory_space<hbm>> -> memref<160x64xi32, #tpu.memory_space<hbm>>
      %dma_start3A_218 = arith.constant 40 : i32
      %dma_start3A_219 = arith.constant 0 : i32
      %dma_start3A_220 = tpu.memref_slice %dma_start3A_217[%dma_start3A_218, %dma_start3A_219] : memref<160x64xi32, #tpu.memory_space<hbm>> -> memref<40x64xi32, #tpu.memory_space<hbm>>
      %dma_start3A_221 = arith.constant 0 : i32
      %dma_start3A_222 = arith.constant 0 : i32
      %dma_start3A_223 = tpu.memref_slice %arg4[%add3A, %dma_start3A_221, %dma_start3A_222] : memref<32x160x64xi32, #tpu.memory_space<hbm>> -> memref<1x160x64xi32, #tpu.memory_space<hbm>>
      %dma_start3A_224 = tpu.memref_squeeze %dma_start3A_223 : memref<1x160x64xi32, #tpu.memory_space<hbm>> -> memref<160x64xi32, #tpu.memory_space<hbm>>
      %dma_start3A_225 = arith.constant 40 : i32
      %dma_start3A_226 = arith.constant 0 : i32
      %dma_start3A_227 = tpu.memref_slice %dma_start3A_224[%dma_start3A_225, %dma_start3A_226] : memref<160x64xi32, #tpu.memory_space<hbm>> -> memref<40x64xi32, #tpu.memory_space<hbm>>
      tpu.enqueue_dma source(%dma_start3A_227 : memref<40x64xi32, #tpu.memory_space<hbm>>) target(%arg8 : memref<40x64xi32, #tpu.memory_space<vmem>>) target_semaphore(%run_scoped3A : memref<!tpu.dma_semaphore, #tpu.memory_space<semaphore_mem>>)
      %dma_wait3A = arith.constant 0 : i32
      %dma_wait3A_228 = arith.constant 0 : i32
      %dma_wait3A_229 = tpu.memref_slice %arg4[%add3A, %dma_wait3A, %dma_wait3A_228] : memref<32x160x64xi32, #tpu.memory_space<hbm>> -> memref<1x160x64xi32, #tpu.memory_space<hbm>>
      %dma_wait3A_230 = tpu.memref_squeeze %dma_wait3A_229 : memref<1x160x64xi32, #tpu.memory_space<hbm>> -> memref<160x64xi32, #tpu.memory_space<hbm>>
      %dma_wait3A_231 = arith.constant 40 : i32
      %dma_wait3A_232 = arith.constant 0 : i32
      %dma_wait3A_233 = tpu.memref_slice %dma_wait3A_230[%dma_wait3A_231, %dma_wait3A_232] : memref<160x64xi32, #tpu.memory_space<hbm>> -> memref<40x64xi32, #tpu.memory_space<hbm>>
      %dma_wait3A_234 = arith.constant 0 : i32
      %dma_wait3A_235 = arith.constant 0 : i32
      %dma_wait3A_236 = tpu.memref_slice %arg4[%add3A, %dma_wait3A_234, %dma_wait3A_235] : memref<32x160x64xi32, #tpu.memory_space<hbm>> -> memref<1x160x64xi32, #tpu.memory_space<hbm>>
      %dma_wait3A_237 = tpu.memref_squeeze %dma_wait3A_236 : memref<1x160x64xi32, #tpu.memory_space<hbm>> -> memref<160x64xi32, #tpu.memory_space<hbm>>
      %dma_wait3A_238 = arith.constant 40 : i32
      %dma_wait3A_239 = arith.constant 0 : i32
      %dma_wait3A_240 = tpu.memref_slice %dma_wait3A_237[%dma_wait3A_238, %dma_wait3A_239] : memref<160x64xi32, #tpu.memory_space<hbm>> -> memref<40x64xi32, #tpu.memory_space<hbm>>
      tpu.wait_dma2 semaphore(%run_scoped3A : memref<!tpu.dma_semaphore, #tpu.memory_space<semaphore_mem>>) src(%dma_wait3A_240 : memref<40x64xi32, #tpu.memory_space<hbm>>) dst(%arg8 : memref<40x64xi32, #tpu.memory_space<vmem>>)
      tpu.yield
    }) : () -> ()
    %dma_start3A_54 = arith.constant 0 : i32
    %dma_start3A_55 = arith.constant 0 : i32
    %dma_start3A_56 = arith.constant 0 : i32
    %dma_start3A_57 = arith.constant 0 : i32
    %dma_start3A_58 = tpu.memref_slice %arg9[%dma_start3A_55, %dma_start3A_56, %dma_start3A_57] : memref<4x64x128xf32, #tpu.memory_space<vmem>> -> memref<1x64x128xf32, #tpu.memory_space<vmem>>
    %dma_start3A_59 = tpu.memref_squeeze %dma_start3A_58 : memref<1x64x128xf32, #tpu.memory_space<vmem>> -> memref<64x128xf32, #tpu.memory_space<vmem>>
    %dma_start3A_60 = arith.constant 0 : i32
    %dma_start3A_61 = tpu.memref_slice %arg7[%dma_start3A_54, %dma_start3A_60] : memref<40x64xi32, #tpu.memory_space<vmem>> -> memref<1x64xi32, #tpu.memory_space<vmem>>
    %dma_start3A_62 = tpu.memref_squeeze %dma_start3A_61 : memref<1x64xi32, #tpu.memory_space<vmem>> -> memref<64xi32, #tpu.memory_space<vmem>>
    %dma_start3A_63 = arith.constant 0 : i32
    %dma_start3A_64 = arith.constant 0 : i32
    %dma_start3A_65 = tpu.memref_slice %arg2[%dma_start3A_63, %dma_start3A_64] : memref<10240x128xf32, #tpu.memory_space<hbm>> -> memref<10240x128xf32, #tpu.memory_space<hbm>>
    tpu.enqueue_indirect_dma source(%dma_start3A_65 : memref<10240x128xf32, #tpu.memory_space<hbm>>) target(%dma_start3A_59 : memref<64x128xf32, #tpu.memory_space<vmem>>) offsets(%dma_start3A_62 : memref<64xi32, #tpu.memory_space<vmem>>) semaphore(%arg11 : memref<!tpu.dma_semaphore, #tpu.memory_space<semaphore_mem>>)
    %dma_start3A_66 = arith.constant 1 : i32
    %dma_start3A_67 = arith.constant 1 : i32
    %dma_start3A_68 = arith.constant 0 : i32
    %dma_start3A_69 = arith.constant 0 : i32
    %dma_start3A_70 = tpu.memref_slice %arg9[%dma_start3A_67, %dma_start3A_68, %dma_start3A_69] : memref<4x64x128xf32, #tpu.memory_space<vmem>> -> memref<1x64x128xf32, #tpu.memory_space<vmem>>
    %dma_start3A_71 = tpu.memref_squeeze %dma_start3A_70 : memref<1x64x128xf32, #tpu.memory_space<vmem>> -> memref<64x128xf32, #tpu.memory_space<vmem>>
    %dma_start3A_72 = arith.constant 0 : i32
    %dma_start3A_73 = tpu.memref_slice %arg7[%dma_start3A_66, %dma_start3A_72] : memref<40x64xi32, #tpu.memory_space<vmem>> -> memref<1x64xi32, #tpu.memory_space<vmem>>
    %dma_start3A_74 = tpu.memref_squeeze %dma_start3A_73 : memref<1x64xi32, #tpu.memory_space<vmem>> -> memref<64xi32, #tpu.memory_space<vmem>>
    %dma_start3A_75 = arith.constant 0 : i32
    %dma_start3A_76 = arith.constant 0 : i32
    %dma_start3A_77 = tpu.memref_slice %arg2[%dma_start3A_75, %dma_start3A_76] : memref<10240x128xf32, #tpu.memory_space<hbm>> -> memref<10240x128xf32, #tpu.memory_space<hbm>>
    tpu.enqueue_indirect_dma source(%dma_start3A_77 : memref<10240x128xf32, #tpu.memory_space<hbm>>) target(%dma_start3A_71 : memref<64x128xf32, #tpu.memory_space<vmem>>) offsets(%dma_start3A_74 : memref<64xi32, #tpu.memory_space<vmem>>) semaphore(%arg12 : memref<!tpu.dma_semaphore, #tpu.memory_space<semaphore_mem>>)
    %dma_start3A_78 = arith.constant 2 : i32
    %dma_start3A_79 = arith.constant 2 : i32
    %dma_start3A_80 = arith.constant 0 : i32
    %dma_start3A_81 = arith.constant 0 : i32
    %dma_start3A_82 = tpu.memref_slice %arg9[%dma_start3A_79, %dma_start3A_80, %dma_start3A_81] : memref<4x64x128xf32, #tpu.memory_space<vmem>> -> memref<1x64x128xf32, #tpu.memory_space<vmem>>
    %dma_start3A_83 = tpu.memref_squeeze %dma_start3A_82 : memref<1x64x128xf32, #tpu.memory_space<vmem>> -> memref<64x128xf32, #tpu.memory_space<vmem>>
    %dma_start3A_84 = arith.constant 0 : i32
    %dma_start3A_85 = tpu.memref_slice %arg7[%dma_start3A_78, %dma_start3A_84] : memref<40x64xi32, #tpu.memory_space<vmem>> -> memref<1x64xi32, #tpu.memory_space<vmem>>
    %dma_start3A_86 = tpu.memref_squeeze %dma_start3A_85 : memref<1x64xi32, #tpu.memory_space<vmem>> -> memref<64xi32, #tpu.memory_space<vmem>>
    %dma_start3A_87 = arith.constant 0 : i32
    %dma_start3A_88 = arith.constant 0 : i32
    %dma_start3A_89 = tpu.memref_slice %arg2[%dma_start3A_87, %dma_start3A_88] : memref<10240x128xf32, #tpu.memory_space<hbm>> -> memref<10240x128xf32, #tpu.memory_space<hbm>>
    tpu.enqueue_indirect_dma source(%dma_start3A_89 : memref<10240x128xf32, #tpu.memory_space<hbm>>) target(%dma_start3A_83 : memref<64x128xf32, #tpu.memory_space<vmem>>) offsets(%dma_start3A_86 : memref<64xi32, #tpu.memory_space<vmem>>) semaphore(%arg13 : memref<!tpu.dma_semaphore, #tpu.memory_space<semaphore_mem>>)
    %dma_start3A_90 = arith.constant 3 : i32
    %dma_start3A_91 = arith.constant 3 : i32
    %dma_start3A_92 = arith.constant 0 : i32
    %dma_start3A_93 = arith.constant 0 : i32
    %dma_start3A_94 = tpu.memref_slice %arg9[%dma_start3A_91, %dma_start3A_92, %dma_start3A_93] : memref<4x64x128xf32, #tpu.memory_space<vmem>> -> memref<1x64x128xf32, #tpu.memory_space<vmem>>
    %dma_start3A_95 = tpu.memref_squeeze %dma_start3A_94 : memref<1x64x128xf32, #tpu.memory_space<vmem>> -> memref<64x128xf32, #tpu.memory_space<vmem>>
    %dma_start3A_96 = arith.constant 0 : i32
    %dma_start3A_97 = tpu.memref_slice %arg7[%dma_start3A_90, %dma_start3A_96] : memref<40x64xi32, #tpu.memory_space<vmem>> -> memref<1x64xi32, #tpu.memory_space<vmem>>
    %dma_start3A_98 = tpu.memref_squeeze %dma_start3A_97 : memref<1x64xi32, #tpu.memory_space<vmem>> -> memref<64xi32, #tpu.memory_space<vmem>>
    %dma_start3A_99 = arith.constant 0 : i32
    %dma_start3A_100 = arith.constant 0 : i32
    %dma_start3A_101 = tpu.memref_slice %arg2[%dma_start3A_99, %dma_start3A_100] : memref<10240x128xf32, #tpu.memory_space<hbm>> -> memref<10240x128xf32, #tpu.memory_space<hbm>>
    tpu.enqueue_indirect_dma source(%dma_start3A_101 : memref<10240x128xf32, #tpu.memory_space<hbm>>) target(%dma_start3A_95 : memref<64x128xf32, #tpu.memory_space<vmem>>) offsets(%dma_start3A_98 : memref<64xi32, #tpu.memory_space<vmem>>) semaphore(%arg14 : memref<!tpu.dma_semaphore, #tpu.memory_space<semaphore_mem>>)
    %scan3A_102 = arith.constant 0 : i32
    %scan3A_103 = arith.constant 10 : i32
    %scan3A_104 = arith.addi %scan3A_102, %scan3A_103 : i32
    %scan3A_105 = arith.constant 1 : i32
    scf.for %scan3A_214 = %scan3A_102 to %scan3A_104 step %scan3A_105  : i32 {
      %mul3A_215 = arith.constant 4 : i32
      %mul3A_216 = arith.muli %scan3A_214, %mul3A_215 : i32
      %add3A_217 = arith.constant 0 : i32
      %add3A_218 = arith.addi %add3A_217, %mul3A_216 : i32
      %add3A_219 = arith.constant 0 : i32
      %add3A_220 = arith.addi %add3A_218, %add3A_219 : i32
      %dma_wait3A = arith.constant 0 : i32
      %dma_wait3A_221 = arith.constant 0 : i32
      %dma_wait3A_222 = arith.constant 0 : i32
      %dma_wait3A_223 = tpu.memref_slice %arg9[%dma_wait3A, %dma_wait3A_221, %dma_wait3A_222] : memref<4x64x128xf32, #tpu.memory_space<vmem>> -> memref<1x64x128xf32, #tpu.memory_space<vmem>>
      %dma_wait3A_224 = tpu.memref_squeeze %dma_wait3A_223 : memref<1x64x128xf32, #tpu.memory_space<vmem>> -> memref<64x128xf32, #tpu.memory_space<vmem>>
      %dma_wait3A_225 = arith.constant 0 : i32
      %dma_wait3A_226 = tpu.memref_slice %arg7[%add3A_220, %dma_wait3A_225] : memref<40x64xi32, #tpu.memory_space<vmem>> -> memref<1x64xi32, #tpu.memory_space<vmem>>
      %dma_wait3A_227 = tpu.memref_squeeze %dma_wait3A_226 : memref<1x64xi32, #tpu.memory_space<vmem>> -> memref<64xi32, #tpu.memory_space<vmem>>
      %dma_wait3A_228 = arith.constant 0 : i32
      %dma_wait3A_229 = arith.constant 0 : i32
      %dma_wait3A_230 = tpu.memref_slice %arg2[%dma_wait3A_228, %dma_wait3A_229] : memref<10240x128xf32, #tpu.memory_space<hbm>> -> memref<10240x128xf32, #tpu.memory_space<hbm>>
      tpu.wait_indirect_dma semaphore(%arg11 : memref<!tpu.dma_semaphore, #tpu.memory_space<semaphore_mem>>) src(%dma_wait3A_230 : memref<10240x128xf32, #tpu.memory_space<hbm>>) dst(%dma_wait3A_224 : memref<64x128xf32, #tpu.memory_space<vmem>>)
      %run_scoped3A = arith.constant 0 : i32
      "tpu.region"() ({
        %run_scoped3A_298 = tpu.sem_alloc : memref<!tpu.dma_semaphore, #tpu.memory_space<semaphore_mem>>
        %dma_start3A_299 = arith.constant 0 : i32
        %dma_start3A_300 = arith.constant 0 : i32
        %dma_start3A_301 = tpu.memref_slice %arg9[%run_scoped3A, %dma_start3A_299, %dma_start3A_300] : memref<4x64x128xf32, #tpu.memory_space<vmem>> -> memref<1x64x128xf32, #tpu.memory_space<vmem>>
        %dma_start3A_302 = tpu.memref_squeeze %dma_start3A_301 : memref<1x64x128xf32, #tpu.memory_space<vmem>> -> memref<64x128xf32, #tpu.memory_space<vmem>>
        %dma_start3A_303 = arith.constant 0 : i32
        %dma_start3A_304 = tpu.memref_slice %arg8[%add3A_220, %dma_start3A_303] : memref<40x64xi32, #tpu.memory_space<vmem>> -> memref<1x64xi32, #tpu.memory_space<vmem>>
        %dma_start3A_305 = tpu.memref_squeeze %dma_start3A_304 : memref<1x64xi32, #tpu.memory_space<vmem>> -> memref<64xi32, #tpu.memory_space<vmem>>
        %dma_start3A_306 = arith.constant 0 : i32
        %dma_start3A_307 = arith.constant 0 : i32
        %dma_start3A_308 = tpu.memref_slice %arg10[%dma_start3A_306, %dma_start3A_307] : memref<10240x128xf32, #tpu.memory_space<vmem_shared>> -> memref<10240x128xf32, #tpu.memory_space<vmem_shared>>
        tpu.enqueue_indirect_dma source(%dma_start3A_302 : memref<64x128xf32, #tpu.memory_space<vmem>>) target(%dma_start3A_308 : memref<10240x128xf32, #tpu.memory_space<vmem_shared>>) offsets(%dma_start3A_305 : memref<64xi32, #tpu.memory_space<vmem>>) semaphore(%run_scoped3A_298 : memref<!tpu.dma_semaphore, #tpu.memory_space<semaphore_mem>>) {add = true}
        %dma_wait3A_309 = arith.constant 0 : i32
        %dma_wait3A_310 = arith.constant 0 : i32
        %dma_wait3A_311 = tpu.memref_slice %arg9[%run_scoped3A, %dma_wait3A_309, %dma_wait3A_310] : memref<4x64x128xf32, #tpu.memory_space<vmem>> -> memref<1x64x128xf32, #tpu.memory_space<vmem>>
        %dma_wait3A_312 = tpu.memref_squeeze %dma_wait3A_311 : memref<1x64x128xf32, #tpu.memory_space<vmem>> -> memref<64x128xf32, #tpu.memory_space<vmem>>
        %dma_wait3A_313 = arith.constant 0 : i32
        %dma_wait3A_314 = tpu.memref_slice %arg8[%add3A_220, %dma_wait3A_313] : memref<40x64xi32, #tpu.memory_space<vmem>> -> memref<1x64xi32, #tpu.memory_space<vmem>>
        %dma_wait3A_315 = tpu.memref_squeeze %dma_wait3A_314 : memref<1x64xi32, #tpu.memory_space<vmem>> -> memref<64xi32, #tpu.memory_space<vmem>>
        %dma_wait3A_316 = arith.constant 0 : i32
        %dma_wait3A_317 = arith.constant 0 : i32
        %dma_wait3A_318 = tpu.memref_slice %arg10[%dma_wait3A_316, %dma_wait3A_317] : memref<10240x128xf32, #tpu.memory_space<vmem_shared>> -> memref<10240x128xf32, #tpu.memory_space<vmem_shared>>
        tpu.wait_indirect_dma semaphore(%run_scoped3A_298 : memref<!tpu.dma_semaphore, #tpu.memory_space<semaphore_mem>>) src(%dma_wait3A_312 : memref<64x128xf32, #tpu.memory_space<vmem>>) dst(%dma_wait3A_318 : memref<10240x128xf32, #tpu.memory_space<vmem_shared>>)
        tpu.yield
      }) : () -> ()
      %add3A_231 = arith.constant 4 : i32
      %add3A_232 = arith.addi %add3A_220, %add3A_231 : i32
      %lt3A = arith.constant 40 : i32
      %lt3A_233 = arith.cmpi slt, %add3A_232, %lt3A : i32
      %convert_element_type3A = arith.extui %lt3A_233 : i1 to i32
      %cond3A = arith.constant 0 : i32
      %cond3A_234 = arith.cmpi ne, %convert_element_type3A, %cond3A : i32
      scf.if %cond3A_234 {
        %dma_start3A_298 = arith.constant 0 : i32
        %dma_start3A_299 = arith.constant 0 : i32
        %dma_start3A_300 = arith.constant 0 : i32
        %dma_start3A_301 = tpu.memref_slice %arg9[%dma_start3A_298, %dma_start3A_299, %dma_start3A_300] : memref<4x64x128xf32, #tpu.memory_space<vmem>> -> memref<1x64x128xf32, #tpu.memory_space<vmem>>
        %dma_start3A_302 = tpu.memref_squeeze %dma_start3A_301 : memref<1x64x128xf32, #tpu.memory_space<vmem>> -> memref<64x128xf32, #tpu.memory_space<vmem>>
        %dma_start3A_303 = arith.constant 0 : i32
        %dma_start3A_304 = tpu.memref_slice %arg7[%add3A_232, %dma_start3A_303] : memref<40x64xi32, #tpu.memory_space<vmem>> -> memref<1x64xi32, #tpu.memory_space<vmem>>
        %dma_start3A_305 = tpu.memref_squeeze %dma_start3A_304 : memref<1x64xi32, #tpu.memory_space<vmem>> -> memref<64xi32, #tpu.memory_space<vmem>>
        %dma_start3A_306 = arith.constant 0 : i32
        %dma_start3A_307 = arith.constant 0 : i32
        %dma_start3A_308 = tpu.memref_slice %arg2[%dma_start3A_306, %dma_start3A_307] : memref<10240x128xf32, #tpu.memory_space<hbm>> -> memref<10240x128xf32, #tpu.memory_space<hbm>>
        tpu.enqueue_indirect_dma source(%dma_start3A_308 : memref<10240x128xf32, #tpu.memory_space<hbm>>) target(%dma_start3A_302 : memref<64x128xf32, #tpu.memory_space<vmem>>) offsets(%dma_start3A_305 : memref<64xi32, #tpu.memory_space<vmem>>) semaphore(%arg11 : memref<!tpu.dma_semaphore, #tpu.memory_space<semaphore_mem>>)
      } else {
      }
      %add3A_235 = arith.constant 1 : i32
      %add3A_236 = arith.addi %add3A_218, %add3A_235 : i32
      %dma_wait3A_237 = arith.constant 1 : i32
      %dma_wait3A_238 = arith.constant 0 : i32
      %dma_wait3A_239 = arith.constant 0 : i32
      %dma_wait3A_240 = tpu.memref_slice %arg9[%dma_wait3A_237, %dma_wait3A_238, %dma_wait3A_239] : memref<4x64x128xf32, #tpu.memory_space<vmem>> -> memref<1x64x128xf32, #tpu.memory_space<vmem>>
      %dma_wait3A_241 = tpu.memref_squeeze %dma_wait3A_240 : memref<1x64x128xf32, #tpu.memory_space<vmem>> -> memref<64x128xf32, #tpu.memory_space<vmem>>
      %dma_wait3A_242 = arith.constant 0 : i32
      %dma_wait3A_243 = tpu.memref_slice %arg7[%add3A_236, %dma_wait3A_242] : memref<40x64xi32, #tpu.memory_space<vmem>> -> memref<1x64xi32, #tpu.memory_space<vmem>>
      %dma_wait3A_244 = tpu.memref_squeeze %dma_wait3A_243 : memref<1x64xi32, #tpu.memory_space<vmem>> -> memref<64xi32, #tpu.memory_space<vmem>>
      %dma_wait3A_245 = arith.constant 0 : i32
      %dma_wait3A_246 = arith.constant 0 : i32
      %dma_wait3A_247 = tpu.memref_slice %arg2[%dma_wait3A_245, %dma_wait3A_246] : memref<10240x128xf32, #tpu.memory_space<hbm>> -> memref<10240x128xf32, #tpu.memory_space<hbm>>
      tpu.wait_indirect_dma semaphore(%arg12 : memref<!tpu.dma_semaphore, #tpu.memory_space<semaphore_mem>>) src(%dma_wait3A_247 : memref<10240x128xf32, #tpu.memory_space<hbm>>) dst(%dma_wait3A_241 : memref<64x128xf32, #tpu.memory_space<vmem>>)
      %run_scoped3A_248 = arith.constant 1 : i32
      "tpu.region"() ({
        %run_scoped3A_298 = tpu.sem_alloc : memref<!tpu.dma_semaphore, #tpu.memory_space<semaphore_mem>>
        %dma_start3A_299 = arith.constant 0 : i32
        %dma_start3A_300 = arith.constant 0 : i32
        %dma_start3A_301 = tpu.memref_slice %arg9[%run_scoped3A_248, %dma_start3A_299, %dma_start3A_300] : memref<4x64x128xf32, #tpu.memory_space<vmem>> -> memref<1x64x128xf32, #tpu.memory_space<vmem>>
        %dma_start3A_302 = tpu.memref_squeeze %dma_start3A_301 : memref<1x64x128xf32, #tpu.memory_space<vmem>> -> memref<64x128xf32, #tpu.memory_space<vmem>>
        %dma_start3A_303 = arith.constant 0 : i32
        %dma_start3A_304 = tpu.memref_slice %arg8[%add3A_236, %dma_start3A_303] : memref<40x64xi32, #tpu.memory_space<vmem>> -> memref<1x64xi32, #tpu.memory_space<vmem>>
        %dma_start3A_305 = tpu.memref_squeeze %dma_start3A_304 : memref<1x64xi32, #tpu.memory_space<vmem>> -> memref<64xi32, #tpu.memory_space<vmem>>
        %dma_start3A_306 = arith.constant 0 : i32
        %dma_start3A_307 = arith.constant 0 : i32
        %dma_start3A_308 = tpu.memref_slice %arg10[%dma_start3A_306, %dma_start3A_307] : memref<10240x128xf32, #tpu.memory_space<vmem_shared>> -> memref<10240x128xf32, #tpu.memory_space<vmem_shared>>
        tpu.enqueue_indirect_dma source(%dma_start3A_302 : memref<64x128xf32, #tpu.memory_space<vmem>>) target(%dma_start3A_308 : memref<10240x128xf32, #tpu.memory_space<vmem_shared>>) offsets(%dma_start3A_305 : memref<64xi32, #tpu.memory_space<vmem>>) semaphore(%run_scoped3A_298 : memref<!tpu.dma_semaphore, #tpu.memory_space<semaphore_mem>>) {add = true}
        %dma_wait3A_309 = arith.constant 0 : i32
        %dma_wait3A_310 = arith.constant 0 : i32
        %dma_wait3A_311 = tpu.memref_slice %arg9[%run_scoped3A_248, %dma_wait3A_309, %dma_wait3A_310] : memref<4x64x128xf32, #tpu.memory_space<vmem>> -> memref<1x64x128xf32, #tpu.memory_space<vmem>>
        %dma_wait3A_312 = tpu.memref_squeeze %dma_wait3A_311 : memref<1x64x128xf32, #tpu.memory_space<vmem>> -> memref<64x128xf32, #tpu.memory_space<vmem>>
        %dma_wait3A_313 = arith.constant 0 : i32
        %dma_wait3A_314 = tpu.memref_slice %arg8[%add3A_236, %dma_wait3A_313] : memref<40x64xi32, #tpu.memory_space<vmem>> -> memref<1x64xi32, #tpu.memory_space<vmem>>
        %dma_wait3A_315 = tpu.memref_squeeze %dma_wait3A_314 : memref<1x64xi32, #tpu.memory_space<vmem>> -> memref<64xi32, #tpu.memory_space<vmem>>
        %dma_wait3A_316 = arith.constant 0 : i32
        %dma_wait3A_317 = arith.constant 0 : i32
        %dma_wait3A_318 = tpu.memref_slice %arg10[%dma_wait3A_316, %dma_wait3A_317] : memref<10240x128xf32, #tpu.memory_space<vmem_shared>> -> memref<10240x128xf32, #tpu.memory_space<vmem_shared>>
        tpu.wait_indirect_dma semaphore(%run_scoped3A_298 : memref<!tpu.dma_semaphore, #tpu.memory_space<semaphore_mem>>) src(%dma_wait3A_312 : memref<64x128xf32, #tpu.memory_space<vmem>>) dst(%dma_wait3A_318 : memref<10240x128xf32, #tpu.memory_space<vmem_shared>>)
        tpu.yield
      }) : () -> ()
      %add3A_249 = arith.constant 4 : i32
      %add3A_250 = arith.addi %add3A_236, %add3A_249 : i32
      %lt3A_251 = arith.constant 40 : i32
      %lt3A_252 = arith.cmpi slt, %add3A_250, %lt3A_251 : i32
      %convert_element_type3A_253 = arith.extui %lt3A_252 : i1 to i32
      %cond3A_254 = arith.constant 0 : i32
      %cond3A_255 = arith.cmpi ne, %convert_element_type3A_253, %cond3A_254 : i32
      scf.if %cond3A_255 {
        %dma_start3A_298 = arith.constant 1 : i32
        %dma_start3A_299 = arith.constant 0 : i32
        %dma_start3A_300 = arith.constant 0 : i32
        %dma_start3A_301 = tpu.memref_slice %arg9[%dma_start3A_298, %dma_start3A_299, %dma_start3A_300] : memref<4x64x128xf32, #tpu.memory_space<vmem>> -> memref<1x64x128xf32, #tpu.memory_space<vmem>>
        %dma_start3A_302 = tpu.memref_squeeze %dma_start3A_301 : memref<1x64x128xf32, #tpu.memory_space<vmem>> -> memref<64x128xf32, #tpu.memory_space<vmem>>
        %dma_start3A_303 = arith.constant 0 : i32
        %dma_start3A_304 = tpu.memref_slice %arg7[%add3A_250, %dma_start3A_303] : memref<40x64xi32, #tpu.memory_space<vmem>> -> memref<1x64xi32, #tpu.memory_space<vmem>>
        %dma_start3A_305 = tpu.memref_squeeze %dma_start3A_304 : memref<1x64xi32, #tpu.memory_space<vmem>> -> memref<64xi32, #tpu.memory_space<vmem>>
        %dma_start3A_306 = arith.constant 0 : i32
        %dma_start3A_307 = arith.constant 0 : i32
        %dma_start3A_308 = tpu.memref_slice %arg2[%dma_start3A_306, %dma_start3A_307] : memref<10240x128xf32, #tpu.memory_space<hbm>> -> memref<10240x128xf32, #tpu.memory_space<hbm>>
        tpu.enqueue_indirect_dma source(%dma_start3A_308 : memref<10240x128xf32, #tpu.memory_space<hbm>>) target(%dma_start3A_302 : memref<64x128xf32, #tpu.memory_space<vmem>>) offsets(%dma_start3A_305 : memref<64xi32, #tpu.memory_space<vmem>>) semaphore(%arg12 : memref<!tpu.dma_semaphore, #tpu.memory_space<semaphore_mem>>)
      } else {
      }
      %add3A_256 = arith.constant 2 : i32
      %add3A_257 = arith.addi %add3A_218, %add3A_256 : i32
      %dma_wait3A_258 = arith.constant 2 : i32
      %dma_wait3A_259 = arith.constant 0 : i32
      %dma_wait3A_260 = arith.constant 0 : i32
      %dma_wait3A_261 = tpu.memref_slice %arg9[%dma_wait3A_258, %dma_wait3A_259, %dma_wait3A_260] : memref<4x64x128xf32, #tpu.memory_space<vmem>> -> memref<1x64x128xf32, #tpu.memory_space<vmem>>
      %dma_wait3A_262 = tpu.memref_squeeze %dma_wait3A_261 : memref<1x64x128xf32, #tpu.memory_space<vmem>> -> memref<64x128xf32, #tpu.memory_space<vmem>>
      %dma_wait3A_263 = arith.constant 0 : i32
      %dma_wait3A_264 = tpu.memref_slice %arg7[%add3A_257, %dma_wait3A_263] : memref<40x64xi32, #tpu.memory_space<vmem>> -> memref<1x64xi32, #tpu.memory_space<vmem>>
      %dma_wait3A_265 = tpu.memref_squeeze %dma_wait3A_264 : memref<1x64xi32, #tpu.memory_space<vmem>> -> memref<64xi32, #tpu.memory_space<vmem>>
      %dma_wait3A_266 = arith.constant 0 : i32
      %dma_wait3A_267 = arith.constant 0 : i32
      %dma_wait3A_268 = tpu.memref_slice %arg2[%dma_wait3A_266, %dma_wait3A_267] : memref<10240x128xf32, #tpu.memory_space<hbm>> -> memref<10240x128xf32, #tpu.memory_space<hbm>>
      tpu.wait_indirect_dma semaphore(%arg13 : memref<!tpu.dma_semaphore, #tpu.memory_space<semaphore_mem>>) src(%dma_wait3A_268 : memref<10240x128xf32, #tpu.memory_space<hbm>>) dst(%dma_wait3A_262 : memref<64x128xf32, #tpu.memory_space<vmem>>)
      %run_scoped3A_269 = arith.constant 2 : i32
      "tpu.region"() ({
        %run_scoped3A_298 = tpu.sem_alloc : memref<!tpu.dma_semaphore, #tpu.memory_space<semaphore_mem>>
        %dma_start3A_299 = arith.constant 0 : i32
        %dma_start3A_300 = arith.constant 0 : i32
        %dma_start3A_301 = tpu.memref_slice %arg9[%run_scoped3A_269, %dma_start3A_299, %dma_start3A_300] : memref<4x64x128xf32, #tpu.memory_space<vmem>> -> memref<1x64x128xf32, #tpu.memory_space<vmem>>
        %dma_start3A_302 = tpu.memref_squeeze %dma_start3A_301 : memref<1x64x128xf32, #tpu.memory_space<vmem>> -> memref<64x128xf32, #tpu.memory_space<vmem>>
        %dma_start3A_303 = arith.constant 0 : i32
        %dma_start3A_304 = tpu.memref_slice %arg8[%add3A_257, %dma_start3A_303] : memref<40x64xi32, #tpu.memory_space<vmem>> -> memref<1x64xi32, #tpu.memory_space<vmem>>
        %dma_start3A_305 = tpu.memref_squeeze %dma_start3A_304 : memref<1x64xi32, #tpu.memory_space<vmem>> -> memref<64xi32, #tpu.memory_space<vmem>>
        %dma_start3A_306 = arith.constant 0 : i32
        %dma_start3A_307 = arith.constant 0 : i32
        %dma_start3A_308 = tpu.memref_slice %arg10[%dma_start3A_306, %dma_start3A_307] : memref<10240x128xf32, #tpu.memory_space<vmem_shared>> -> memref<10240x128xf32, #tpu.memory_space<vmem_shared>>
        tpu.enqueue_indirect_dma source(%dma_start3A_302 : memref<64x128xf32, #tpu.memory_space<vmem>>) target(%dma_start3A_308 : memref<10240x128xf32, #tpu.memory_space<vmem_shared>>) offsets(%dma_start3A_305 : memref<64xi32, #tpu.memory_space<vmem>>) semaphore(%run_scoped3A_298 : memref<!tpu.dma_semaphore, #tpu.memory_space<semaphore_mem>>) {add = true}
        %dma_wait3A_309 = arith.constant 0 : i32
        %dma_wait3A_310 = arith.constant 0 : i32
        %dma_wait3A_311 = tpu.memref_slice %arg9[%run_scoped3A_269, %dma_wait3A_309, %dma_wait3A_310] : memref<4x64x128xf32, #tpu.memory_space<vmem>> -> memref<1x64x128xf32, #tpu.memory_space<vmem>>
        %dma_wait3A_312 = tpu.memref_squeeze %dma_wait3A_311 : memref<1x64x128xf32, #tpu.memory_space<vmem>> -> memref<64x128xf32, #tpu.memory_space<vmem>>
        %dma_wait3A_313 = arith.constant 0 : i32
        %dma_wait3A_314 = tpu.memref_slice %arg8[%add3A_257, %dma_wait3A_313] : memref<40x64xi32, #tpu.memory_space<vmem>> -> memref<1x64xi32, #tpu.memory_space<vmem>>
        %dma_wait3A_315 = tpu.memref_squeeze %dma_wait3A_314 : memref<1x64xi32, #tpu.memory_space<vmem>> -> memref<64xi32, #tpu.memory_space<vmem>>
        %dma_wait3A_316 = arith.constant 0 : i32
        %dma_wait3A_317 = arith.constant 0 : i32
        %dma_wait3A_318 = tpu.memref_slice %arg10[%dma_wait3A_316, %dma_wait3A_317] : memref<10240x128xf32, #tpu.memory_space<vmem_shared>> -> memref<10240x128xf32, #tpu.memory_space<vmem_shared>>
        tpu.wait_indirect_dma semaphore(%run_scoped3A_298 : memref<!tpu.dma_semaphore, #tpu.memory_space<semaphore_mem>>) src(%dma_wait3A_312 : memref<64x128xf32, #tpu.memory_space<vmem>>) dst(%dma_wait3A_318 : memref<10240x128xf32, #tpu.memory_space<vmem_shared>>)
        tpu.yield
      }) : () -> ()
      %add3A_270 = arith.constant 4 : i32
      %add3A_271 = arith.addi %add3A_257, %add3A_270 : i32
      %lt3A_272 = arith.constant 40 : i32
      %lt3A_273 = arith.cmpi slt, %add3A_271, %lt3A_272 : i32
      %convert_element_type3A_274 = arith.extui %lt3A_273 : i1 to i32
      %cond3A_275 = arith.constant 0 : i32
      %cond3A_276 = arith.cmpi ne, %convert_element_type3A_274, %cond3A_275 : i32
      scf.if %cond3A_276 {
        %dma_start3A_298 = arith.constant 2 : i32
        %dma_start3A_299 = arith.constant 0 : i32
        %dma_start3A_300 = arith.constant 0 : i32
        %dma_start3A_301 = tpu.memref_slice %arg9[%dma_start3A_298, %dma_start3A_299, %dma_start3A_300] : memref<4x64x128xf32, #tpu.memory_space<vmem>> -> memref<1x64x128xf32, #tpu.memory_space<vmem>>
        %dma_start3A_302 = tpu.memref_squeeze %dma_start3A_301 : memref<1x64x128xf32, #tpu.memory_space<vmem>> -> memref<64x128xf32, #tpu.memory_space<vmem>>
        %dma_start3A_303 = arith.constant 0 : i32
        %dma_start3A_304 = tpu.memref_slice %arg7[%add3A_271, %dma_start3A_303] : memref<40x64xi32, #tpu.memory_space<vmem>> -> memref<1x64xi32, #tpu.memory_space<vmem>>
        %dma_start3A_305 = tpu.memref_squeeze %dma_start3A_304 : memref<1x64xi32, #tpu.memory_space<vmem>> -> memref<64xi32, #tpu.memory_space<vmem>>
        %dma_start3A_306 = arith.constant 0 : i32
        %dma_start3A_307 = arith.constant 0 : i32
        %dma_start3A_308 = tpu.memref_slice %arg2[%dma_start3A_306, %dma_start3A_307] : memref<10240x128xf32, #tpu.memory_space<hbm>> -> memref<10240x128xf32, #tpu.memory_space<hbm>>
        tpu.enqueue_indirect_dma source(%dma_start3A_308 : memref<10240x128xf32, #tpu.memory_space<hbm>>) target(%dma_start3A_302 : memref<64x128xf32, #tpu.memory_space<vmem>>) offsets(%dma_start3A_305 : memref<64xi32, #tpu.memory_space<vmem>>) semaphore(%arg13 : memref<!tpu.dma_semaphore, #tpu.memory_space<semaphore_mem>>)
      } else {
      }
      %add3A_277 = arith.constant 3 : i32
      %add3A_278 = arith.addi %add3A_218, %add3A_277 : i32
      %dma_wait3A_279 = arith.constant 3 : i32
      %dma_wait3A_280 = arith.constant 0 : i32
      %dma_wait3A_281 = arith.constant 0 : i32
      %dma_wait3A_282 = tpu.memref_slice %arg9[%dma_wait3A_279, %dma_wait3A_280, %dma_wait3A_281] : memref<4x64x128xf32, #tpu.memory_space<vmem>> -> memref<1x64x128xf32, #tpu.memory_space<vmem>>
      %dma_wait3A_283 = tpu.memref_squeeze %dma_wait3A_282 : memref<1x64x128xf32, #tpu.memory_space<vmem>> -> memref<64x128xf32, #tpu.memory_space<vmem>>
      %dma_wait3A_284 = arith.constant 0 : i32
      %dma_wait3A_285 = tpu.memref_slice %arg7[%add3A_278, %dma_wait3A_284] : memref<40x64xi32, #tpu.memory_space<vmem>> -> memref<1x64xi32, #tpu.memory_space<vmem>>
      %dma_wait3A_286 = tpu.memref_squeeze %dma_wait3A_285 : memref<1x64xi32, #tpu.memory_space<vmem>> -> memref<64xi32, #tpu.memory_space<vmem>>
      %dma_wait3A_287 = arith.constant 0 : i32
      %dma_wait3A_288 = arith.constant 0 : i32
      %dma_wait3A_289 = tpu.memref_slice %arg2[%dma_wait3A_287, %dma_wait3A_288] : memref<10240x128xf32, #tpu.memory_space<hbm>> -> memref<10240x128xf32, #tpu.memory_space<hbm>>
      tpu.wait_indirect_dma semaphore(%arg14 : memref<!tpu.dma_semaphore, #tpu.memory_space<semaphore_mem>>) src(%dma_wait3A_289 : memref<10240x128xf32, #tpu.memory_space<hbm>>) dst(%dma_wait3A_283 : memref<64x128xf32, #tpu.memory_space<vmem>>)
      %run_scoped3A_290 = arith.constant 3 : i32
      "tpu.region"() ({
        %run_scoped3A_298 = tpu.sem_alloc : memref<!tpu.dma_semaphore, #tpu.memory_space<semaphore_mem>>
        %dma_start3A_299 = arith.constant 0 : i32
        %dma_start3A_300 = arith.constant 0 : i32
        %dma_start3A_301 = tpu.memref_slice %arg9[%run_scoped3A_290, %dma_start3A_299, %dma_start3A_300] : memref<4x64x128xf32, #tpu.memory_space<vmem>> -> memref<1x64x128xf32, #tpu.memory_space<vmem>>
        %dma_start3A_302 = tpu.memref_squeeze %dma_start3A_301 : memref<1x64x128xf32, #tpu.memory_space<vmem>> -> memref<64x128xf32, #tpu.memory_space<vmem>>
        %dma_start3A_303 = arith.constant 0 : i32
        %dma_start3A_304 = tpu.memref_slice %arg8[%add3A_278, %dma_start3A_303] : memref<40x64xi32, #tpu.memory_space<vmem>> -> memref<1x64xi32, #tpu.memory_space<vmem>>
        %dma_start3A_305 = tpu.memref_squeeze %dma_start3A_304 : memref<1x64xi32, #tpu.memory_space<vmem>> -> memref<64xi32, #tpu.memory_space<vmem>>
        %dma_start3A_306 = arith.constant 0 : i32
        %dma_start3A_307 = arith.constant 0 : i32
        %dma_start3A_308 = tpu.memref_slice %arg10[%dma_start3A_306, %dma_start3A_307] : memref<10240x128xf32, #tpu.memory_space<vmem_shared>> -> memref<10240x128xf32, #tpu.memory_space<vmem_shared>>
        tpu.enqueue_indirect_dma source(%dma_start3A_302 : memref<64x128xf32, #tpu.memory_space<vmem>>) target(%dma_start3A_308 : memref<10240x128xf32, #tpu.memory_space<vmem_shared>>) offsets(%dma_start3A_305 : memref<64xi32, #tpu.memory_space<vmem>>) semaphore(%run_scoped3A_298 : memref<!tpu.dma_semaphore, #tpu.memory_space<semaphore_mem>>) {add = true}
        %dma_wait3A_309 = arith.constant 0 : i32
        %dma_wait3A_310 = arith.constant 0 : i32
        %dma_wait3A_311 = tpu.memref_slice %arg9[%run_scoped3A_290, %dma_wait3A_309, %dma_wait3A_310] : memref<4x64x128xf32, #tpu.memory_space<vmem>> -> memref<1x64x128xf32, #tpu.memory_space<vmem>>
        %dma_wait3A_312 = tpu.memref_squeeze %dma_wait3A_311 : memref<1x64x128xf32, #tpu.memory_space<vmem>> -> memref<64x128xf32, #tpu.memory_space<vmem>>
        %dma_wait3A_313 = arith.constant 0 : i32
        %dma_wait3A_314 = tpu.memref_slice %arg8[%add3A_278, %dma_wait3A_313] : memref<40x64xi32, #tpu.memory_space<vmem>> -> memref<1x64xi32, #tpu.memory_space<vmem>>
        %dma_wait3A_315 = tpu.memref_squeeze %dma_wait3A_314 : memref<1x64xi32, #tpu.memory_space<vmem>> -> memref<64xi32, #tpu.memory_space<vmem>>
        %dma_wait3A_316 = arith.constant 0 : i32
        %dma_wait3A_317 = arith.constant 0 : i32
        %dma_wait3A_318 = tpu.memref_slice %arg10[%dma_wait3A_316, %dma_wait3A_317] : memref<10240x128xf32, #tpu.memory_space<vmem_shared>> -> memref<10240x128xf32, #tpu.memory_space<vmem_shared>>
        tpu.wait_indirect_dma semaphore(%run_scoped3A_298 : memref<!tpu.dma_semaphore, #tpu.memory_space<semaphore_mem>>) src(%dma_wait3A_312 : memref<64x128xf32, #tpu.memory_space<vmem>>) dst(%dma_wait3A_318 : memref<10240x128xf32, #tpu.memory_space<vmem_shared>>)
        tpu.yield
      }) : () -> ()
      %add3A_291 = arith.constant 4 : i32
      %add3A_292 = arith.addi %add3A_278, %add3A_291 : i32
      %lt3A_293 = arith.constant 40 : i32
      %lt3A_294 = arith.cmpi slt, %add3A_292, %lt3A_293 : i32
      %convert_element_type3A_295 = arith.extui %lt3A_294 : i1 to i32
      %cond3A_296 = arith.constant 0 : i32
      %cond3A_297 = arith.cmpi ne, %convert_element_type3A_295, %cond3A_296 : i32
      scf.if %cond3A_297 {
        %dma_start3A_298 = arith.constant 3 : i32
        %dma_start3A_299 = arith.constant 0 : i32
        %dma_start3A_300 = arith.constant 0 : i32
        %dma_start3A_301 = tpu.memref_slice %arg9[%dma_start3A_298, %dma_start3A_299, %dma_start3A_300] : memref<4x64x128xf32, #tpu.memory_space<vmem>> -> memref<1x64x128xf32, #tpu.memory_space<vmem>>
        %dma_start3A_302 = tpu.memref_squeeze %dma_start3A_301 : memref<1x64x128xf32, #tpu.memory_space<vmem>> -> memref<64x128xf32, #tpu.memory_space<vmem>>
        %dma_start3A_303 = arith.constant 0 : i32
        %dma_start3A_304 = tpu.memref_slice %arg7[%add3A_292, %dma_start3A_303] : memref<40x64xi32, #tpu.memory_space<vmem>> -> memref<1x64xi32, #tpu.memory_space<vmem>>
        %dma_start3A_305 = tpu.memref_squeeze %dma_start3A_304 : memref<1x64xi32, #tpu.memory_space<vmem>> -> memref<64xi32, #tpu.memory_space<vmem>>
        %dma_start3A_306 = arith.constant 0 : i32
        %dma_start3A_307 = arith.constant 0 : i32
        %dma_start3A_308 = tpu.memref_slice %arg2[%dma_start3A_306, %dma_start3A_307] : memref<10240x128xf32, #tpu.memory_space<hbm>> -> memref<10240x128xf32, #tpu.memory_space<hbm>>
        tpu.enqueue_indirect_dma source(%dma_start3A_308 : memref<10240x128xf32, #tpu.memory_space<hbm>>) target(%dma_start3A_302 : memref<64x128xf32, #tpu.memory_space<vmem>>) offsets(%dma_start3A_305 : memref<64xi32, #tpu.memory_space<vmem>>) semaphore(%arg14 : memref<!tpu.dma_semaphore, #tpu.memory_space<semaphore_mem>>)
      } else {
      }
    }
    %scan3A_106 = arith.constant 10 : i32
    "tpu.region"() ({
      %run_scoped3A = tpu.sem_alloc : memref<!tpu.dma_semaphore, #tpu.memory_space<semaphore_mem>>
      %dma_start3A_214 = arith.constant 0 : i32
      %dma_start3A_215 = arith.constant 0 : i32
      %dma_start3A_216 = tpu.memref_slice %arg3[%add3A, %dma_start3A_214, %dma_start3A_215] : memref<32x160x64xi32, #tpu.memory_space<hbm>> -> memref<1x160x64xi32, #tpu.memory_space<hbm>>
      %dma_start3A_217 = tpu.memref_squeeze %dma_start3A_216 : memref<1x160x64xi32, #tpu.memory_space<hbm>> -> memref<160x64xi32, #tpu.memory_space<hbm>>
      %dma_start3A_218 = arith.constant 80 : i32
      %dma_start3A_219 = arith.constant 0 : i32
      %dma_start3A_220 = tpu.memref_slice %dma_start3A_217[%dma_start3A_218, %dma_start3A_219] : memref<160x64xi32, #tpu.memory_space<hbm>> -> memref<40x64xi32, #tpu.memory_space<hbm>>
      %dma_start3A_221 = arith.constant 0 : i32
      %dma_start3A_222 = arith.constant 0 : i32
      %dma_start3A_223 = tpu.memref_slice %arg3[%add3A, %dma_start3A_221, %dma_start3A_222] : memref<32x160x64xi32, #tpu.memory_space<hbm>> -> memref<1x160x64xi32, #tpu.memory_space<hbm>>
      %dma_start3A_224 = tpu.memref_squeeze %dma_start3A_223 : memref<1x160x64xi32, #tpu.memory_space<hbm>> -> memref<160x64xi32, #tpu.memory_space<hbm>>
      %dma_start3A_225 = arith.constant 80 : i32
      %dma_start3A_226 = arith.constant 0 : i32
      %dma_start3A_227 = tpu.memref_slice %dma_start3A_224[%dma_start3A_225, %dma_start3A_226] : memref<160x64xi32, #tpu.memory_space<hbm>> -> memref<40x64xi32, #tpu.memory_space<hbm>>
      tpu.enqueue_dma source(%dma_start3A_227 : memref<40x64xi32, #tpu.memory_space<hbm>>) target(%arg7 : memref<40x64xi32, #tpu.memory_space<vmem>>) target_semaphore(%run_scoped3A : memref<!tpu.dma_semaphore, #tpu.memory_space<semaphore_mem>>)
      %dma_wait3A = arith.constant 0 : i32
      %dma_wait3A_228 = arith.constant 0 : i32
      %dma_wait3A_229 = tpu.memref_slice %arg3[%add3A, %dma_wait3A, %dma_wait3A_228] : memref<32x160x64xi32, #tpu.memory_space<hbm>> -> memref<1x160x64xi32, #tpu.memory_space<hbm>>
      %dma_wait3A_230 = tpu.memref_squeeze %dma_wait3A_229 : memref<1x160x64xi32, #tpu.memory_space<hbm>> -> memref<160x64xi32, #tpu.memory_space<hbm>>
      %dma_wait3A_231 = arith.constant 80 : i32
      %dma_wait3A_232 = arith.constant 0 : i32
      %dma_wait3A_233 = tpu.memref_slice %dma_wait3A_230[%dma_wait3A_231, %dma_wait3A_232] : memref<160x64xi32, #tpu.memory_space<hbm>> -> memref<40x64xi32, #tpu.memory_space<hbm>>
      %dma_wait3A_234 = arith.constant 0 : i32
      %dma_wait3A_235 = arith.constant 0 : i32
      %dma_wait3A_236 = tpu.memref_slice %arg3[%add3A, %dma_wait3A_234, %dma_wait3A_235] : memref<32x160x64xi32, #tpu.memory_space<hbm>> -> memref<1x160x64xi32, #tpu.memory_space<hbm>>
      %dma_wait3A_237 = tpu.memref_squeeze %dma_wait3A_236 : memref<1x160x64xi32, #tpu.memory_space<hbm>> -> memref<160x64xi32, #tpu.memory_space<hbm>>
      %dma_wait3A_238 = arith.constant 80 : i32
      %dma_wait3A_239 = arith.constant 0 : i32
      %dma_wait3A_240 = tpu.memref_slice %dma_wait3A_237[%dma_wait3A_238, %dma_wait3A_239] : memref<160x64xi32, #tpu.memory_space<hbm>> -> memref<40x64xi32, #tpu.memory_space<hbm>>
      tpu.wait_dma2 semaphore(%run_scoped3A : memref<!tpu.dma_semaphore, #tpu.memory_space<semaphore_mem>>) src(%dma_wait3A_240 : memref<40x64xi32, #tpu.memory_space<hbm>>) dst(%arg7 : memref<40x64xi32, #tpu.memory_space<vmem>>)
      tpu.yield
    }) : () -> ()
    "tpu.region"() ({
      %run_scoped3A = tpu.sem_alloc : memref<!tpu.dma_semaphore, #tpu.memory_space<semaphore_mem>>
      %dma_start3A_214 = arith.constant 0 : i32
      %dma_start3A_215 = arith.constant 0 : i32
      %dma_start3A_216 = tpu.memref_slice %arg4[%add3A, %dma_start3A_214, %dma_start3A_215] : memref<32x160x64xi32, #tpu.memory_space<hbm>> -> memref<1x160x64xi32, #tpu.memory_space<hbm>>
      %dma_start3A_217 = tpu.memref_squeeze %dma_start3A_216 : memref<1x160x64xi32, #tpu.memory_space<hbm>> -> memref<160x64xi32, #tpu.memory_space<hbm>>
      %dma_start3A_218 = arith.constant 80 : i32
      %dma_start3A_219 = arith.constant 0 : i32
      %dma_start3A_220 = tpu.memref_slice %dma_start3A_217[%dma_start3A_218, %dma_start3A_219] : memref<160x64xi32, #tpu.memory_space<hbm>> -> memref<40x64xi32, #tpu.memory_space<hbm>>
      %dma_start3A_221 = arith.constant 0 : i32
      %dma_start3A_222 = arith.constant 0 : i32
      %dma_start3A_223 = tpu.memref_slice %arg4[%add3A, %dma_start3A_221, %dma_start3A_222] : memref<32x160x64xi32, #tpu.memory_space<hbm>> -> memref<1x160x64xi32, #tpu.memory_space<hbm>>
      %dma_start3A_224 = tpu.memref_squeeze %dma_start3A_223 : memref<1x160x64xi32, #tpu.memory_space<hbm>> -> memref<160x64xi32, #tpu.memory_space<hbm>>
      %dma_start3A_225 = arith.constant 80 : i32
      %dma_start3A_226 = arith.constant 0 : i32
      %dma_start3A_227 = tpu.memref_slice %dma_start3A_224[%dma_start3A_225, %dma_start3A_226] : memref<160x64xi32, #tpu.memory_space<hbm>> -> memref<40x64xi32, #tpu.memory_space<hbm>>
      tpu.enqueue_dma source(%dma_start3A_227 : memref<40x64xi32, #tpu.memory_space<hbm>>) target(%arg8 : memref<40x64xi32, #tpu.memory_space<vmem>>) target_semaphore(%run_scoped3A : memref<!tpu.dma_semaphore, #tpu.memory_space<semaphore_mem>>)
      %dma_wait3A = arith.constant 0 : i32
      %dma_wait3A_228 = arith.constant 0 : i32
      %dma_wait3A_229 = tpu.memref_slice %arg4[%add3A, %dma_wait3A, %dma_wait3A_228] : memref<32x160x64xi32, #tpu.memory_space<hbm>> -> memref<1x160x64xi32, #tpu.memory_space<hbm>>
      %dma_wait3A_230 = tpu.memref_squeeze %dma_wait3A_229 : memref<1x160x64xi32, #tpu.memory_space<hbm>> -> memref<160x64xi32, #tpu.memory_space<hbm>>
      %dma_wait3A_231 = arith.constant 80 : i32
      %dma_wait3A_232 = arith.constant 0 : i32
      %dma_wait3A_233 = tpu.memref_slice %dma_wait3A_230[%dma_wait3A_231, %dma_wait3A_232] : memref<160x64xi32, #tpu.memory_space<hbm>> -> memref<40x64xi32, #tpu.memory_space<hbm>>
      %dma_wait3A_234 = arith.constant 0 : i32
      %dma_wait3A_235 = arith.constant 0 : i32
      %dma_wait3A_236 = tpu.memref_slice %arg4[%add3A, %dma_wait3A_234, %dma_wait3A_235] : memref<32x160x64xi32, #tpu.memory_space<hbm>> -> memref<1x160x64xi32, #tpu.memory_space<hbm>>
      %dma_wait3A_237 = tpu.memref_squeeze %dma_wait3A_236 : memref<1x160x64xi32, #tpu.memory_space<hbm>> -> memref<160x64xi32, #tpu.memory_space<hbm>>
      %dma_wait3A_238 = arith.constant 80 : i32
      %dma_wait3A_239 = arith.constant 0 : i32
      %dma_wait3A_240 = tpu.memref_slice %dma_wait3A_237[%dma_wait3A_238, %dma_wait3A_239] : memref<160x64xi32, #tpu.memory_space<hbm>> -> memref<40x64xi32, #tpu.memory_space<hbm>>
      tpu.wait_dma2 semaphore(%run_scoped3A : memref<!tpu.dma_semaphore, #tpu.memory_space<semaphore_mem>>) src(%dma_wait3A_240 : memref<40x64xi32, #tpu.memory_space<hbm>>) dst(%arg8 : memref<40x64xi32, #tpu.memory_space<vmem>>)
      tpu.yield
    }) : () -> ()
    %dma_start3A_107 = arith.constant 0 : i32
    %dma_start3A_108 = arith.constant 0 : i32
    %dma_start3A_109 = arith.constant 0 : i32
    %dma_start3A_110 = arith.constant 0 : i32
    %dma_start3A_111 = tpu.memref_slice %arg9[%dma_start3A_108, %dma_start3A_109, %dma_start3A_110] : memref<4x64x128xf32, #tpu.memory_space<vmem>> -> memref<1x64x128xf32, #tpu.memory_space<vmem>>
    %dma_start3A_112 = tpu.memref_squeeze %dma_start3A_111 : memref<1x64x128xf32, #tpu.memory_space<vmem>> -> memref<64x128xf32, #tpu.memory_space<vmem>>
    %dma_start3A_113 = arith.constant 0 : i32
    %dma_start3A_114 = tpu.memref_slice %arg7[%dma_start3A_107, %dma_start3A_113] : memref<40x64xi32, #tpu.memory_space<vmem>> -> memref<1x64xi32, #tpu.memory_space<vmem>>
    %dma_start3A_115 = tpu.memref_squeeze %dma_start3A_114 : memref<1x64xi32, #tpu.memory_space<vmem>> -> memref<64xi32, #tpu.memory_space<vmem>>
    %dma_start3A_116 = arith.constant 0 : i32
    %dma_start3A_117 = arith.constant 0 : i32
    %dma_start3A_118 = tpu.memref_slice %arg2[%dma_start3A_116, %dma_start3A_117] : memref<10240x128xf32, #tpu.memory_space<hbm>> -> memref<10240x128xf32, #tpu.memory_space<hbm>>
    tpu.enqueue_indirect_dma source(%dma_start3A_118 : memref<10240x128xf32, #tpu.memory_space<hbm>>) target(%dma_start3A_112 : memref<64x128xf32, #tpu.memory_space<vmem>>) offsets(%dma_start3A_115 : memref<64xi32, #tpu.memory_space<vmem>>) semaphore(%arg11 : memref<!tpu.dma_semaphore, #tpu.memory_space<semaphore_mem>>)
    %dma_start3A_119 = arith.constant 1 : i32
    %dma_start3A_120 = arith.constant 1 : i32
    %dma_start3A_121 = arith.constant 0 : i32
    %dma_start3A_122 = arith.constant 0 : i32
    %dma_start3A_123 = tpu.memref_slice %arg9[%dma_start3A_120, %dma_start3A_121, %dma_start3A_122] : memref<4x64x128xf32, #tpu.memory_space<vmem>> -> memref<1x64x128xf32, #tpu.memory_space<vmem>>
    %dma_start3A_124 = tpu.memref_squeeze %dma_start3A_123 : memref<1x64x128xf32, #tpu.memory_space<vmem>> -> memref<64x128xf32, #tpu.memory_space<vmem>>
    %dma_start3A_125 = arith.constant 0 : i32
    %dma_start3A_126 = tpu.memref_slice %arg7[%dma_start3A_119, %dma_start3A_125] : memref<40x64xi32, #tpu.memory_space<vmem>> -> memref<1x64xi32, #tpu.memory_space<vmem>>
    %dma_start3A_127 = tpu.memref_squeeze %dma_start3A_126 : memref<1x64xi32, #tpu.memory_space<vmem>> -> memref<64xi32, #tpu.memory_space<vmem>>
    %dma_start3A_128 = arith.constant 0 : i32
    %dma_start3A_129 = arith.constant 0 : i32
    %dma_start3A_130 = tpu.memref_slice %arg2[%dma_start3A_128, %dma_start3A_129] : memref<10240x128xf32, #tpu.memory_space<hbm>> -> memref<10240x128xf32, #tpu.memory_space<hbm>>
    tpu.enqueue_indirect_dma source(%dma_start3A_130 : memref<10240x128xf32, #tpu.memory_space<hbm>>) target(%dma_start3A_124 : memref<64x128xf32, #tpu.memory_space<vmem>>) offsets(%dma_start3A_127 : memref<64xi32, #tpu.memory_space<vmem>>) semaphore(%arg12 : memref<!tpu.dma_semaphore, #tpu.memory_space<semaphore_mem>>)
    %dma_start3A_131 = arith.constant 2 : i32
    %dma_start3A_132 = arith.constant 2 : i32
    %dma_start3A_133 = arith.constant 0 : i32
    %dma_start3A_134 = arith.constant 0 : i32
    %dma_start3A_135 = tpu.memref_slice %arg9[%dma_start3A_132, %dma_start3A_133, %dma_start3A_134] : memref<4x64x128xf32, #tpu.memory_space<vmem>> -> memref<1x64x128xf32, #tpu.memory_space<vmem>>
    %dma_start3A_136 = tpu.memref_squeeze %dma_start3A_135 : memref<1x64x128xf32, #tpu.memory_space<vmem>> -> memref<64x128xf32, #tpu.memory_space<vmem>>
    %dma_start3A_137 = arith.constant 0 : i32
    %dma_start3A_138 = tpu.memref_slice %arg7[%dma_start3A_131, %dma_start3A_137] : memref<40x64xi32, #tpu.memory_space<vmem>> -> memref<1x64xi32, #tpu.memory_space<vmem>>
    %dma_start3A_139 = tpu.memref_squeeze %dma_start3A_138 : memref<1x64xi32, #tpu.memory_space<vmem>> -> memref<64xi32, #tpu.memory_space<vmem>>
    %dma_start3A_140 = arith.constant 0 : i32
    %dma_start3A_141 = arith.constant 0 : i32
    %dma_start3A_142 = tpu.memref_slice %arg2[%dma_start3A_140, %dma_start3A_141] : memref<10240x128xf32, #tpu.memory_space<hbm>> -> memref<10240x128xf32, #tpu.memory_space<hbm>>
    tpu.enqueue_indirect_dma source(%dma_start3A_142 : memref<10240x128xf32, #tpu.memory_space<hbm>>) target(%dma_start3A_136 : memref<64x128xf32, #tpu.memory_space<vmem>>) offsets(%dma_start3A_139 : memref<64xi32, #tpu.memory_space<vmem>>) semaphore(%arg13 : memref<!tpu.dma_semaphore, #tpu.memory_space<semaphore_mem>>)
    %dma_start3A_143 = arith.constant 3 : i32
    %dma_start3A_144 = arith.constant 3 : i32
    %dma_start3A_145 = arith.constant 0 : i32
    %dma_start3A_146 = arith.constant 0 : i32
    %dma_start3A_147 = tpu.memref_slice %arg9[%dma_start3A_144, %dma_start3A_145, %dma_start3A_146] : memref<4x64x128xf32, #tpu.memory_space<vmem>> -> memref<1x64x128xf32, #tpu.memory_space<vmem>>
    %dma_start3A_148 = tpu.memref_squeeze %dma_start3A_147 : memref<1x64x128xf32, #tpu.memory_space<vmem>> -> memref<64x128xf32, #tpu.memory_space<vmem>>
    %dma_start3A_149 = arith.constant 0 : i32
    %dma_start3A_150 = tpu.memref_slice %arg7[%dma_start3A_143, %dma_start3A_149] : memref<40x64xi32, #tpu.memory_space<vmem>> -> memref<1x64xi32, #tpu.memory_space<vmem>>
    %dma_start3A_151 = tpu.memref_squeeze %dma_start3A_150 : memref<1x64xi32, #tpu.memory_space<vmem>> -> memref<64xi32, #tpu.memory_space<vmem>>
    %dma_start3A_152 = arith.constant 0 : i32
    %dma_start3A_153 = arith.constant 0 : i32
    %dma_start3A_154 = tpu.memref_slice %arg2[%dma_start3A_152, %dma_start3A_153] : memref<10240x128xf32, #tpu.memory_space<hbm>> -> memref<10240x128xf32, #tpu.memory_space<hbm>>
    tpu.enqueue_indirect_dma source(%dma_start3A_154 : memref<10240x128xf32, #tpu.memory_space<hbm>>) target(%dma_start3A_148 : memref<64x128xf32, #tpu.memory_space<vmem>>) offsets(%dma_start3A_151 : memref<64xi32, #tpu.memory_space<vmem>>) semaphore(%arg14 : memref<!tpu.dma_semaphore, #tpu.memory_space<semaphore_mem>>)
    %scan3A_155 = arith.constant 0 : i32
    %scan3A_156 = arith.constant 10 : i32
    %scan3A_157 = arith.addi %scan3A_155, %scan3A_156 : i32
    %scan3A_158 = arith.constant 1 : i32
    scf.for %scan3A_214 = %scan3A_155 to %scan3A_157 step %scan3A_158  : i32 {
      %mul3A_215 = arith.constant 4 : i32
      %mul3A_216 = arith.muli %scan3A_214, %mul3A_215 : i32
      %add3A_217 = arith.constant 0 : i32
      %add3A_218 = arith.addi %add3A_217, %mul3A_216 : i32
      %add3A_219 = arith.constant 0 : i32
      %add3A_220 = arith.addi %add3A_218, %add3A_219 : i32
      %dma_wait3A = arith.constant 0 : i32
      %dma_wait3A_221 = arith.constant 0 : i32
      %dma_wait3A_222 = arith.constant 0 : i32
      %dma_wait3A_223 = tpu.memref_slice %arg9[%dma_wait3A, %dma_wait3A_221, %dma_wait3A_222] : memref<4x64x128xf32, #tpu.memory_space<vmem>> -> memref<1x64x128xf32, #tpu.memory_space<vmem>>
      %dma_wait3A_224 = tpu.memref_squeeze %dma_wait3A_223 : memref<1x64x128xf32, #tpu.memory_space<vmem>> -> memref<64x128xf32, #tpu.memory_space<vmem>>
      %dma_wait3A_225 = arith.constant 0 : i32
      %dma_wait3A_226 = tpu.memref_slice %arg7[%add3A_220, %dma_wait3A_225] : memref<40x64xi32, #tpu.memory_space<vmem>> -> memref<1x64xi32, #tpu.memory_space<vmem>>
      %dma_wait3A_227 = tpu.memref_squeeze %dma_wait3A_226 : memref<1x64xi32, #tpu.memory_space<vmem>> -> memref<64xi32, #tpu.memory_space<vmem>>
      %dma_wait3A_228 = arith.constant 0 : i32
      %dma_wait3A_229 = arith.constant 0 : i32
      %dma_wait3A_230 = tpu.memref_slice %arg2[%dma_wait3A_228, %dma_wait3A_229] : memref<10240x128xf32, #tpu.memory_space<hbm>> -> memref<10240x128xf32, #tpu.memory_space<hbm>>
      tpu.wait_indirect_dma semaphore(%arg11 : memref<!tpu.dma_semaphore, #tpu.memory_space<semaphore_mem>>) src(%dma_wait3A_230 : memref<10240x128xf32, #tpu.memory_space<hbm>>) dst(%dma_wait3A_224 : memref<64x128xf32, #tpu.memory_space<vmem>>)
      %run_scoped3A = arith.constant 0 : i32
      "tpu.region"() ({
        %run_scoped3A_298 = tpu.sem_alloc : memref<!tpu.dma_semaphore, #tpu.memory_space<semaphore_mem>>
        %dma_start3A_299 = arith.constant 0 : i32
        %dma_start3A_300 = arith.constant 0 : i32
        %dma_start3A_301 = tpu.memref_slice %arg9[%run_scoped3A, %dma_start3A_299, %dma_start3A_300] : memref<4x64x128xf32, #tpu.memory_space<vmem>> -> memref<1x64x128xf32, #tpu.memory_space<vmem>>
        %dma_start3A_302 = tpu.memref_squeeze %dma_start3A_301 : memref<1x64x128xf32, #tpu.memory_space<vmem>> -> memref<64x128xf32, #tpu.memory_space<vmem>>
        %dma_start3A_303 = arith.constant 0 : i32
        %dma_start3A_304 = tpu.memref_slice %arg8[%add3A_220, %dma_start3A_303] : memref<40x64xi32, #tpu.memory_space<vmem>> -> memref<1x64xi32, #tpu.memory_space<vmem>>
        %dma_start3A_305 = tpu.memref_squeeze %dma_start3A_304 : memref<1x64xi32, #tpu.memory_space<vmem>> -> memref<64xi32, #tpu.memory_space<vmem>>
        %dma_start3A_306 = arith.constant 0 : i32
        %dma_start3A_307 = arith.constant 0 : i32
        %dma_start3A_308 = tpu.memref_slice %arg10[%dma_start3A_306, %dma_start3A_307] : memref<10240x128xf32, #tpu.memory_space<vmem_shared>> -> memref<10240x128xf32, #tpu.memory_space<vmem_shared>>
        tpu.enqueue_indirect_dma source(%dma_start3A_302 : memref<64x128xf32, #tpu.memory_space<vmem>>) target(%dma_start3A_308 : memref<10240x128xf32, #tpu.memory_space<vmem_shared>>) offsets(%dma_start3A_305 : memref<64xi32, #tpu.memory_space<vmem>>) semaphore(%run_scoped3A_298 : memref<!tpu.dma_semaphore, #tpu.memory_space<semaphore_mem>>) {add = true}
        %dma_wait3A_309 = arith.constant 0 : i32
        %dma_wait3A_310 = arith.constant 0 : i32
        %dma_wait3A_311 = tpu.memref_slice %arg9[%run_scoped3A, %dma_wait3A_309, %dma_wait3A_310] : memref<4x64x128xf32, #tpu.memory_space<vmem>> -> memref<1x64x128xf32, #tpu.memory_space<vmem>>
        %dma_wait3A_312 = tpu.memref_squeeze %dma_wait3A_311 : memref<1x64x128xf32, #tpu.memory_space<vmem>> -> memref<64x128xf32, #tpu.memory_space<vmem>>
        %dma_wait3A_313 = arith.constant 0 : i32
        %dma_wait3A_314 = tpu.memref_slice %arg8[%add3A_220, %dma_wait3A_313] : memref<40x64xi32, #tpu.memory_space<vmem>> -> memref<1x64xi32, #tpu.memory_space<vmem>>
        %dma_wait3A_315 = tpu.memref_squeeze %dma_wait3A_314 : memref<1x64xi32, #tpu.memory_space<vmem>> -> memref<64xi32, #tpu.memory_space<vmem>>
        %dma_wait3A_316 = arith.constant 0 : i32
        %dma_wait3A_317 = arith.constant 0 : i32
        %dma_wait3A_318 = tpu.memref_slice %arg10[%dma_wait3A_316, %dma_wait3A_317] : memref<10240x128xf32, #tpu.memory_space<vmem_shared>> -> memref<10240x128xf32, #tpu.memory_space<vmem_shared>>
        tpu.wait_indirect_dma semaphore(%run_scoped3A_298 : memref<!tpu.dma_semaphore, #tpu.memory_space<semaphore_mem>>) src(%dma_wait3A_312 : memref<64x128xf32, #tpu.memory_space<vmem>>) dst(%dma_wait3A_318 : memref<10240x128xf32, #tpu.memory_space<vmem_shared>>)
        tpu.yield
      }) : () -> ()
      %add3A_231 = arith.constant 4 : i32
      %add3A_232 = arith.addi %add3A_220, %add3A_231 : i32
      %lt3A = arith.constant 40 : i32
      %lt3A_233 = arith.cmpi slt, %add3A_232, %lt3A : i32
      %convert_element_type3A = arith.extui %lt3A_233 : i1 to i32
      %cond3A = arith.constant 0 : i32
      %cond3A_234 = arith.cmpi ne, %convert_element_type3A, %cond3A : i32
      scf.if %cond3A_234 {
        %dma_start3A_298 = arith.constant 0 : i32
        %dma_start3A_299 = arith.constant 0 : i32
        %dma_start3A_300 = arith.constant 0 : i32
        %dma_start3A_301 = tpu.memref_slice %arg9[%dma_start3A_298, %dma_start3A_299, %dma_start3A_300] : memref<4x64x128xf32, #tpu.memory_space<vmem>> -> memref<1x64x128xf32, #tpu.memory_space<vmem>>
        %dma_start3A_302 = tpu.memref_squeeze %dma_start3A_301 : memref<1x64x128xf32, #tpu.memory_space<vmem>> -> memref<64x128xf32, #tpu.memory_space<vmem>>
        %dma_start3A_303 = arith.constant 0 : i32
        %dma_start3A_304 = tpu.memref_slice %arg7[%add3A_232, %dma_start3A_303] : memref<40x64xi32, #tpu.memory_space<vmem>> -> memref<1x64xi32, #tpu.memory_space<vmem>>
        %dma_start3A_305 = tpu.memref_squeeze %dma_start3A_304 : memref<1x64xi32, #tpu.memory_space<vmem>> -> memref<64xi32, #tpu.memory_space<vmem>>
        %dma_start3A_306 = arith.constant 0 : i32
        %dma_start3A_307 = arith.constant 0 : i32
        %dma_start3A_308 = tpu.memref_slice %arg2[%dma_start3A_306, %dma_start3A_307] : memref<10240x128xf32, #tpu.memory_space<hbm>> -> memref<10240x128xf32, #tpu.memory_space<hbm>>
        tpu.enqueue_indirect_dma source(%dma_start3A_308 : memref<10240x128xf32, #tpu.memory_space<hbm>>) target(%dma_start3A_302 : memref<64x128xf32, #tpu.memory_space<vmem>>) offsets(%dma_start3A_305 : memref<64xi32, #tpu.memory_space<vmem>>) semaphore(%arg11 : memref<!tpu.dma_semaphore, #tpu.memory_space<semaphore_mem>>)
      } else {
      }
      %add3A_235 = arith.constant 1 : i32
      %add3A_236 = arith.addi %add3A_218, %add3A_235 : i32
      %dma_wait3A_237 = arith.constant 1 : i32
      %dma_wait3A_238 = arith.constant 0 : i32
      %dma_wait3A_239 = arith.constant 0 : i32
      %dma_wait3A_240 = tpu.memref_slice %arg9[%dma_wait3A_237, %dma_wait3A_238, %dma_wait3A_239] : memref<4x64x128xf32, #tpu.memory_space<vmem>> -> memref<1x64x128xf32, #tpu.memory_space<vmem>>
      %dma_wait3A_241 = tpu.memref_squeeze %dma_wait3A_240 : memref<1x64x128xf32, #tpu.memory_space<vmem>> -> memref<64x128xf32, #tpu.memory_space<vmem>>
      %dma_wait3A_242 = arith.constant 0 : i32
      %dma_wait3A_243 = tpu.memref_slice %arg7[%add3A_236, %dma_wait3A_242] : memref<40x64xi32, #tpu.memory_space<vmem>> -> memref<1x64xi32, #tpu.memory_space<vmem>>
      %dma_wait3A_244 = tpu.memref_squeeze %dma_wait3A_243 : memref<1x64xi32, #tpu.memory_space<vmem>> -> memref<64xi32, #tpu.memory_space<vmem>>
      %dma_wait3A_245 = arith.constant 0 : i32
      %dma_wait3A_246 = arith.constant 0 : i32
      %dma_wait3A_247 = tpu.memref_slice %arg2[%dma_wait3A_245, %dma_wait3A_246] : memref<10240x128xf32, #tpu.memory_space<hbm>> -> memref<10240x128xf32, #tpu.memory_space<hbm>>
      tpu.wait_indirect_dma semaphore(%arg12 : memref<!tpu.dma_semaphore, #tpu.memory_space<semaphore_mem>>) src(%dma_wait3A_247 : memref<10240x128xf32, #tpu.memory_space<hbm>>) dst(%dma_wait3A_241 : memref<64x128xf32, #tpu.memory_space<vmem>>)
      %run_scoped3A_248 = arith.constant 1 : i32
      "tpu.region"() ({
        %run_scoped3A_298 = tpu.sem_alloc : memref<!tpu.dma_semaphore, #tpu.memory_space<semaphore_mem>>
        %dma_start3A_299 = arith.constant 0 : i32
        %dma_start3A_300 = arith.constant 0 : i32
        %dma_start3A_301 = tpu.memref_slice %arg9[%run_scoped3A_248, %dma_start3A_299, %dma_start3A_300] : memref<4x64x128xf32, #tpu.memory_space<vmem>> -> memref<1x64x128xf32, #tpu.memory_space<vmem>>
        %dma_start3A_302 = tpu.memref_squeeze %dma_start3A_301 : memref<1x64x128xf32, #tpu.memory_space<vmem>> -> memref<64x128xf32, #tpu.memory_space<vmem>>
        %dma_start3A_303 = arith.constant 0 : i32
        %dma_start3A_304 = tpu.memref_slice %arg8[%add3A_236, %dma_start3A_303] : memref<40x64xi32, #tpu.memory_space<vmem>> -> memref<1x64xi32, #tpu.memory_space<vmem>>
        %dma_start3A_305 = tpu.memref_squeeze %dma_start3A_304 : memref<1x64xi32, #tpu.memory_space<vmem>> -> memref<64xi32, #tpu.memory_space<vmem>>
        %dma_start3A_306 = arith.constant 0 : i32
        %dma_start3A_307 = arith.constant 0 : i32
        %dma_start3A_308 = tpu.memref_slice %arg10[%dma_start3A_306, %dma_start3A_307] : memref<10240x128xf32, #tpu.memory_space<vmem_shared>> -> memref<10240x128xf32, #tpu.memory_space<vmem_shared>>
        tpu.enqueue_indirect_dma source(%dma_start3A_302 : memref<64x128xf32, #tpu.memory_space<vmem>>) target(%dma_start3A_308 : memref<10240x128xf32, #tpu.memory_space<vmem_shared>>) offsets(%dma_start3A_305 : memref<64xi32, #tpu.memory_space<vmem>>) semaphore(%run_scoped3A_298 : memref<!tpu.dma_semaphore, #tpu.memory_space<semaphore_mem>>) {add = true}
        %dma_wait3A_309 = arith.constant 0 : i32
        %dma_wait3A_310 = arith.constant 0 : i32
        %dma_wait3A_311 = tpu.memref_slice %arg9[%run_scoped3A_248, %dma_wait3A_309, %dma_wait3A_310] : memref<4x64x128xf32, #tpu.memory_space<vmem>> -> memref<1x64x128xf32, #tpu.memory_space<vmem>>
        %dma_wait3A_312 = tpu.memref_squeeze %dma_wait3A_311 : memref<1x64x128xf32, #tpu.memory_space<vmem>> -> memref<64x128xf32, #tpu.memory_space<vmem>>
        %dma_wait3A_313 = arith.constant 0 : i32
        %dma_wait3A_314 = tpu.memref_slice %arg8[%add3A_236, %dma_wait3A_313] : memref<40x64xi32, #tpu.memory_space<vmem>> -> memref<1x64xi32, #tpu.memory_space<vmem>>
        %dma_wait3A_315 = tpu.memref_squeeze %dma_wait3A_314 : memref<1x64xi32, #tpu.memory_space<vmem>> -> memref<64xi32, #tpu.memory_space<vmem>>
        %dma_wait3A_316 = arith.constant 0 : i32
        %dma_wait3A_317 = arith.constant 0 : i32
        %dma_wait3A_318 = tpu.memref_slice %arg10[%dma_wait3A_316, %dma_wait3A_317] : memref<10240x128xf32, #tpu.memory_space<vmem_shared>> -> memref<10240x128xf32, #tpu.memory_space<vmem_shared>>
        tpu.wait_indirect_dma semaphore(%run_scoped3A_298 : memref<!tpu.dma_semaphore, #tpu.memory_space<semaphore_mem>>) src(%dma_wait3A_312 : memref<64x128xf32, #tpu.memory_space<vmem>>) dst(%dma_wait3A_318 : memref<10240x128xf32, #tpu.memory_space<vmem_shared>>)
        tpu.yield
      }) : () -> ()
      %add3A_249 = arith.constant 4 : i32
      %add3A_250 = arith.addi %add3A_236, %add3A_249 : i32
      %lt3A_251 = arith.constant 40 : i32
      %lt3A_252 = arith.cmpi slt, %add3A_250, %lt3A_251 : i32
      %convert_element_type3A_253 = arith.extui %lt3A_252 : i1 to i32
      %cond3A_254 = arith.constant 0 : i32
      %cond3A_255 = arith.cmpi ne, %convert_element_type3A_253, %cond3A_254 : i32
      scf.if %cond3A_255 {
        %dma_start3A_298 = arith.constant 1 : i32
        %dma_start3A_299 = arith.constant 0 : i32
        %dma_start3A_300 = arith.constant 0 : i32
        %dma_start3A_301 = tpu.memref_slice %arg9[%dma_start3A_298, %dma_start3A_299, %dma_start3A_300] : memref<4x64x128xf32, #tpu.memory_space<vmem>> -> memref<1x64x128xf32, #tpu.memory_space<vmem>>
        %dma_start3A_302 = tpu.memref_squeeze %dma_start3A_301 : memref<1x64x128xf32, #tpu.memory_space<vmem>> -> memref<64x128xf32, #tpu.memory_space<vmem>>
        %dma_start3A_303 = arith.constant 0 : i32
        %dma_start3A_304 = tpu.memref_slice %arg7[%add3A_250, %dma_start3A_303] : memref<40x64xi32, #tpu.memory_space<vmem>> -> memref<1x64xi32, #tpu.memory_space<vmem>>
        %dma_start3A_305 = tpu.memref_squeeze %dma_start3A_304 : memref<1x64xi32, #tpu.memory_space<vmem>> -> memref<64xi32, #tpu.memory_space<vmem>>
        %dma_start3A_306 = arith.constant 0 : i32
        %dma_start3A_307 = arith.constant 0 : i32
        %dma_start3A_308 = tpu.memref_slice %arg2[%dma_start3A_306, %dma_start3A_307] : memref<10240x128xf32, #tpu.memory_space<hbm>> -> memref<10240x128xf32, #tpu.memory_space<hbm>>
        tpu.enqueue_indirect_dma source(%dma_start3A_308 : memref<10240x128xf32, #tpu.memory_space<hbm>>) target(%dma_start3A_302 : memref<64x128xf32, #tpu.memory_space<vmem>>) offsets(%dma_start3A_305 : memref<64xi32, #tpu.memory_space<vmem>>) semaphore(%arg12 : memref<!tpu.dma_semaphore, #tpu.memory_space<semaphore_mem>>)
      } else {
      }
      %add3A_256 = arith.constant 2 : i32
      %add3A_257 = arith.addi %add3A_218, %add3A_256 : i32
      %dma_wait3A_258 = arith.constant 2 : i32
      %dma_wait3A_259 = arith.constant 0 : i32
      %dma_wait3A_260 = arith.constant 0 : i32
      %dma_wait3A_261 = tpu.memref_slice %arg9[%dma_wait3A_258, %dma_wait3A_259, %dma_wait3A_260] : memref<4x64x128xf32, #tpu.memory_space<vmem>> -> memref<1x64x128xf32, #tpu.memory_space<vmem>>
      %dma_wait3A_262 = tpu.memref_squeeze %dma_wait3A_261 : memref<1x64x128xf32, #tpu.memory_space<vmem>> -> memref<64x128xf32, #tpu.memory_space<vmem>>
      %dma_wait3A_263 = arith.constant 0 : i32
      %dma_wait3A_264 = tpu.memref_slice %arg7[%add3A_257, %dma_wait3A_263] : memref<40x64xi32, #tpu.memory_space<vmem>> -> memref<1x64xi32, #tpu.memory_space<vmem>>
      %dma_wait3A_265 = tpu.memref_squeeze %dma_wait3A_264 : memref<1x64xi32, #tpu.memory_space<vmem>> -> memref<64xi32, #tpu.memory_space<vmem>>
      %dma_wait3A_266 = arith.constant 0 : i32
      %dma_wait3A_267 = arith.constant 0 : i32
      %dma_wait3A_268 = tpu.memref_slice %arg2[%dma_wait3A_266, %dma_wait3A_267] : memref<10240x128xf32, #tpu.memory_space<hbm>> -> memref<10240x128xf32, #tpu.memory_space<hbm>>
      tpu.wait_indirect_dma semaphore(%arg13 : memref<!tpu.dma_semaphore, #tpu.memory_space<semaphore_mem>>) src(%dma_wait3A_268 : memref<10240x128xf32, #tpu.memory_space<hbm>>) dst(%dma_wait3A_262 : memref<64x128xf32, #tpu.memory_space<vmem>>)
      %run_scoped3A_269 = arith.constant 2 : i32
      "tpu.region"() ({
        %run_scoped3A_298 = tpu.sem_alloc : memref<!tpu.dma_semaphore, #tpu.memory_space<semaphore_mem>>
        %dma_start3A_299 = arith.constant 0 : i32
        %dma_start3A_300 = arith.constant 0 : i32
        %dma_start3A_301 = tpu.memref_slice %arg9[%run_scoped3A_269, %dma_start3A_299, %dma_start3A_300] : memref<4x64x128xf32, #tpu.memory_space<vmem>> -> memref<1x64x128xf32, #tpu.memory_space<vmem>>
        %dma_start3A_302 = tpu.memref_squeeze %dma_start3A_301 : memref<1x64x128xf32, #tpu.memory_space<vmem>> -> memref<64x128xf32, #tpu.memory_space<vmem>>
        %dma_start3A_303 = arith.constant 0 : i32
        %dma_start3A_304 = tpu.memref_slice %arg8[%add3A_257, %dma_start3A_303] : memref<40x64xi32, #tpu.memory_space<vmem>> -> memref<1x64xi32, #tpu.memory_space<vmem>>
        %dma_start3A_305 = tpu.memref_squeeze %dma_start3A_304 : memref<1x64xi32, #tpu.memory_space<vmem>> -> memref<64xi32, #tpu.memory_space<vmem>>
        %dma_start3A_306 = arith.constant 0 : i32
        %dma_start3A_307 = arith.constant 0 : i32
        %dma_start3A_308 = tpu.memref_slice %arg10[%dma_start3A_306, %dma_start3A_307] : memref<10240x128xf32, #tpu.memory_space<vmem_shared>> -> memref<10240x128xf32, #tpu.memory_space<vmem_shared>>
        tpu.enqueue_indirect_dma source(%dma_start3A_302 : memref<64x128xf32, #tpu.memory_space<vmem>>) target(%dma_start3A_308 : memref<10240x128xf32, #tpu.memory_space<vmem_shared>>) offsets(%dma_start3A_305 : memref<64xi32, #tpu.memory_space<vmem>>) semaphore(%run_scoped3A_298 : memref<!tpu.dma_semaphore, #tpu.memory_space<semaphore_mem>>) {add = true}
        %dma_wait3A_309 = arith.constant 0 : i32
        %dma_wait3A_310 = arith.constant 0 : i32
        %dma_wait3A_311 = tpu.memref_slice %arg9[%run_scoped3A_269, %dma_wait3A_309, %dma_wait3A_310] : memref<4x64x128xf32, #tpu.memory_space<vmem>> -> memref<1x64x128xf32, #tpu.memory_space<vmem>>
        %dma_wait3A_312 = tpu.memref_squeeze %dma_wait3A_311 : memref<1x64x128xf32, #tpu.memory_space<vmem>> -> memref<64x128xf32, #tpu.memory_space<vmem>>
        %dma_wait3A_313 = arith.constant 0 : i32
        %dma_wait3A_314 = tpu.memref_slice %arg8[%add3A_257, %dma_wait3A_313] : memref<40x64xi32, #tpu.memory_space<vmem>> -> memref<1x64xi32, #tpu.memory_space<vmem>>
        %dma_wait3A_315 = tpu.memref_squeeze %dma_wait3A_314 : memref<1x64xi32, #tpu.memory_space<vmem>> -> memref<64xi32, #tpu.memory_space<vmem>>
        %dma_wait3A_316 = arith.constant 0 : i32
        %dma_wait3A_317 = arith.constant 0 : i32
        %dma_wait3A_318 = tpu.memref_slice %arg10[%dma_wait3A_316, %dma_wait3A_317] : memref<10240x128xf32, #tpu.memory_space<vmem_shared>> -> memref<10240x128xf32, #tpu.memory_space<vmem_shared>>
        tpu.wait_indirect_dma semaphore(%run_scoped3A_298 : memref<!tpu.dma_semaphore, #tpu.memory_space<semaphore_mem>>) src(%dma_wait3A_312 : memref<64x128xf32, #tpu.memory_space<vmem>>) dst(%dma_wait3A_318 : memref<10240x128xf32, #tpu.memory_space<vmem_shared>>)
        tpu.yield
      }) : () -> ()
      %add3A_270 = arith.constant 4 : i32
      %add3A_271 = arith.addi %add3A_257, %add3A_270 : i32
      %lt3A_272 = arith.constant 40 : i32
      %lt3A_273 = arith.cmpi slt, %add3A_271, %lt3A_272 : i32
      %convert_element_type3A_274 = arith.extui %lt3A_273 : i1 to i32
      %cond3A_275 = arith.constant 0 : i32
      %cond3A_276 = arith.cmpi ne, %convert_element_type3A_274, %cond3A_275 : i32
      scf.if %cond3A_276 {
        %dma_start3A_298 = arith.constant 2 : i32
        %dma_start3A_299 = arith.constant 0 : i32
        %dma_start3A_300 = arith.constant 0 : i32
        %dma_start3A_301 = tpu.memref_slice %arg9[%dma_start3A_298, %dma_start3A_299, %dma_start3A_300] : memref<4x64x128xf32, #tpu.memory_space<vmem>> -> memref<1x64x128xf32, #tpu.memory_space<vmem>>
        %dma_start3A_302 = tpu.memref_squeeze %dma_start3A_301 : memref<1x64x128xf32, #tpu.memory_space<vmem>> -> memref<64x128xf32, #tpu.memory_space<vmem>>
        %dma_start3A_303 = arith.constant 0 : i32
        %dma_start3A_304 = tpu.memref_slice %arg7[%add3A_271, %dma_start3A_303] : memref<40x64xi32, #tpu.memory_space<vmem>> -> memref<1x64xi32, #tpu.memory_space<vmem>>
        %dma_start3A_305 = tpu.memref_squeeze %dma_start3A_304 : memref<1x64xi32, #tpu.memory_space<vmem>> -> memref<64xi32, #tpu.memory_space<vmem>>
        %dma_start3A_306 = arith.constant 0 : i32
        %dma_start3A_307 = arith.constant 0 : i32
        %dma_start3A_308 = tpu.memref_slice %arg2[%dma_start3A_306, %dma_start3A_307] : memref<10240x128xf32, #tpu.memory_space<hbm>> -> memref<10240x128xf32, #tpu.memory_space<hbm>>
        tpu.enqueue_indirect_dma source(%dma_start3A_308 : memref<10240x128xf32, #tpu.memory_space<hbm>>) target(%dma_start3A_302 : memref<64x128xf32, #tpu.memory_space<vmem>>) offsets(%dma_start3A_305 : memref<64xi32, #tpu.memory_space<vmem>>) semaphore(%arg13 : memref<!tpu.dma_semaphore, #tpu.memory_space<semaphore_mem>>)
      } else {
      }
      %add3A_277 = arith.constant 3 : i32
      %add3A_278 = arith.addi %add3A_218, %add3A_277 : i32
      %dma_wait3A_279 = arith.constant 3 : i32
      %dma_wait3A_280 = arith.constant 0 : i32
      %dma_wait3A_281 = arith.constant 0 : i32
      %dma_wait3A_282 = tpu.memref_slice %arg9[%dma_wait3A_279, %dma_wait3A_280, %dma_wait3A_281] : memref<4x64x128xf32, #tpu.memory_space<vmem>> -> memref<1x64x128xf32, #tpu.memory_space<vmem>>
      %dma_wait3A_283 = tpu.memref_squeeze %dma_wait3A_282 : memref<1x64x128xf32, #tpu.memory_space<vmem>> -> memref<64x128xf32, #tpu.memory_space<vmem>>
      %dma_wait3A_284 = arith.constant 0 : i32
      %dma_wait3A_285 = tpu.memref_slice %arg7[%add3A_278, %dma_wait3A_284] : memref<40x64xi32, #tpu.memory_space<vmem>> -> memref<1x64xi32, #tpu.memory_space<vmem>>
      %dma_wait3A_286 = tpu.memref_squeeze %dma_wait3A_285 : memref<1x64xi32, #tpu.memory_space<vmem>> -> memref<64xi32, #tpu.memory_space<vmem>>
      %dma_wait3A_287 = arith.constant 0 : i32
      %dma_wait3A_288 = arith.constant 0 : i32
      %dma_wait3A_289 = tpu.memref_slice %arg2[%dma_wait3A_287, %dma_wait3A_288] : memref<10240x128xf32, #tpu.memory_space<hbm>> -> memref<10240x128xf32, #tpu.memory_space<hbm>>
      tpu.wait_indirect_dma semaphore(%arg14 : memref<!tpu.dma_semaphore, #tpu.memory_space<semaphore_mem>>) src(%dma_wait3A_289 : memref<10240x128xf32, #tpu.memory_space<hbm>>) dst(%dma_wait3A_283 : memref<64x128xf32, #tpu.memory_space<vmem>>)
      %run_scoped3A_290 = arith.constant 3 : i32
      "tpu.region"() ({
        %run_scoped3A_298 = tpu.sem_alloc : memref<!tpu.dma_semaphore, #tpu.memory_space<semaphore_mem>>
        %dma_start3A_299 = arith.constant 0 : i32
        %dma_start3A_300 = arith.constant 0 : i32
        %dma_start3A_301 = tpu.memref_slice %arg9[%run_scoped3A_290, %dma_start3A_299, %dma_start3A_300] : memref<4x64x128xf32, #tpu.memory_space<vmem>> -> memref<1x64x128xf32, #tpu.memory_space<vmem>>
        %dma_start3A_302 = tpu.memref_squeeze %dma_start3A_301 : memref<1x64x128xf32, #tpu.memory_space<vmem>> -> memref<64x128xf32, #tpu.memory_space<vmem>>
        %dma_start3A_303 = arith.constant 0 : i32
        %dma_start3A_304 = tpu.memref_slice %arg8[%add3A_278, %dma_start3A_303] : memref<40x64xi32, #tpu.memory_space<vmem>> -> memref<1x64xi32, #tpu.memory_space<vmem>>
        %dma_start3A_305 = tpu.memref_squeeze %dma_start3A_304 : memref<1x64xi32, #tpu.memory_space<vmem>> -> memref<64xi32, #tpu.memory_space<vmem>>
        %dma_start3A_306 = arith.constant 0 : i32
        %dma_start3A_307 = arith.constant 0 : i32
        %dma_start3A_308 = tpu.memref_slice %arg10[%dma_start3A_306, %dma_start3A_307] : memref<10240x128xf32, #tpu.memory_space<vmem_shared>> -> memref<10240x128xf32, #tpu.memory_space<vmem_shared>>
        tpu.enqueue_indirect_dma source(%dma_start3A_302 : memref<64x128xf32, #tpu.memory_space<vmem>>) target(%dma_start3A_308 : memref<10240x128xf32, #tpu.memory_space<vmem_shared>>) offsets(%dma_start3A_305 : memref<64xi32, #tpu.memory_space<vmem>>) semaphore(%run_scoped3A_298 : memref<!tpu.dma_semaphore, #tpu.memory_space<semaphore_mem>>) {add = true}
        %dma_wait3A_309 = arith.constant 0 : i32
        %dma_wait3A_310 = arith.constant 0 : i32
        %dma_wait3A_311 = tpu.memref_slice %arg9[%run_scoped3A_290, %dma_wait3A_309, %dma_wait3A_310] : memref<4x64x128xf32, #tpu.memory_space<vmem>> -> memref<1x64x128xf32, #tpu.memory_space<vmem>>
        %dma_wait3A_312 = tpu.memref_squeeze %dma_wait3A_311 : memref<1x64x128xf32, #tpu.memory_space<vmem>> -> memref<64x128xf32, #tpu.memory_space<vmem>>
        %dma_wait3A_313 = arith.constant 0 : i32
        %dma_wait3A_314 = tpu.memref_slice %arg8[%add3A_278, %dma_wait3A_313] : memref<40x64xi32, #tpu.memory_space<vmem>> -> memref<1x64xi32, #tpu.memory_space<vmem>>
        %dma_wait3A_315 = tpu.memref_squeeze %dma_wait3A_314 : memref<1x64xi32, #tpu.memory_space<vmem>> -> memref<64xi32, #tpu.memory_space<vmem>>
        %dma_wait3A_316 = arith.constant 0 : i32
        %dma_wait3A_317 = arith.constant 0 : i32
        %dma_wait3A_318 = tpu.memref_slice %arg10[%dma_wait3A_316, %dma_wait3A_317] : memref<10240x128xf32, #tpu.memory_space<vmem_shared>> -> memref<10240x128xf32, #tpu.memory_space<vmem_shared>>
        tpu.wait_indirect_dma semaphore(%run_scoped3A_298 : memref<!tpu.dma_semaphore, #tpu.memory_space<semaphore_mem>>) src(%dma_wait3A_312 : memref<64x128xf32, #tpu.memory_space<vmem>>) dst(%dma_wait3A_318 : memref<10240x128xf32, #tpu.memory_space<vmem_shared>>)
        tpu.yield
      }) : () -> ()
      %add3A_291 = arith.constant 4 : i32
      %add3A_292 = arith.addi %add3A_278, %add3A_291 : i32
      %lt3A_293 = arith.constant 40 : i32
      %lt3A_294 = arith.cmpi slt, %add3A_292, %lt3A_293 : i32
      %convert_element_type3A_295 = arith.extui %lt3A_294 : i1 to i32
      %cond3A_296 = arith.constant 0 : i32
      %cond3A_297 = arith.cmpi ne, %convert_element_type3A_295, %cond3A_296 : i32
      scf.if %cond3A_297 {
        %dma_start3A_298 = arith.constant 3 : i32
        %dma_start3A_299 = arith.constant 0 : i32
        %dma_start3A_300 = arith.constant 0 : i32
        %dma_start3A_301 = tpu.memref_slice %arg9[%dma_start3A_298, %dma_start3A_299, %dma_start3A_300] : memref<4x64x128xf32, #tpu.memory_space<vmem>> -> memref<1x64x128xf32, #tpu.memory_space<vmem>>
        %dma_start3A_302 = tpu.memref_squeeze %dma_start3A_301 : memref<1x64x128xf32, #tpu.memory_space<vmem>> -> memref<64x128xf32, #tpu.memory_space<vmem>>
        %dma_start3A_303 = arith.constant 0 : i32
        %dma_start3A_304 = tpu.memref_slice %arg7[%add3A_292, %dma_start3A_303] : memref<40x64xi32, #tpu.memory_space<vmem>> -> memref<1x64xi32, #tpu.memory_space<vmem>>
        %dma_start3A_305 = tpu.memref_squeeze %dma_start3A_304 : memref<1x64xi32, #tpu.memory_space<vmem>> -> memref<64xi32, #tpu.memory_space<vmem>>
        %dma_start3A_306 = arith.constant 0 : i32
        %dma_start3A_307 = arith.constant 0 : i32
        %dma_start3A_308 = tpu.memref_slice %arg2[%dma_start3A_306, %dma_start3A_307] : memref<10240x128xf32, #tpu.memory_space<hbm>> -> memref<10240x128xf32, #tpu.memory_space<hbm>>
        tpu.enqueue_indirect_dma source(%dma_start3A_308 : memref<10240x128xf32, #tpu.memory_space<hbm>>) target(%dma_start3A_302 : memref<64x128xf32, #tpu.memory_space<vmem>>) offsets(%dma_start3A_305 : memref<64xi32, #tpu.memory_space<vmem>>) semaphore(%arg14 : memref<!tpu.dma_semaphore, #tpu.memory_space<semaphore_mem>>)
      } else {
      }
    }
    %scan3A_159 = arith.constant 10 : i32
    "tpu.region"() ({
      %run_scoped3A = tpu.sem_alloc : memref<!tpu.dma_semaphore, #tpu.memory_space<semaphore_mem>>
      %dma_start3A_214 = arith.constant 0 : i32
      %dma_start3A_215 = arith.constant 0 : i32
      %dma_start3A_216 = tpu.memref_slice %arg3[%add3A, %dma_start3A_214, %dma_start3A_215] : memref<32x160x64xi32, #tpu.memory_space<hbm>> -> memref<1x160x64xi32, #tpu.memory_space<hbm>>
      %dma_start3A_217 = tpu.memref_squeeze %dma_start3A_216 : memref<1x160x64xi32, #tpu.memory_space<hbm>> -> memref<160x64xi32, #tpu.memory_space<hbm>>
      %dma_start3A_218 = arith.constant 120 : i32
      %dma_start3A_219 = arith.constant 0 : i32
      %dma_start3A_220 = tpu.memref_slice %dma_start3A_217[%dma_start3A_218, %dma_start3A_219] : memref<160x64xi32, #tpu.memory_space<hbm>> -> memref<40x64xi32, #tpu.memory_space<hbm>>
      %dma_start3A_221 = arith.constant 0 : i32
      %dma_start3A_222 = arith.constant 0 : i32
      %dma_start3A_223 = tpu.memref_slice %arg3[%add3A, %dma_start3A_221, %dma_start3A_222] : memref<32x160x64xi32, #tpu.memory_space<hbm>> -> memref<1x160x64xi32, #tpu.memory_space<hbm>>
      %dma_start3A_224 = tpu.memref_squeeze %dma_start3A_223 : memref<1x160x64xi32, #tpu.memory_space<hbm>> -> memref<160x64xi32, #tpu.memory_space<hbm>>
      %dma_start3A_225 = arith.constant 120 : i32
      %dma_start3A_226 = arith.constant 0 : i32
      %dma_start3A_227 = tpu.memref_slice %dma_start3A_224[%dma_start3A_225, %dma_start3A_226] : memref<160x64xi32, #tpu.memory_space<hbm>> -> memref<40x64xi32, #tpu.memory_space<hbm>>
      tpu.enqueue_dma source(%dma_start3A_227 : memref<40x64xi32, #tpu.memory_space<hbm>>) target(%arg7 : memref<40x64xi32, #tpu.memory_space<vmem>>) target_semaphore(%run_scoped3A : memref<!tpu.dma_semaphore, #tpu.memory_space<semaphore_mem>>)
      %dma_wait3A = arith.constant 0 : i32
      %dma_wait3A_228 = arith.constant 0 : i32
      %dma_wait3A_229 = tpu.memref_slice %arg3[%add3A, %dma_wait3A, %dma_wait3A_228] : memref<32x160x64xi32, #tpu.memory_space<hbm>> -> memref<1x160x64xi32, #tpu.memory_space<hbm>>
      %dma_wait3A_230 = tpu.memref_squeeze %dma_wait3A_229 : memref<1x160x64xi32, #tpu.memory_space<hbm>> -> memref<160x64xi32, #tpu.memory_space<hbm>>
      %dma_wait3A_231 = arith.constant 120 : i32
      %dma_wait3A_232 = arith.constant 0 : i32
      %dma_wait3A_233 = tpu.memref_slice %dma_wait3A_230[%dma_wait3A_231, %dma_wait3A_232] : memref<160x64xi32, #tpu.memory_space<hbm>> -> memref<40x64xi32, #tpu.memory_space<hbm>>
      %dma_wait3A_234 = arith.constant 0 : i32
      %dma_wait3A_235 = arith.constant 0 : i32
      %dma_wait3A_236 = tpu.memref_slice %arg3[%add3A, %dma_wait3A_234, %dma_wait3A_235] : memref<32x160x64xi32, #tpu.memory_space<hbm>> -> memref<1x160x64xi32, #tpu.memory_space<hbm>>
      %dma_wait3A_237 = tpu.memref_squeeze %dma_wait3A_236 : memref<1x160x64xi32, #tpu.memory_space<hbm>> -> memref<160x64xi32, #tpu.memory_space<hbm>>
      %dma_wait3A_238 = arith.constant 120 : i32
      %dma_wait3A_239 = arith.constant 0 : i32
      %dma_wait3A_240 = tpu.memref_slice %dma_wait3A_237[%dma_wait3A_238, %dma_wait3A_239] : memref<160x64xi32, #tpu.memory_space<hbm>> -> memref<40x64xi32, #tpu.memory_space<hbm>>
      tpu.wait_dma2 semaphore(%run_scoped3A : memref<!tpu.dma_semaphore, #tpu.memory_space<semaphore_mem>>) src(%dma_wait3A_240 : memref<40x64xi32, #tpu.memory_space<hbm>>) dst(%arg7 : memref<40x64xi32, #tpu.memory_space<vmem>>)
      tpu.yield
    }) : () -> ()
    "tpu.region"() ({
      %run_scoped3A = tpu.sem_alloc : memref<!tpu.dma_semaphore, #tpu.memory_space<semaphore_mem>>
      %dma_start3A_214 = arith.constant 0 : i32
      %dma_start3A_215 = arith.constant 0 : i32
      %dma_start3A_216 = tpu.memref_slice %arg4[%add3A, %dma_start3A_214, %dma_start3A_215] : memref<32x160x64xi32, #tpu.memory_space<hbm>> -> memref<1x160x64xi32, #tpu.memory_space<hbm>>
      %dma_start3A_217 = tpu.memref_squeeze %dma_start3A_216 : memref<1x160x64xi32, #tpu.memory_space<hbm>> -> memref<160x64xi32, #tpu.memory_space<hbm>>
      %dma_start3A_218 = arith.constant 120 : i32
      %dma_start3A_219 = arith.constant 0 : i32
      %dma_start3A_220 = tpu.memref_slice %dma_start3A_217[%dma_start3A_218, %dma_start3A_219] : memref<160x64xi32, #tpu.memory_space<hbm>> -> memref<40x64xi32, #tpu.memory_space<hbm>>
      %dma_start3A_221 = arith.constant 0 : i32
      %dma_start3A_222 = arith.constant 0 : i32
      %dma_start3A_223 = tpu.memref_slice %arg4[%add3A, %dma_start3A_221, %dma_start3A_222] : memref<32x160x64xi32, #tpu.memory_space<hbm>> -> memref<1x160x64xi32, #tpu.memory_space<hbm>>
      %dma_start3A_224 = tpu.memref_squeeze %dma_start3A_223 : memref<1x160x64xi32, #tpu.memory_space<hbm>> -> memref<160x64xi32, #tpu.memory_space<hbm>>
      %dma_start3A_225 = arith.constant 120 : i32
      %dma_start3A_226 = arith.constant 0 : i32
      %dma_start3A_227 = tpu.memref_slice %dma_start3A_224[%dma_start3A_225, %dma_start3A_226] : memref<160x64xi32, #tpu.memory_space<hbm>> -> memref<40x64xi32, #tpu.memory_space<hbm>>
      tpu.enqueue_dma source(%dma_start3A_227 : memref<40x64xi32, #tpu.memory_space<hbm>>) target(%arg8 : memref<40x64xi32, #tpu.memory_space<vmem>>) target_semaphore(%run_scoped3A : memref<!tpu.dma_semaphore, #tpu.memory_space<semaphore_mem>>)
      %dma_wait3A = arith.constant 0 : i32
      %dma_wait3A_228 = arith.constant 0 : i32
      %dma_wait3A_229 = tpu.memref_slice %arg4[%add3A, %dma_wait3A, %dma_wait3A_228] : memref<32x160x64xi32, #tpu.memory_space<hbm>> -> memref<1x160x64xi32, #tpu.memory_space<hbm>>
      %dma_wait3A_230 = tpu.memref_squeeze %dma_wait3A_229 : memref<1x160x64xi32, #tpu.memory_space<hbm>> -> memref<160x64xi32, #tpu.memory_space<hbm>>
      %dma_wait3A_231 = arith.constant 120 : i32
      %dma_wait3A_232 = arith.constant 0 : i32
      %dma_wait3A_233 = tpu.memref_slice %dma_wait3A_230[%dma_wait3A_231, %dma_wait3A_232] : memref<160x64xi32, #tpu.memory_space<hbm>> -> memref<40x64xi32, #tpu.memory_space<hbm>>
      %dma_wait3A_234 = arith.constant 0 : i32
      %dma_wait3A_235 = arith.constant 0 : i32
      %dma_wait3A_236 = tpu.memref_slice %arg4[%add3A, %dma_wait3A_234, %dma_wait3A_235] : memref<32x160x64xi32, #tpu.memory_space<hbm>> -> memref<1x160x64xi32, #tpu.memory_space<hbm>>
      %dma_wait3A_237 = tpu.memref_squeeze %dma_wait3A_236 : memref<1x160x64xi32, #tpu.memory_space<hbm>> -> memref<160x64xi32, #tpu.memory_space<hbm>>
      %dma_wait3A_238 = arith.constant 120 : i32
      %dma_wait3A_239 = arith.constant 0 : i32
      %dma_wait3A_240 = tpu.memref_slice %dma_wait3A_237[%dma_wait3A_238, %dma_wait3A_239] : memref<160x64xi32, #tpu.memory_space<hbm>> -> memref<40x64xi32, #tpu.memory_space<hbm>>
      tpu.wait_dma2 semaphore(%run_scoped3A : memref<!tpu.dma_semaphore, #tpu.memory_space<semaphore_mem>>) src(%dma_wait3A_240 : memref<40x64xi32, #tpu.memory_space<hbm>>) dst(%arg8 : memref<40x64xi32, #tpu.memory_space<vmem>>)
      tpu.yield
    }) : () -> ()
    %dma_start3A_160 = arith.constant 0 : i32
    %dma_start3A_161 = arith.constant 0 : i32
    %dma_start3A_162 = arith.constant 0 : i32
    %dma_start3A_163 = arith.constant 0 : i32
    %dma_start3A_164 = tpu.memref_slice %arg9[%dma_start3A_161, %dma_start3A_162, %dma_start3A_163] : memref<4x64x128xf32, #tpu.memory_space<vmem>> -> memref<1x64x128xf32, #tpu.memory_space<vmem>>
    %dma_start3A_165 = tpu.memref_squeeze %dma_start3A_164 : memref<1x64x128xf32, #tpu.memory_space<vmem>> -> memref<64x128xf32, #tpu.memory_space<vmem>>
    %dma_start3A_166 = arith.constant 0 : i32
    %dma_start3A_167 = tpu.memref_slice %arg7[%dma_start3A_160, %dma_start3A_166] : memref<40x64xi32, #tpu.memory_space<vmem>> -> memref<1x64xi32, #tpu.memory_space<vmem>>
    %dma_start3A_168 = tpu.memref_squeeze %dma_start3A_167 : memref<1x64xi32, #tpu.memory_space<vmem>> -> memref<64xi32, #tpu.memory_space<vmem>>
    %dma_start3A_169 = arith.constant 0 : i32
    %dma_start3A_170 = arith.constant 0 : i32
    %dma_start3A_171 = tpu.memref_slice %arg2[%dma_start3A_169, %dma_start3A_170] : memref<10240x128xf32, #tpu.memory_space<hbm>> -> memref<10240x128xf32, #tpu.memory_space<hbm>>
    tpu.enqueue_indirect_dma source(%dma_start3A_171 : memref<10240x128xf32, #tpu.memory_space<hbm>>) target(%dma_start3A_165 : memref<64x128xf32, #tpu.memory_space<vmem>>) offsets(%dma_start3A_168 : memref<64xi32, #tpu.memory_space<vmem>>) semaphore(%arg11 : memref<!tpu.dma_semaphore, #tpu.memory_space<semaphore_mem>>)
    %dma_start3A_172 = arith.constant 1 : i32
    %dma_start3A_173 = arith.constant 1 : i32
    %dma_start3A_174 = arith.constant 0 : i32
    %dma_start3A_175 = arith.constant 0 : i32
    %dma_start3A_176 = tpu.memref_slice %arg9[%dma_start3A_173, %dma_start3A_174, %dma_start3A_175] : memref<4x64x128xf32, #tpu.memory_space<vmem>> -> memref<1x64x128xf32, #tpu.memory_space<vmem>>
    %dma_start3A_177 = tpu.memref_squeeze %dma_start3A_176 : memref<1x64x128xf32, #tpu.memory_space<vmem>> -> memref<64x128xf32, #tpu.memory_space<vmem>>
    %dma_start3A_178 = arith.constant 0 : i32
    %dma_start3A_179 = tpu.memref_slice %arg7[%dma_start3A_172, %dma_start3A_178] : memref<40x64xi32, #tpu.memory_space<vmem>> -> memref<1x64xi32, #tpu.memory_space<vmem>>
    %dma_start3A_180 = tpu.memref_squeeze %dma_start3A_179 : memref<1x64xi32, #tpu.memory_space<vmem>> -> memref<64xi32, #tpu.memory_space<vmem>>
    %dma_start3A_181 = arith.constant 0 : i32
    %dma_start3A_182 = arith.constant 0 : i32
    %dma_start3A_183 = tpu.memref_slice %arg2[%dma_start3A_181, %dma_start3A_182] : memref<10240x128xf32, #tpu.memory_space<hbm>> -> memref<10240x128xf32, #tpu.memory_space<hbm>>
    tpu.enqueue_indirect_dma source(%dma_start3A_183 : memref<10240x128xf32, #tpu.memory_space<hbm>>) target(%dma_start3A_177 : memref<64x128xf32, #tpu.memory_space<vmem>>) offsets(%dma_start3A_180 : memref<64xi32, #tpu.memory_space<vmem>>) semaphore(%arg12 : memref<!tpu.dma_semaphore, #tpu.memory_space<semaphore_mem>>)
    %dma_start3A_184 = arith.constant 2 : i32
    %dma_start3A_185 = arith.constant 2 : i32
    %dma_start3A_186 = arith.constant 0 : i32
    %dma_start3A_187 = arith.constant 0 : i32
    %dma_start3A_188 = tpu.memref_slice %arg9[%dma_start3A_185, %dma_start3A_186, %dma_start3A_187] : memref<4x64x128xf32, #tpu.memory_space<vmem>> -> memref<1x64x128xf32, #tpu.memory_space<vmem>>
    %dma_start3A_189 = tpu.memref_squeeze %dma_start3A_188 : memref<1x64x128xf32, #tpu.memory_space<vmem>> -> memref<64x128xf32, #tpu.memory_space<vmem>>
    %dma_start3A_190 = arith.constant 0 : i32
    %dma_start3A_191 = tpu.memref_slice %arg7[%dma_start3A_184, %dma_start3A_190] : memref<40x64xi32, #tpu.memory_space<vmem>> -> memref<1x64xi32, #tpu.memory_space<vmem>>
    %dma_start3A_192 = tpu.memref_squeeze %dma_start3A_191 : memref<1x64xi32, #tpu.memory_space<vmem>> -> memref<64xi32, #tpu.memory_space<vmem>>
    %dma_start3A_193 = arith.constant 0 : i32
    %dma_start3A_194 = arith.constant 0 : i32
    %dma_start3A_195 = tpu.memref_slice %arg2[%dma_start3A_193, %dma_start3A_194] : memref<10240x128xf32, #tpu.memory_space<hbm>> -> memref<10240x128xf32, #tpu.memory_space<hbm>>
    tpu.enqueue_indirect_dma source(%dma_start3A_195 : memref<10240x128xf32, #tpu.memory_space<hbm>>) target(%dma_start3A_189 : memref<64x128xf32, #tpu.memory_space<vmem>>) offsets(%dma_start3A_192 : memref<64xi32, #tpu.memory_space<vmem>>) semaphore(%arg13 : memref<!tpu.dma_semaphore, #tpu.memory_space<semaphore_mem>>)
    %dma_start3A_196 = arith.constant 3 : i32
    %dma_start3A_197 = arith.constant 3 : i32
    %dma_start3A_198 = arith.constant 0 : i32
    %dma_start3A_199 = arith.constant 0 : i32
    %dma_start3A_200 = tpu.memref_slice %arg9[%dma_start3A_197, %dma_start3A_198, %dma_start3A_199] : memref<4x64x128xf32, #tpu.memory_space<vmem>> -> memref<1x64x128xf32, #tpu.memory_space<vmem>>
    %dma_start3A_201 = tpu.memref_squeeze %dma_start3A_200 : memref<1x64x128xf32, #tpu.memory_space<vmem>> -> memref<64x128xf32, #tpu.memory_space<vmem>>
    %dma_start3A_202 = arith.constant 0 : i32
    %dma_start3A_203 = tpu.memref_slice %arg7[%dma_start3A_196, %dma_start3A_202] : memref<40x64xi32, #tpu.memory_space<vmem>> -> memref<1x64xi32, #tpu.memory_space<vmem>>
    %dma_start3A_204 = tpu.memref_squeeze %dma_start3A_203 : memref<1x64xi32, #tpu.memory_space<vmem>> -> memref<64xi32, #tpu.memory_space<vmem>>
    %dma_start3A_205 = arith.constant 0 : i32
    %dma_start3A_206 = arith.constant 0 : i32
    %dma_start3A_207 = tpu.memref_slice %arg2[%dma_start3A_205, %dma_start3A_206] : memref<10240x128xf32, #tpu.memory_space<hbm>> -> memref<10240x128xf32, #tpu.memory_space<hbm>>
    tpu.enqueue_indirect_dma source(%dma_start3A_207 : memref<10240x128xf32, #tpu.memory_space<hbm>>) target(%dma_start3A_201 : memref<64x128xf32, #tpu.memory_space<vmem>>) offsets(%dma_start3A_204 : memref<64xi32, #tpu.memory_space<vmem>>) semaphore(%arg14 : memref<!tpu.dma_semaphore, #tpu.memory_space<semaphore_mem>>)
    %scan3A_208 = arith.constant 0 : i32
    %scan3A_209 = arith.constant 10 : i32
    %scan3A_210 = arith.addi %scan3A_208, %scan3A_209 : i32
    %scan3A_211 = arith.constant 1 : i32
    scf.for %scan3A_214 = %scan3A_208 to %scan3A_210 step %scan3A_211  : i32 {
      %mul3A_215 = arith.constant 4 : i32
      %mul3A_216 = arith.muli %scan3A_214, %mul3A_215 : i32
      %add3A_217 = arith.constant 0 : i32
      %add3A_218 = arith.addi %add3A_217, %mul3A_216 : i32
      %add3A_219 = arith.constant 0 : i32
      %add3A_220 = arith.addi %add3A_218, %add3A_219 : i32
      %dma_wait3A = arith.constant 0 : i32
      %dma_wait3A_221 = arith.constant 0 : i32
      %dma_wait3A_222 = arith.constant 0 : i32
      %dma_wait3A_223 = tpu.memref_slice %arg9[%dma_wait3A, %dma_wait3A_221, %dma_wait3A_222] : memref<4x64x128xf32, #tpu.memory_space<vmem>> -> memref<1x64x128xf32, #tpu.memory_space<vmem>>
      %dma_wait3A_224 = tpu.memref_squeeze %dma_wait3A_223 : memref<1x64x128xf32, #tpu.memory_space<vmem>> -> memref<64x128xf32, #tpu.memory_space<vmem>>
      %dma_wait3A_225 = arith.constant 0 : i32
      %dma_wait3A_226 = tpu.memref_slice %arg7[%add3A_220, %dma_wait3A_225] : memref<40x64xi32, #tpu.memory_space<vmem>> -> memref<1x64xi32, #tpu.memory_space<vmem>>
      %dma_wait3A_227 = tpu.memref_squeeze %dma_wait3A_226 : memref<1x64xi32, #tpu.memory_space<vmem>> -> memref<64xi32, #tpu.memory_space<vmem>>
      %dma_wait3A_228 = arith.constant 0 : i32
      %dma_wait3A_229 = arith.constant 0 : i32
      %dma_wait3A_230 = tpu.memref_slice %arg2[%dma_wait3A_228, %dma_wait3A_229] : memref<10240x128xf32, #tpu.memory_space<hbm>> -> memref<10240x128xf32, #tpu.memory_space<hbm>>
      tpu.wait_indirect_dma semaphore(%arg11 : memref<!tpu.dma_semaphore, #tpu.memory_space<semaphore_mem>>) src(%dma_wait3A_230 : memref<10240x128xf32, #tpu.memory_space<hbm>>) dst(%dma_wait3A_224 : memref<64x128xf32, #tpu.memory_space<vmem>>)
      %run_scoped3A = arith.constant 0 : i32
      "tpu.region"() ({
        %run_scoped3A_298 = tpu.sem_alloc : memref<!tpu.dma_semaphore, #tpu.memory_space<semaphore_mem>>
        %dma_start3A_299 = arith.constant 0 : i32
        %dma_start3A_300 = arith.constant 0 : i32
        %dma_start3A_301 = tpu.memref_slice %arg9[%run_scoped3A, %dma_start3A_299, %dma_start3A_300] : memref<4x64x128xf32, #tpu.memory_space<vmem>> -> memref<1x64x128xf32, #tpu.memory_space<vmem>>
        %dma_start3A_302 = tpu.memref_squeeze %dma_start3A_301 : memref<1x64x128xf32, #tpu.memory_space<vmem>> -> memref<64x128xf32, #tpu.memory_space<vmem>>
        %dma_start3A_303 = arith.constant 0 : i32
        %dma_start3A_304 = tpu.memref_slice %arg8[%add3A_220, %dma_start3A_303] : memref<40x64xi32, #tpu.memory_space<vmem>> -> memref<1x64xi32, #tpu.memory_space<vmem>>
        %dma_start3A_305 = tpu.memref_squeeze %dma_start3A_304 : memref<1x64xi32, #tpu.memory_space<vmem>> -> memref<64xi32, #tpu.memory_space<vmem>>
        %dma_start3A_306 = arith.constant 0 : i32
        %dma_start3A_307 = arith.constant 0 : i32
        %dma_start3A_308 = tpu.memref_slice %arg10[%dma_start3A_306, %dma_start3A_307] : memref<10240x128xf32, #tpu.memory_space<vmem_shared>> -> memref<10240x128xf32, #tpu.memory_space<vmem_shared>>
        tpu.enqueue_indirect_dma source(%dma_start3A_302 : memref<64x128xf32, #tpu.memory_space<vmem>>) target(%dma_start3A_308 : memref<10240x128xf32, #tpu.memory_space<vmem_shared>>) offsets(%dma_start3A_305 : memref<64xi32, #tpu.memory_space<vmem>>) semaphore(%run_scoped3A_298 : memref<!tpu.dma_semaphore, #tpu.memory_space<semaphore_mem>>) {add = true}
        %dma_wait3A_309 = arith.constant 0 : i32
        %dma_wait3A_310 = arith.constant 0 : i32
        %dma_wait3A_311 = tpu.memref_slice %arg9[%run_scoped3A, %dma_wait3A_309, %dma_wait3A_310] : memref<4x64x128xf32, #tpu.memory_space<vmem>> -> memref<1x64x128xf32, #tpu.memory_space<vmem>>
        %dma_wait3A_312 = tpu.memref_squeeze %dma_wait3A_311 : memref<1x64x128xf32, #tpu.memory_space<vmem>> -> memref<64x128xf32, #tpu.memory_space<vmem>>
        %dma_wait3A_313 = arith.constant 0 : i32
        %dma_wait3A_314 = tpu.memref_slice %arg8[%add3A_220, %dma_wait3A_313] : memref<40x64xi32, #tpu.memory_space<vmem>> -> memref<1x64xi32, #tpu.memory_space<vmem>>
        %dma_wait3A_315 = tpu.memref_squeeze %dma_wait3A_314 : memref<1x64xi32, #tpu.memory_space<vmem>> -> memref<64xi32, #tpu.memory_space<vmem>>
        %dma_wait3A_316 = arith.constant 0 : i32
        %dma_wait3A_317 = arith.constant 0 : i32
        %dma_wait3A_318 = tpu.memref_slice %arg10[%dma_wait3A_316, %dma_wait3A_317] : memref<10240x128xf32, #tpu.memory_space<vmem_shared>> -> memref<10240x128xf32, #tpu.memory_space<vmem_shared>>
        tpu.wait_indirect_dma semaphore(%run_scoped3A_298 : memref<!tpu.dma_semaphore, #tpu.memory_space<semaphore_mem>>) src(%dma_wait3A_312 : memref<64x128xf32, #tpu.memory_space<vmem>>) dst(%dma_wait3A_318 : memref<10240x128xf32, #tpu.memory_space<vmem_shared>>)
        tpu.yield
      }) : () -> ()
      %add3A_231 = arith.constant 4 : i32
      %add3A_232 = arith.addi %add3A_220, %add3A_231 : i32
      %lt3A = arith.constant 40 : i32
      %lt3A_233 = arith.cmpi slt, %add3A_232, %lt3A : i32
      %convert_element_type3A = arith.extui %lt3A_233 : i1 to i32
      %cond3A = arith.constant 0 : i32
      %cond3A_234 = arith.cmpi ne, %convert_element_type3A, %cond3A : i32
      scf.if %cond3A_234 {
        %dma_start3A_298 = arith.constant 0 : i32
        %dma_start3A_299 = arith.constant 0 : i32
        %dma_start3A_300 = arith.constant 0 : i32
        %dma_start3A_301 = tpu.memref_slice %arg9[%dma_start3A_298, %dma_start3A_299, %dma_start3A_300] : memref<4x64x128xf32, #tpu.memory_space<vmem>> -> memref<1x64x128xf32, #tpu.memory_space<vmem>>
        %dma_start3A_302 = tpu.memref_squeeze %dma_start3A_301 : memref<1x64x128xf32, #tpu.memory_space<vmem>> -> memref<64x128xf32, #tpu.memory_space<vmem>>
        %dma_start3A_303 = arith.constant 0 : i32
        %dma_start3A_304 = tpu.memref_slice %arg7[%add3A_232, %dma_start3A_303] : memref<40x64xi32, #tpu.memory_space<vmem>> -> memref<1x64xi32, #tpu.memory_space<vmem>>
        %dma_start3A_305 = tpu.memref_squeeze %dma_start3A_304 : memref<1x64xi32, #tpu.memory_space<vmem>> -> memref<64xi32, #tpu.memory_space<vmem>>
        %dma_start3A_306 = arith.constant 0 : i32
        %dma_start3A_307 = arith.constant 0 : i32
        %dma_start3A_308 = tpu.memref_slice %arg2[%dma_start3A_306, %dma_start3A_307] : memref<10240x128xf32, #tpu.memory_space<hbm>> -> memref<10240x128xf32, #tpu.memory_space<hbm>>
        tpu.enqueue_indirect_dma source(%dma_start3A_308 : memref<10240x128xf32, #tpu.memory_space<hbm>>) target(%dma_start3A_302 : memref<64x128xf32, #tpu.memory_space<vmem>>) offsets(%dma_start3A_305 : memref<64xi32, #tpu.memory_space<vmem>>) semaphore(%arg11 : memref<!tpu.dma_semaphore, #tpu.memory_space<semaphore_mem>>)
      } else {
      }
      %add3A_235 = arith.constant 1 : i32
      %add3A_236 = arith.addi %add3A_218, %add3A_235 : i32
      %dma_wait3A_237 = arith.constant 1 : i32
      %dma_wait3A_238 = arith.constant 0 : i32
      %dma_wait3A_239 = arith.constant 0 : i32
      %dma_wait3A_240 = tpu.memref_slice %arg9[%dma_wait3A_237, %dma_wait3A_238, %dma_wait3A_239] : memref<4x64x128xf32, #tpu.memory_space<vmem>> -> memref<1x64x128xf32, #tpu.memory_space<vmem>>
      %dma_wait3A_241 = tpu.memref_squeeze %dma_wait3A_240 : memref<1x64x128xf32, #tpu.memory_space<vmem>> -> memref<64x128xf32, #tpu.memory_space<vmem>>
      %dma_wait3A_242 = arith.constant 0 : i32
      %dma_wait3A_243 = tpu.memref_slice %arg7[%add3A_236, %dma_wait3A_242] : memref<40x64xi32, #tpu.memory_space<vmem>> -> memref<1x64xi32, #tpu.memory_space<vmem>>
      %dma_wait3A_244 = tpu.memref_squeeze %dma_wait3A_243 : memref<1x64xi32, #tpu.memory_space<vmem>> -> memref<64xi32, #tpu.memory_space<vmem>>
      %dma_wait3A_245 = arith.constant 0 : i32
      %dma_wait3A_246 = arith.constant 0 : i32
      %dma_wait3A_247 = tpu.memref_slice %arg2[%dma_wait3A_245, %dma_wait3A_246] : memref<10240x128xf32, #tpu.memory_space<hbm>> -> memref<10240x128xf32, #tpu.memory_space<hbm>>
      tpu.wait_indirect_dma semaphore(%arg12 : memref<!tpu.dma_semaphore, #tpu.memory_space<semaphore_mem>>) src(%dma_wait3A_247 : memref<10240x128xf32, #tpu.memory_space<hbm>>) dst(%dma_wait3A_241 : memref<64x128xf32, #tpu.memory_space<vmem>>)
      %run_scoped3A_248 = arith.constant 1 : i32
      "tpu.region"() ({
        %run_scoped3A_298 = tpu.sem_alloc : memref<!tpu.dma_semaphore, #tpu.memory_space<semaphore_mem>>
        %dma_start3A_299 = arith.constant 0 : i32
        %dma_start3A_300 = arith.constant 0 : i32
        %dma_start3A_301 = tpu.memref_slice %arg9[%run_scoped3A_248, %dma_start3A_299, %dma_start3A_300] : memref<4x64x128xf32, #tpu.memory_space<vmem>> -> memref<1x64x128xf32, #tpu.memory_space<vmem>>
        %dma_start3A_302 = tpu.memref_squeeze %dma_start3A_301 : memref<1x64x128xf32, #tpu.memory_space<vmem>> -> memref<64x128xf32, #tpu.memory_space<vmem>>
        %dma_start3A_303 = arith.constant 0 : i32
        %dma_start3A_304 = tpu.memref_slice %arg8[%add3A_236, %dma_start3A_303] : memref<40x64xi32, #tpu.memory_space<vmem>> -> memref<1x64xi32, #tpu.memory_space<vmem>>
        %dma_start3A_305 = tpu.memref_squeeze %dma_start3A_304 : memref<1x64xi32, #tpu.memory_space<vmem>> -> memref<64xi32, #tpu.memory_space<vmem>>
        %dma_start3A_306 = arith.constant 0 : i32
        %dma_start3A_307 = arith.constant 0 : i32
        %dma_start3A_308 = tpu.memref_slice %arg10[%dma_start3A_306, %dma_start3A_307] : memref<10240x128xf32, #tpu.memory_space<vmem_shared>> -> memref<10240x128xf32, #tpu.memory_space<vmem_shared>>
        tpu.enqueue_indirect_dma source(%dma_start3A_302 : memref<64x128xf32, #tpu.memory_space<vmem>>) target(%dma_start3A_308 : memref<10240x128xf32, #tpu.memory_space<vmem_shared>>) offsets(%dma_start3A_305 : memref<64xi32, #tpu.memory_space<vmem>>) semaphore(%run_scoped3A_298 : memref<!tpu.dma_semaphore, #tpu.memory_space<semaphore_mem>>) {add = true}
        %dma_wait3A_309 = arith.constant 0 : i32
        %dma_wait3A_310 = arith.constant 0 : i32
        %dma_wait3A_311 = tpu.memref_slice %arg9[%run_scoped3A_248, %dma_wait3A_309, %dma_wait3A_310] : memref<4x64x128xf32, #tpu.memory_space<vmem>> -> memref<1x64x128xf32, #tpu.memory_space<vmem>>
        %dma_wait3A_312 = tpu.memref_squeeze %dma_wait3A_311 : memref<1x64x128xf32, #tpu.memory_space<vmem>> -> memref<64x128xf32, #tpu.memory_space<vmem>>
        %dma_wait3A_313 = arith.constant 0 : i32
        %dma_wait3A_314 = tpu.memref_slice %arg8[%add3A_236, %dma_wait3A_313] : memref<40x64xi32, #tpu.memory_space<vmem>> -> memref<1x64xi32, #tpu.memory_space<vmem>>
        %dma_wait3A_315 = tpu.memref_squeeze %dma_wait3A_314 : memref<1x64xi32, #tpu.memory_space<vmem>> -> memref<64xi32, #tpu.memory_space<vmem>>
        %dma_wait3A_316 = arith.constant 0 : i32
        %dma_wait3A_317 = arith.constant 0 : i32
        %dma_wait3A_318 = tpu.memref_slice %arg10[%dma_wait3A_316, %dma_wait3A_317] : memref<10240x128xf32, #tpu.memory_space<vmem_shared>> -> memref<10240x128xf32, #tpu.memory_space<vmem_shared>>
        tpu.wait_indirect_dma semaphore(%run_scoped3A_298 : memref<!tpu.dma_semaphore, #tpu.memory_space<semaphore_mem>>) src(%dma_wait3A_312 : memref<64x128xf32, #tpu.memory_space<vmem>>) dst(%dma_wait3A_318 : memref<10240x128xf32, #tpu.memory_space<vmem_shared>>)
        tpu.yield
      }) : () -> ()
      %add3A_249 = arith.constant 4 : i32
      %add3A_250 = arith.addi %add3A_236, %add3A_249 : i32
      %lt3A_251 = arith.constant 40 : i32
      %lt3A_252 = arith.cmpi slt, %add3A_250, %lt3A_251 : i32
      %convert_element_type3A_253 = arith.extui %lt3A_252 : i1 to i32
      %cond3A_254 = arith.constant 0 : i32
      %cond3A_255 = arith.cmpi ne, %convert_element_type3A_253, %cond3A_254 : i32
      scf.if %cond3A_255 {
        %dma_start3A_298 = arith.constant 1 : i32
        %dma_start3A_299 = arith.constant 0 : i32
        %dma_start3A_300 = arith.constant 0 : i32
        %dma_start3A_301 = tpu.memref_slice %arg9[%dma_start3A_298, %dma_start3A_299, %dma_start3A_300] : memref<4x64x128xf32, #tpu.memory_space<vmem>> -> memref<1x64x128xf32, #tpu.memory_space<vmem>>
        %dma_start3A_302 = tpu.memref_squeeze %dma_start3A_301 : memref<1x64x128xf32, #tpu.memory_space<vmem>> -> memref<64x128xf32, #tpu.memory_space<vmem>>
        %dma_start3A_303 = arith.constant 0 : i32
        %dma_start3A_304 = tpu.memref_slice %arg7[%add3A_250, %dma_start3A_303] : memref<40x64xi32, #tpu.memory_space<vmem>> -> memref<1x64xi32, #tpu.memory_space<vmem>>
        %dma_start3A_305 = tpu.memref_squeeze %dma_start3A_304 : memref<1x64xi32, #tpu.memory_space<vmem>> -> memref<64xi32, #tpu.memory_space<vmem>>
        %dma_start3A_306 = arith.constant 0 : i32
        %dma_start3A_307 = arith.constant 0 : i32
        %dma_start3A_308 = tpu.memref_slice %arg2[%dma_start3A_306, %dma_start3A_307] : memref<10240x128xf32, #tpu.memory_space<hbm>> -> memref<10240x128xf32, #tpu.memory_space<hbm>>
        tpu.enqueue_indirect_dma source(%dma_start3A_308 : memref<10240x128xf32, #tpu.memory_space<hbm>>) target(%dma_start3A_302 : memref<64x128xf32, #tpu.memory_space<vmem>>) offsets(%dma_start3A_305 : memref<64xi32, #tpu.memory_space<vmem>>) semaphore(%arg12 : memref<!tpu.dma_semaphore, #tpu.memory_space<semaphore_mem>>)
      } else {
      }
      %add3A_256 = arith.constant 2 : i32
      %add3A_257 = arith.addi %add3A_218, %add3A_256 : i32
      %dma_wait3A_258 = arith.constant 2 : i32
      %dma_wait3A_259 = arith.constant 0 : i32
      %dma_wait3A_260 = arith.constant 0 : i32
      %dma_wait3A_261 = tpu.memref_slice %arg9[%dma_wait3A_258, %dma_wait3A_259, %dma_wait3A_260] : memref<4x64x128xf32, #tpu.memory_space<vmem>> -> memref<1x64x128xf32, #tpu.memory_space<vmem>>
      %dma_wait3A_262 = tpu.memref_squeeze %dma_wait3A_261 : memref<1x64x128xf32, #tpu.memory_space<vmem>> -> memref<64x128xf32, #tpu.memory_space<vmem>>
      %dma_wait3A_263 = arith.constant 0 : i32
      %dma_wait3A_264 = tpu.memref_slice %arg7[%add3A_257, %dma_wait3A_263] : memref<40x64xi32, #tpu.memory_space<vmem>> -> memref<1x64xi32, #tpu.memory_space<vmem>>
      %dma_wait3A_265 = tpu.memref_squeeze %dma_wait3A_264 : memref<1x64xi32, #tpu.memory_space<vmem>> -> memref<64xi32, #tpu.memory_space<vmem>>
      %dma_wait3A_266 = arith.constant 0 : i32
      %dma_wait3A_267 = arith.constant 0 : i32
      %dma_wait3A_268 = tpu.memref_slice %arg2[%dma_wait3A_266, %dma_wait3A_267] : memref<10240x128xf32, #tpu.memory_space<hbm>> -> memref<10240x128xf32, #tpu.memory_space<hbm>>
      tpu.wait_indirect_dma semaphore(%arg13 : memref<!tpu.dma_semaphore, #tpu.memory_space<semaphore_mem>>) src(%dma_wait3A_268 : memref<10240x128xf32, #tpu.memory_space<hbm>>) dst(%dma_wait3A_262 : memref<64x128xf32, #tpu.memory_space<vmem>>)
      %run_scoped3A_269 = arith.constant 2 : i32
      "tpu.region"() ({
        %run_scoped3A_298 = tpu.sem_alloc : memref<!tpu.dma_semaphore, #tpu.memory_space<semaphore_mem>>
        %dma_start3A_299 = arith.constant 0 : i32
        %dma_start3A_300 = arith.constant 0 : i32
        %dma_start3A_301 = tpu.memref_slice %arg9[%run_scoped3A_269, %dma_start3A_299, %dma_start3A_300] : memref<4x64x128xf32, #tpu.memory_space<vmem>> -> memref<1x64x128xf32, #tpu.memory_space<vmem>>
        %dma_start3A_302 = tpu.memref_squeeze %dma_start3A_301 : memref<1x64x128xf32, #tpu.memory_space<vmem>> -> memref<64x128xf32, #tpu.memory_space<vmem>>
        %dma_start3A_303 = arith.constant 0 : i32
        %dma_start3A_304 = tpu.memref_slice %arg8[%add3A_257, %dma_start3A_303] : memref<40x64xi32, #tpu.memory_space<vmem>> -> memref<1x64xi32, #tpu.memory_space<vmem>>
        %dma_start3A_305 = tpu.memref_squeeze %dma_start3A_304 : memref<1x64xi32, #tpu.memory_space<vmem>> -> memref<64xi32, #tpu.memory_space<vmem>>
        %dma_start3A_306 = arith.constant 0 : i32
        %dma_start3A_307 = arith.constant 0 : i32
        %dma_start3A_308 = tpu.memref_slice %arg10[%dma_start3A_306, %dma_start3A_307] : memref<10240x128xf32, #tpu.memory_space<vmem_shared>> -> memref<10240x128xf32, #tpu.memory_space<vmem_shared>>
        tpu.enqueue_indirect_dma source(%dma_start3A_302 : memref<64x128xf32, #tpu.memory_space<vmem>>) target(%dma_start3A_308 : memref<10240x128xf32, #tpu.memory_space<vmem_shared>>) offsets(%dma_start3A_305 : memref<64xi32, #tpu.memory_space<vmem>>) semaphore(%run_scoped3A_298 : memref<!tpu.dma_semaphore, #tpu.memory_space<semaphore_mem>>) {add = true}
        %dma_wait3A_309 = arith.constant 0 : i32
        %dma_wait3A_310 = arith.constant 0 : i32
        %dma_wait3A_311 = tpu.memref_slice %arg9[%run_scoped3A_269, %dma_wait3A_309, %dma_wait3A_310] : memref<4x64x128xf32, #tpu.memory_space<vmem>> -> memref<1x64x128xf32, #tpu.memory_space<vmem>>
        %dma_wait3A_312 = tpu.memref_squeeze %dma_wait3A_311 : memref<1x64x128xf32, #tpu.memory_space<vmem>> -> memref<64x128xf32, #tpu.memory_space<vmem>>
        %dma_wait3A_313 = arith.constant 0 : i32
        %dma_wait3A_314 = tpu.memref_slice %arg8[%add3A_257, %dma_wait3A_313] : memref<40x64xi32, #tpu.memory_space<vmem>> -> memref<1x64xi32, #tpu.memory_space<vmem>>
        %dma_wait3A_315 = tpu.memref_squeeze %dma_wait3A_314 : memref<1x64xi32, #tpu.memory_space<vmem>> -> memref<64xi32, #tpu.memory_space<vmem>>
        %dma_wait3A_316 = arith.constant 0 : i32
        %dma_wait3A_317 = arith.constant 0 : i32
        %dma_wait3A_318 = tpu.memref_slice %arg10[%dma_wait3A_316, %dma_wait3A_317] : memref<10240x128xf32, #tpu.memory_space<vmem_shared>> -> memref<10240x128xf32, #tpu.memory_space<vmem_shared>>
        tpu.wait_indirect_dma semaphore(%run_scoped3A_298 : memref<!tpu.dma_semaphore, #tpu.memory_space<semaphore_mem>>) src(%dma_wait3A_312 : memref<64x128xf32, #tpu.memory_space<vmem>>) dst(%dma_wait3A_318 : memref<10240x128xf32, #tpu.memory_space<vmem_shared>>)
        tpu.yield
      }) : () -> ()
      %add3A_270 = arith.constant 4 : i32
      %add3A_271 = arith.addi %add3A_257, %add3A_270 : i32
      %lt3A_272 = arith.constant 40 : i32
      %lt3A_273 = arith.cmpi slt, %add3A_271, %lt3A_272 : i32
      %convert_element_type3A_274 = arith.extui %lt3A_273 : i1 to i32
      %cond3A_275 = arith.constant 0 : i32
      %cond3A_276 = arith.cmpi ne, %convert_element_type3A_274, %cond3A_275 : i32
      scf.if %cond3A_276 {
        %dma_start3A_298 = arith.constant 2 : i32
        %dma_start3A_299 = arith.constant 0 : i32
        %dma_start3A_300 = arith.constant 0 : i32
        %dma_start3A_301 = tpu.memref_slice %arg9[%dma_start3A_298, %dma_start3A_299, %dma_start3A_300] : memref<4x64x128xf32, #tpu.memory_space<vmem>> -> memref<1x64x128xf32, #tpu.memory_space<vmem>>
        %dma_start3A_302 = tpu.memref_squeeze %dma_start3A_301 : memref<1x64x128xf32, #tpu.memory_space<vmem>> -> memref<64x128xf32, #tpu.memory_space<vmem>>
        %dma_start3A_303 = arith.constant 0 : i32
        %dma_start3A_304 = tpu.memref_slice %arg7[%add3A_271, %dma_start3A_303] : memref<40x64xi32, #tpu.memory_space<vmem>> -> memref<1x64xi32, #tpu.memory_space<vmem>>
        %dma_start3A_305 = tpu.memref_squeeze %dma_start3A_304 : memref<1x64xi32, #tpu.memory_space<vmem>> -> memref<64xi32, #tpu.memory_space<vmem>>
        %dma_start3A_306 = arith.constant 0 : i32
        %dma_start3A_307 = arith.constant 0 : i32
        %dma_start3A_308 = tpu.memref_slice %arg2[%dma_start3A_306, %dma_start3A_307] : memref<10240x128xf32, #tpu.memory_space<hbm>> -> memref<10240x128xf32, #tpu.memory_space<hbm>>
        tpu.enqueue_indirect_dma source(%dma_start3A_308 : memref<10240x128xf32, #tpu.memory_space<hbm>>) target(%dma_start3A_302 : memref<64x128xf32, #tpu.memory_space<vmem>>) offsets(%dma_start3A_305 : memref<64xi32, #tpu.memory_space<vmem>>) semaphore(%arg13 : memref<!tpu.dma_semaphore, #tpu.memory_space<semaphore_mem>>)
      } else {
      }
      %add3A_277 = arith.constant 3 : i32
      %add3A_278 = arith.addi %add3A_218, %add3A_277 : i32
      %dma_wait3A_279 = arith.constant 3 : i32
      %dma_wait3A_280 = arith.constant 0 : i32
      %dma_wait3A_281 = arith.constant 0 : i32
      %dma_wait3A_282 = tpu.memref_slice %arg9[%dma_wait3A_279, %dma_wait3A_280, %dma_wait3A_281] : memref<4x64x128xf32, #tpu.memory_space<vmem>> -> memref<1x64x128xf32, #tpu.memory_space<vmem>>
      %dma_wait3A_283 = tpu.memref_squeeze %dma_wait3A_282 : memref<1x64x128xf32, #tpu.memory_space<vmem>> -> memref<64x128xf32, #tpu.memory_space<vmem>>
      %dma_wait3A_284 = arith.constant 0 : i32
      %dma_wait3A_285 = tpu.memref_slice %arg7[%add3A_278, %dma_wait3A_284] : memref<40x64xi32, #tpu.memory_space<vmem>> -> memref<1x64xi32, #tpu.memory_space<vmem>>
      %dma_wait3A_286 = tpu.memref_squeeze %dma_wait3A_285 : memref<1x64xi32, #tpu.memory_space<vmem>> -> memref<64xi32, #tpu.memory_space<vmem>>
      %dma_wait3A_287 = arith.constant 0 : i32
      %dma_wait3A_288 = arith.constant 0 : i32
      %dma_wait3A_289 = tpu.memref_slice %arg2[%dma_wait3A_287, %dma_wait3A_288] : memref<10240x128xf32, #tpu.memory_space<hbm>> -> memref<10240x128xf32, #tpu.memory_space<hbm>>
      tpu.wait_indirect_dma semaphore(%arg14 : memref<!tpu.dma_semaphore, #tpu.memory_space<semaphore_mem>>) src(%dma_wait3A_289 : memref<10240x128xf32, #tpu.memory_space<hbm>>) dst(%dma_wait3A_283 : memref<64x128xf32, #tpu.memory_space<vmem>>)
      %run_scoped3A_290 = arith.constant 3 : i32
      "tpu.region"() ({
        %run_scoped3A_298 = tpu.sem_alloc : memref<!tpu.dma_semaphore, #tpu.memory_space<semaphore_mem>>
        %dma_start3A_299 = arith.constant 0 : i32
        %dma_start3A_300 = arith.constant 0 : i32
        %dma_start3A_301 = tpu.memref_slice %arg9[%run_scoped3A_290, %dma_start3A_299, %dma_start3A_300] : memref<4x64x128xf32, #tpu.memory_space<vmem>> -> memref<1x64x128xf32, #tpu.memory_space<vmem>>
        %dma_start3A_302 = tpu.memref_squeeze %dma_start3A_301 : memref<1x64x128xf32, #tpu.memory_space<vmem>> -> memref<64x128xf32, #tpu.memory_space<vmem>>
        %dma_start3A_303 = arith.constant 0 : i32
        %dma_start3A_304 = tpu.memref_slice %arg8[%add3A_278, %dma_start3A_303] : memref<40x64xi32, #tpu.memory_space<vmem>> -> memref<1x64xi32, #tpu.memory_space<vmem>>
        %dma_start3A_305 = tpu.memref_squeeze %dma_start3A_304 : memref<1x64xi32, #tpu.memory_space<vmem>> -> memref<64xi32, #tpu.memory_space<vmem>>
        %dma_start3A_306 = arith.constant 0 : i32
        %dma_start3A_307 = arith.constant 0 : i32
        %dma_start3A_308 = tpu.memref_slice %arg10[%dma_start3A_306, %dma_start3A_307] : memref<10240x128xf32, #tpu.memory_space<vmem_shared>> -> memref<10240x128xf32, #tpu.memory_space<vmem_shared>>
        tpu.enqueue_indirect_dma source(%dma_start3A_302 : memref<64x128xf32, #tpu.memory_space<vmem>>) target(%dma_start3A_308 : memref<10240x128xf32, #tpu.memory_space<vmem_shared>>) offsets(%dma_start3A_305 : memref<64xi32, #tpu.memory_space<vmem>>) semaphore(%run_scoped3A_298 : memref<!tpu.dma_semaphore, #tpu.memory_space<semaphore_mem>>) {add = true}
        %dma_wait3A_309 = arith.constant 0 : i32
        %dma_wait3A_310 = arith.constant 0 : i32
        %dma_wait3A_311 = tpu.memref_slice %arg9[%run_scoped3A_290, %dma_wait3A_309, %dma_wait3A_310] : memref<4x64x128xf32, #tpu.memory_space<vmem>> -> memref<1x64x128xf32, #tpu.memory_space<vmem>>
        %dma_wait3A_312 = tpu.memref_squeeze %dma_wait3A_311 : memref<1x64x128xf32, #tpu.memory_space<vmem>> -> memref<64x128xf32, #tpu.memory_space<vmem>>
        %dma_wait3A_313 = arith.constant 0 : i32
        %dma_wait3A_314 = tpu.memref_slice %arg8[%add3A_278, %dma_wait3A_313] : memref<40x64xi32, #tpu.memory_space<vmem>> -> memref<1x64xi32, #tpu.memory_space<vmem>>
        %dma_wait3A_315 = tpu.memref_squeeze %dma_wait3A_314 : memref<1x64xi32, #tpu.memory_space<vmem>> -> memref<64xi32, #tpu.memory_space<vmem>>
        %dma_wait3A_316 = arith.constant 0 : i32
        %dma_wait3A_317 = arith.constant 0 : i32
        %dma_wait3A_318 = tpu.memref_slice %arg10[%dma_wait3A_316, %dma_wait3A_317] : memref<10240x128xf32, #tpu.memory_space<vmem_shared>> -> memref<10240x128xf32, #tpu.memory_space<vmem_shared>>
        tpu.wait_indirect_dma semaphore(%run_scoped3A_298 : memref<!tpu.dma_semaphore, #tpu.memory_space<semaphore_mem>>) src(%dma_wait3A_312 : memref<64x128xf32, #tpu.memory_space<vmem>>) dst(%dma_wait3A_318 : memref<10240x128xf32, #tpu.memory_space<vmem_shared>>)
        tpu.yield
      }) : () -> ()
      %add3A_291 = arith.constant 4 : i32
      %add3A_292 = arith.addi %add3A_278, %add3A_291 : i32
      %lt3A_293 = arith.constant 40 : i32
      %lt3A_294 = arith.cmpi slt, %add3A_292, %lt3A_293 : i32
      %convert_element_type3A_295 = arith.extui %lt3A_294 : i1 to i32
      %cond3A_296 = arith.constant 0 : i32
      %cond3A_297 = arith.cmpi ne, %convert_element_type3A_295, %cond3A_296 : i32
      scf.if %cond3A_297 {
        %dma_start3A_298 = arith.constant 3 : i32
        %dma_start3A_299 = arith.constant 0 : i32
        %dma_start3A_300 = arith.constant 0 : i32
        %dma_start3A_301 = tpu.memref_slice %arg9[%dma_start3A_298, %dma_start3A_299, %dma_start3A_300] : memref<4x64x128xf32, #tpu.memory_space<vmem>> -> memref<1x64x128xf32, #tpu.memory_space<vmem>>
        %dma_start3A_302 = tpu.memref_squeeze %dma_start3A_301 : memref<1x64x128xf32, #tpu.memory_space<vmem>> -> memref<64x128xf32, #tpu.memory_space<vmem>>
        %dma_start3A_303 = arith.constant 0 : i32
        %dma_start3A_304 = tpu.memref_slice %arg7[%add3A_292, %dma_start3A_303] : memref<40x64xi32, #tpu.memory_space<vmem>> -> memref<1x64xi32, #tpu.memory_space<vmem>>
        %dma_start3A_305 = tpu.memref_squeeze %dma_start3A_304 : memref<1x64xi32, #tpu.memory_space<vmem>> -> memref<64xi32, #tpu.memory_space<vmem>>
        %dma_start3A_306 = arith.constant 0 : i32
        %dma_start3A_307 = arith.constant 0 : i32
        %dma_start3A_308 = tpu.memref_slice %arg2[%dma_start3A_306, %dma_start3A_307] : memref<10240x128xf32, #tpu.memory_space<hbm>> -> memref<10240x128xf32, #tpu.memory_space<hbm>>
        tpu.enqueue_indirect_dma source(%dma_start3A_308 : memref<10240x128xf32, #tpu.memory_space<hbm>>) target(%dma_start3A_302 : memref<64x128xf32, #tpu.memory_space<vmem>>) offsets(%dma_start3A_305 : memref<64xi32, #tpu.memory_space<vmem>>) semaphore(%arg14 : memref<!tpu.dma_semaphore, #tpu.memory_space<semaphore_mem>>)
      } else {
      }
    }
    %scan3A_212 = arith.constant 10 : i32
    %barrier3A_213 = arith.constant 0 : index
    tpu.barrier barrier_id(%barrier3A_213)
    "tpu.region"() ({
      %run_scoped3A = tpu.sem_alloc : memref<!tpu.dma_semaphore, #tpu.memory_space<semaphore_mem>>
      %dma_start3A_214 = arith.constant 0 : i32
      %dma_start3A_215 = arith.constant 0 : i32
      %dma_start3A_216 = tpu.memref_slice %arg6[%arg0, %dma_start3A_214, %dma_start3A_215] : memref<2x10240x128xf32, #tpu.memory_space<hbm>> -> memref<1x10240x128xf32, #tpu.memory_space<hbm>>
      %dma_start3A_217 = tpu.memref_squeeze %dma_start3A_216 : memref<1x10240x128xf32, #tpu.memory_space<hbm>> -> memref<10240x128xf32, #tpu.memory_space<hbm>>
      %dma_start3A_218 = arith.constant 0 : i32
      %dma_start3A_219 = tpu.memref_slice %dma_start3A_217[%mul3A_2, %dma_start3A_218] : memref<10240x128xf32, #tpu.memory_space<hbm>> -> memref<640x128xf32, #tpu.memory_space<hbm>>
      %dma_start3A_220 = arith.constant 0 : i32
      %dma_start3A_221 = tpu.memref_slice %arg10[%mul3A_2, %dma_start3A_220] : memref<10240x128xf32, #tpu.memory_space<vmem_shared>> -> memref<640x128xf32, #tpu.memory_space<vmem_shared>>
      tpu.enqueue_dma source(%dma_start3A_221 : memref<640x128xf32, #tpu.memory_space<vmem_shared>>) target(%dma_start3A_219 : memref<640x128xf32, #tpu.memory_space<hbm>>) target_semaphore(%run_scoped3A : memref<!tpu.dma_semaphore, #tpu.memory_space<semaphore_mem>>)
      %dma_wait3A = arith.constant 0 : i32
      %dma_wait3A_222 = arith.constant 0 : i32
      %dma_wait3A_223 = tpu.memref_slice %arg6[%arg0, %dma_wait3A, %dma_wait3A_222] : memref<2x10240x128xf32, #tpu.memory_space<hbm>> -> memref<1x10240x128xf32, #tpu.memory_space<hbm>>
      %dma_wait3A_224 = tpu.memref_squeeze %dma_wait3A_223 : memref<1x10240x128xf32, #tpu.memory_space<hbm>> -> memref<10240x128xf32, #tpu.memory_space<hbm>>
      %dma_wait3A_225 = arith.constant 0 : i32
      %dma_wait3A_226 = tpu.memref_slice %dma_wait3A_224[%mul3A_2, %dma_wait3A_225] : memref<10240x128xf32, #tpu.memory_space<hbm>> -> memref<640x128xf32, #tpu.memory_space<hbm>>
      %dma_wait3A_227 = arith.constant 0 : i32
      %dma_wait3A_228 = tpu.memref_slice %arg10[%mul3A_2, %dma_wait3A_227] : memref<10240x128xf32, #tpu.memory_space<vmem_shared>> -> memref<640x128xf32, #tpu.memory_space<vmem_shared>>
      tpu.wait_dma2 semaphore(%run_scoped3A : memref<!tpu.dma_semaphore, #tpu.memory_space<semaphore_mem>>) src(%dma_wait3A_228 : memref<640x128xf32, #tpu.memory_space<vmem_shared>>) dst(%dma_wait3A_226 : memref<640x128xf32, #tpu.memory_space<hbm>>)
      tpu.yield
    }) : () -> ()
    return
  }
}

module attributes {stable_mosaic.version = 14 : i64} {
  func.func @_layer_body(%arg0: i32, %arg1: memref<2x1024x128xf32, #tpu.memory_space<vmem>>, %arg2: memref<1024x128xf32, #tpu.memory_space<vmem>>, %arg3: memref<128x128xf32, #tpu.memory_space<vmem>>, %arg4: memref<128x128xf32, #tpu.memory_space<vmem>>, %arg5: memref<1x128xf32, #tpu.memory_space<vmem>>, %arg6: memref<1024x128xf32, #tpu.memory_space<vmem>>) attributes {dimension_semantics = [#tpu.dimension_semantics<arbitrary>], iteration_bounds = array<i64: 10>, scalar_prefetch = 0 : i64, scratch_operands = 0 : i64, tpu.core_type = #tpu.core_type<tc>, window_params = [{transform_indices = @transform_0, window_bounds = array<i64: 2, 1024, 128>}, {transform_indices = @transform_1, window_bounds = array<i64: 1024, 128>}, {pipeline_mode = #tpu.pipeline_mode<synchronous>, transform_indices = @transform_2, window_bounds = array<i64: 128, 128>}, {pipeline_mode = #tpu.pipeline_mode<synchronous>, transform_indices = @transform_3, window_bounds = array<i64: 128, 128>}, {pipeline_mode = #tpu.pipeline_mode<synchronous>, transform_indices = @transform_4, window_bounds = array<i64: 1, 128>}, {transform_indices = @transform_5, window_bounds = array<i64: 1024, 128>}]} {
    %get3A = arith.constant 0 : index
    %get3A_0 = arith.constant 0 : index
    %get3A_1 = arith.constant 0 : index
    %get3A_2 = vector.load %arg1[%get3A, %get3A_0, %get3A_1] : memref<2x1024x128xf32, #tpu.memory_space<vmem>>, vector<1x1024x128xf32>
    %get3A_3 = vector.shape_cast %get3A_2 : vector<1x1024x128xf32> to vector<1024x128xf32>
    %get3A_4 = arith.constant 1 : index
    %get3A_5 = arith.constant 0 : index
    %get3A_6 = arith.constant 0 : index
    %get3A_7 = vector.load %arg1[%get3A_4, %get3A_5, %get3A_6] : memref<2x1024x128xf32, #tpu.memory_space<vmem>>, vector<1x1024x128xf32>
    %get3A_8 = vector.shape_cast %get3A_7 : vector<1x1024x128xf32> to vector<1024x128xf32>
    %add3A = arith.addf %get3A_3, %get3A_8 : vector<1024x128xf32>
    %get3A_9 = arith.constant 0 : index
    %get3A_10 = arith.constant 0 : index
    %get3A_11 = vector.load %arg3[%get3A_9, %get3A_10] : memref<128x128xf32, #tpu.memory_space<vmem>>, vector<128x128xf32>
    %dot_general3A = arith.constant dense<0.000000e+00> : vector<1024x128xf32>
    %dot_general3A_12 = tpu.matmul %add3A, %get3A_11, %dot_general3A {dimension_numbers = #tpu.dot_dimension_numbers<[1], [0], [0], [1], [0, 0, 1, 1], [], []>, transpose_lhs_hint = false} : vector<1024x128xf32>, vector<128x128xf32>, vector<1024x128xf32> -> vector<1024x128xf32>
    %get3A_13 = arith.constant 0 : index
    %get3A_14 = arith.constant 0 : index
    %get3A_15 = vector.load %arg2[%get3A_13, %get3A_14] : memref<1024x128xf32, #tpu.memory_space<vmem>>, vector<1024x128xf32>
    %get3A_16 = arith.constant 0 : index
    %get3A_17 = arith.constant 0 : index
    %get3A_18 = vector.load %arg4[%get3A_16, %get3A_17] : memref<128x128xf32, #tpu.memory_space<vmem>>, vector<128x128xf32>
    %dot_general3A_19 = arith.constant dense<0.000000e+00> : vector<1024x128xf32>
    %dot_general3A_20 = tpu.matmul %get3A_15, %get3A_18, %dot_general3A_19 {dimension_numbers = #tpu.dot_dimension_numbers<[1], [0], [0], [1], [0, 0, 1, 1], [], []>, transpose_lhs_hint = false} : vector<1024x128xf32>, vector<128x128xf32>, vector<1024x128xf32> -> vector<1024x128xf32>
    %add3A_21 = arith.addf %dot_general3A_12, %dot_general3A_20 : vector<1024x128xf32>
    %get3A_22 = arith.constant 0 : index
    %get3A_23 = arith.constant 0 : index
    %get3A_24 = vector.load %arg5[%get3A_22, %get3A_23] : memref<1x128xf32, #tpu.memory_space<vmem>>, vector<1x128xf32>
    %add3A_25 = vector.broadcast %get3A_24 : vector<1x128xf32> to vector<1024x128xf32>
    %add3A_26 = arith.addf %add3A_21, %add3A_25 : vector<1024x128xf32>
    %max3A = arith.constant 0.000000e+00 : f32
    %max3A_27 = vector.broadcast %max3A : f32 to vector<1024x128xf32>
    %max3A_28 = arith.maximumf %add3A_26, %max3A_27 : vector<1024x128xf32>
    %swap3A = arith.constant 0 : index
    %swap3A_29 = arith.constant 0 : index
    %swap3A_30 = vector.load %arg6[%swap3A, %swap3A_29] : memref<1024x128xf32, #tpu.memory_space<vmem>>, vector<1024x128xf32>
    tpu.vector_store %arg6[%swap3A, %swap3A_29], %max3A_28 {strides = array<i32>} : memref<1024x128xf32, #tpu.memory_space<vmem>>, vector<1024x128xf32>,
    return
  }
  func.func @transform_0(%arg0: i32) -> (i32, i32, i32) {
    %c0_i32 = arith.constant 0 : i32
    %c0_i32_0 = arith.constant 0 : i32
    %c0_i32_1 = arith.constant 0 : i32
    return %c0_i32, %arg0, %c0_i32_0 : i32, i32, i32
  }
  func.func @transform_1(%arg0: i32) -> (i32, i32) {
    %c0_i32 = arith.constant 0 : i32
    %c0_i32_0 = arith.constant 0 : i32
    return %arg0, %c0_i32 : i32, i32
  }
  func.func @transform_2(%arg0: i32) -> (i32, i32) {
    %c0_i32 = arith.constant 0 : i32
    %c0_i32_0 = arith.constant 0 : i32
    %c0_i32_1 = arith.constant 0 : i32
    return %c0_i32, %c0_i32_0 : i32, i32
  }
  func.func @transform_3(%arg0: i32) -> (i32, i32) {
    %c0_i32 = arith.constant 0 : i32
    %c0_i32_0 = arith.constant 0 : i32
    %c0_i32_1 = arith.constant 0 : i32
    return %c0_i32, %c0_i32_0 : i32, i32
  }
  func.func @transform_4(%arg0: i32) -> (i32, i32) {
    %c0_i32 = arith.constant 0 : i32
    %c0_i32_0 = arith.constant 0 : i32
    %c0_i32_1 = arith.constant 0 : i32
    return %c0_i32, %c0_i32_0 : i32, i32
  }
  func.func @transform_5(%arg0: i32) -> (i32, i32) {
    %c0_i32 = arith.constant 0 : i32
    %c0_i32_0 = arith.constant 0 : i32
    return %arg0, %c0_i32 : i32, i32
  }
}

module attributes {stable_mosaic.version = 14 : i64} {
  func.func @_final_body(%arg0: i32, %arg1: memref<2x1024x128xf32, #tpu.memory_space<vmem>>, %arg2: memref<1024x128xf32, #tpu.memory_space<vmem>>, %arg3: memref<128x128xf32, #tpu.memory_space<vmem>>, %arg4: memref<128x128xf32, #tpu.memory_space<vmem>>, %arg5: memref<1x128xf32, #tpu.memory_space<vmem>>, %arg6: memref<128x128xf32, #tpu.memory_space<vmem>>, %arg7: memref<1x128xf32, #tpu.memory_space<vmem>>, %arg8: memref<128x128xf32, #tpu.memory_space<vmem>>, %arg9: memref<1x128xf32, #tpu.memory_space<vmem>>, %arg10: memref<128x64xf32, #tpu.memory_space<vmem>>, %arg11: memref<1x64xf32, #tpu.memory_space<vmem>>, %arg12: memref<1024x64xf32, #tpu.memory_space<vmem>>) attributes {dimension_semantics = [#tpu.dimension_semantics<arbitrary>], iteration_bounds = array<i64: 10>, scalar_prefetch = 0 : i64, scratch_operands = 0 : i64, tpu.core_type = #tpu.core_type<tc>, window_params = [{transform_indices = @transform_0, window_bounds = array<i64: 2, 1024, 128>}, {transform_indices = @transform_1, window_bounds = array<i64: 1024, 128>}, {pipeline_mode = #tpu.pipeline_mode<synchronous>, transform_indices = @transform_2, window_bounds = array<i64: 128, 128>}, {pipeline_mode = #tpu.pipeline_mode<synchronous>, transform_indices = @transform_3, window_bounds = array<i64: 128, 128>}, {pipeline_mode = #tpu.pipeline_mode<synchronous>, transform_indices = @transform_4, window_bounds = array<i64: 1, 128>}, {pipeline_mode = #tpu.pipeline_mode<synchronous>, transform_indices = @transform_5, window_bounds = array<i64: 128, 128>}, {pipeline_mode = #tpu.pipeline_mode<synchronous>, transform_indices = @transform_6, window_bounds = array<i64: 1, 128>}, {pipeline_mode = #tpu.pipeline_mode<synchronous>, transform_indices = @transform_7, window_bounds = array<i64: 128, 128>}, {pipeline_mode = #tpu.pipeline_mode<synchronous>, transform_indices = @transform_8, window_bounds = array<i64: 1, 128>}, {pipeline_mode = #tpu.pipeline_mode<synchronous>, transform_indices = @transform_9, window_bounds = array<i64: 128, 64>}, {pipeline_mode = #tpu.pipeline_mode<synchronous>, transform_indices = @transform_10, window_bounds = array<i64: 1, 64>}, {transform_indices = @transform_11, window_bounds = array<i64: 1024, 64>}]} {
    %get3A = arith.constant 0 : index
    %get3A_0 = arith.constant 0 : index
    %get3A_1 = arith.constant 0 : index
    %get3A_2 = vector.load %arg1[%get3A, %get3A_0, %get3A_1] : memref<2x1024x128xf32, #tpu.memory_space<vmem>>, vector<1x1024x128xf32>
    %get3A_3 = vector.shape_cast %get3A_2 : vector<1x1024x128xf32> to vector<1024x128xf32>
    %get3A_4 = arith.constant 1 : index
    %get3A_5 = arith.constant 0 : index
    %get3A_6 = arith.constant 0 : index
    %get3A_7 = vector.load %arg1[%get3A_4, %get3A_5, %get3A_6] : memref<2x1024x128xf32, #tpu.memory_space<vmem>>, vector<1x1024x128xf32>
    %get3A_8 = vector.shape_cast %get3A_7 : vector<1x1024x128xf32> to vector<1024x128xf32>
    %add3A = arith.addf %get3A_3, %get3A_8 : vector<1024x128xf32>
    %get3A_9 = arith.constant 0 : index
    %get3A_10 = arith.constant 0 : index
    %get3A_11 = vector.load %arg3[%get3A_9, %get3A_10] : memref<128x128xf32, #tpu.memory_space<vmem>>, vector<128x128xf32>
    %dot_general3A = arith.constant dense<0.000000e+00> : vector<1024x128xf32>
    %dot_general3A_12 = tpu.matmul %add3A, %get3A_11, %dot_general3A {dimension_numbers = #tpu.dot_dimension_numbers<[1], [0], [0], [1], [0, 0, 1, 1], [], []>, transpose_lhs_hint = false} : vector<1024x128xf32>, vector<128x128xf32>, vector<1024x128xf32> -> vector<1024x128xf32>
    %get3A_13 = arith.constant 0 : index
    %get3A_14 = arith.constant 0 : index
    %get3A_15 = vector.load %arg2[%get3A_13, %get3A_14] : memref<1024x128xf32, #tpu.memory_space<vmem>>, vector<1024x128xf32>
    %get3A_16 = arith.constant 0 : index
    %get3A_17 = arith.constant 0 : index
    %get3A_18 = vector.load %arg4[%get3A_16, %get3A_17] : memref<128x128xf32, #tpu.memory_space<vmem>>, vector<128x128xf32>
    %dot_general3A_19 = arith.constant dense<0.000000e+00> : vector<1024x128xf32>
    %dot_general3A_20 = tpu.matmul %get3A_15, %get3A_18, %dot_general3A_19 {dimension_numbers = #tpu.dot_dimension_numbers<[1], [0], [0], [1], [0, 0, 1, 1], [], []>, transpose_lhs_hint = false} : vector<1024x128xf32>, vector<128x128xf32>, vector<1024x128xf32> -> vector<1024x128xf32>
    %add3A_21 = arith.addf %dot_general3A_12, %dot_general3A_20 : vector<1024x128xf32>
    %get3A_22 = arith.constant 0 : index
    %get3A_23 = arith.constant 0 : index
    %get3A_24 = vector.load %arg5[%get3A_22, %get3A_23] : memref<1x128xf32, #tpu.memory_space<vmem>>, vector<1x128xf32>
    %add3A_25 = vector.broadcast %get3A_24 : vector<1x128xf32> to vector<1024x128xf32>
    %add3A_26 = arith.addf %add3A_21, %add3A_25 : vector<1024x128xf32>
    %max3A = arith.constant 0.000000e+00 : f32
    %max3A_27 = vector.broadcast %max3A : f32 to vector<1024x128xf32>
    %max3A_28 = arith.maximumf %add3A_26, %max3A_27 : vector<1024x128xf32>
    %get3A_29 = arith.constant 0 : index
    %get3A_30 = arith.constant 0 : index
    %get3A_31 = vector.load %arg6[%get3A_29, %get3A_30] : memref<128x128xf32, #tpu.memory_space<vmem>>, vector<128x128xf32>
    %dot_general3A_32 = arith.constant dense<0.000000e+00> : vector<1024x128xf32>
    %dot_general3A_33 = tpu.matmul %max3A_28, %get3A_31, %dot_general3A_32 {dimension_numbers = #tpu.dot_dimension_numbers<[1], [0], [0], [1], [0, 0, 1, 1], [], []>, transpose_lhs_hint = false} : vector<1024x128xf32>, vector<128x128xf32>, vector<1024x128xf32> -> vector<1024x128xf32>
    %get3A_34 = arith.constant 0 : index
    %get3A_35 = arith.constant 0 : index
    %get3A_36 = vector.load %arg7[%get3A_34, %get3A_35] : memref<1x128xf32, #tpu.memory_space<vmem>>, vector<1x128xf32>
    %add3A_37 = vector.broadcast %get3A_36 : vector<1x128xf32> to vector<1024x128xf32>
    %add3A_38 = arith.addf %dot_general3A_33, %add3A_37 : vector<1024x128xf32>
    %max3A_39 = arith.constant 0.000000e+00 : f32
    %max3A_40 = vector.broadcast %max3A_39 : f32 to vector<1024x128xf32>
    %max3A_41 = arith.maximumf %add3A_38, %max3A_40 : vector<1024x128xf32>
    %get3A_42 = arith.constant 0 : index
    %get3A_43 = arith.constant 0 : index
    %get3A_44 = vector.load %arg8[%get3A_42, %get3A_43] : memref<128x128xf32, #tpu.memory_space<vmem>>, vector<128x128xf32>
    %dot_general3A_45 = arith.constant dense<0.000000e+00> : vector<1024x128xf32>
    %dot_general3A_46 = tpu.matmul %max3A_41, %get3A_44, %dot_general3A_45 {dimension_numbers = #tpu.dot_dimension_numbers<[1], [0], [0], [1], [0, 0, 1, 1], [], []>, transpose_lhs_hint = false} : vector<1024x128xf32>, vector<128x128xf32>, vector<1024x128xf32> -> vector<1024x128xf32>
    %get3A_47 = arith.constant 0 : index
    %get3A_48 = arith.constant 0 : index
    %get3A_49 = vector.load %arg9[%get3A_47, %get3A_48] : memref<1x128xf32, #tpu.memory_space<vmem>>, vector<1x128xf32>
    %add3A_50 = vector.broadcast %get3A_49 : vector<1x128xf32> to vector<1024x128xf32>
    %add3A_51 = arith.addf %dot_general3A_46, %add3A_50 : vector<1024x128xf32>
    %max3A_52 = arith.constant 0.000000e+00 : f32
    %max3A_53 = vector.broadcast %max3A_52 : f32 to vector<1024x128xf32>
    %max3A_54 = arith.maximumf %add3A_51, %max3A_53 : vector<1024x128xf32>
    %get3A_55 = arith.constant 0 : index
    %get3A_56 = arith.constant 0 : index
    %get3A_57 = vector.load %arg10[%get3A_55, %get3A_56] : memref<128x64xf32, #tpu.memory_space<vmem>>, vector<128x64xf32>
    %dot_general3A_58 = arith.constant dense<0.000000e+00> : vector<1024x64xf32>
    %dot_general3A_59 = tpu.matmul %max3A_54, %get3A_57, %dot_general3A_58 {dimension_numbers = #tpu.dot_dimension_numbers<[1], [0], [0], [1], [0, 0, 1, 1], [], []>, transpose_lhs_hint = false} : vector<1024x128xf32>, vector<128x64xf32>, vector<1024x64xf32> -> vector<1024x64xf32>
    %get3A_60 = arith.constant 0 : index
    %get3A_61 = arith.constant 0 : index
    %get3A_62 = vector.load %arg11[%get3A_60, %get3A_61] : memref<1x64xf32, #tpu.memory_space<vmem>>, vector<1x64xf32>
    %add3A_63 = vector.broadcast %get3A_62 : vector<1x64xf32> to vector<1024x64xf32>
    %add3A_64 = arith.addf %dot_general3A_59, %add3A_63 : vector<1024x64xf32>
    %reduce_max3A = arith.constant dense<0xFF800000> : vector<1024xf32>
    %reduce_max3A_65 = vector.multi_reduction <maximumf>, %add3A_64, %reduce_max3A [1] : vector<1024x64xf32> to vector<1024xf32>
    %broadcast_in_dim3A = vector.shape_cast %reduce_max3A_65 : vector<1024xf32> to vector<1024x1xf32>
    %sub3A = vector.broadcast %broadcast_in_dim3A : vector<1024x1xf32> to vector<1024x64xf32>
    %sub3A_66 = arith.subf %add3A_64, %sub3A : vector<1024x64xf32>
    %exp3A = math.exp %sub3A_66 : vector<1024x64xf32>
    %reduce_sum3A = arith.constant dense<0.000000e+00> : vector<1024xf32>
    %reduce_sum3A_67 = vector.multi_reduction <add>, %exp3A, %reduce_sum3A [1] : vector<1024x64xf32> to vector<1024xf32>
    %broadcast_in_dim3A_68 = vector.shape_cast %reduce_sum3A_67 : vector<1024xf32> to vector<1024x1xf32>
    %log3A = math.log %broadcast_in_dim3A_68 : vector<1024x1xf32>
    %add3A_69 = arith.addf %log3A, %broadcast_in_dim3A : vector<1024x1xf32>
    %sub3A_70 = vector.broadcast %add3A_69 : vector<1024x1xf32> to vector<1024x64xf32>
    %sub3A_71 = arith.subf %add3A_64, %sub3A_70 : vector<1024x64xf32>
    %swap3A = arith.constant 0 : index
    %swap3A_72 = arith.constant 0 : index
    %swap3A_73 = vector.load %arg12[%swap3A, %swap3A_72] : memref<1024x64xf32, #tpu.memory_space<vmem>>, vector<1024x64xf32>
    tpu.vector_store %arg12[%swap3A, %swap3A_72], %sub3A_71 {strides = array<i32>} : memref<1024x64xf32, #tpu.memory_space<vmem>>, vector<1024x64xf32>,
    return
  }
  func.func @transform_0(%arg0: i32) -> (i32, i32, i32) {
    %c0_i32 = arith.constant 0 : i32
    %c0_i32_0 = arith.constant 0 : i32
    %c0_i32_1 = arith.constant 0 : i32
    return %c0_i32, %arg0, %c0_i32_0 : i32, i32, i32
  }
  func.func @transform_1(%arg0: i32) -> (i32, i32) {
    %c0_i32 = arith.constant 0 : i32
    %c0_i32_0 = arith.constant 0 : i32
    return %arg0, %c0_i32 : i32, i32
  }
  func.func @transform_2(%arg0: i32) -> (i32, i32) {
    %c0_i32 = arith.constant 0 : i32
    %c0_i32_0 = arith.constant 0 : i32
    %c0_i32_1 = arith.constant 0 : i32
    return %c0_i32, %c0_i32_0 : i32, i32
  }
  func.func @transform_3(%arg0: i32) -> (i32, i32) {
    %c0_i32 = arith.constant 0 : i32
    %c0_i32_0 = arith.constant 0 : i32
    %c0_i32_1 = arith.constant 0 : i32
    return %c0_i32, %c0_i32_0 : i32, i32
  }
  func.func @transform_4(%arg0: i32) -> (i32, i32) {
    %c0_i32 = arith.constant 0 : i32
    %c0_i32_0 = arith.constant 0 : i32
    %c0_i32_1 = arith.constant 0 : i32
    return %c0_i32, %c0_i32_0 : i32, i32
  }
  func.func @transform_5(%arg0: i32) -> (i32, i32) {
    %c0_i32 = arith.constant 0 : i32
    %c0_i32_0 = arith.constant 0 : i32
    %c0_i32_1 = arith.constant 0 : i32
    return %c0_i32, %c0_i32_0 : i32, i32
  }
  func.func @transform_6(%arg0: i32) -> (i32, i32) {
    %c0_i32 = arith.constant 0 : i32
    %c0_i32_0 = arith.constant 0 : i32
    %c0_i32_1 = arith.constant 0 : i32
    return %c0_i32, %c0_i32_0 : i32, i32
  }
  func.func @transform_7(%arg0: i32) -> (i32, i32) {
    %c0_i32 = arith.constant 0 : i32
    %c0_i32_0 = arith.constant 0 : i32
    %c0_i32_1 = arith.constant 0 : i32
    return %c0_i32, %c0_i32_0 : i32, i32
  }
  func.func @transform_8(%arg0: i32) -> (i32, i32) {
    %c0_i32 = arith.constant 0 : i32
    %c0_i32_0 = arith.constant 0 : i32
    %c0_i32_1 = arith.constant 0 : i32
    return %c0_i32, %c0_i32_0 : i32, i32
  }
  func.func @transform_9(%arg0: i32) -> (i32, i32) {
    %c0_i32 = arith.constant 0 : i32
    %c0_i32_0 = arith.constant 0 : i32
    %c0_i32_1 = arith.constant 0 : i32
    return %c0_i32, %c0_i32_0 : i32, i32
  }
  func.func @transform_10(%arg0: i32) -> (i32, i32) {
    %c0_i32 = arith.constant 0 : i32
    %c0_i32_0 = arith.constant 0 : i32
    %c0_i32_1 = arith.constant 0 : i32
    return %c0_i32, %c0_i32_0 : i32, i32
  }
  func.func @transform_11(%arg0: i32) -> (i32, i32) {
    %c0_i32 = arith.constant 0 : i32
    %c0_i32_0 = arith.constant 0 : i32
    return %arg0, %c0_i32 : i32, i32
  }
}

</mosaic_0001>

<sc_bundles>
// kernel: kernel.6.cloned.1.call-start
scs
__scs_entry_jumppad:
0x0: {  	(pc) =	sbr.rel $0x88, $3  }
0x1: {  	(tag) =	ssettag $0x0;
	lr =	simm.s32 $0x1  }
0x2: {  	[smem:$0x3F93] =	sst lr;
	_ =	strace $0xD0000000  }
0x3: {  	_ = 	snop  }
0x4: {  	_ = 	snop  }
0x5: {  	_ = 	snop  }
0x6: {  	_ = 	snop  }
0x7: {  	_ = 	snop  }
__scs_overlays_trampoline_lowered:
0x8: {  	[smem:$0x3FA2] =	sst s0  }
0x9: {  	[smem:$0x3FA3] =	sst s1  }
0xa: {  	[smem:$0x3FA4] =	sst s2  }
0xb: {  	[smem:$0x3FA5] =	sst s3  }
0xc: {  	[smem:$0x3FA6] =	sst s4  }
0xd: {  	[smem:$0x3FA7] =	sst s5  }
0xe: {  	[smem:$0x3FA8] =	sst s6  }
0xf: {  	[smem:$0x3FA9] =	sst s7  }
0x10: {  	[smem:$0x3FAA] =	sst s8  }
0x11: {  	[smem:$0x3FAB] =	sst s9;
	s0 =	simm.s32 @!p0 $0x0  }
0x12: {  	s1 =	sld [smem:$0x3F91];
	s0 =	simm.s32 @p0 $0x1  }
0x13: {  	[smem:$0x3FAC] =	sst s0;
	s0 =	simm.s32 @!p1 $0x0  }
0x14: {  	s2 =	sld [smem:$0x3F90];
	s0 =	simm.s32 @p1 $0x1  }
0x15: {  	[smem:$0x3FAD] =	sst s0;
	s0 =	simm.s32 @!p2 $0x0  }
0x16: {  	s3 =	sld [smem:$0x3FDB];
	s0 =	simm.s32 @p2 $0x1  }
0x17: {  	s4 =	simm.s32 $0x1BF5;
	[smem:$0x3FAF] =	sst s0  }
0x18: {  	s0 =	sld [smem:$0x3F92];
	_ =	swait.ge [sflag:s4], $0x0  }
0x19: {  	s7 =	sld [smem:$0x3F93]  }
0x1a: {  	s8 =	sadd.s32 $0xFFFFE003, lr  }
0x1b: {  	s9 =	sadd.s32 $0xFFFFFEF7, lr;
	s5 =	simm.s32 $0xFFFFFFFF;
	p2 =	slt.u32 s8, $0xFFFFF086  }
0x1c: {  	p1 =	slt.u32 s9, $0xF7A;
	s5 =	simm.s32 @!p2 $0x0  }
0x1d: {  	s5 =	simm.s32 @p1 $0x1;
	p0 =	seq.s32 s7, s2  }
0x1e: {  	s7 =	smul.u32 @!p0 $0xF7A, s2;
	p2 =	seq.s32 @!p0 s5, $0x0  }
0x1f: {  	s9 =	smul.u32 $0xF7A, s1;
	s8 =	simm.s32 @!p0 $0x1BF5;
	p2 =	por !p2, p0  }
0x20: {  	[sflag:s8] =	ssyncset.s32 @!p0 $0xFFFFF086;
	s6 =	sadd.s32 @!p0 s3, s7;
	s7 =	simm.s32 @!p0 $0x108  }
0x21: {  	s3 =	sadd.s32 s3, s9;
	s6 =	sadd.s32 @!p0 $0x88, s6;
	s7 =	simm.s32 @p2 $0x1082  }
0x22: {  	[simem:s7], [sflag:s8] =	dma.local @!p0 [hbm:s6], $0xF7A  }
0x23: {  	s9 =	sor.u32 $0xD0000000, s2;
	s6 =	simm.s32 $0x108;
	_ =	swait.ge @!p0 [sflag:s8], $0x0  }
0x24: {  	s3 =	sadd.s32 $0x88, s3;
	s6 =	simm.s32 @!p1 $0x1082;
	[sflag:s4] =	ssyncset.s32 $0xFFFFF086  }
0x25: {  	[simem:s6], [sflag:s4] =	dma.local [hbm:s3], $0xF7A  }
0x26: {  	[smem:$0x3F93] =	sst s1;
	(tag) =	ssettag s2;
	_ =	strace s9  }
0x27: {  	s1 =	sld [smem:$0x3FA3]  }
0x28: {  	s2 =	sld [smem:$0x3FA4]  }
0x29: {  	s4 =	sld [smem:$0x3FA6]  }
0x2a: {  	p0 =	seq.s32 s5, $0x0;
	s5 =	sld [smem:$0x3FA7]  }
0x2b: {  	s6 =	sld [smem:$0x3FA8]  }
0x2c: {  	s7 =	sld [smem:$0x3FA9]  }
0x2d: {  	s3 =	simm.s32 $0x108;
	s8 =	sld [smem:$0x3FAA]  }
0x2e: {  	s3 =	simm.s32 @!p0 $0x1082;
	s9 =	sld [smem:$0x3FAB]  }
0x2f: {  	lr =	sadd.s32 s0, s3;
	s0 =	sld [smem:$0x3FA2]  }
0x30: {  	s3 =	sld [smem:$0x3FA5]  }
0x31: {  	[smem:$0x3FAE] =	sst s10  }
0x32: {  	s10 =	sld [smem:$0x3FAC];
	_ =	sdelay $0x3  }
0x33: {  	p0 =	seq.s32 s10, $0x1;
	s10 =	sld [smem:$0x3FAE];
	_ =	sdelay $0x3  }
0x34: {  	[smem:$0x3FAE] =	sst s10  }
0x35: {  	s10 =	sld [smem:$0x3FAD];
	_ =	sdelay $0x3  }
0x36: {  	p1 =	seq.s32 s10, $0x1;
	s10 =	sld [smem:$0x3FAE];
	_ =	sdelay $0x3  }
0x37: {  	[smem:$0x3FAE] =	sst s10  }
0x38: {  	s10 =	sld [smem:$0x3FAF]  }
0x39: {  	_ = 	snop;
	(pc) =	sbr.ind lr, $3  }
0x3a: {  	_ = 	snop  }
0x3b: {  	_ = 	snop  }
0x3c: {  	p2 =	seq.s32 s10, $0x1;
	s10 =	sld [smem:$0x3FAE]  }
0x3d: {  	_ =	shalt  }
0x3e: {  	_ =	shalt  }
0x3f: {  	_ =	shalt  }
0x40: {  	_ =	shalt  }
0x41: {  	_ =	shalt  }
0x42: {  	_ =	shalt  }
0x43: {  	_ =	shalt  }
0x44: {  	_ =	shalt  }
0x45: {  	_ =	shalt  }
0x46: {  	_ =	shalt  }
0x47: {  	_ =	shalt  }
0x48: {  	_ =	shalt  }
0x49: {  	_ =	shalt  }
0x4a: {  	_ =	shalt  }
0x4b: {  	_ =	shalt  }
0x4c: {  	_ =	shalt  }
0x4d: {  	_ =	shalt  }
0x4e: {  	_ =	shalt  }
0x4f: {  	_ =	shalt  }
0x50: {  	_ =	shalt  }
0x51: {  	_ =	shalt  }
0x52: {  	_ =	shalt  }
0x53: {  	_ =	shalt  }
0x54: {  	_ =	shalt  }
0x55: {  	_ =	shalt  }
0x56: {  	_ =	shalt  }
0x57: {  	_ =	shalt  }
0x58: {  	_ =	shalt  }
0x59: {  	_ =	shalt  }
0x5a: {  	_ =	shalt  }
0x5b: {  	_ =	shalt  }
0x5c: {  	_ =	shalt  }
0x5d: {  	_ =	shalt  }
0x5e: {  	_ =	shalt  }
0x5f: {  	_ =	shalt  }
0x60: {  	_ =	shalt  }
0x61: {  	_ =	shalt  }
0x62: {  	_ =	shalt  }
0x63: {  	_ =	shalt  }
0x64: {  	_ =	shalt  }
0x65: {  	_ =	shalt  }
0x66: {  	_ =	shalt  }
0x67: {  	_ =	shalt  }
0x68: {  	_ =	shalt  }
0x69: {  	_ =	shalt  }
0x6a: {  	_ =	shalt  }
0x6b: {  	_ =	shalt  }
0x6c: {  	_ =	shalt  }
0x6d: {  	_ =	shalt  }
0x6e: {  	_ =	shalt  }
0x6f: {  	_ =	shalt  }
0x70: {  	_ =	shalt  }
0x71: {  	_ =	shalt  }
0x72: {  	_ =	shalt  }
0x73: {  	_ =	shalt  }
0x74: {  	_ =	shalt  }
0x75: {  	_ =	shalt  }
0x76: {  	_ =	shalt  }
0x77: {  	_ =	shalt  }
0x78: {  	_ =	shalt  }
0x79: {  	_ =	shalt  }
0x7a: {  	_ =	shalt  }
0x7b: {  	_ =	shalt  }
0x7c: {  	_ =	shalt  }
0x7d: {  	_ =	shalt  }
0x7e: {  	_ =	shalt  }
0x7f: {  	_ =	shalt  }
0x80: {  	_ =	shalt  }
0x81: {  	_ =	shalt  }
0x82: {  	_ =	shalt  }
0x83: {  	_ =	shalt  }
0x84: {  	_ =	shalt  }
0x85: {  	_ =	shalt  }
0x86: {  	_ =	shalt  }
0x87: {  	_ =	shalt  }
.Lfunc_end0:
.L_simem_size_0:
called_computation_lowered:
.L_overlay_start_0:
0x88: {  	s2 =	sld [smem:$0x3FD9]  }
0x89: {  	s3 =	sld [smem:$0x3FFE];
	_ =	sdelay $0x1  }
0x8a: {  	s1 =	srdreg.scid  }
0x8b: {  	s0 =	sand.u32 $0x1, s1  }
0x8c: {  	s16 =	sshll.u32 s0, $0xA;
	s2 =	sadd.s32 s3, s2  }
0x8d: {  	s2 =	sadd.s32 s2, s16  }
0x8e: {  	[smem:$0x3FBA] =	sst s2  }
0x8f: {  	_ = 	snop  }
0x90: {  	(tm) =	ssettm $0x1  }
0x91: {  	s17 =	sld [smem:$0x3FFB];
	_ =	sdelay $0x3  }
0x92: {  	_ =	strace s17  }
0x93: {  	s2 =	sld [smem:$0x3FFC];
	_ =	sdelay $0x3  }
0x94: {  	_ =	strace s2  }
0x95: {  	s2 =	sld [smem:$0x3FFD];
	_ =	sdelay $0x3  }
0x96: {  	_ =	strace s2  }
0x97: {  	_ =	strace $0x8FFFFFFF  }
0x98: {  	s18 =	sld [smem:$0x3FDB];
	_ =	sdelay $0x1  }
0x99: {  	s19 =	simm.s32 $_scs_section_size  }
0x9a: {  	s4 =	simm.s32 $_size__tile_overlayer_lowered;
	s5 =	simm.s32 $_tile_overlayer_lowered  }
0x9b: {  	s22 =	simm.s32 $0x1BFF;
	s21 =	sshll.u32 s5, $0x1;
	s2 =	sadd.s32 s19, s18  }
0x9c: {  	s6 =	simm.s32 $0x0;
	s20 =	sshll.u32 s4, $0x1;
	s4 =	sadd.s32 s21, s2  }
0x9d: {  	[timem:s6], [sflag:s22] =	dma.local [hbm:s4], s20  }
0x9e: {  	_ =	swait.ge [sflag:s22], s20  }
0x9f: {  	s3 =	ssub.s32 $0x0, s20;
	[sflag:s22] =	ssyncset.done $0x0  }
0xa0: {  	[sflag:s22] =	ssyncadd.s32 s3;
	_ =	sdelay $0x1  }
0xa1: {  	s23 =	simm.s32 $0x1B8B  }
0xa2: {  	_ =	swait.ge [sflag:s23], $0x1  }
0xa3: {  	[sflag:s23] =	ssyncset.done $0x0  }
0xa4: {  	s25 =	simm.s32 $0x1B8E;
	s24 =	sld [smem:$0x3FFE];
	[sflag:s23] =	ssyncadd.s32 $0xFFFFFFFF  }
0xa5: {  	s26 =	simm.s32 $execute0_lowered;
	[smem:$0x3FD2] =	sst s25  }
0xa6: {  	s4 =	sshll.u32 s26, $0x1;
	_ =	strace $0x80000046;
	[dreg:$0x1] =	wrdreg $0xFFFFFFFF  }
0xa7: {  	s28 =	simm.s32 $_size_execute0_lowered;
	s2 =	sadd.s32 s2, s4;
	[dreg:$0x0] =	wrdreg $0x0  }
0xa8: {  	s4 =	sshll.u32 s28, $0x1;
	[dreg:$0x2] =	wrdreg s2  }
0xa9: {  	[dreg:$0x3] =	wrdreg s4  }
0xaa: {  	[dreg:$0x4] =	wrdreg $0xC0  }
0xab: {  	_ =	task [dreg:s6], $0x5FFFF  }
0xac: {  	[dreg:$0x1] =	wrdreg $0xFFFFFFFF  }
0xad: {  	[dreg:$0x0] =	wrdreg $0x60  }
0xae: {  	[dreg:$0x2] =	wrdreg s24  }
0xaf: {  	[dreg:$0x3] =	wrdreg $0xA8000  }
0xb0: {  	[dreg:$0x4] =	wrdreg $0x9  }
0xb1: {  	_ =	task.clear_ibuf [dreg:s6], $0x5FFFF;
	_ =	strace $0x90000046  }
0xb2: {  	s29 =	simm.s32 $0x9;
	_ =	strace $0x80000048  }
0xb3: {  	_ =	swait.ge [sflag:s29], $0x1  }
0xb4: {  	[sflag:s29] =	ssyncadd.s32 $0xFFFFFFFF  }
0xb5: {  	_ =	strace $0x90000048  }
0xb6: {  	_ =	sfence  }
0xb7: {  	s30 =	sld [smem:$0x0];
	_ =	sdelay $0x2  }
0xb8: {  	s31 =	sshll.u32 s1, $0xD;
	s1 =	sshrl.u32 s1, $0x2  }
0xb9: {  	s3 =	sand.u32 $0x4000, s31;
	s1 =	sadd.s32 s1, s30  }
0xba: {  	s0 =	sor.u32 s3, s0;
	s1 =	sshll.u32 s1, $0x11  }
0xbb: {  	s0 =	sor.u32 s1, s0  }
0xbc: {  	s0 =	sadd.s32 $0x8F2B, s0  }
0xbd: {  	[sflag:s0] =	ssyncadd.remote.s32 $0x1  }
0xbe: {  	_ =	sfence.sel $0xFFFF  }
0xbf: {  	[dreg:$0x0] =	wrdreg $0xFFFFFFFF;
	(pc) =	sbr.abs _section_cstart, $3  }
0xc0: {  	[dreg:$0x1] =	wrdreg $0xFFFFFFFF  }
0xc1: {  	_ =	task.clear_ibuf [dreg:s6], $0x2FFFF;
	_ =	strace $0x9FFFFFFF  }
0xc2: {  	(tm) =	ssettm $0x7FFFFFFF  }
0xc3: {  	_ =	shalt  }
tec
execute0_lowered:
.L_overlay_start_1:
0x0: {  	(tag) =	ssettag $0x1  }
0x1: {  	s0 =	srdreg.scid;
	s5 =	rddreg [dreg:$0x0]  }
0x2: {  	s11 =	stileid.u32;
	s2 =	rddreg [dreg:$0x1]  }
0x3: {  	s3 =	simm.s32 $0x0;
	s12 =	simm.s32 $0x1400;
	s13 =	simm.s32 $0x40  }
0x4: {  	s14 =	simm.s32 $0x2800;
	s15 =	simm.s32 $0x80;
	s16 =	simm.s32 $0x4800  }
0x5: {  	s17 =	simm.s32 $0x100;
	s18 =	simm.s32 $0x6800;
	s19 =	simm.s32 $0x180  }
0x6: {  	s20 =	simm.s32 $0x8800;
	s28 =	simm.s32 $0x2680;
	s29 =	simm.s32 $0x2700  }
0x7: {  	s30 =	simm.s32 $0x2780;
	s31 =	simm.s32 $0x0;
	s0 =	sand.u32 $0x1, s0  }
0x8: {  	s24 =	smul.u32 $0x2800, s11;
	[smem:$0x7FF] =	sst s3;
	s4 =	sadd.s32 $0x2B000, s5  }
0x9: {  	s7 =	smul.u32 $0x50000, s11;
	s23 =	sshll.u32 s11, $0x6;
	s1 =	sshll.u32 s0, $0x4  }
0xa: {  	s6 =	smul.u32 $0x28000, s0;
	_ =	strace $0x80000047;
	s0 =	ssub.s32 $0x2, s0  }
0xb: {  	s1 =	sor.u32 s11, s1;
	s8 =	sadd.s32 s24, s5;
	s21 =	sshrl.u32 s0, $0x1  }
0xc: {  	s22 =	sshrl.u32 s7, $0x2;
	s11 =	simm.s32 $0x5;
	s1 =	smul.u32 $0xA00, s1  }
0xd: {  	s9 =	sadd.s32 s6, s5;
	s0 =	ssub.s32 s0, s21;
	s10 =	sadd.s32 s22, s2  }
0xe: {  	s25 =	sadd.s32 $0x53000, s8;
	s6 =	sor.u32 $0x1C05, s23;
	s21 =	simm.s32 $0x1  }
0xf: {  	s22 =	simm.s32 $0x2;
	s23 =	simm.s32 $0x3;
	[dreg:$0x3] =	wrdreg s25  }
0x10: {  	s26 =	sadd.s32 $0x7B000, s9;
	s9 =	smax.u32 s0, $0x1;
	s10 =	sshrl.u32 s10, $0x3  }
0x11: {  	s25 =	simm.s32 $0x4;
	s1 =	sadd.s32 s1, s5;
	s24 =	sadd.s32 s24, s26  }
0x12: {  	s26 =	simm.s32 $0x2600;
	s7 =	sadd.s32 $0x17000, s1;
	s8 =	sadd.s32 $0x3000, s1  }
.LBB2_1:
0x13: {  	s0 =	rddreg [dreg:$0x3]  }
0x14: {  	[spmem:s10], [sflag:s6] =	dma.local [hbm:s0], $0x2800  }
0x15: {  	_ =	swait.ge [sflag:s11], $0x2800  }
0x16: {  	[sflag:s11] =	ssyncset.done $0x0  }
0x17: {  	[sflag:s11] =	ssyncadd.s32 $0xFFFFD800  }
0x18: {  	[bflag:$0x0] =	sbarrier.arrive $0xFFFF  }
0x19: {  	[tilespmem:s3], [sflag:$0x5] =	stream.linear.gather [hbm4b:s7+s3], $0x1400, $0x38;
	[tilespmem:$0x1E800] =	vst v63  }
0x1a: {  	_ =	swait.ge [sflag:s11], $0x1400  }
0x1b: {  	[sflag:s11] =	ssyncset.done $0x0  }
0x1c: {  	[sflag:s11] =	ssyncadd.s32 $0xFFFFEC00  }
0x1d: {  	[tilespmem:s12], [sflag:$0x5] =	stream.linear.gather [hbm4b:s8+s3], $0x1400, $0x38;
	[tilespmem:$0x1E800] =	vst v63  }
0x1e: {  	_ =	swait.ge [sflag:s11], $0x1400  }
0x1f: {  	[sflag:s11] =	ssyncset.done $0x0  }
0x20: {  	[sflag:s11] =	ssyncadd.s32 $0xFFFFEC00  }
0x21: {  	[tilespmem:s14], [sflag:$0x1] =	stream.indirect.gather [hbm4b:s4+s13], $0x80, s3, s13, $0xb8;
	[tilespmem:$0x1E800] =	vst v63  }
0x22: {  	_ = 	snop  }
0x23: {  	[tilespmem:s16], [sflag:$0x2] =	stream.indirect.gather [hbm4b:s4+s13], $0x80, s15, s13, $0xb8;
	[tilespmem:$0x1E800] =	vst v63  }
0x24: {  	_ = 	snop  }
0x25: {  	[tilespmem:s18], [sflag:$0x3] =	stream.indirect.gather [hbm4b:s4+s13], $0x80, s17, s13, $0xb8;
	[tilespmem:$0x1E800] =	vst v63  }
0x26: {  	_ = 	snop  }
0x27: {  	[tilespmem:s20], [sflag:$0x4] =	stream.indirect.gather [hbm4b:s4+s13], $0x80, s19, s13, $0xb8;
	[tilespmem:$0x1E800] =	vst v63  }
0x28: {  	_ =	swait.ge [sflag:s21], $0x2000  }
0x29: {  	[sflag:s21] =	ssyncset.done $0x0  }
0x2a: {  	s5 =	simm.s32 $0x1400;
	[sflag:s21] =	ssyncadd.s32 $0xFFFFE000  }
0x2b: {  	[spmem:s2] =	stream.indirect.scatter.add.f32 [tilespmem:s14], [sflag:$0x5], $0x80, s5, s13, $0xb8;
	[tilespmem:$0x1E800] =	vst v63  }
0x2c: {  	_ =	swait.ge [sflag:s11], $0x2000  }
0x2d: {  	[sflag:s11] =	ssyncset.done $0x0  }
0x2e: {  	s1 =	simm.s32 $0x200;
	[sflag:s11] =	ssyncadd.s32 $0xFFFFE000  }
0x2f: {  	[tilespmem:s14], [sflag:$0x1] =	stream.indirect.gather [hbm4b:s4+s13], $0x80, s1, s13, $0xb8;
	[tilespmem:$0x1E800] =	vst v63  }
0x30: {  	_ =	swait.ge [sflag:s22], $0x2000  }
0x31: {  	[sflag:s22] =	ssyncset.done $0x0  }
0x32: {  	s5 =	simm.s32 $0x1480;
	[sflag:s22] =	ssyncadd.s32 $0xFFFFE000  }
0x33: {  	[spmem:s2] =	stream.indirect.scatter.add.f32 [tilespmem:s16], [sflag:$0x5], $0x80, s5, s13, $0xb8;
	[tilespmem:$0x1E800] =	vst v63  }
0x34: {  	_ =	swait.ge [sflag:s11], $0x2000  }
0x35: {  	[sflag:s11] =	ssyncset.done $0x0  }
0x36: {  	s1 =	simm.s32 $0x280;
	[sflag:s11] =	ssyncadd.s32 $0xFFFFE000  }
0x37: {  	[tilespmem:s16], [sflag:$0x2] =	stream.indirect.gather [hbm4b:s4+s13], $0x80, s1, s13, $0xb8;
	[tilespmem:$0x1E800] =	vst v63  }
0x38: {  	_ =	swait.ge [sflag:s23], $0x2000  }
0x39: {  	[sflag:s23] =	ssyncset.done $0x0  }
0x3a: {  	s5 =	simm.s32 $0x1500;
	[sflag:s23] =	ssyncadd.s32 $0xFFFFE000  }
0x3b: {  	[spmem:s2] =	stream.indirect.scatter.add.f32 [tilespmem:s18], [sflag:$0x5], $0x80, s5, s13, $0xb8;
	[tilespmem:$0x1E800] =	vst v63  }
0x3c: {  	_ =	swait.ge [sflag:s11], $0x2000  }
0x3d: {  	[sflag:s11] =	ssyncset.done $0x0  }
0x3e: {  	s1 =	simm.s32 $0x300;
	[sflag:s11] =	ssyncadd.s32 $0xFFFFE000  }
0x3f: {  	[tilespmem:s18], [sflag:$0x3] =	stream.indirect.gather [hbm4b:s4+s13], $0x80, s1, s13, $0xb8;
	[tilespmem:$0x1E800] =	vst v63  }
0x40: {  	_ =	swait.ge [sflag:s25], $0x2000  }
0x41: {  	[sflag:s25] =	ssyncset.done $0x0  }
0x42: {  	s5 =	simm.s32 $0x1580;
	[sflag:s25] =	ssyncadd.s32 $0xFFFFE000  }
0x43: {  	[spmem:s2] =	stream.indirect.scatter.add.f32 [tilespmem:s20], [sflag:$0x5], $0x80, s5, s13, $0xb8;
	[tilespmem:$0x1E800] =	vst v63  }
0x44: {  	_ =	swait.ge [sflag:s11], $0x2000  }
0x45: {  	[sflag:s11] =	ssyncset.done $0x0  }
0x46: {  	s0 =	simm.s32 $0x380;
	s1 =	simm.s32 $0x800;
	[sflag:s11] =	ssyncadd.s32 $0xFFFFE000  }
.LBB2_2:
0x47: {  	[tilespmem:s20], [sflag:$0x4] =	stream.indirect.gather [hbm4b:s4+s13], $0x80, s0, s13, $0xb8;
	[tilespmem:$0x1E800] =	vst v63  }
0x48: {  	s0 =	smov.u32 s1  }
0x49: {  	p0 =	sne.s32 s1, $0x4000;
	s1 =	sadd.s32 $0x800, s1;
	_ =	swait.ge [sflag:s21], $0x2000  }
0x4a: {  	s0 =	sshra.s32 s0, $0x2;
	[sflag:s21] =	ssyncset.done $0x0  }
0x4b: {  	s5 =	sadd.s32 $0x1400, s0;
	[sflag:s21] =	ssyncadd.s32 $0xFFFFE000  }
0x4c: {  	[spmem:s2] =	stream.indirect.scatter.add.f32 [tilespmem:s14], [sflag:$0x5], $0x80, s5, s13, $0xb8;
	[tilespmem:$0x1E800] =	vst v63  }
0x4d: {  	_ =	swait.ge [sflag:s11], $0x2000  }
0x4e: {  	[sflag:s11] =	ssyncset.done $0x0  }
0x4f: {  	s5 =	sadd.s32 $0x200, s0;
	[sflag:s11] =	ssyncadd.s32 $0xFFFFE000  }
0x50: {  	[tilespmem:s14], [sflag:$0x1] =	stream.indirect.gather [hbm4b:s4+s13], $0x80, s5, s13, $0xb8;
	[tilespmem:$0x1E800] =	vst v63  }
0x51: {  	_ =	swait.ge [sflag:s22], $0x2000  }
0x52: {  	[sflag:s22] =	ssyncset.done $0x0  }
0x53: {  	s5 =	sadd.s32 $0x1480, s0;
	[sflag:s22] =	ssyncadd.s32 $0xFFFFE000  }
0x54: {  	[spmem:s2] =	stream.indirect.scatter.add.f32 [tilespmem:s16], [sflag:$0x5], $0x80, s5, s13, $0xb8;
	[tilespmem:$0x1E800] =	vst v63  }
0x55: {  	_ =	swait.ge [sflag:s11], $0x2000  }
0x56: {  	[sflag:s11] =	ssyncset.done $0x0  }
0x57: {  	s5 =	sadd.s32 $0x280, s0;
	[sflag:s11] =	ssyncadd.s32 $0xFFFFE000  }
0x58: {  	[tilespmem:s16], [sflag:$0x2] =	stream.indirect.gather [hbm4b:s4+s13], $0x80, s5, s13, $0xb8;
	[tilespmem:$0x1E800] =	vst v63  }
0x59: {  	_ =	swait.ge [sflag:s23], $0x2000  }
0x5a: {  	[sflag:s23] =	ssyncset.done $0x0  }
0x5b: {  	s5 =	sadd.s32 $0x1500, s0;
	[sflag:s23] =	ssyncadd.s32 $0xFFFFE000  }
0x5c: {  	[spmem:s2] =	stream.indirect.scatter.add.f32 [tilespmem:s18], [sflag:$0x5], $0x80, s5, s13, $0xb8;
	[tilespmem:$0x1E800] =	vst v63  }
0x5d: {  	_ =	swait.ge [sflag:s11], $0x2000  }
0x5e: {  	[sflag:s11] =	ssyncset.done $0x0  }
0x5f: {  	s5 =	sadd.s32 $0x300, s0;
	[sflag:s11] =	ssyncadd.s32 $0xFFFFE000  }
0x60: {  	[tilespmem:s18], [sflag:$0x3] =	stream.indirect.gather [hbm4b:s4+s13], $0x80, s5, s13, $0xb8;
	[tilespmem:$0x1E800] =	vst v63  }
0x61: {  	_ =	swait.ge [sflag:s25], $0x2000  }
0x62: {  	[sflag:s25] =	ssyncset.done $0x0  }
.Ltmp0:
0x63: {  	s5 =	sadd.s32 $0x1580, s0;
	[sflag:s25] =	ssyncadd.s32 $0xFFFFE000;
	(pc) =	sbr.rel @p0 .LBB2_2-.Ltmp0, $4  }
0x64: {  	[spmem:s2] =	stream.indirect.scatter.add.f32 [tilespmem:s20], [sflag:$0x5], $0x80, s5, s13, $0xb8;
	[tilespmem:$0x1E800] =	vst v63  }
0x65: {  	_ =	swait.ge [sflag:s11], $0x2000  }
0x66: {  	[sflag:s11] =	ssyncset.done $0x0  }
0x67: {  	s0 =	sadd.s32 $0x380, s0;
	[sflag:s11] =	ssyncadd.s32 $0xFFFFE000  }
0x68: {  	[tilespmem:s20], [sflag:$0x4] =	stream.indirect.gather [hbm4b:s4+s13], $0x80, s0, s13, $0xb8;
	[tilespmem:$0x1E800] =	vst v63  }
0x69: {  	_ =	swait.ge [sflag:s21], $0x2000  }
0x6a: {  	[sflag:s21] =	ssyncset.done $0x0  }
0x6b: {  	[sflag:s21] =	ssyncadd.s32 $0xFFFFE000  }
0x6c: {  	[spmem:s2] =	stream.indirect.scatter.add.f32 [tilespmem:s14], [sflag:$0x5], $0x80, s26, s13, $0xb8;
	[tilespmem:$0x1E800] =	vst v63  }
0x6d: {  	_ =	swait.ge [sflag:s11], $0x2000  }
0x6e: {  	[sflag:s11] =	ssyncset.done $0x0  }
0x6f: {  	[sflag:s11] =	ssyncadd.s32 $0xFFFFE000  }
0x70: {  	_ =	swait.ge [sflag:s22], $0x2000  }
0x71: {  	[sflag:s22] =	ssyncset.done $0x0  }
0x72: {  	[sflag:s22] =	ssyncadd.s32 $0xFFFFE000  }
0x73: {  	[spmem:s2] =	stream.indirect.scatter.add.f32 [tilespmem:s16], [sflag:$0x5], $0x80, s28, s13, $0xb8;
	[tilespmem:$0x1E800] =	vst v63  }
0x74: {  	_ =	swait.ge [sflag:s11], $0x2000  }
0x75: {  	[sflag:s11] =	ssyncset.done $0x0  }
0x76: {  	[sflag:s11] =	ssyncadd.s32 $0xFFFFE000  }
0x77: {  	_ =	swait.ge [sflag:s23], $0x2000  }
0x78: {  	[sflag:s23] =	ssyncset.done $0x0  }
0x79: {  	[sflag:s23] =	ssyncadd.s32 $0xFFFFE000  }
0x7a: {  	[spmem:s2] =	stream.indirect.scatter.add.f32 [tilespmem:s18], [sflag:$0x5], $0x80, s29, s13, $0xb8;
	[tilespmem:$0x1E800] =	vst v63  }
0x7b: {  	_ =	swait.ge [sflag:s11], $0x2000  }
0x7c: {  	[sflag:s11] =	ssyncset.done $0x0  }
0x7d: {  	[sflag:s11] =	ssyncadd.s32 $0xFFFFE000  }
0x7e: {  	_ =	swait.ge [sflag:s25], $0x2000  }
0x7f: {  	[sflag:s25] =	ssyncset.done $0x0  }
0x80: {  	[sflag:s25] =	ssyncadd.s32 $0xFFFFE000  }
0x81: {  	[spmem:s2] =	stream.indirect.scatter.add.f32 [tilespmem:s20], [sflag:$0x5], $0x80, s30, s13, $0xb8;
	[tilespmem:$0x1E800] =	vst v63  }
0x82: {  	_ =	swait.ge [sflag:s11], $0x2000  }
0x83: {  	[sflag:s11] =	ssyncset.done $0x0  }
0x84: {  	s5 =	sadd.s32 $0x280, s7;
	s1 =	simm.s32 $0x0;
	[sflag:s11] =	ssyncadd.s32 $0xFFFFE000  }
0x85: {  	[tilespmem:s1], [sflag:$0x5] =	stream.linear.gather [hbm4b:s5+s1], $0x1400, $0x38;
	[tilespmem:$0x1E800] =	vst v63  }
0x86: {  	_ =	swait.ge [sflag:s11], $0x1400  }
0x87: {  	[sflag:s11] =	ssyncset.done $0x0  }
0x88: {  	s5 =	sadd.s32 $0x280, s8;
	[sflag:s11] =	ssyncadd.s32 $0xFFFFEC00  }
0x89: {  	[tilespmem:s12], [sflag:$0x5] =	stream.linear.gather [hbm4b:s5+s1], $0x1400, $0x38;
	[tilespmem:$0x1E800] =	vst v63  }
0x8a: {  	_ =	swait.ge [sflag:s11], $0x1400  }
0x8b: {  	[sflag:s11] =	ssyncset.done $0x0  }
0x8c: {  	[sflag:s11] =	ssyncadd.s32 $0xFFFFEC00  }
0x8d: {  	[tilespmem:s14], [sflag:$0x1] =	stream.indirect.gather [hbm4b:s4+s13], $0x80, s1, s13, $0xb8;
	[tilespmem:$0x1E800] =	vst v63  }
0x8e: {  	_ = 	snop  }
0x8f: {  	[tilespmem:s16], [sflag:$0x2] =	stream.indirect.gather [hbm4b:s4+s13], $0x80, s15, s13, $0xb8;
	[tilespmem:$0x1E800] =	vst v63  }
0x90: {  	_ = 	snop  }
0x91: {  	[tilespmem:s18], [sflag:$0x3] =	stream.indirect.gather [hbm4b:s4+s13], $0x80, s17, s13, $0xb8;
	[tilespmem:$0x1E800] =	vst v63  }
0x92: {  	_ = 	snop  }
0x93: {  	[tilespmem:s20], [sflag:$0x4] =	stream.indirect.gather [hbm4b:s4+s13], $0x80, s19, s13, $0xb8;
	[tilespmem:$0x1E800] =	vst v63  }
0x94: {  	_ =	swait.ge [sflag:s21], $0x2000  }
0x95: {  	[sflag:s21] =	ssyncset.done $0x0  }
0x96: {  	s5 =	simm.s32 $0x1400;
	[sflag:s21] =	ssyncadd.s32 $0xFFFFE000  }
0x97: {  	[spmem:s2] =	stream.indirect.scatter.add.f32 [tilespmem:s14], [sflag:$0x5], $0x80, s5, s13, $0xb8;
	[tilespmem:$0x1E800] =	vst v63  }
0x98: {  	_ =	swait.ge [sflag:s11], $0x2000  }
0x99: {  	[sflag:s11] =	ssyncset.done $0x0  }
0x9a: {  	s1 =	simm.s32 $0x200;
	[sflag:s11] =	ssyncadd.s32 $0xFFFFE000  }
0x9b: {  	[tilespmem:s14], [sflag:$0x1] =	stream.indirect.gather [hbm4b:s4+s13], $0x80, s1, s13, $0xb8;
	[tilespmem:$0x1E800] =	vst v63  }
0x9c: {  	_ =	swait.ge [sflag:s22], $0x2000  }
0x9d: {  	[sflag:s22] =	ssyncset.done $0x0  }
0x9e: {  	s5 =	simm.s32 $0x1480;
	[sflag:s22] =	ssyncadd.s32 $0xFFFFE000  }
0x9f: {  	[spmem:s2] =	stream.indirect.scatter.add.f32 [tilespmem:s16], [sflag:$0x5], $0x80, s5, s13, $0xb8;
	[tilespmem:$0x1E800] =	vst v63  }
0xa0: {  	_ =	swait.ge [sflag:s11], $0x2000  }
0xa1: {  	[sflag:s11] =	ssyncset.done $0x0  }
0xa2: {  	s1 =	simm.s32 $0x280;
	[sflag:s11] =	ssyncadd.s32 $0xFFFFE000  }
0xa3: {  	[tilespmem:s16], [sflag:$0x2] =	stream.indirect.gather [hbm4b:s4+s13], $0x80, s1, s13, $0xb8;
	[tilespmem:$0x1E800] =	vst v63  }
0xa4: {  	_ =	swait.ge [sflag:s23], $0x2000  }
0xa5: {  	[sflag:s23] =	ssyncset.done $0x0  }
0xa6: {  	s5 =	simm.s32 $0x1500;
	[sflag:s23] =	ssyncadd.s32 $0xFFFFE000  }
0xa7: {  	[spmem:s2] =	stream.indirect.scatter.add.f32 [tilespmem:s18], [sflag:$0x5], $0x80, s5, s13, $0xb8;
	[tilespmem:$0x1E800] =	vst v63  }
0xa8: {  	_ =	swait.ge [sflag:s11], $0x2000  }
0xa9: {  	[sflag:s11] =	ssyncset.done $0x0  }
0xaa: {  	s1 =	simm.s32 $0x300;
	[sflag:s11] =	ssyncadd.s32 $0xFFFFE000  }
0xab: {  	[tilespmem:s18], [sflag:$0x3] =	stream.indirect.gather [hbm4b:s4+s13], $0x80, s1, s13, $0xb8;
	[tilespmem:$0x1E800] =	vst v63  }
0xac: {  	_ =	swait.ge [sflag:s25], $0x2000  }
0xad: {  	[sflag:s25] =	ssyncset.done $0x0  }
0xae: {  	s5 =	simm.s32 $0x1580;
	[sflag:s25] =	ssyncadd.s32 $0xFFFFE000  }
0xaf: {  	[spmem:s2] =	stream.indirect.scatter.add.f32 [tilespmem:s20], [sflag:$0x5], $0x80, s5, s13, $0xb8;
	[tilespmem:$0x1E800] =	vst v63  }
0xb0: {  	_ =	swait.ge [sflag:s11], $0x2000  }
0xb1: {  	[sflag:s11] =	ssyncset.done $0x0  }
0xb2: {  	s0 =	simm.s32 $0x380;
	s1 =	simm.s32 $0x800;
	[sflag:s11] =	ssyncadd.s32 $0xFFFFE000  }
.LBB2_4:
0xb3: {  	[tilespmem:s20], [sflag:$0x4] =	stream.indirect.gather [hbm4b:s4+s13], $0x80, s0, s13, $0xb8;
	[tilespmem:$0x1E800] =	vst v63  }
0xb4: {  	s0 =	smov.u32 s1  }
0xb5: {  	p0 =	sne.s32 s1, $0x4000;
	s1 =	sadd.s32 $0x800, s1;
	_ =	swait.ge [sflag:s21], $0x2000  }
0xb6: {  	s0 =	sshra.s32 s0, $0x2;
	[sflag:s21] =	ssyncset.done $0x0  }
0xb7: {  	s5 =	sadd.s32 $0x1400, s0;
	[sflag:s21] =	ssyncadd.s32 $0xFFFFE000  }
0xb8: {  	[spmem:s2] =	stream.indirect.scatter.add.f32 [tilespmem:s14], [sflag:$0x5], $0x80, s5, s13, $0xb8;
	[tilespmem:$0x1E800] =	vst v63  }
0xb9: {  	_ =	swait.ge [sflag:s11], $0x2000  }
0xba: {  	[sflag:s11] =	ssyncset.done $0x0  }
0xbb: {  	s5 =	sadd.s32 $0x200, s0;
	[sflag:s11] =	ssyncadd.s32 $0xFFFFE000  }
0xbc: {  	[tilespmem:s14], [sflag:$0x1] =	stream.indirect.gather [hbm4b:s4+s13], $0x80, s5, s13, $0xb8;
	[tilespmem:$0x1E800] =	vst v63  }
0xbd: {  	_ =	swait.ge [sflag:s22], $0x2000  }
0xbe: {  	[sflag:s22] =	ssyncset.done $0x0  }
0xbf: {  	s5 =	sadd.s32 $0x1480, s0;
	[sflag:s22] =	ssyncadd.s32 $0xFFFFE000  }
0xc0: {  	[spmem:s2] =	stream.indirect.scatter.add.f32 [tilespmem:s16], [sflag:$0x5], $0x80, s5, s13, $0xb8;
	[tilespmem:$0x1E800] =	vst v63  }
0xc1: {  	_ =	swait.ge [sflag:s11], $0x2000  }
0xc2: {  	[sflag:s11] =	ssyncset.done $0x0  }
0xc3: {  	s5 =	sadd.s32 $0x280, s0;
	[sflag:s11] =	ssyncadd.s32 $0xFFFFE000  }
0xc4: {  	[tilespmem:s16], [sflag:$0x2] =	stream.indirect.gather [hbm4b:s4+s13], $0x80, s5, s13, $0xb8;
	[tilespmem:$0x1E800] =	vst v63  }
0xc5: {  	_ =	swait.ge [sflag:s23], $0x2000  }
0xc6: {  	[sflag:s23] =	ssyncset.done $0x0  }
0xc7: {  	s5 =	sadd.s32 $0x1500, s0;
	[sflag:s23] =	ssyncadd.s32 $0xFFFFE000  }
0xc8: {  	[spmem:s2] =	stream.indirect.scatter.add.f32 [tilespmem:s18], [sflag:$0x5], $0x80, s5, s13, $0xb8;
	[tilespmem:$0x1E800] =	vst v63  }
0xc9: {  	_ =	swait.ge [sflag:s11], $0x2000  }
0xca: {  	[sflag:s11] =	ssyncset.done $0x0  }
0xcb: {  	s5 =	sadd.s32 $0x300, s0;
	[sflag:s11] =	ssyncadd.s32 $0xFFFFE000  }
0xcc: {  	[tilespmem:s18], [sflag:$0x3] =	stream.indirect.gather [hbm4b:s4+s13], $0x80, s5, s13, $0xb8;
	[tilespmem:$0x1E800] =	vst v63  }
0xcd: {  	_ =	swait.ge [sflag:s25], $0x2000  }
0xce: {  	[sflag:s25] =	ssyncset.done $0x0  }
.Ltmp1:
0xcf: {  	s5 =	sadd.s32 $0x1580, s0;
	[sflag:s25] =	ssyncadd.s32 $0xFFFFE000;
	(pc) =	sbr.rel @p0 .LBB2_4-.Ltmp1, $4  }
0xd0: {  	[spmem:s2] =	stream.indirect.scatter.add.f32 [tilespmem:s20], [sflag:$0x5], $0x80, s5, s13, $0xb8;
	[tilespmem:$0x1E800] =	vst v63  }
0xd1: {  	_ =	swait.ge [sflag:s11], $0x2000  }
0xd2: {  	[sflag:s11] =	ssyncset.done $0x0  }
0xd3: {  	s0 =	sadd.s32 $0x380, s0;
	[sflag:s11] =	ssyncadd.s32 $0xFFFFE000  }
0xd4: {  	[tilespmem:s20], [sflag:$0x4] =	stream.indirect.gather [hbm4b:s4+s13], $0x80, s0, s13, $0xb8;
	[tilespmem:$0x1E800] =	vst v63  }
0xd5: {  	_ =	swait.ge [sflag:s21], $0x2000  }
0xd6: {  	[sflag:s21] =	ssyncset.done $0x0  }
0xd7: {  	[sflag:s21] =	ssyncadd.s32 $0xFFFFE000  }
0xd8: {  	[spmem:s2] =	stream.indirect.scatter.add.f32 [tilespmem:s14], [sflag:$0x5], $0x80, s26, s13, $0xb8;
	[tilespmem:$0x1E800] =	vst v63  }
0xd9: {  	_ =	swait.ge [sflag:s11], $0x2000  }
0xda: {  	[sflag:s11] =	ssyncset.done $0x0  }
0xdb: {  	[sflag:s11] =	ssyncadd.s32 $0xFFFFE000  }
0xdc: {  	_ =	swait.ge [sflag:s22], $0x2000  }
0xdd: {  	[sflag:s22] =	ssyncset.done $0x0  }
0xde: {  	[sflag:s22] =	ssyncadd.s32 $0xFFFFE000  }
0xdf: {  	[spmem:s2] =	stream.indirect.scatter.add.f32 [tilespmem:s16], [sflag:$0x5], $0x80, s28, s13, $0xb8;
	[tilespmem:$0x1E800] =	vst v63  }
0xe0: {  	_ =	swait.ge [sflag:s11], $0x2000  }
0xe1: {  	[sflag:s11] =	ssyncset.done $0x0  }
0xe2: {  	[sflag:s11] =	ssyncadd.s32 $0xFFFFE000  }
0xe3: {  	_ =	swait.ge [sflag:s23], $0x2000  }
0xe4: {  	[sflag:s23] =	ssyncset.done $0x0  }
0xe5: {  	[sflag:s23] =	ssyncadd.s32 $0xFFFFE000  }
0xe6: {  	[spmem:s2] =	stream.indirect.scatter.add.f32 [tilespmem:s18], [sflag:$0x5], $0x80, s29, s13, $0xb8;
	[tilespmem:$0x1E800] =	vst v63  }
0xe7: {  	_ =	swait.ge [sflag:s11], $0x2000  }
0xe8: {  	[sflag:s11] =	ssyncset.done $0x0  }
0xe9: {  	[sflag:s11] =	ssyncadd.s32 $0xFFFFE000  }
0xea: {  	_ =	swait.ge [sflag:s25], $0x2000  }
0xeb: {  	[sflag:s25] =	ssyncset.done $0x0  }
0xec: {  	[sflag:s25] =	ssyncadd.s32 $0xFFFFE000  }
0xed: {  	[spmem:s2] =	stream.indirect.scatter.add.f32 [tilespmem:s20], [sflag:$0x5], $0x80, s30, s13, $0xb8;
	[tilespmem:$0x1E800] =	vst v63  }
0xee: {  	_ =	swait.ge [sflag:s11], $0x2000  }
0xef: {  	[sflag:s11] =	ssyncset.done $0x0  }
0xf0: {  	s5 =	sadd.s32 $0x500, s7;
	s1 =	simm.s32 $0x0;
	[sflag:s11] =	ssyncadd.s32 $0xFFFFE000  }
0xf1: {  	[tilespmem:s1], [sflag:$0x5] =	stream.linear.gather [hbm4b:s5+s1], $0x1400, $0x38;
	[tilespmem:$0x1E800] =	vst v63  }
0xf2: {  	_ =	swait.ge [sflag:s11], $0x1400  }
0xf3: {  	[sflag:s11] =	ssyncset.done $0x0  }
0xf4: {  	s5 =	sadd.s32 $0x500, s8;
	[sflag:s11] =	ssyncadd.s32 $0xFFFFEC00  }
0xf5: {  	[tilespmem:s12], [sflag:$0x5] =	stream.linear.gather [hbm4b:s5+s1], $0x1400, $0x38;
	[tilespmem:$0x1E800] =	vst v63  }
0xf6: {  	_ =	swait.ge [sflag:s11], $0x1400  }
0xf7: {  	[sflag:s11] =	ssyncset.done $0x0  }
0xf8: {  	[sflag:s11] =	ssyncadd.s32 $0xFFFFEC00  }
0xf9: {  	[tilespmem:s14], [sflag:$0x1] =	stream.indirect.gather [hbm4b:s4+s13], $0x80, s1, s13, $0xb8;
	[tilespmem:$0x1E800] =	vst v63  }
0xfa: {  	_ = 	snop  }
0xfb: {  	[tilespmem:s16], [sflag:$0x2] =	stream.indirect.gather [hbm4b:s4+s13], $0x80, s15, s13, $0xb8;
	[tilespmem:$0x1E800] =	vst v63  }
0xfc: {  	_ = 	snop  }
0xfd: {  	[tilespmem:s18], [sflag:$0x3] =	stream.indirect.gather [hbm4b:s4+s13], $0x80, s17, s13, $0xb8;
	[tilespmem:$0x1E800] =	vst v63  }
0xfe: {  	_ = 	snop  }
0xff: {  	[tilespmem:s20], [sflag:$0x4] =	stream.indirect.gather [hbm4b:s4+s13], $0x80, s19, s13, $0xb8;
	[tilespmem:$0x1E800] =	vst v63  }
0x100: {  	_ =	swait.ge [sflag:s21], $0x2000  }
0x101: {  	[sflag:s21] =	ssyncset.done $0x0  }
0x102: {  	s5 =	simm.s32 $0x1400;
	[sflag:s21] =	ssyncadd.s32 $0xFFFFE000  }
0x103: {  	[spmem:s2] =	stream.indirect.scatter.add.f32 [tilespmem:s14], [sflag:$0x5], $0x80, s5, s13, $0xb8;
	[tilespmem:$0x1E800] =	vst v63  }
0x104: {  	_ =	swait.ge [sflag:s11], $0x2000  }
0x105: {  	[sflag:s11] =	ssyncset.done $0x0  }
0x106: {  	s1 =	simm.s32 $0x200;
	[sflag:s11] =	ssyncadd.s32 $0xFFFFE000  }
0x107: {  	[tilespmem:s14], [sflag:$0x1] =	stream.indirect.gather [hbm4b:s4+s13], $0x80, s1, s13, $0xb8;
	[tilespmem:$0x1E800] =	vst v63  }
0x108: {  	_ =	swait.ge [sflag:s22], $0x2000  }
0x109: {  	[sflag:s22] =	ssyncset.done $0x0  }
0x10a: {  	s5 =	simm.s32 $0x1480;
	[sflag:s22] =	ssyncadd.s32 $0xFFFFE000  }
0x10b: {  	[spmem:s2] =	stream.indirect.scatter.add.f32 [tilespmem:s16], [sflag:$0x5], $0x80, s5, s13, $0xb8;
	[tilespmem:$0x1E800] =	vst v63  }
0x10c: {  	_ =	swait.ge [sflag:s11], $0x2000  }
0x10d: {  	[sflag:s11] =	ssyncset.done $0x0  }
0x10e: {  	s1 =	simm.s32 $0x280;
	[sflag:s11] =	ssyncadd.s32 $0xFFFFE000  }
0x10f: {  	[tilespmem:s16], [sflag:$0x2] =	stream.indirect.gather [hbm4b:s4+s13], $0x80, s1, s13, $0xb8;
	[tilespmem:$0x1E800] =	vst v63  }
0x110: {  	_ =	swait.ge [sflag:s23], $0x2000  }
0x111: {  	[sflag:s23] =	ssyncset.done $0x0  }
0x112: {  	s5 =	simm.s32 $0x1500;
	[sflag:s23] =	ssyncadd.s32 $0xFFFFE000  }
0x113: {  	[spmem:s2] =	stream.indirect.scatter.add.f32 [tilespmem:s18], [sflag:$0x5], $0x80, s5, s13, $0xb8;
	[tilespmem:$0x1E800] =	vst v63  }
0x114: {  	_ =	swait.ge [sflag:s11], $0x2000  }
0x115: {  	[sflag:s11] =	ssyncset.done $0x0  }
0x116: {  	s1 =	simm.s32 $0x300;
	[sflag:s11] =	ssyncadd.s32 $0xFFFFE000  }
0x117: {  	[tilespmem:s18], [sflag:$0x3] =	stream.indirect.gather [hbm4b:s4+s13], $0x80, s1, s13, $0xb8;
	[tilespmem:$0x1E800] =	vst v63  }
0x118: {  	_ =	swait.ge [sflag:s25], $0x2000  }
0x119: {  	[sflag:s25] =	ssyncset.done $0x0  }
0x11a: {  	s5 =	simm.s32 $0x1580;
	[sflag:s25] =	ssyncadd.s32 $0xFFFFE000  }
0x11b: {  	[spmem:s2] =	stream.indirect.scatter.add.f32 [tilespmem:s20], [sflag:$0x5], $0x80, s5, s13, $0xb8;
	[tilespmem:$0x1E800] =	vst v63  }
0x11c: {  	_ =	swait.ge [sflag:s11], $0x2000  }
0x11d: {  	[sflag:s11] =	ssyncset.done $0x0  }
0x11e: {  	s0 =	simm.s32 $0x380;
	s1 =	simm.s32 $0x800;
	[sflag:s11] =	ssyncadd.s32 $0xFFFFE000  }
.LBB2_6:
0x11f: {  	[tilespmem:s20], [sflag:$0x4] =	stream.indirect.gather [hbm4b:s4+s13], $0x80, s0, s13, $0xb8;
	[tilespmem:$0x1E800] =	vst v63  }
0x120: {  	s0 =	smov.u32 s1  }
0x121: {  	p0 =	sne.s32 s1, $0x4000;
	s1 =	sadd.s32 $0x800, s1;
	_ =	swait.ge [sflag:s21], $0x2000  }
0x122: {  	s0 =	sshra.s32 s0, $0x2;
	[sflag:s21] =	ssyncset.done $0x0  }
0x123: {  	s5 =	sadd.s32 $0x1400, s0;
	[sflag:s21] =	ssyncadd.s32 $0xFFFFE000  }
0x124: {  	[spmem:s2] =	stream.indirect.scatter.add.f32 [tilespmem:s14], [sflag:$0x5], $0x80, s5, s13, $0xb8;
	[tilespmem:$0x1E800] =	vst v63  }
0x125: {  	_ =	swait.ge [sflag:s11], $0x2000  }
0x126: {  	[sflag:s11] =	ssyncset.done $0x0  }
0x127: {  	s5 =	sadd.s32 $0x200, s0;
	[sflag:s11] =	ssyncadd.s32 $0xFFFFE000  }
0x128: {  	[tilespmem:s14], [sflag:$0x1] =	stream.indirect.gather [hbm4b:s4+s13], $0x80, s5, s13, $0xb8;
	[tilespmem:$0x1E800] =	vst v63  }
0x129: {  	_ =	swait.ge [sflag:s22], $0x2000  }
0x12a: {  	[sflag:s22] =	ssyncset.done $0x0  }
0x12b: {  	s5 =	sadd.s32 $0x1480, s0;
	[sflag:s22] =	ssyncadd.s32 $0xFFFFE000  }
0x12c: {  	[spmem:s2] =	stream.indirect.scatter.add.f32 [tilespmem:s16], [sflag:$0x5], $0x80, s5, s13, $0xb8;
	[tilespmem:$0x1E800] =	vst v63  }
0x12d: {  	_ =	swait.ge [sflag:s11], $0x2000  }
0x12e: {  	[sflag:s11] =	ssyncset.done $0x0  }
0x12f: {  	s5 =	sadd.s32 $0x280, s0;
	[sflag:s11] =	ssyncadd.s32 $0xFFFFE000  }
0x130: {  	[tilespmem:s16], [sflag:$0x2] =	stream.indirect.gather [hbm4b:s4+s13], $0x80, s5, s13, $0xb8;
	[tilespmem:$0x1E800] =	vst v63  }
0x131: {  	_ =	swait.ge [sflag:s23], $0x2000  }
0x132: {  	[sflag:s23] =	ssyncset.done $0x0  }
0x133: {  	s5 =	sadd.s32 $0x1500, s0;
	[sflag:s23] =	ssyncadd.s32 $0xFFFFE000  }
0x134: {  	[spmem:s2] =	stream.indirect.scatter.add.f32 [tilespmem:s18], [sflag:$0x5], $0x80, s5, s13, $0xb8;
	[tilespmem:$0x1E800] =	vst v63  }
0x135: {  	_ =	swait.ge [sflag:s11], $0x2000  }
0x136: {  	[sflag:s11] =	ssyncset.done $0x0  }
0x137: {  	s5 =	sadd.s32 $0x300, s0;
	[sflag:s11] =	ssyncadd.s32 $0xFFFFE000  }
0x138: {  	[tilespmem:s18], [sflag:$0x3] =	stream.indirect.gather [hbm4b:s4+s13], $0x80, s5, s13, $0xb8;
	[tilespmem:$0x1E800] =	vst v63  }
0x139: {  	_ =	swait.ge [sflag:s25], $0x2000  }
0x13a: {  	[sflag:s25] =	ssyncset.done $0x0  }
.Ltmp2:
0x13b: {  	s5 =	sadd.s32 $0x1580, s0;
	[sflag:s25] =	ssyncadd.s32 $0xFFFFE000;
	(pc) =	sbr.rel @p0 .LBB2_6-.Ltmp2, $4  }
0x13c: {  	[spmem:s2] =	stream.indirect.scatter.add.f32 [tilespmem:s20], [sflag:$0x5], $0x80, s5, s13, $0xb8;
	[tilespmem:$0x1E800] =	vst v63  }
0x13d: {  	_ =	swait.ge [sflag:s11], $0x2000  }
0x13e: {  	[sflag:s11] =	ssyncset.done $0x0  }
0x13f: {  	s0 =	sadd.s32 $0x380, s0;
	[sflag:s11] =	ssyncadd.s32 $0xFFFFE000  }
0x140: {  	[tilespmem:s20], [sflag:$0x4] =	stream.indirect.gather [hbm4b:s4+s13], $0x80, s0, s13, $0xb8;
	[tilespmem:$0x1E800] =	vst v63  }
0x141: {  	_ =	swait.ge [sflag:s21], $0x2000  }
0x142: {  	[sflag:s21] =	ssyncset.done $0x0  }
0x143: {  	[sflag:s21] =	ssyncadd.s32 $0xFFFFE000  }
0x144: {  	[spmem:s2] =	stream.indirect.scatter.add.f32 [tilespmem:s14], [sflag:$0x5], $0x80, s26, s13, $0xb8;
	[tilespmem:$0x1E800] =	vst v63  }
0x145: {  	_ =	swait.ge [sflag:s11], $0x2000  }
0x146: {  	[sflag:s11] =	ssyncset.done $0x0  }
0x147: {  	[sflag:s11] =	ssyncadd.s32 $0xFFFFE000  }
0x148: {  	_ =	swait.ge [sflag:s22], $0x2000  }
0x149: {  	[sflag:s22] =	ssyncset.done $0x0  }
0x14a: {  	[sflag:s22] =	ssyncadd.s32 $0xFFFFE000  }
0x14b: {  	[spmem:s2] =	stream.indirect.scatter.add.f32 [tilespmem:s16], [sflag:$0x5], $0x80, s28, s13, $0xb8;
	[tilespmem:$0x1E800] =	vst v63  }
0x14c: {  	_ =	swait.ge [sflag:s11], $0x2000  }
0x14d: {  	[sflag:s11] =	ssyncset.done $0x0  }
0x14e: {  	[sflag:s11] =	ssyncadd.s32 $0xFFFFE000  }
0x14f: {  	_ =	swait.ge [sflag:s23], $0x2000  }
0x150: {  	[sflag:s23] =	ssyncset.done $0x0  }
0x151: {  	[sflag:s23] =	ssyncadd.s32 $0xFFFFE000  }
0x152: {  	[spmem:s2] =	stream.indirect.scatter.add.f32 [tilespmem:s18], [sflag:$0x5], $0x80, s29, s13, $0xb8;
	[tilespmem:$0x1E800] =	vst v63  }
0x153: {  	_ =	swait.ge [sflag:s11], $0x2000  }
0x154: {  	[sflag:s11] =	ssyncset.done $0x0  }
0x155: {  	[sflag:s11] =	ssyncadd.s32 $0xFFFFE000  }
0x156: {  	_ =	swait.ge [sflag:s25], $0x2000  }
0x157: {  	[sflag:s25] =	ssyncset.done $0x0  }
0x158: {  	[sflag:s25] =	ssyncadd.s32 $0xFFFFE000  }
0x159: {  	[spmem:s2] =	stream.indirect.scatter.add.f32 [tilespmem:s20], [sflag:$0x5], $0x80, s30, s13, $0xb8;
	[tilespmem:$0x1E800] =	vst v63  }
0x15a: {  	_ =	swait.ge [sflag:s11], $0x2000  }
0x15b: {  	[sflag:s11] =	ssyncset.done $0x0  }
0x15c: {  	s5 =	sadd.s32 $0x780, s7;
	s1 =	simm.s32 $0x0;
	[sflag:s11] =	ssyncadd.s32 $0xFFFFE000  }
0x15d: {  	[tilespmem:s1], [sflag:$0x5] =	stream.linear.gather [hbm4b:s5+s1], $0x1400, $0x38;
	[tilespmem:$0x1E800] =	vst v63  }
0x15e: {  	_ =	swait.ge [sflag:s11], $0x1400  }
0x15f: {  	[sflag:s11] =	ssyncset.done $0x0  }
0x160: {  	s5 =	sadd.s32 $0x780, s8;
	[sflag:s11] =	ssyncadd.s32 $0xFFFFEC00  }
0x161: {  	[tilespmem:s12], [sflag:$0x5] =	stream.linear.gather [hbm4b:s5+s1], $0x1400, $0x38;
	[tilespmem:$0x1E800] =	vst v63  }
0x162: {  	_ =	swait.ge [sflag:s11], $0x1400  }
0x163: {  	[sflag:s11] =	ssyncset.done $0x0  }
0x164: {  	[sflag:s11] =	ssyncadd.s32 $0xFFFFEC00  }
0x165: {  	[tilespmem:s14], [sflag:$0x1] =	stream.indirect.gather [hbm4b:s4+s13], $0x80, s1, s13, $0xb8;
	[tilespmem:$0x1E800] =	vst v63  }
0x166: {  	_ = 	snop  }
0x167: {  	[tilespmem:s16], [sflag:$0x2] =	stream.indirect.gather [hbm4b:s4+s13], $0x80, s15, s13, $0xb8;
	[tilespmem:$0x1E800] =	vst v63  }
0x168: {  	_ = 	snop  }
0x169: {  	[tilespmem:s18], [sflag:$0x3] =	stream.indirect.gather [hbm4b:s4+s13], $0x80, s17, s13, $0xb8;
	[tilespmem:$0x1E800] =	vst v63  }
0x16a: {  	_ = 	snop  }
0x16b: {  	[tilespmem:s20], [sflag:$0x4] =	stream.indirect.gather [hbm4b:s4+s13], $0x80, s19, s13, $0xb8;
	[tilespmem:$0x1E800] =	vst v63  }
0x16c: {  	_ =	swait.ge [sflag:s21], $0x2000  }
0x16d: {  	[sflag:s21] =	ssyncset.done $0x0  }
0x16e: {  	s5 =	simm.s32 $0x1400;
	[sflag:s21] =	ssyncadd.s32 $0xFFFFE000  }
0x16f: {  	[spmem:s2] =	stream.indirect.scatter.add.f32 [tilespmem:s14], [sflag:$0x5], $0x80, s5, s13, $0xb8;
	[tilespmem:$0x1E800] =	vst v63  }
0x170: {  	_ =	swait.ge [sflag:s11], $0x2000  }
0x171: {  	[sflag:s11] =	ssyncset.done $0x0  }
0x172: {  	s1 =	simm.s32 $0x200;
	[sflag:s11] =	ssyncadd.s32 $0xFFFFE000  }
0x173: {  	[tilespmem:s14], [sflag:$0x1] =	stream.indirect.gather [hbm4b:s4+s13], $0x80, s1, s13, $0xb8;
	[tilespmem:$0x1E800] =	vst v63  }
0x174: {  	_ =	swait.ge [sflag:s22], $0x2000  }
0x175: {  	[sflag:s22] =	ssyncset.done $0x0  }
0x176: {  	s5 =	simm.s32 $0x1480;
	[sflag:s22] =	ssyncadd.s32 $0xFFFFE000  }
0x177: {  	[spmem:s2] =	stream.indirect.scatter.add.f32 [tilespmem:s16], [sflag:$0x5], $0x80, s5, s13, $0xb8;
	[tilespmem:$0x1E800] =	vst v63  }
0x178: {  	_ =	swait.ge [sflag:s11], $0x2000  }
0x179: {  	[sflag:s11] =	ssyncset.done $0x0  }
0x17a: {  	s1 =	simm.s32 $0x280;
	[sflag:s11] =	ssyncadd.s32 $0xFFFFE000  }
0x17b: {  	[tilespmem:s16], [sflag:$0x2] =	stream.indirect.gather [hbm4b:s4+s13], $0x80, s1, s13, $0xb8;
	[tilespmem:$0x1E800] =	vst v63  }
0x17c: {  	_ =	swait.ge [sflag:s23], $0x2000  }
0x17d: {  	[sflag:s23] =	ssyncset.done $0x0  }
0x17e: {  	s5 =	simm.s32 $0x1500;
	[sflag:s23] =	ssyncadd.s32 $0xFFFFE000  }
0x17f: {  	[spmem:s2] =	stream.indirect.scatter.add.f32 [tilespmem:s18], [sflag:$0x5], $0x80, s5, s13, $0xb8;
	[tilespmem:$0x1E800] =	vst v63  }
0x180: {  	_ =	swait.ge [sflag:s11], $0x2000  }
0x181: {  	[sflag:s11] =	ssyncset.done $0x0  }
0x182: {  	s1 =	simm.s32 $0x300;
	[sflag:s11] =	ssyncadd.s32 $0xFFFFE000  }
0x183: {  	[tilespmem:s18], [sflag:$0x3] =	stream.indirect.gather [hbm4b:s4+s13], $0x80, s1, s13, $0xb8;
	[tilespmem:$0x1E800] =	vst v63  }
0x184: {  	_ =	swait.ge [sflag:s25], $0x2000  }
0x185: {  	[sflag:s25] =	ssyncset.done $0x0  }
0x186: {  	s5 =	simm.s32 $0x1580;
	[sflag:s25] =	ssyncadd.s32 $0xFFFFE000  }
0x187: {  	[spmem:s2] =	stream.indirect.scatter.add.f32 [tilespmem:s20], [sflag:$0x5], $0x80, s5, s13, $0xb8;
	[tilespmem:$0x1E800] =	vst v63  }
0x188: {  	_ =	swait.ge [sflag:s11], $0x2000  }
0x189: {  	[sflag:s11] =	ssyncset.done $0x0  }
0x18a: {  	s0 =	simm.s32 $0x380;
	s1 =	simm.s32 $0x800;
	[sflag:s11] =	ssyncadd.s32 $0xFFFFE000  }
.LBB2_8:
0x18b: {  	[tilespmem:s20], [sflag:$0x4] =	stream.indirect.gather [hbm4b:s4+s13], $0x80, s0, s13, $0xb8;
	[tilespmem:$0x1E800] =	vst v63  }
0x18c: {  	s0 =	smov.u32 s1  }
0x18d: {  	p0 =	sne.s32 s1, $0x4000;
	s1 =	sadd.s32 $0x800, s1;
	_ =	swait.ge [sflag:s21], $0x2000  }
0x18e: {  	s0 =	sshra.s32 s0, $0x2;
	[sflag:s21] =	ssyncset.done $0x0  }
0x18f: {  	s5 =	sadd.s32 $0x1400, s0;
	[sflag:s21] =	ssyncadd.s32 $0xFFFFE000  }
0x190: {  	[spmem:s2] =	stream.indirect.scatter.add.f32 [tilespmem:s14], [sflag:$0x5], $0x80, s5, s13, $0xb8;
	[tilespmem:$0x1E800] =	vst v63  }
0x191: {  	_ =	swait.ge [sflag:s11], $0x2000  }
0x192: {  	[sflag:s11] =	ssyncset.done $0x0  }
0x193: {  	s5 =	sadd.s32 $0x200, s0;
	[sflag:s11] =	ssyncadd.s32 $0xFFFFE000  }
0x194: {  	[tilespmem:s14], [sflag:$0x1] =	stream.indirect.gather [hbm4b:s4+s13], $0x80, s5, s13, $0xb8;
	[tilespmem:$0x1E800] =	vst v63  }
0x195: {  	_ =	swait.ge [sflag:s22], $0x2000  }
0x196: {  	[sflag:s22] =	ssyncset.done $0x0  }
0x197: {  	s5 =	sadd.s32 $0x1480, s0;
	[sflag:s22] =	ssyncadd.s32 $0xFFFFE000  }
0x198: {  	[spmem:s2] =	stream.indirect.scatter.add.f32 [tilespmem:s16], [sflag:$0x5], $0x80, s5, s13, $0xb8;
	[tilespmem:$0x1E800] =	vst v63  }
0x199: {  	_ =	swait.ge [sflag:s11], $0x2000  }
0x19a: {  	[sflag:s11] =	ssyncset.done $0x0  }
0x19b: {  	s5 =	sadd.s32 $0x280, s0;
	[sflag:s11] =	ssyncadd.s32 $0xFFFFE000  }
0x19c: {  	[tilespmem:s16], [sflag:$0x2] =	stream.indirect.gather [hbm4b:s4+s13], $0x80, s5, s13, $0xb8;
	[tilespmem:$0x1E800] =	vst v63  }
0x19d: {  	_ =	swait.ge [sflag:s23], $0x2000  }
0x19e: {  	[sflag:s23] =	ssyncset.done $0x0  }
0x19f: {  	s5 =	sadd.s32 $0x1500, s0;
	[sflag:s23] =	ssyncadd.s32 $0xFFFFE000  }
0x1a0: {  	[spmem:s2] =	stream.indirect.scatter.add.f32 [tilespmem:s18], [sflag:$0x5], $0x80, s5, s13, $0xb8;
	[tilespmem:$0x1E800] =	vst v63  }
0x1a1: {  	_ =	swait.ge [sflag:s11], $0x2000  }
0x1a2: {  	[sflag:s11] =	ssyncset.done $0x0  }
0x1a3: {  	s5 =	sadd.s32 $0x300, s0;
	[sflag:s11] =	ssyncadd.s32 $0xFFFFE000  }
0x1a4: {  	[tilespmem:s18], [sflag:$0x3] =	stream.indirect.gather [hbm4b:s4+s13], $0x80, s5, s13, $0xb8;
	[tilespmem:$0x1E800] =	vst v63  }
0x1a5: {  	_ =	swait.ge [sflag:s25], $0x2000  }
0x1a6: {  	[sflag:s25] =	ssyncset.done $0x0  }
.Ltmp3:
0x1a7: {  	s5 =	sadd.s32 $0x1580, s0;
	[sflag:s25] =	ssyncadd.s32 $0xFFFFE000;
	(pc) =	sbr.rel @p0 .LBB2_8-.Ltmp3, $4  }
0x1a8: {  	[spmem:s2] =	stream.indirect.scatter.add.f32 [tilespmem:s20], [sflag:$0x5], $0x80, s5, s13, $0xb8;
	[tilespmem:$0x1E800] =	vst v63  }
0x1a9: {  	_ =	swait.ge [sflag:s11], $0x2000  }
0x1aa: {  	[sflag:s11] =	ssyncset.done $0x0  }
0x1ab: {  	s0 =	sadd.s32 $0x380, s0;
	[sflag:s11] =	ssyncadd.s32 $0xFFFFE000  }
0x1ac: {  	[tilespmem:s20], [sflag:$0x4] =	stream.indirect.gather [hbm4b:s4+s13], $0x80, s0, s13, $0xb8;
	[tilespmem:$0x1E800] =	vst v63  }
0x1ad: {  	_ =	swait.ge [sflag:s21], $0x2000  }
0x1ae: {  	[sflag:s21] =	ssyncset.done $0x0  }
0x1af: {  	[sflag:s21] =	ssyncadd.s32 $0xFFFFE000  }
0x1b0: {  	[spmem:s2] =	stream.indirect.scatter.add.f32 [tilespmem:s14], [sflag:$0x5], $0x80, s26, s13, $0xb8;
	[tilespmem:$0x1E800] =	vst v63  }
0x1b1: {  	_ =	swait.ge [sflag:s11], $0x2000  }
0x1b2: {  	[sflag:s11] =	ssyncset.done $0x0  }
0x1b3: {  	[sflag:s11] =	ssyncadd.s32 $0xFFFFE000  }
0x1b4: {  	_ =	swait.ge [sflag:s22], $0x2000  }
0x1b5: {  	[sflag:s22] =	ssyncset.done $0x0  }
0x1b6: {  	[sflag:s22] =	ssyncadd.s32 $0xFFFFE000  }
0x1b7: {  	[spmem:s2] =	stream.indirect.scatter.add.f32 [tilespmem:s16], [sflag:$0x5], $0x80, s28, s13, $0xb8;
	[tilespmem:$0x1E800] =	vst v63  }
0x1b8: {  	_ =	swait.ge [sflag:s11], $0x2000  }
0x1b9: {  	[sflag:s11] =	ssyncset.done $0x0  }
0x1ba: {  	[sflag:s11] =	ssyncadd.s32 $0xFFFFE000  }
0x1bb: {  	_ =	swait.ge [sflag:s23], $0x2000  }
0x1bc: {  	[sflag:s23] =	ssyncset.done $0x0  }
0x1bd: {  	[sflag:s23] =	ssyncadd.s32 $0xFFFFE000  }
0x1be: {  	[spmem:s2] =	stream.indirect.scatter.add.f32 [tilespmem:s18], [sflag:$0x5], $0x80, s29, s13, $0xb8;
	[tilespmem:$0x1E800] =	vst v63  }
0x1bf: {  	_ =	swait.ge [sflag:s11], $0x2000  }
0x1c0: {  	[sflag:s11] =	ssyncset.done $0x0  }
0x1c1: {  	[sflag:s11] =	ssyncadd.s32 $0xFFFFE000  }
0x1c2: {  	_ =	swait.ge [sflag:s25], $0x2000  }
0x1c3: {  	[sflag:s25] =	ssyncset.done $0x0  }
0x1c4: {  	[sflag:s25] =	ssyncadd.s32 $0xFFFFE000  }
0x1c5: {  	[spmem:s2] =	stream.indirect.scatter.add.f32 [tilespmem:s20], [sflag:$0x5], $0x80, s30, s13, $0xb8;
	[tilespmem:$0x1E800] =	vst v63  }
0x1c6: {  	_ =	swait.ge [sflag:s11], $0x2000  }
0x1c7: {  	s31 =	sadd.s32 $0x1, s31;
	[sflag:s11] =	ssyncset.done $0x0  }
0x1c8: {  	p0 =	sne.s32 s31, s9;
	[sflag:s11] =	ssyncadd.s32 $0xFFFFE000  }
.Ltmp4:
0x1c9: {  	[bflag:$0x0] =	sbarrier.arrive $0xFFFF;
	(pc) =	sbr.rel @p0 .LBB2_1-.Ltmp4, $4  }
0x1ca: {  	[hbm:s24], [sflag:s6] =	dma.local [spmem:s10], $0x2800  }
0x1cb: {  	_ =	swait.ge [sflag:s11], $0x2800  }
0x1cc: {  	[sflag:s11] =	ssyncset.done $0x0  }
0x1cd: {  	[sflag:s11] =	ssyncadd.s32 $0xFFFFD800  }
0x1ce: {  	_ =	sfence.sel $0x180000  }
0x1cf: {  	[bflag:$0x0] =	sbarrier.arrive $0xFFFF  }
0x1d0: {  	_ =	strace $0x90000047  }
0x1d1: {  	s0 =	stileid.u32;
	[bflag:$0x2] =	sbarrier.arrive $0xFFFF  }
0x1d2: {  	p0 =	sne.s32 s0, $0x0;
	s0 =	rddreg [dreg:$0x2]  }
0x1d3: {  	s0 =	sadd.s32 @!p0 $0x100000, s0  }
0x1d4: {  	[sflag:s0] =	ssyncadd.tile.s32 @!p0 $0x1;
	_ =	shalt  }
.Lfunc_end2:
_tile_overlayer_lowered:
.L_overlay_start_2:
0x1d5: {  	(tag) =	ssettag $0x2  }
0x1d6: {  	s0 =	rddreg [dreg:$0x0];
	s2 =	stileid.u32  }
0x1d7: {  	s1 =	rddreg [dreg:$0x1];
	p0 =	sne.s32 s2, $0x0  }
0x1d8: {  	s3 =	rddreg [dreg:$0x2];
	[bflag:$0x3] =	sbarrier.arrive $0xFFFF;
	s2 =	simm.s32 @!p0 $0x1C05  }
0x1d9: {  	[timem:s3], [sflag:s2] =	dma.local @!p0 [hbm:s0], s1  }
0x1da: {  	s0 =	simm.s32 @!p0 $0x5  }
0x1db: {  	_ =	swait.ge @!p0 [sflag:s0], s1  }
0x1dc: {  	s1 =	ssub.s32 @!p0 $0x0, s1;
	[sflag:s0] =	ssyncset.done @!p0 $0x0  }
0x1dd: {  	[sflag:s0] =	ssyncadd.s32 @!p0 s1  }
0x1de: {  	[bflag:$0x3] =	sbarrier.arrive $0xFFFF  }
0x1df: {  	_ =	shalt  }

// kernel: kernel.9.cloned.1.call-start
scs
__scs_entry_jumppad:
0x0: {  	(pc) =	sbr.rel $0x88, $3  }
0x1: {  	(tag) =	ssettag $0x0;
	lr =	simm.s32 $0x1  }
0x2: {  	[smem:$0x3F93] =	sst lr;
	_ =	strace $0xD0000000  }
0x3: {  	_ = 	snop  }
0x4: {  	_ = 	snop  }
0x5: {  	_ = 	snop  }
0x6: {  	_ = 	snop  }
0x7: {  	_ = 	snop  }
__scs_overlays_trampoline_lowered:
0x8: {  	[smem:$0x3FA2] =	sst s0  }
0x9: {  	[smem:$0x3FA3] =	sst s1  }
0xa: {  	[smem:$0x3FA4] =	sst s2  }
0xb: {  	[smem:$0x3FA5] =	sst s3  }
0xc: {  	[smem:$0x3FA6] =	sst s4  }
0xd: {  	[smem:$0x3FA7] =	sst s5  }
0xe: {  	[smem:$0x3FA8] =	sst s6  }
0xf: {  	[smem:$0x3FA9] =	sst s7  }
0x10: {  	[smem:$0x3FAA] =	sst s8  }
0x11: {  	[smem:$0x3FAB] =	sst s9;
	s0 =	simm.s32 @!p0 $0x0  }
0x12: {  	s1 =	sld [smem:$0x3F91];
	s0 =	simm.s32 @p0 $0x1  }
0x13: {  	[smem:$0x3FAC] =	sst s0;
	s0 =	simm.s32 @!p1 $0x0  }
0x14: {  	s2 =	sld [smem:$0x3F90];
	s0 =	simm.s32 @p1 $0x1  }
0x15: {  	[smem:$0x3FAD] =	sst s0;
	s0 =	simm.s32 @!p2 $0x0  }
0x16: {  	s3 =	sld [smem:$0x3FDB];
	s0 =	simm.s32 @p2 $0x1  }
0x17: {  	s4 =	simm.s32 $0x1BF5;
	[smem:$0x3FAF] =	sst s0  }
0x18: {  	s0 =	sld [smem:$0x3F92];
	_ =	swait.ge [sflag:s4], $0x0  }
0x19: {  	s7 =	sld [smem:$0x3F93]  }
0x1a: {  	s8 =	sadd.s32 $0xFFFFE003, lr  }
0x1b: {  	s9 =	sadd.s32 $0xFFFFFEF7, lr;
	s5 =	simm.s32 $0xFFFFFFFF;
	p2 =	slt.u32 s8, $0xFFFFF086  }
0x1c: {  	p1 =	slt.u32 s9, $0xF7A;
	s5 =	simm.s32 @!p2 $0x0  }
0x1d: {  	s5 =	simm.s32 @p1 $0x1;
	p0 =	seq.s32 s7, s2  }
0x1e: {  	s7 =	smul.u32 @!p0 $0xF7A, s2;
	p2 =	seq.s32 @!p0 s5, $0x0  }
0x1f: {  	s9 =	smul.u32 $0xF7A, s1;
	s8 =	simm.s32 @!p0 $0x1BF5;
	p2 =	por !p2, p0  }
0x20: {  	[sflag:s8] =	ssyncset.s32 @!p0 $0xFFFFF086;
	s6 =	sadd.s32 @!p0 s3, s7;
	s7 =	simm.s32 @!p0 $0x108  }
0x21: {  	s3 =	sadd.s32 s3, s9;
	s6 =	sadd.s32 @!p0 $0x88, s6;
	s7 =	simm.s32 @p2 $0x1082  }
0x22: {  	[simem:s7], [sflag:s8] =	dma.local @!p0 [hbm:s6], $0xF7A  }
0x23: {  	s9 =	sor.u32 $0xD0000000, s2;
	s6 =	simm.s32 $0x108;
	_ =	swait.ge @!p0 [sflag:s8], $0x0  }
0x24: {  	s3 =	sadd.s32 $0x88, s3;
	s6 =	simm.s32 @!p1 $0x1082;
	[sflag:s4] =	ssyncset.s32 $0xFFFFF086  }
0x25: {  	[simem:s6], [sflag:s4] =	dma.local [hbm:s3], $0xF7A  }
0x26: {  	[smem:$0x3F93] =	sst s1;
	(tag) =	ssettag s2;
	_ =	strace s9  }
0x27: {  	s1 =	sld [smem:$0x3FA3]  }
0x28: {  	s2 =	sld [smem:$0x3FA4]  }
0x29: {  	s4 =	sld [smem:$0x3FA6]  }
0x2a: {  	p0 =	seq.s32 s5, $0x0;
	s5 =	sld [smem:$0x3FA7]  }
0x2b: {  	s6 =	sld [smem:$0x3FA8]  }
0x2c: {  	s7 =	sld [smem:$0x3FA9]  }
0x2d: {  	s3 =	simm.s32 $0x108;
	s8 =	sld [smem:$0x3FAA]  }
0x2e: {  	s3 =	simm.s32 @!p0 $0x1082;
	s9 =	sld [smem:$0x3FAB]  }
0x2f: {  	lr =	sadd.s32 s0, s3;
	s0 =	sld [smem:$0x3FA2]  }
0x30: {  	s3 =	sld [smem:$0x3FA5]  }
0x31: {  	[smem:$0x3FAE] =	sst s10  }
0x32: {  	s10 =	sld [smem:$0x3FAC];
	_ =	sdelay $0x3  }
0x33: {  	p0 =	seq.s32 s10, $0x1;
	s10 =	sld [smem:$0x3FAE];
	_ =	sdelay $0x3  }
0x34: {  	[smem:$0x3FAE] =	sst s10  }
0x35: {  	s10 =	sld [smem:$0x3FAD];
	_ =	sdelay $0x3  }
0x36: {  	p1 =	seq.s32 s10, $0x1;
	s10 =	sld [smem:$0x3FAE];
	_ =	sdelay $0x3  }
0x37: {  	[smem:$0x3FAE] =	sst s10  }
0x38: {  	s10 =	sld [smem:$0x3FAF]  }
0x39: {  	_ = 	snop;
	(pc) =	sbr.ind lr, $3  }
0x3a: {  	_ = 	snop  }
0x3b: {  	_ = 	snop  }
0x3c: {  	p2 =	seq.s32 s10, $0x1;
	s10 =	sld [smem:$0x3FAE]  }
0x3d: {  	_ =	shalt  }
0x3e: {  	_ =	shalt  }
0x3f: {  	_ =	shalt  }
0x40: {  	_ =	shalt  }
0x41: {  	_ =	shalt  }
0x42: {  	_ =	shalt  }
0x43: {  	_ =	shalt  }
0x44: {  	_ =	shalt  }
0x45: {  	_ =	shalt  }
0x46: {  	_ =	shalt  }
0x47: {  	_ =	shalt  }
0x48: {  	_ =	shalt  }
0x49: {  	_ =	shalt  }
0x4a: {  	_ =	shalt  }
0x4b: {  	_ =	shalt  }
0x4c: {  	_ =	shalt  }
0x4d: {  	_ =	shalt  }
0x4e: {  	_ =	shalt  }
0x4f: {  	_ =	shalt  }
0x50: {  	_ =	shalt  }
0x51: {  	_ =	shalt  }
0x52: {  	_ =	shalt  }
0x53: {  	_ =	shalt  }
0x54: {  	_ =	shalt  }
0x55: {  	_ =	shalt  }
0x56: {  	_ =	shalt  }
0x57: {  	_ =	shalt  }
0x58: {  	_ =	shalt  }
0x59: {  	_ =	shalt  }
0x5a: {  	_ =	shalt  }
0x5b: {  	_ =	shalt  }
0x5c: {  	_ =	shalt  }
0x5d: {  	_ =	shalt  }
0x5e: {  	_ =	shalt  }
0x5f: {  	_ =	shalt  }
0x60: {  	_ =	shalt  }
0x61: {  	_ =	shalt  }
0x62: {  	_ =	shalt  }
0x63: {  	_ =	shalt  }
0x64: {  	_ =	shalt  }
0x65: {  	_ =	shalt  }
0x66: {  	_ =	shalt  }
0x67: {  	_ =	shalt  }
0x68: {  	_ =	shalt  }
0x69: {  	_ =	shalt  }
0x6a: {  	_ =	shalt  }
0x6b: {  	_ =	shalt  }
0x6c: {  	_ =	shalt  }
0x6d: {  	_ =	shalt  }
0x6e: {  	_ =	shalt  }
0x6f: {  	_ =	shalt  }
0x70: {  	_ =	shalt  }
0x71: {  	_ =	shalt  }
0x72: {  	_ =	shalt  }
0x73: {  	_ =	shalt  }
0x74: {  	_ =	shalt  }
0x75: {  	_ =	shalt  }
0x76: {  	_ =	shalt  }
0x77: {  	_ =	shalt  }
0x78: {  	_ =	shalt  }
0x79: {  	_ =	shalt  }
0x7a: {  	_ =	shalt  }
0x7b: {  	_ =	shalt  }
0x7c: {  	_ =	shalt  }
0x7d: {  	_ =	shalt  }
0x7e: {  	_ =	shalt  }
0x7f: {  	_ =	shalt  }
0x80: {  	_ =	shalt  }
0x81: {  	_ =	shalt  }
0x82: {  	_ =	shalt  }
0x83: {  	_ =	shalt  }
0x84: {  	_ =	shalt  }
0x85: {  	_ =	shalt  }
0x86: {  	_ =	shalt  }
0x87: {  	_ =	shalt  }
.Lfunc_end0:
.L_simem_size_0:
called_computation.1_lowered:
.L_overlay_start_0:
0x88: {  	s2 =	sld [smem:$0x3FD9]  }
0x89: {  	s3 =	sld [smem:$0x3FFE];
	_ =	sdelay $0x1  }
0x8a: {  	s1 =	srdreg.scid  }
0x8b: {  	s0 =	sand.u32 $0x1, s1  }
0x8c: {  	s16 =	sshll.u32 s0, $0xA;
	s2 =	sadd.s32 s3, s2  }
0x8d: {  	s2 =	sadd.s32 s2, s16  }
0x8e: {  	[smem:$0x3FBA] =	sst s2  }
0x8f: {  	_ = 	snop  }
0x90: {  	(tm) =	ssettm $0x1  }
0x91: {  	s17 =	sld [smem:$0x3FFB];
	_ =	sdelay $0x3  }
0x92: {  	_ =	strace s17  }
0x93: {  	s2 =	sld [smem:$0x3FFC];
	_ =	sdelay $0x3  }
0x94: {  	_ =	strace s2  }
0x95: {  	s2 =	sld [smem:$0x3FFD];
	_ =	sdelay $0x3  }
0x96: {  	_ =	strace s2  }
0x97: {  	_ =	strace $0x8FFFFFFF  }
0x98: {  	s18 =	sld [smem:$0x3FDB];
	_ =	sdelay $0x1  }
0x99: {  	s19 =	simm.s32 $_scs_section_size  }
0x9a: {  	s4 =	simm.s32 $_size__tile_overlayer_lowered;
	s5 =	simm.s32 $_tile_overlayer_lowered  }
0x9b: {  	s22 =	simm.s32 $0x1BFF;
	s21 =	sshll.u32 s5, $0x1;
	s2 =	sadd.s32 s19, s18  }
0x9c: {  	s6 =	simm.s32 $0x0;
	s20 =	sshll.u32 s4, $0x1;
	s4 =	sadd.s32 s21, s2  }
0x9d: {  	[timem:s6], [sflag:s22] =	dma.local [hbm:s4], s20  }
0x9e: {  	_ =	swait.ge [sflag:s22], s20  }
0x9f: {  	s3 =	ssub.s32 $0x0, s20;
	[sflag:s22] =	ssyncset.done $0x0  }
0xa0: {  	[sflag:s22] =	ssyncadd.s32 s3;
	_ =	sdelay $0x1  }
0xa1: {  	s23 =	simm.s32 $0x1B8B  }
0xa2: {  	_ =	swait.ge [sflag:s23], $0x1  }
0xa3: {  	[sflag:s23] =	ssyncset.done $0x0  }
0xa4: {  	s25 =	simm.s32 $0x1B8E;
	s24 =	sld [smem:$0x3FFE];
	[sflag:s23] =	ssyncadd.s32 $0xFFFFFFFF  }
0xa5: {  	s26 =	simm.s32 $execute0_lowered;
	[smem:$0x3FD2] =	sst s25  }
0xa6: {  	s4 =	sshll.u32 s26, $0x1;
	_ =	strace $0x80000049;
	[dreg:$0x1] =	wrdreg $0xFFFFFFFF  }
0xa7: {  	s28 =	simm.s32 $_size_execute0_lowered;
	s2 =	sadd.s32 s2, s4;
	[dreg:$0x0] =	wrdreg $0x0  }
0xa8: {  	s4 =	sshll.u32 s28, $0x1;
	[dreg:$0x2] =	wrdreg s2  }
0xa9: {  	[dreg:$0x3] =	wrdreg s4  }
0xaa: {  	[dreg:$0x4] =	wrdreg $0xC0  }
0xab: {  	_ =	task [dreg:s6], $0x5FFFF  }
0xac: {  	[dreg:$0x1] =	wrdreg $0xFFFFFFFF  }
0xad: {  	[dreg:$0x0] =	wrdreg $0x60  }
0xae: {  	[dreg:$0x2] =	wrdreg s24  }
0xaf: {  	[dreg:$0x3] =	wrdreg $0xA8000  }
0xb0: {  	[dreg:$0x4] =	wrdreg $0x9  }
0xb1: {  	_ =	task.clear_ibuf [dreg:s6], $0x5FFFF;
	_ =	strace $0x90000049  }
0xb2: {  	s29 =	simm.s32 $0x9;
	_ =	strace $0x8000004B  }
0xb3: {  	_ =	swait.ge [sflag:s29], $0x1  }
0xb4: {  	[sflag:s29] =	ssyncadd.s32 $0xFFFFFFFF  }
0xb5: {  	_ =	strace $0x9000004B  }
0xb6: {  	_ =	sfence  }
0xb7: {  	s30 =	sld [smem:$0x0];
	_ =	sdelay $0x2  }
0xb8: {  	s31 =	sshll.u32 s1, $0xD;
	s1 =	sshrl.u32 s1, $0x2  }
0xb9: {  	s3 =	sand.u32 $0x4000, s31;
	s1 =	sadd.s32 s1, s30  }
0xba: {  	s0 =	sor.u32 s3, s0;
	s1 =	sshll.u32 s1, $0x11  }
0xbb: {  	s0 =	sor.u32 s1, s0  }
0xbc: {  	s0 =	sadd.s32 $0x8F2B, s0  }
0xbd: {  	[sflag:s0] =	ssyncadd.remote.s32 $0x1  }
0xbe: {  	_ =	sfence.sel $0xFFFF  }
0xbf: {  	[dreg:$0x0] =	wrdreg $0xFFFFFFFF;
	(pc) =	sbr.abs _section_cstart, $3  }
0xc0: {  	[dreg:$0x1] =	wrdreg $0xFFFFFFFF  }
0xc1: {  	_ =	task.clear_ibuf [dreg:s6], $0x2FFFF;
	_ =	strace $0x9FFFFFFF  }
0xc2: {  	(tm) =	ssettm $0x7FFFFFFF  }
0xc3: {  	_ =	shalt  }
tec
execute0_lowered:
.L_overlay_start_1:
0x0: {  	(tag) =	ssettag $0x1  }
0x1: {  	s0 =	srdreg.scid;
	s5 =	rddreg [dreg:$0x0]  }
0x2: {  	s11 =	stileid.u32;
	s2 =	rddreg [dreg:$0x1]  }
0x3: {  	s3 =	simm.s32 $0x0;
	s12 =	simm.s32 $0x1400;
	s13 =	simm.s32 $0x40  }
0x4: {  	s14 =	simm.s32 $0x2800;
	s15 =	simm.s32 $0x80;
	s16 =	simm.s32 $0x4800  }
0x5: {  	s17 =	simm.s32 $0x100;
	s18 =	simm.s32 $0x6800;
	s19 =	simm.s32 $0x180  }
0x6: {  	s20 =	simm.s32 $0x8800;
	s28 =	simm.s32 $0x2680;
	s29 =	simm.s32 $0x2700  }
0x7: {  	s30 =	simm.s32 $0x2780;
	s31 =	simm.s32 $0x0;
	s0 =	sand.u32 $0x1, s0  }
0x8: {  	s24 =	smul.u32 $0x2800, s11;
	[smem:$0x7FF] =	sst s3;
	s4 =	sadd.s32 $0x2B000, s5  }
0x9: {  	s7 =	smul.u32 $0x50000, s11;
	s23 =	sshll.u32 s11, $0x6;
	s1 =	sshll.u32 s0, $0x4  }
0xa: {  	s6 =	smul.u32 $0x28000, s0;
	_ =	strace $0x8000004A;
	s0 =	ssub.s32 $0x2, s0  }
0xb: {  	s1 =	sor.u32 s11, s1;
	s8 =	sadd.s32 s24, s5;
	s21 =	sshrl.u32 s0, $0x1  }
0xc: {  	s22 =	sshrl.u32 s7, $0x2;
	s11 =	simm.s32 $0x5;
	s1 =	smul.u32 $0xA00, s1  }
0xd: {  	s9 =	sadd.s32 s6, s5;
	s0 =	ssub.s32 s0, s21;
	s10 =	sadd.s32 s22, s2  }
0xe: {  	s25 =	sadd.s32 $0x53000, s8;
	s6 =	sor.u32 $0x1C05, s23;
	s21 =	simm.s32 $0x1  }
0xf: {  	s22 =	simm.s32 $0x2;
	s23 =	simm.s32 $0x3;
	[dreg:$0x3] =	wrdreg s25  }
0x10: {  	s26 =	sadd.s32 $0x7B000, s9;
	s9 =	smax.u32 s0, $0x1;
	s10 =	sshrl.u32 s10, $0x3  }
0x11: {  	s25 =	simm.s32 $0x4;
	s1 =	sadd.s32 s1, s5;
	s24 =	sadd.s32 s24, s26  }
0x12: {  	s26 =	simm.s32 $0x2600;
	s7 =	sadd.s32 $0x17000, s1;
	s8 =	sadd.s32 $0x3000, s1  }
.LBB2_1:
0x13: {  	s0 =	rddreg [dreg:$0x3]  }
0x14: {  	[spmem:s10], [sflag:s6] =	dma.local [hbm:s0], $0x2800  }
0x15: {  	_ =	swait.ge [sflag:s11], $0x2800  }
0x16: {  	[sflag:s11] =	ssyncset.done $0x0  }
0x17: {  	[sflag:s11] =	ssyncadd.s32 $0xFFFFD800  }
0x18: {  	[bflag:$0x0] =	sbarrier.arrive $0xFFFF  }
0x19: {  	[tilespmem:s3], [sflag:$0x5] =	stream.linear.gather [hbm4b:s7+s3], $0x1400, $0x38;
	[tilespmem:$0x1E800] =	vst v63  }
0x1a: {  	_ =	swait.ge [sflag:s11], $0x1400  }
0x1b: {  	[sflag:s11] =	ssyncset.done $0x0  }
0x1c: {  	[sflag:s11] =	ssyncadd.s32 $0xFFFFEC00  }
0x1d: {  	[tilespmem:s12], [sflag:$0x5] =	stream.linear.gather [hbm4b:s8+s3], $0x1400, $0x38;
	[tilespmem:$0x1E800] =	vst v63  }
0x1e: {  	_ =	swait.ge [sflag:s11], $0x1400  }
0x1f: {  	[sflag:s11] =	ssyncset.done $0x0  }
0x20: {  	[sflag:s11] =	ssyncadd.s32 $0xFFFFEC00  }
0x21: {  	[tilespmem:s14], [sflag:$0x1] =	stream.indirect.gather [hbm4b:s4+s13], $0x80, s3, s13, $0xb8;
	[tilespmem:$0x1E800] =	vst v63  }
0x22: {  	_ = 	snop  }
0x23: {  	[tilespmem:s16], [sflag:$0x2] =	stream.indirect.gather [hbm4b:s4+s13], $0x80, s15, s13, $0xb8;
	[tilespmem:$0x1E800] =	vst v63  }
0x24: {  	_ = 	snop  }
0x25: {  	[tilespmem:s18], [sflag:$0x3] =	stream.indirect.gather [hbm4b:s4+s13], $0x80, s17, s13, $0xb8;
	[tilespmem:$0x1E800] =	vst v63  }
0x26: {  	_ = 	snop  }
0x27: {  	[tilespmem:s20], [sflag:$0x4] =	stream.indirect.gather [hbm4b:s4+s13], $0x80, s19, s13, $0xb8;
	[tilespmem:$0x1E800] =	vst v63  }
0x28: {  	_ =	swait.ge [sflag:s21], $0x2000  }
0x29: {  	[sflag:s21] =	ssyncset.done $0x0  }
0x2a: {  	s5 =	simm.s32 $0x1400;
	[sflag:s21] =	ssyncadd.s32 $0xFFFFE000  }
0x2b: {  	[spmem:s2] =	stream.indirect.scatter.add.f32 [tilespmem:s14], [sflag:$0x5], $0x80, s5, s13, $0xb8;
	[tilespmem:$0x1E800] =	vst v63  }
0x2c: {  	_ =	swait.ge [sflag:s11], $0x2000  }
0x2d: {  	[sflag:s11] =	ssyncset.done $0x0  }
0x2e: {  	s1 =	simm.s32 $0x200;
	[sflag:s11] =	ssyncadd.s32 $0xFFFFE000  }
0x2f: {  	[tilespmem:s14], [sflag:$0x1] =	stream.indirect.gather [hbm4b:s4+s13], $0x80, s1, s13, $0xb8;
	[tilespmem:$0x1E800] =	vst v63  }
0x30: {  	_ =	swait.ge [sflag:s22], $0x2000  }
0x31: {  	[sflag:s22] =	ssyncset.done $0x0  }
0x32: {  	s5 =	simm.s32 $0x1480;
	[sflag:s22] =	ssyncadd.s32 $0xFFFFE000  }
0x33: {  	[spmem:s2] =	stream.indirect.scatter.add.f32 [tilespmem:s16], [sflag:$0x5], $0x80, s5, s13, $0xb8;
	[tilespmem:$0x1E800] =	vst v63  }
0x34: {  	_ =	swait.ge [sflag:s11], $0x2000  }
0x35: {  	[sflag:s11] =	ssyncset.done $0x0  }
0x36: {  	s1 =	simm.s32 $0x280;
	[sflag:s11] =	ssyncadd.s32 $0xFFFFE000  }
0x37: {  	[tilespmem:s16], [sflag:$0x2] =	stream.indirect.gather [hbm4b:s4+s13], $0x80, s1, s13, $0xb8;
	[tilespmem:$0x1E800] =	vst v63  }
0x38: {  	_ =	swait.ge [sflag:s23], $0x2000  }
0x39: {  	[sflag:s23] =	ssyncset.done $0x0  }
0x3a: {  	s5 =	simm.s32 $0x1500;
	[sflag:s23] =	ssyncadd.s32 $0xFFFFE000  }
0x3b: {  	[spmem:s2] =	stream.indirect.scatter.add.f32 [tilespmem:s18], [sflag:$0x5], $0x80, s5, s13, $0xb8;
	[tilespmem:$0x1E800] =	vst v63  }
0x3c: {  	_ =	swait.ge [sflag:s11], $0x2000  }
0x3d: {  	[sflag:s11] =	ssyncset.done $0x0  }
0x3e: {  	s1 =	simm.s32 $0x300;
	[sflag:s11] =	ssyncadd.s32 $0xFFFFE000  }
0x3f: {  	[tilespmem:s18], [sflag:$0x3] =	stream.indirect.gather [hbm4b:s4+s13], $0x80, s1, s13, $0xb8;
	[tilespmem:$0x1E800] =	vst v63  }
0x40: {  	_ =	swait.ge [sflag:s25], $0x2000  }
0x41: {  	[sflag:s25] =	ssyncset.done $0x0  }
0x42: {  	s5 =	simm.s32 $0x1580;
	[sflag:s25] =	ssyncadd.s32 $0xFFFFE000  }
0x43: {  	[spmem:s2] =	stream.indirect.scatter.add.f32 [tilespmem:s20], [sflag:$0x5], $0x80, s5, s13, $0xb8;
	[tilespmem:$0x1E800] =	vst v63  }
0x44: {  	_ =	swait.ge [sflag:s11], $0x2000  }
0x45: {  	[sflag:s11] =	ssyncset.done $0x0  }
0x46: {  	s0 =	simm.s32 $0x380;
	s1 =	simm.s32 $0x800;
	[sflag:s11] =	ssyncadd.s32 $0xFFFFE000  }
.LBB2_2:
0x47: {  	[tilespmem:s20], [sflag:$0x4] =	stream.indirect.gather [hbm4b:s4+s13], $0x80, s0, s13, $0xb8;
	[tilespmem:$0x1E800] =	vst v63  }
0x48: {  	s0 =	smov.u32 s1  }
0x49: {  	p0 =	sne.s32 s1, $0x4000;
	s1 =	sadd.s32 $0x800, s1;
	_ =	swait.ge [sflag:s21], $0x2000  }
0x4a: {  	s0 =	sshra.s32 s0, $0x2;
	[sflag:s21] =	ssyncset.done $0x0  }
0x4b: {  	s5 =	sadd.s32 $0x1400, s0;
	[sflag:s21] =	ssyncadd.s32 $0xFFFFE000  }
0x4c: {  	[spmem:s2] =	stream.indirect.scatter.add.f32 [tilespmem:s14], [sflag:$0x5], $0x80, s5, s13, $0xb8;
	[tilespmem:$0x1E800] =	vst v63  }
0x4d: {  	_ =	swait.ge [sflag:s11], $0x2000  }
0x4e: {  	[sflag:s11] =	ssyncset.done $0x0  }
0x4f: {  	s5 =	sadd.s32 $0x200, s0;
	[sflag:s11] =	ssyncadd.s32 $0xFFFFE000  }
0x50: {  	[tilespmem:s14], [sflag:$0x1] =	stream.indirect.gather [hbm4b:s4+s13], $0x80, s5, s13, $0xb8;
	[tilespmem:$0x1E800] =	vst v63  }
0x51: {  	_ =	swait.ge [sflag:s22], $0x2000  }
0x52: {  	[sflag:s22] =	ssyncset.done $0x0  }
0x53: {  	s5 =	sadd.s32 $0x1480, s0;
	[sflag:s22] =	ssyncadd.s32 $0xFFFFE000  }
0x54: {  	[spmem:s2] =	stream.indirect.scatter.add.f32 [tilespmem:s16], [sflag:$0x5], $0x80, s5, s13, $0xb8;
	[tilespmem:$0x1E800] =	vst v63  }
0x55: {  	_ =	swait.ge [sflag:s11], $0x2000  }
0x56: {  	[sflag:s11] =	ssyncset.done $0x0  }
0x57: {  	s5 =	sadd.s32 $0x280, s0;
	[sflag:s11] =	ssyncadd.s32 $0xFFFFE000  }
0x58: {  	[tilespmem:s16], [sflag:$0x2] =	stream.indirect.gather [hbm4b:s4+s13], $0x80, s5, s13, $0xb8;
	[tilespmem:$0x1E800] =	vst v63  }
0x59: {  	_ =	swait.ge [sflag:s23], $0x2000  }
0x5a: {  	[sflag:s23] =	ssyncset.done $0x0  }
0x5b: {  	s5 =	sadd.s32 $0x1500, s0;
	[sflag:s23] =	ssyncadd.s32 $0xFFFFE000  }
0x5c: {  	[spmem:s2] =	stream.indirect.scatter.add.f32 [tilespmem:s18], [sflag:$0x5], $0x80, s5, s13, $0xb8;
	[tilespmem:$0x1E800] =	vst v63  }
0x5d: {  	_ =	swait.ge [sflag:s11], $0x2000  }
0x5e: {  	[sflag:s11] =	ssyncset.done $0x0  }
0x5f: {  	s5 =	sadd.s32 $0x300, s0;
	[sflag:s11] =	ssyncadd.s32 $0xFFFFE000  }
0x60: {  	[tilespmem:s18], [sflag:$0x3] =	stream.indirect.gather [hbm4b:s4+s13], $0x80, s5, s13, $0xb8;
	[tilespmem:$0x1E800] =	vst v63  }
0x61: {  	_ =	swait.ge [sflag:s25], $0x2000  }
0x62: {  	[sflag:s25] =	ssyncset.done $0x0  }
.Ltmp0:
0x63: {  	s5 =	sadd.s32 $0x1580, s0;
	[sflag:s25] =	ssyncadd.s32 $0xFFFFE000;
	(pc) =	sbr.rel @p0 .LBB2_2-.Ltmp0, $4  }
0x64: {  	[spmem:s2] =	stream.indirect.scatter.add.f32 [tilespmem:s20], [sflag:$0x5], $0x80, s5, s13, $0xb8;
	[tilespmem:$0x1E800] =	vst v63  }
0x65: {  	_ =	swait.ge [sflag:s11], $0x2000  }
0x66: {  	[sflag:s11] =	ssyncset.done $0x0  }
0x67: {  	s0 =	sadd.s32 $0x380, s0;
	[sflag:s11] =	ssyncadd.s32 $0xFFFFE000  }
0x68: {  	[tilespmem:s20], [sflag:$0x4] =	stream.indirect.gather [hbm4b:s4+s13], $0x80, s0, s13, $0xb8;
	[tilespmem:$0x1E800] =	vst v63  }
0x69: {  	_ =	swait.ge [sflag:s21], $0x2000  }
0x6a: {  	[sflag:s21] =	ssyncset.done $0x0  }
0x6b: {  	[sflag:s21] =	ssyncadd.s32 $0xFFFFE000  }
0x6c: {  	[spmem:s2] =	stream.indirect.scatter.add.f32 [tilespmem:s14], [sflag:$0x5], $0x80, s26, s13, $0xb8;
	[tilespmem:$0x1E800] =	vst v63  }
0x6d: {  	_ =	swait.ge [sflag:s11], $0x2000  }
0x6e: {  	[sflag:s11] =	ssyncset.done $0x0  }
0x6f: {  	[sflag:s11] =	ssyncadd.s32 $0xFFFFE000  }
0x70: {  	_ =	swait.ge [sflag:s22], $0x2000  }
0x71: {  	[sflag:s22] =	ssyncset.done $0x0  }
0x72: {  	[sflag:s22] =	ssyncadd.s32 $0xFFFFE000  }
0x73: {  	[spmem:s2] =	stream.indirect.scatter.add.f32 [tilespmem:s16], [sflag:$0x5], $0x80, s28, s13, $0xb8;
	[tilespmem:$0x1E800] =	vst v63  }
0x74: {  	_ =	swait.ge [sflag:s11], $0x2000  }
0x75: {  	[sflag:s11] =	ssyncset.done $0x0  }
0x76: {  	[sflag:s11] =	ssyncadd.s32 $0xFFFFE000  }
0x77: {  	_ =	swait.ge [sflag:s23], $0x2000  }
0x78: {  	[sflag:s23] =	ssyncset.done $0x0  }
0x79: {  	[sflag:s23] =	ssyncadd.s32 $0xFFFFE000  }
0x7a: {  	[spmem:s2] =	stream.indirect.scatter.add.f32 [tilespmem:s18], [sflag:$0x5], $0x80, s29, s13, $0xb8;
	[tilespmem:$0x1E800] =	vst v63  }
0x7b: {  	_ =	swait.ge [sflag:s11], $0x2000  }
0x7c: {  	[sflag:s11] =	ssyncset.done $0x0  }
0x7d: {  	[sflag:s11] =	ssyncadd.s32 $0xFFFFE000  }
0x7e: {  	_ =	swait.ge [sflag:s25], $0x2000  }
0x7f: {  	[sflag:s25] =	ssyncset.done $0x0  }
0x80: {  	[sflag:s25] =	ssyncadd.s32 $0xFFFFE000  }
0x81: {  	[spmem:s2] =	stream.indirect.scatter.add.f32 [tilespmem:s20], [sflag:$0x5], $0x80, s30, s13, $0xb8;
	[tilespmem:$0x1E800] =	vst v63  }
0x82: {  	_ =	swait.ge [sflag:s11], $0x2000  }
0x83: {  	[sflag:s11] =	ssyncset.done $0x0  }
0x84: {  	s5 =	sadd.s32 $0x280, s7;
	s1 =	simm.s32 $0x0;
	[sflag:s11] =	ssyncadd.s32 $0xFFFFE000  }
0x85: {  	[tilespmem:s1], [sflag:$0x5] =	stream.linear.gather [hbm4b:s5+s1], $0x1400, $0x38;
	[tilespmem:$0x1E800] =	vst v63  }
0x86: {  	_ =	swait.ge [sflag:s11], $0x1400  }
0x87: {  	[sflag:s11] =	ssyncset.done $0x0  }
0x88: {  	s5 =	sadd.s32 $0x280, s8;
	[sflag:s11] =	ssyncadd.s32 $0xFFFFEC00  }
0x89: {  	[tilespmem:s12], [sflag:$0x5] =	stream.linear.gather [hbm4b:s5+s1], $0x1400, $0x38;
	[tilespmem:$0x1E800] =	vst v63  }
0x8a: {  	_ =	swait.ge [sflag:s11], $0x1400  }
0x8b: {  	[sflag:s11] =	ssyncset.done $0x0  }
0x8c: {  	[sflag:s11] =	ssyncadd.s32 $0xFFFFEC00  }
0x8d: {  	[tilespmem:s14], [sflag:$0x1] =	stream.indirect.gather [hbm4b:s4+s13], $0x80, s1, s13, $0xb8;
	[tilespmem:$0x1E800] =	vst v63  }
0x8e: {  	_ = 	snop  }
0x8f: {  	[tilespmem:s16], [sflag:$0x2] =	stream.indirect.gather [hbm4b:s4+s13], $0x80, s15, s13, $0xb8;
	[tilespmem:$0x1E800] =	vst v63  }
0x90: {  	_ = 	snop  }
0x91: {  	[tilespmem:s18], [sflag:$0x3] =	stream.indirect.gather [hbm4b:s4+s13], $0x80, s17, s13, $0xb8;
	[tilespmem:$0x1E800] =	vst v63  }
0x92: {  	_ = 	snop  }
0x93: {  	[tilespmem:s20], [sflag:$0x4] =	stream.indirect.gather [hbm4b:s4+s13], $0x80, s19, s13, $0xb8;
	[tilespmem:$0x1E800] =	vst v63  }
0x94: {  	_ =	swait.ge [sflag:s21], $0x2000  }
0x95: {  	[sflag:s21] =	ssyncset.done $0x0  }
0x96: {  	s5 =	simm.s32 $0x1400;
	[sflag:s21] =	ssyncadd.s32 $0xFFFFE000  }
0x97: {  	[spmem:s2] =	stream.indirect.scatter.add.f32 [tilespmem:s14], [sflag:$0x5], $0x80, s5, s13, $0xb8;
	[tilespmem:$0x1E800] =	vst v63  }
0x98: {  	_ =	swait.ge [sflag:s11], $0x2000  }
0x99: {  	[sflag:s11] =	ssyncset.done $0x0  }
0x9a: {  	s1 =	simm.s32 $0x200;
	[sflag:s11] =	ssyncadd.s32 $0xFFFFE000  }
0x9b: {  	[tilespmem:s14], [sflag:$0x1] =	stream.indirect.gather [hbm4b:s4+s13], $0x80, s1, s13, $0xb8;
	[tilespmem:$0x1E800] =	vst v63  }
0x9c: {  	_ =	swait.ge [sflag:s22], $0x2000  }
0x9d: {  	[sflag:s22] =	ssyncset.done $0x0  }
0x9e: {  	s5 =	simm.s32 $0x1480;
	[sflag:s22] =	ssyncadd.s32 $0xFFFFE000  }
0x9f: {  	[spmem:s2] =	stream.indirect.scatter.add.f32 [tilespmem:s16], [sflag:$0x5], $0x80, s5, s13, $0xb8;
	[tilespmem:$0x1E800] =	vst v63  }
0xa0: {  	_ =	swait.ge [sflag:s11], $0x2000  }
0xa1: {  	[sflag:s11] =	ssyncset.done $0x0  }
0xa2: {  	s1 =	simm.s32 $0x280;
	[sflag:s11] =	ssyncadd.s32 $0xFFFFE000  }
0xa3: {  	[tilespmem:s16], [sflag:$0x2] =	stream.indirect.gather [hbm4b:s4+s13], $0x80, s1, s13, $0xb8;
	[tilespmem:$0x1E800] =	vst v63  }
0xa4: {  	_ =	swait.ge [sflag:s23], $0x2000  }
0xa5: {  	[sflag:s23] =	ssyncset.done $0x0  }
0xa6: {  	s5 =	simm.s32 $0x1500;
	[sflag:s23] =	ssyncadd.s32 $0xFFFFE000  }
0xa7: {  	[spmem:s2] =	stream.indirect.scatter.add.f32 [tilespmem:s18], [sflag:$0x5], $0x80, s5, s13, $0xb8;
	[tilespmem:$0x1E800] =	vst v63  }
0xa8: {  	_ =	swait.ge [sflag:s11], $0x2000  }
0xa9: {  	[sflag:s11] =	ssyncset.done $0x0  }
0xaa: {  	s1 =	simm.s32 $0x300;
	[sflag:s11] =	ssyncadd.s32 $0xFFFFE000  }
0xab: {  	[tilespmem:s18], [sflag:$0x3] =	stream.indirect.gather [hbm4b:s4+s13], $0x80, s1, s13, $0xb8;
	[tilespmem:$0x1E800] =	vst v63  }
0xac: {  	_ =	swait.ge [sflag:s25], $0x2000  }
0xad: {  	[sflag:s25] =	ssyncset.done $0x0  }
0xae: {  	s5 =	simm.s32 $0x1580;
	[sflag:s25] =	ssyncadd.s32 $0xFFFFE000  }
0xaf: {  	[spmem:s2] =	stream.indirect.scatter.add.f32 [tilespmem:s20], [sflag:$0x5], $0x80, s5, s13, $0xb8;
	[tilespmem:$0x1E800] =	vst v63  }
0xb0: {  	_ =	swait.ge [sflag:s11], $0x2000  }
0xb1: {  	[sflag:s11] =	ssyncset.done $0x0  }
0xb2: {  	s0 =	simm.s32 $0x380;
	s1 =	simm.s32 $0x800;
	[sflag:s11] =	ssyncadd.s32 $0xFFFFE000  }
.LBB2_4:
0xb3: {  	[tilespmem:s20], [sflag:$0x4] =	stream.indirect.gather [hbm4b:s4+s13], $0x80, s0, s13, $0xb8;
	[tilespmem:$0x1E800] =	vst v63  }
0xb4: {  	s0 =	smov.u32 s1  }
0xb5: {  	p0 =	sne.s32 s1, $0x4000;
	s1 =	sadd.s32 $0x800, s1;
	_ =	swait.ge [sflag:s21], $0x2000  }
0xb6: {  	s0 =	sshra.s32 s0, $0x2;
	[sflag:s21] =	ssyncset.done $0x0  }
0xb7: {  	s5 =	sadd.s32 $0x1400, s0;
	[sflag:s21] =	ssyncadd.s32 $0xFFFFE000  }
0xb8: {  	[spmem:s2] =	stream.indirect.scatter.add.f32 [tilespmem:s14], [sflag:$0x5], $0x80, s5, s13, $0xb8;
	[tilespmem:$0x1E800] =	vst v63  }
0xb9: {  	_ =	swait.ge [sflag:s11], $0x2000  }
0xba: {  	[sflag:s11] =	ssyncset.done $0x0  }
0xbb: {  	s5 =	sadd.s32 $0x200, s0;
	[sflag:s11] =	ssyncadd.s32 $0xFFFFE000  }
0xbc: {  	[tilespmem:s14], [sflag:$0x1] =	stream.indirect.gather [hbm4b:s4+s13], $0x80, s5, s13, $0xb8;
	[tilespmem:$0x1E800] =	vst v63  }
0xbd: {  	_ =	swait.ge [sflag:s22], $0x2000  }
0xbe: {  	[sflag:s22] =	ssyncset.done $0x0  }
0xbf: {  	s5 =	sadd.s32 $0x1480, s0;
	[sflag:s22] =	ssyncadd.s32 $0xFFFFE000  }
0xc0: {  	[spmem:s2] =	stream.indirect.scatter.add.f32 [tilespmem:s16], [sflag:$0x5], $0x80, s5, s13, $0xb8;
	[tilespmem:$0x1E800] =	vst v63  }
0xc1: {  	_ =	swait.ge [sflag:s11], $0x2000  }
0xc2: {  	[sflag:s11] =	ssyncset.done $0x0  }
0xc3: {  	s5 =	sadd.s32 $0x280, s0;
	[sflag:s11] =	ssyncadd.s32 $0xFFFFE000  }
0xc4: {  	[tilespmem:s16], [sflag:$0x2] =	stream.indirect.gather [hbm4b:s4+s13], $0x80, s5, s13, $0xb8;
	[tilespmem:$0x1E800] =	vst v63  }
0xc5: {  	_ =	swait.ge [sflag:s23], $0x2000  }
0xc6: {  	[sflag:s23] =	ssyncset.done $0x0  }
0xc7: {  	s5 =	sadd.s32 $0x1500, s0;
	[sflag:s23] =	ssyncadd.s32 $0xFFFFE000  }
0xc8: {  	[spmem:s2] =	stream.indirect.scatter.add.f32 [tilespmem:s18], [sflag:$0x5], $0x80, s5, s13, $0xb8;
	[tilespmem:$0x1E800] =	vst v63  }
0xc9: {  	_ =	swait.ge [sflag:s11], $0x2000  }
0xca: {  	[sflag:s11] =	ssyncset.done $0x0  }
0xcb: {  	s5 =	sadd.s32 $0x300, s0;
	[sflag:s11] =	ssyncadd.s32 $0xFFFFE000  }
0xcc: {  	[tilespmem:s18], [sflag:$0x3] =	stream.indirect.gather [hbm4b:s4+s13], $0x80, s5, s13, $0xb8;
	[tilespmem:$0x1E800] =	vst v63  }
0xcd: {  	_ =	swait.ge [sflag:s25], $0x2000  }
0xce: {  	[sflag:s25] =	ssyncset.done $0x0  }
.Ltmp1:
0xcf: {  	s5 =	sadd.s32 $0x1580, s0;
	[sflag:s25] =	ssyncadd.s32 $0xFFFFE000;
	(pc) =	sbr.rel @p0 .LBB2_4-.Ltmp1, $4  }
0xd0: {  	[spmem:s2] =	stream.indirect.scatter.add.f32 [tilespmem:s20], [sflag:$0x5], $0x80, s5, s13, $0xb8;
	[tilespmem:$0x1E800] =	vst v63  }
0xd1: {  	_ =	swait.ge [sflag:s11], $0x2000  }
0xd2: {  	[sflag:s11] =	ssyncset.done $0x0  }
0xd3: {  	s0 =	sadd.s32 $0x380, s0;
	[sflag:s11] =	ssyncadd.s32 $0xFFFFE000  }
0xd4: {  	[tilespmem:s20], [sflag:$0x4] =	stream.indirect.gather [hbm4b:s4+s13], $0x80, s0, s13, $0xb8;
	[tilespmem:$0x1E800] =	vst v63  }
0xd5: {  	_ =	swait.ge [sflag:s21], $0x2000  }
0xd6: {  	[sflag:s21] =	ssyncset.done $0x0  }
0xd7: {  	[sflag:s21] =	ssyncadd.s32 $0xFFFFE000  }
0xd8: {  	[spmem:s2] =	stream.indirect.scatter.add.f32 [tilespmem:s14], [sflag:$0x5], $0x80, s26, s13, $0xb8;
	[tilespmem:$0x1E800] =	vst v63  }
0xd9: {  	_ =	swait.ge [sflag:s11], $0x2000  }
0xda: {  	[sflag:s11] =	ssyncset.done $0x0  }
0xdb: {  	[sflag:s11] =	ssyncadd.s32 $0xFFFFE000  }
0xdc: {  	_ =	swait.ge [sflag:s22], $0x2000  }
0xdd: {  	[sflag:s22] =	ssyncset.done $0x0  }
0xde: {  	[sflag:s22] =	ssyncadd.s32 $0xFFFFE000  }
0xdf: {  	[spmem:s2] =	stream.indirect.scatter.add.f32 [tilespmem:s16], [sflag:$0x5], $0x80, s28, s13, $0xb8;
	[tilespmem:$0x1E800] =	vst v63  }
0xe0: {  	_ =	swait.ge [sflag:s11], $0x2000  }
0xe1: {  	[sflag:s11] =	ssyncset.done $0x0  }
0xe2: {  	[sflag:s11] =	ssyncadd.s32 $0xFFFFE000  }
0xe3: {  	_ =	swait.ge [sflag:s23], $0x2000  }
0xe4: {  	[sflag:s23] =	ssyncset.done $0x0  }
0xe5: {  	[sflag:s23] =	ssyncadd.s32 $0xFFFFE000  }
0xe6: {  	[spmem:s2] =	stream.indirect.scatter.add.f32 [tilespmem:s18], [sflag:$0x5], $0x80, s29, s13, $0xb8;
	[tilespmem:$0x1E800] =	vst v63  }
0xe7: {  	_ =	swait.ge [sflag:s11], $0x2000  }
0xe8: {  	[sflag:s11] =	ssyncset.done $0x0  }
0xe9: {  	[sflag:s11] =	ssyncadd.s32 $0xFFFFE000  }
0xea: {  	_ =	swait.ge [sflag:s25], $0x2000  }
0xeb: {  	[sflag:s25] =	ssyncset.done $0x0  }
0xec: {  	[sflag:s25] =	ssyncadd.s32 $0xFFFFE000  }
0xed: {  	[spmem:s2] =	stream.indirect.scatter.add.f32 [tilespmem:s20], [sflag:$0x5], $0x80, s30, s13, $0xb8;
	[tilespmem:$0x1E800] =	vst v63  }
0xee: {  	_ =	swait.ge [sflag:s11], $0x2000  }
0xef: {  	[sflag:s11] =	ssyncset.done $0x0  }
0xf0: {  	s5 =	sadd.s32 $0x500, s7;
	s1 =	simm.s32 $0x0;
	[sflag:s11] =	ssyncadd.s32 $0xFFFFE000  }
0xf1: {  	[tilespmem:s1], [sflag:$0x5] =	stream.linear.gather [hbm4b:s5+s1], $0x1400, $0x38;
	[tilespmem:$0x1E800] =	vst v63  }
0xf2: {  	_ =	swait.ge [sflag:s11], $0x1400  }
0xf3: {  	[sflag:s11] =	ssyncset.done $0x0  }
0xf4: {  	s5 =	sadd.s32 $0x500, s8;
	[sflag:s11] =	ssyncadd.s32 $0xFFFFEC00  }
0xf5: {  	[tilespmem:s12], [sflag:$0x5] =	stream.linear.gather [hbm4b:s5+s1], $0x1400, $0x38;
	[tilespmem:$0x1E800] =	vst v63  }
0xf6: {  	_ =	swait.ge [sflag:s11], $0x1400  }
0xf7: {  	[sflag:s11] =	ssyncset.done $0x0  }
0xf8: {  	[sflag:s11] =	ssyncadd.s32 $0xFFFFEC00  }
0xf9: {  	[tilespmem:s14], [sflag:$0x1] =	stream.indirect.gather [hbm4b:s4+s13], $0x80, s1, s13, $0xb8;
	[tilespmem:$0x1E800] =	vst v63  }
0xfa: {  	_ = 	snop  }
0xfb: {  	[tilespmem:s16], [sflag:$0x2] =	stream.indirect.gather [hbm4b:s4+s13], $0x80, s15, s13, $0xb8;
	[tilespmem:$0x1E800] =	vst v63  }
0xfc: {  	_ = 	snop  }
0xfd: {  	[tilespmem:s18], [sflag:$0x3] =	stream.indirect.gather [hbm4b:s4+s13], $0x80, s17, s13, $0xb8;
	[tilespmem:$0x1E800] =	vst v63  }
0xfe: {  	_ = 	snop  }
0xff: {  	[tilespmem:s20], [sflag:$0x4] =	stream.indirect.gather [hbm4b:s4+s13], $0x80, s19, s13, $0xb8;
	[tilespmem:$0x1E800] =	vst v63  }
0x100: {  	_ =	swait.ge [sflag:s21], $0x2000  }
0x101: {  	[sflag:s21] =	ssyncset.done $0x0  }
0x102: {  	s5 =	simm.s32 $0x1400;
	[sflag:s21] =	ssyncadd.s32 $0xFFFFE000  }
0x103: {  	[spmem:s2] =	stream.indirect.scatter.add.f32 [tilespmem:s14], [sflag:$0x5], $0x80, s5, s13, $0xb8;
	[tilespmem:$0x1E800] =	vst v63  }
0x104: {  	_ =	swait.ge [sflag:s11], $0x2000  }
0x105: {  	[sflag:s11] =	ssyncset.done $0x0  }
0x106: {  	s1 =	simm.s32 $0x200;
	[sflag:s11] =	ssyncadd.s32 $0xFFFFE000  }
0x107: {  	[tilespmem:s14], [sflag:$0x1] =	stream.indirect.gather [hbm4b:s4+s13], $0x80, s1, s13, $0xb8;
	[tilespmem:$0x1E800] =	vst v63  }
0x108: {  	_ =	swait.ge [sflag:s22], $0x2000  }
0x109: {  	[sflag:s22] =	ssyncset.done $0x0  }
0x10a: {  	s5 =	simm.s32 $0x1480;
	[sflag:s22] =	ssyncadd.s32 $0xFFFFE000  }
0x10b: {  	[spmem:s2] =	stream.indirect.scatter.add.f32 [tilespmem:s16], [sflag:$0x5], $0x80, s5, s13, $0xb8;
	[tilespmem:$0x1E800] =	vst v63  }
0x10c: {  	_ =	swait.ge [sflag:s11], $0x2000  }
0x10d: {  	[sflag:s11] =	ssyncset.done $0x0  }
0x10e: {  	s1 =	simm.s32 $0x280;
	[sflag:s11] =	ssyncadd.s32 $0xFFFFE000  }
0x10f: {  	[tilespmem:s16], [sflag:$0x2] =	stream.indirect.gather [hbm4b:s4+s13], $0x80, s1, s13, $0xb8;
	[tilespmem:$0x1E800] =	vst v63  }
0x110: {  	_ =	swait.ge [sflag:s23], $0x2000  }
0x111: {  	[sflag:s23] =	ssyncset.done $0x0  }
0x112: {  	s5 =	simm.s32 $0x1500;
	[sflag:s23] =	ssyncadd.s32 $0xFFFFE000  }
0x113: {  	[spmem:s2] =	stream.indirect.scatter.add.f32 [tilespmem:s18], [sflag:$0x5], $0x80, s5, s13, $0xb8;
	[tilespmem:$0x1E800] =	vst v63  }
0x114: {  	_ =	swait.ge [sflag:s11], $0x2000  }
0x115: {  	[sflag:s11] =	ssyncset.done $0x0  }
0x116: {  	s1 =	simm.s32 $0x300;
	[sflag:s11] =	ssyncadd.s32 $0xFFFFE000  }
0x117: {  	[tilespmem:s18], [sflag:$0x3] =	stream.indirect.gather [hbm4b:s4+s13], $0x80, s1, s13, $0xb8;
	[tilespmem:$0x1E800] =	vst v63  }
0x118: {  	_ =	swait.ge [sflag:s25], $0x2000  }
0x119: {  	[sflag:s25] =	ssyncset.done $0x0  }
0x11a: {  	s5 =	simm.s32 $0x1580;
	[sflag:s25] =	ssyncadd.s32 $0xFFFFE000  }
0x11b: {  	[spmem:s2] =	stream.indirect.scatter.add.f32 [tilespmem:s20], [sflag:$0x5], $0x80, s5, s13, $0xb8;
	[tilespmem:$0x1E800] =	vst v63  }
0x11c: {  	_ =	swait.ge [sflag:s11], $0x2000  }
0x11d: {  	[sflag:s11] =	ssyncset.done $0x0  }
0x11e: {  	s0 =	simm.s32 $0x380;
	s1 =	simm.s32 $0x800;
	[sflag:s11] =	ssyncadd.s32 $0xFFFFE000  }
.LBB2_6:
0x11f: {  	[tilespmem:s20], [sflag:$0x4] =	stream.indirect.gather [hbm4b:s4+s13], $0x80, s0, s13, $0xb8;
	[tilespmem:$0x1E800] =	vst v63  }
0x120: {  	s0 =	smov.u32 s1  }
0x121: {  	p0 =	sne.s32 s1, $0x4000;
	s1 =	sadd.s32 $0x800, s1;
	_ =	swait.ge [sflag:s21], $0x2000  }
0x122: {  	s0 =	sshra.s32 s0, $0x2;
	[sflag:s21] =	ssyncset.done $0x0  }
0x123: {  	s5 =	sadd.s32 $0x1400, s0;
	[sflag:s21] =	ssyncadd.s32 $0xFFFFE000  }
0x124: {  	[spmem:s2] =	stream.indirect.scatter.add.f32 [tilespmem:s14], [sflag:$0x5], $0x80, s5, s13, $0xb8;
	[tilespmem:$0x1E800] =	vst v63  }
0x125: {  	_ =	swait.ge [sflag:s11], $0x2000  }
0x126: {  	[sflag:s11] =	ssyncset.done $0x0  }
0x127: {  	s5 =	sadd.s32 $0x200, s0;
	[sflag:s11] =	ssyncadd.s32 $0xFFFFE000  }
0x128: {  	[tilespmem:s14], [sflag:$0x1] =	stream.indirect.gather [hbm4b:s4+s13], $0x80, s5, s13, $0xb8;
	[tilespmem:$0x1E800] =	vst v63  }
0x129: {  	_ =	swait.ge [sflag:s22], $0x2000  }
0x12a: {  	[sflag:s22] =	ssyncset.done $0x0  }
0x12b: {  	s5 =	sadd.s32 $0x1480, s0;
	[sflag:s22] =	ssyncadd.s32 $0xFFFFE000  }
0x12c: {  	[spmem:s2] =	stream.indirect.scatter.add.f32 [tilespmem:s16], [sflag:$0x5], $0x80, s5, s13, $0xb8;
	[tilespmem:$0x1E800] =	vst v63  }
0x12d: {  	_ =	swait.ge [sflag:s11], $0x2000  }
0x12e: {  	[sflag:s11] =	ssyncset.done $0x0  }
0x12f: {  	s5 =	sadd.s32 $0x280, s0;
	[sflag:s11] =	ssyncadd.s32 $0xFFFFE000  }
0x130: {  	[tilespmem:s16], [sflag:$0x2] =	stream.indirect.gather [hbm4b:s4+s13], $0x80, s5, s13, $0xb8;
	[tilespmem:$0x1E800] =	vst v63  }
0x131: {  	_ =	swait.ge [sflag:s23], $0x2000  }
0x132: {  	[sflag:s23] =	ssyncset.done $0x0  }
0x133: {  	s5 =	sadd.s32 $0x1500, s0;
	[sflag:s23] =	ssyncadd.s32 $0xFFFFE000  }
0x134: {  	[spmem:s2] =	stream.indirect.scatter.add.f32 [tilespmem:s18], [sflag:$0x5], $0x80, s5, s13, $0xb8;
	[tilespmem:$0x1E800] =	vst v63  }
0x135: {  	_ =	swait.ge [sflag:s11], $0x2000  }
0x136: {  	[sflag:s11] =	ssyncset.done $0x0  }
0x137: {  	s5 =	sadd.s32 $0x300, s0;
	[sflag:s11] =	ssyncadd.s32 $0xFFFFE000  }
0x138: {  	[tilespmem:s18], [sflag:$0x3] =	stream.indirect.gather [hbm4b:s4+s13], $0x80, s5, s13, $0xb8;
	[tilespmem:$0x1E800] =	vst v63  }
0x139: {  	_ =	swait.ge [sflag:s25], $0x2000  }
0x13a: {  	[sflag:s25] =	ssyncset.done $0x0  }
.Ltmp2:
0x13b: {  	s5 =	sadd.s32 $0x1580, s0;
	[sflag:s25] =	ssyncadd.s32 $0xFFFFE000;
	(pc) =	sbr.rel @p0 .LBB2_6-.Ltmp2, $4  }
0x13c: {  	[spmem:s2] =	stream.indirect.scatter.add.f32 [tilespmem:s20], [sflag:$0x5], $0x80, s5, s13, $0xb8;
	[tilespmem:$0x1E800] =	vst v63  }
0x13d: {  	_ =	swait.ge [sflag:s11], $0x2000  }
0x13e: {  	[sflag:s11] =	ssyncset.done $0x0  }
0x13f: {  	s0 =	sadd.s32 $0x380, s0;
	[sflag:s11] =	ssyncadd.s32 $0xFFFFE000  }
0x140: {  	[tilespmem:s20], [sflag:$0x4] =	stream.indirect.gather [hbm4b:s4+s13], $0x80, s0, s13, $0xb8;
	[tilespmem:$0x1E800] =	vst v63  }
0x141: {  	_ =	swait.ge [sflag:s21], $0x2000  }
0x142: {  	[sflag:s21] =	ssyncset.done $0x0  }
0x143: {  	[sflag:s21] =	ssyncadd.s32 $0xFFFFE000  }
0x144: {  	[spmem:s2] =	stream.indirect.scatter.add.f32 [tilespmem:s14], [sflag:$0x5], $0x80, s26, s13, $0xb8;
	[tilespmem:$0x1E800] =	vst v63  }
0x145: {  	_ =	swait.ge [sflag:s11], $0x2000  }
0x146: {  	[sflag:s11] =	ssyncset.done $0x0  }
0x147: {  	[sflag:s11] =	ssyncadd.s32 $0xFFFFE000  }
0x148: {  	_ =	swait.ge [sflag:s22], $0x2000  }
0x149: {  	[sflag:s22] =	ssyncset.done $0x0  }
0x14a: {  	[sflag:s22] =	ssyncadd.s32 $0xFFFFE000  }
0x14b: {  	[spmem:s2] =	stream.indirect.scatter.add.f32 [tilespmem:s16], [sflag:$0x5], $0x80, s28, s13, $0xb8;
	[tilespmem:$0x1E800] =	vst v63  }
0x14c: {  	_ =	swait.ge [sflag:s11], $0x2000  }
0x14d: {  	[sflag:s11] =	ssyncset.done $0x0  }
0x14e: {  	[sflag:s11] =	ssyncadd.s32 $0xFFFFE000  }
0x14f: {  	_ =	swait.ge [sflag:s23], $0x2000  }
0x150: {  	[sflag:s23] =	ssyncset.done $0x0  }
0x151: {  	[sflag:s23] =	ssyncadd.s32 $0xFFFFE000  }
0x152: {  	[spmem:s2] =	stream.indirect.scatter.add.f32 [tilespmem:s18], [sflag:$0x5], $0x80, s29, s13, $0xb8;
	[tilespmem:$0x1E800] =	vst v63  }
0x153: {  	_ =	swait.ge [sflag:s11], $0x2000  }
0x154: {  	[sflag:s11] =	ssyncset.done $0x0  }
0x155: {  	[sflag:s11] =	ssyncadd.s32 $0xFFFFE000  }
0x156: {  	_ =	swait.ge [sflag:s25], $0x2000  }
0x157: {  	[sflag:s25] =	ssyncset.done $0x0  }
0x158: {  	[sflag:s25] =	ssyncadd.s32 $0xFFFFE000  }
0x159: {  	[spmem:s2] =	stream.indirect.scatter.add.f32 [tilespmem:s20], [sflag:$0x5], $0x80, s30, s13, $0xb8;
	[tilespmem:$0x1E800] =	vst v63  }
0x15a: {  	_ =	swait.ge [sflag:s11], $0x2000  }
0x15b: {  	[sflag:s11] =	ssyncset.done $0x0  }
0x15c: {  	s5 =	sadd.s32 $0x780, s7;
	s1 =	simm.s32 $0x0;
	[sflag:s11] =	ssyncadd.s32 $0xFFFFE000  }
0x15d: {  	[tilespmem:s1], [sflag:$0x5] =	stream.linear.gather [hbm4b:s5+s1], $0x1400, $0x38;
	[tilespmem:$0x1E800] =	vst v63  }
0x15e: {  	_ =	swait.ge [sflag:s11], $0x1400  }
0x15f: {  	[sflag:s11] =	ssyncset.done $0x0  }
0x160: {  	s5 =	sadd.s32 $0x780, s8;
	[sflag:s11] =	ssyncadd.s32 $0xFFFFEC00  }
0x161: {  	[tilespmem:s12], [sflag:$0x5] =	stream.linear.gather [hbm4b:s5+s1], $0x1400, $0x38;
	[tilespmem:$0x1E800] =	vst v63  }
0x162: {  	_ =	swait.ge [sflag:s11], $0x1400  }
0x163: {  	[sflag:s11] =	ssyncset.done $0x0  }
0x164: {  	[sflag:s11] =	ssyncadd.s32 $0xFFFFEC00  }
0x165: {  	[tilespmem:s14], [sflag:$0x1] =	stream.indirect.gather [hbm4b:s4+s13], $0x80, s1, s13, $0xb8;
	[tilespmem:$0x1E800] =	vst v63  }
0x166: {  	_ = 	snop  }
0x167: {  	[tilespmem:s16], [sflag:$0x2] =	stream.indirect.gather [hbm4b:s4+s13], $0x80, s15, s13, $0xb8;
	[tilespmem:$0x1E800] =	vst v63  }
0x168: {  	_ = 	snop  }
0x169: {  	[tilespmem:s18], [sflag:$0x3] =	stream.indirect.gather [hbm4b:s4+s13], $0x80, s17, s13, $0xb8;
	[tilespmem:$0x1E800] =	vst v63  }
0x16a: {  	_ = 	snop  }
0x16b: {  	[tilespmem:s20], [sflag:$0x4] =	stream.indirect.gather [hbm4b:s4+s13], $0x80, s19, s13, $0xb8;
	[tilespmem:$0x1E800] =	vst v63  }
0x16c: {  	_ =	swait.ge [sflag:s21], $0x2000  }
0x16d: {  	[sflag:s21] =	ssyncset.done $0x0  }
0x16e: {  	s5 =	simm.s32 $0x1400;
	[sflag:s21] =	ssyncadd.s32 $0xFFFFE000  }
0x16f: {  	[spmem:s2] =	stream.indirect.scatter.add.f32 [tilespmem:s14], [sflag:$0x5], $0x80, s5, s13, $0xb8;
	[tilespmem:$0x1E800] =	vst v63  }
0x170: {  	_ =	swait.ge [sflag:s11], $0x2000  }
0x171: {  	[sflag:s11] =	ssyncset.done $0x0  }
0x172: {  	s1 =	simm.s32 $0x200;
	[sflag:s11] =	ssyncadd.s32 $0xFFFFE000  }
0x173: {  	[tilespmem:s14], [sflag:$0x1] =	stream.indirect.gather [hbm4b:s4+s13], $0x80, s1, s13, $0xb8;
	[tilespmem:$0x1E800] =	vst v63  }
0x174: {  	_ =	swait.ge [sflag:s22], $0x2000  }
0x175: {  	[sflag:s22] =	ssyncset.done $0x0  }
0x176: {  	s5 =	simm.s32 $0x1480;
	[sflag:s22] =	ssyncadd.s32 $0xFFFFE000  }
0x177: {  	[spmem:s2] =	stream.indirect.scatter.add.f32 [tilespmem:s16], [sflag:$0x5], $0x80, s5, s13, $0xb8;
	[tilespmem:$0x1E800] =	vst v63  }
0x178: {  	_ =	swait.ge [sflag:s11], $0x2000  }
0x179: {  	[sflag:s11] =	ssyncset.done $0x0  }
0x17a: {  	s1 =	simm.s32 $0x280;
	[sflag:s11] =	ssyncadd.s32 $0xFFFFE000  }
0x17b: {  	[tilespmem:s16], [sflag:$0x2] =	stream.indirect.gather [hbm4b:s4+s13], $0x80, s1, s13, $0xb8;
	[tilespmem:$0x1E800] =	vst v63  }
0x17c: {  	_ =	swait.ge [sflag:s23], $0x2000  }
0x17d: {  	[sflag:s23] =	ssyncset.done $0x0  }
0x17e: {  	s5 =	simm.s32 $0x1500;
	[sflag:s23] =	ssyncadd.s32 $0xFFFFE000  }
0x17f: {  	[spmem:s2] =	stream.indirect.scatter.add.f32 [tilespmem:s18], [sflag:$0x5], $0x80, s5, s13, $0xb8;
	[tilespmem:$0x1E800] =	vst v63  }
0x180: {  	_ =	swait.ge [sflag:s11], $0x2000  }
0x181: {  	[sflag:s11] =	ssyncset.done $0x0  }
0x182: {  	s1 =	simm.s32 $0x300;
	[sflag:s11] =	ssyncadd.s32 $0xFFFFE000  }
0x183: {  	[tilespmem:s18], [sflag:$0x3] =	stream.indirect.gather [hbm4b:s4+s13], $0x80, s1, s13, $0xb8;
	[tilespmem:$0x1E800] =	vst v63  }
0x184: {  	_ =	swait.ge [sflag:s25], $0x2000  }
0x185: {  	[sflag:s25] =	ssyncset.done $0x0  }
0x186: {  	s5 =	simm.s32 $0x1580;
	[sflag:s25] =	ssyncadd.s32 $0xFFFFE000  }
0x187: {  	[spmem:s2] =	stream.indirect.scatter.add.f32 [tilespmem:s20], [sflag:$0x5], $0x80, s5, s13, $0xb8;
	[tilespmem:$0x1E800] =	vst v63  }
0x188: {  	_ =	swait.ge [sflag:s11], $0x2000  }
0x189: {  	[sflag:s11] =	ssyncset.done $0x0  }
0x18a: {  	s0 =	simm.s32 $0x380;
	s1 =	simm.s32 $0x800;
	[sflag:s11] =	ssyncadd.s32 $0xFFFFE000  }
.LBB2_8:
0x18b: {  	[tilespmem:s20], [sflag:$0x4] =	stream.indirect.gather [hbm4b:s4+s13], $0x80, s0, s13, $0xb8;
	[tilespmem:$0x1E800] =	vst v63  }
0x18c: {  	s0 =	smov.u32 s1  }
0x18d: {  	p0 =	sne.s32 s1, $0x4000;
	s1 =	sadd.s32 $0x800, s1;
	_ =	swait.ge [sflag:s21], $0x2000  }
0x18e: {  	s0 =	sshra.s32 s0, $0x2;
	[sflag:s21] =	ssyncset.done $0x0  }
0x18f: {  	s5 =	sadd.s32 $0x1400, s0;
	[sflag:s21] =	ssyncadd.s32 $0xFFFFE000  }
0x190: {  	[spmem:s2] =	stream.indirect.scatter.add.f32 [tilespmem:s14], [sflag:$0x5], $0x80, s5, s13, $0xb8;
	[tilespmem:$0x1E800] =	vst v63  }
0x191: {  	_ =	swait.ge [sflag:s11], $0x2000  }
0x192: {  	[sflag:s11] =	ssyncset.done $0x0  }
0x193: {  	s5 =	sadd.s32 $0x200, s0;
	[sflag:s11] =	ssyncadd.s32 $0xFFFFE000  }
0x194: {  	[tilespmem:s14], [sflag:$0x1] =	stream.indirect.gather [hbm4b:s4+s13], $0x80, s5, s13, $0xb8;
	[tilespmem:$0x1E800] =	vst v63  }
0x195: {  	_ =	swait.ge [sflag:s22], $0x2000  }
0x196: {  	[sflag:s22] =	ssyncset.done $0x0  }
0x197: {  	s5 =	sadd.s32 $0x1480, s0;
	[sflag:s22] =	ssyncadd.s32 $0xFFFFE000  }
0x198: {  	[spmem:s2] =	stream.indirect.scatter.add.f32 [tilespmem:s16], [sflag:$0x5], $0x80, s5, s13, $0xb8;
	[tilespmem:$0x1E800] =	vst v63  }
0x199: {  	_ =	swait.ge [sflag:s11], $0x2000  }
0x19a: {  	[sflag:s11] =	ssyncset.done $0x0  }
0x19b: {  	s5 =	sadd.s32 $0x280, s0;
	[sflag:s11] =	ssyncadd.s32 $0xFFFFE000  }
0x19c: {  	[tilespmem:s16], [sflag:$0x2] =	stream.indirect.gather [hbm4b:s4+s13], $0x80, s5, s13, $0xb8;
	[tilespmem:$0x1E800] =	vst v63  }
0x19d: {  	_ =	swait.ge [sflag:s23], $0x2000  }
0x19e: {  	[sflag:s23] =	ssyncset.done $0x0  }
0x19f: {  	s5 =	sadd.s32 $0x1500, s0;
	[sflag:s23] =	ssyncadd.s32 $0xFFFFE000  }
0x1a0: {  	[spmem:s2] =	stream.indirect.scatter.add.f32 [tilespmem:s18], [sflag:$0x5], $0x80, s5, s13, $0xb8;
	[tilespmem:$0x1E800] =	vst v63  }
0x1a1: {  	_ =	swait.ge [sflag:s11], $0x2000  }
0x1a2: {  	[sflag:s11] =	ssyncset.done $0x0  }
0x1a3: {  	s5 =	sadd.s32 $0x300, s0;
	[sflag:s11] =	ssyncadd.s32 $0xFFFFE000  }
0x1a4: {  	[tilespmem:s18], [sflag:$0x3] =	stream.indirect.gather [hbm4b:s4+s13], $0x80, s5, s13, $0xb8;
	[tilespmem:$0x1E800] =	vst v63  }
0x1a5: {  	_ =	swait.ge [sflag:s25], $0x2000  }
0x1a6: {  	[sflag:s25] =	ssyncset.done $0x0  }
.Ltmp3:
0x1a7: {  	s5 =	sadd.s32 $0x1580, s0;
	[sflag:s25] =	ssyncadd.s32 $0xFFFFE000;
	(pc) =	sbr.rel @p0 .LBB2_8-.Ltmp3, $4  }
0x1a8: {  	[spmem:s2] =	stream.indirect.scatter.add.f32 [tilespmem:s20], [sflag:$0x5], $0x80, s5, s13, $0xb8;
	[tilespmem:$0x1E800] =	vst v63  }
0x1a9: {  	_ =	swait.ge [sflag:s11], $0x2000  }
0x1aa: {  	[sflag:s11] =	ssyncset.done $0x0  }
0x1ab: {  	s0 =	sadd.s32 $0x380, s0;
	[sflag:s11] =	ssyncadd.s32 $0xFFFFE000  }
0x1ac: {  	[tilespmem:s20], [sflag:$0x4] =	stream.indirect.gather [hbm4b:s4+s13], $0x80, s0, s13, $0xb8;
	[tilespmem:$0x1E800] =	vst v63  }
0x1ad: {  	_ =	swait.ge [sflag:s21], $0x2000  }
0x1ae: {  	[sflag:s21] =	ssyncset.done $0x0  }
0x1af: {  	[sflag:s21] =	ssyncadd.s32 $0xFFFFE000  }
0x1b0: {  	[spmem:s2] =	stream.indirect.scatter.add.f32 [tilespmem:s14], [sflag:$0x5], $0x80, s26, s13, $0xb8;
	[tilespmem:$0x1E800] =	vst v63  }
0x1b1: {  	_ =	swait.ge [sflag:s11], $0x2000  }
0x1b2: {  	[sflag:s11] =	ssyncset.done $0x0  }
0x1b3: {  	[sflag:s11] =	ssyncadd.s32 $0xFFFFE000  }
0x1b4: {  	_ =	swait.ge [sflag:s22], $0x2000  }
0x1b5: {  	[sflag:s22] =	ssyncset.done $0x0  }
0x1b6: {  	[sflag:s22] =	ssyncadd.s32 $0xFFFFE000  }
0x1b7: {  	[spmem:s2] =	stream.indirect.scatter.add.f32 [tilespmem:s16], [sflag:$0x5], $0x80, s28, s13, $0xb8;
	[tilespmem:$0x1E800] =	vst v63  }
0x1b8: {  	_ =	swait.ge [sflag:s11], $0x2000  }
0x1b9: {  	[sflag:s11] =	ssyncset.done $0x0  }
0x1ba: {  	[sflag:s11] =	ssyncadd.s32 $0xFFFFE000  }
0x1bb: {  	_ =	swait.ge [sflag:s23], $0x2000  }
0x1bc: {  	[sflag:s23] =	ssyncset.done $0x0  }
0x1bd: {  	[sflag:s23] =	ssyncadd.s32 $0xFFFFE000  }
0x1be: {  	[spmem:s2] =	stream.indirect.scatter.add.f32 [tilespmem:s18], [sflag:$0x5], $0x80, s29, s13, $0xb8;
	[tilespmem:$0x1E800] =	vst v63  }
0x1bf: {  	_ =	swait.ge [sflag:s11], $0x2000  }
0x1c0: {  	[sflag:s11] =	ssyncset.done $0x0  }
0x1c1: {  	[sflag:s11] =	ssyncadd.s32 $0xFFFFE000  }
0x1c2: {  	_ =	swait.ge [sflag:s25], $0x2000  }
0x1c3: {  	[sflag:s25] =	ssyncset.done $0x0  }
0x1c4: {  	[sflag:s25] =	ssyncadd.s32 $0xFFFFE000  }
0x1c5: {  	[spmem:s2] =	stream.indirect.scatter.add.f32 [tilespmem:s20], [sflag:$0x5], $0x80, s30, s13, $0xb8;
	[tilespmem:$0x1E800] =	vst v63  }
0x1c6: {  	_ =	swait.ge [sflag:s11], $0x2000  }
0x1c7: {  	s31 =	sadd.s32 $0x1, s31;
	[sflag:s11] =	ssyncset.done $0x0  }
0x1c8: {  	p0 =	sne.s32 s31, s9;
	[sflag:s11] =	ssyncadd.s32 $0xFFFFE000  }
.Ltmp4:
0x1c9: {  	[bflag:$0x0] =	sbarrier.arrive $0xFFFF;
	(pc) =	sbr.rel @p0 .LBB2_1-.Ltmp4, $4  }
0x1ca: {  	[hbm:s24], [sflag:s6] =	dma.local [spmem:s10], $0x2800  }
0x1cb: {  	_ =	swait.ge [sflag:s11], $0x2800  }
0x1cc: {  	[sflag:s11] =	ssyncset.done $0x0  }
0x1cd: {  	[sflag:s11] =	ssyncadd.s32 $0xFFFFD800  }
0x1ce: {  	_ =	sfence.sel $0x180000  }
0x1cf: {  	[bflag:$0x0] =	sbarrier.arrive $0xFFFF  }
0x1d0: {  	_ =	strace $0x9000004A  }
0x1d1: {  	s0 =	stileid.u32;
	[bflag:$0x2] =	sbarrier.arrive $0xFFFF  }
0x1d2: {  	p0 =	sne.s32 s0, $0x0;
	s0 =	rddreg [dreg:$0x2]  }
0x1d3: {  	s0 =	sadd.s32 @!p0 $0x100000, s0  }
0x1d4: {  	[sflag:s0] =	ssyncadd.tile.s32 @!p0 $0x1;
	_ =	shalt  }
.Lfunc_end2:
_tile_overlayer_lowered:
.L_overlay_start_2:
0x1d5: {  	(tag) =	ssettag $0x2  }
0x1d6: {  	s0 =	rddreg [dreg:$0x0];
	s2 =	stileid.u32  }
0x1d7: {  	s1 =	rddreg [dreg:$0x1];
	p0 =	sne.s32 s2, $0x0  }
0x1d8: {  	s3 =	rddreg [dreg:$0x2];
	[bflag:$0x3] =	sbarrier.arrive $0xFFFF;
	s2 =	simm.s32 @!p0 $0x1C05  }
0x1d9: {  	[timem:s3], [sflag:s2] =	dma.local @!p0 [hbm:s0], s1  }
0x1da: {  	s0 =	simm.s32 @!p0 $0x5  }
0x1db: {  	_ =	swait.ge @!p0 [sflag:s0], s1  }
0x1dc: {  	s1 =	ssub.s32 @!p0 $0x0, s1;
	[sflag:s0] =	ssyncset.done @!p0 $0x0  }
0x1dd: {  	[sflag:s0] =	ssyncadd.s32 @!p0 s1  }
0x1de: {  	[bflag:$0x3] =	sbarrier.arrive $0xFFFF  }
0x1df: {  	_ =	shalt  }

</sc_bundles>
